<compile_context>
chip_gen: v7x
topology: tpu7x:2x2x1
jax: 0.10.2.dev20260603
libtpu: 0.0.44.dev20260713+nightly
codegen_flags: <defaults>
</compile_context>

<pallas_src>
import functools

import jax
import jax.numpy as jnp
from jax import lax
from jax.experimental import pallas as pl
from jax.experimental.pallas import tpu as pltpu
from jax.experimental.pallas import tpu_sc as plsc

NW = 32
LANES = 16
C_EDGES = 2000
K_GATHER = 32


def _mm_xs_body(xb, pb, wx, wv, v_out, xsb_out):
    v = jnp.dot(pb[...], wv[...], preferred_element_type=jnp.float32)
    v_out[...] = v
    xs = jnp.dot(xb[...].astype(jnp.bfloat16), wx[...].astype(jnp.bfloat16),
                 preferred_element_type=jnp.float32) + v
    xsb_out[...] = xs.astype(jnp.bfloat16)


def _mm_out_body(mb, vb, blb, wg, bgb, ob):
    h = jnp.maximum(mb[...].astype(jnp.float32) - vb[...] + blb[...], 0.0)
    ob[...] = jnp.dot(h.astype(jnp.bfloat16), wg[...].astype(jnp.bfloat16),
                      preferred_element_type=jnp.float32) + bgb[...]


G_RING = 8


def _sc_segmax(np_rows, dw, ep, r, part_rows, n_parts):
    n_rounds = ep // C_EDGES
    n_grp = C_EDGES // LANES
    n_sub = dw // LANES
    cl = C_EDGES + 3 * LANES
    mesh = plsc.VectorSubcoreMesh(core_axis_name="c", subcore_axis_name="s")

    @functools.partial(
        pl.kernel,
        mesh=mesh,
        compiler_params=pltpu.CompilerParams(needs_layout_passes=False),
        out_type=jax.ShapeDtypeStruct((np_rows, dw), jnp.int32),
        scratch_types=[
            pltpu.VMEM((r + 1, dw), jnp.int32),
            pltpu.VMEM((2 * C_EDGES,), jnp.int32),
            pltpu.VMEM((2 * cl,), jnp.int32),
            pltpu.VMEM((2 * cl,), jnp.int32),
            pltpu.VMEM((G_RING * K_GATHER, dw), jnp.int32),
            pltpu.VMEM_SHARED((part_rows, dw), jnp.int32),
            pltpu.SemaphoreType.DMA,
            pltpu.SemaphoreType.DMA,
            pltpu.SemaphoreType.DMA,
        ],
    )
    def seg_max(xs_hbm, edge_hbm, m_hbm,
                m_loc, ebuf, slist, dloc, rows, xs_sp, esem, gsem, ssem):
        cid = lax.axis_index("c")
        sid = lax.axis_index("s")
        wid = sid * 2 + cid
        lo = wid * r
        iota = lax.iota(jnp.int32, LANES)

        def start_edges(ci):
            p = ci % 2
            base = ci * C_EDGES
            pltpu.async_copy(edge_hbm.at[pl.ds(base, C_EDGES)],
                             ebuf.at[pl.ds(p * C_EDGES, C_EDGES)], esem)

        def wait_edges(p):
            pltpu.make_async_copy(
                edge_hbm.at[pl.ds(0, C_EDGES)],
                ebuf.at[pl.ds(p * C_EDGES, C_EDGES)], esem).wait()

        def issue(par, blk_loc, slot):
            pltpu.async_copy(
                xs_sp.at[slist.at[pl.ds(par * cl + blk_loc * K_GATHER,
                                        K_GATHER)]],
                rows.at[pl.ds(slot * K_GATHER, K_GATHER)], gsem)

        def wait_gather(slot):
            pltpu.make_async_copy(
                xs_hbm.at[pl.ds(0, K_GATHER)],
                rows.at[pl.ds(slot * K_GATHER, K_GATHER)], gsem).wait()

        pltpu.sync_copy(xs_hbm.at[pl.ds(lo, r)], m_loc.at[pl.ds(0, r)])

        def round_body(base_s, ci, carry):
            pq, iq, b_prev, nb_prev = carry
            p = ci % 2
            wait_edges(p)

            @pl.when(ci + 1 < n_rounds)
            def _():
                start_edges(ci + 1)

            def grp(g, n):
                p16 = ebuf[pl.ds(p * C_EDGES + g * LANES, LANES)]
                d16 = lax.shift_right_logical(p16, 16)
                sl16 = (p16 & 0xFFFF) - base_s
                msk = ((d16 - lo).astype(jnp.uint32) < jnp.uint32(r)) & (
                    sl16.astype(jnp.uint32) < jnp.uint32(part_rows))
                plsc.store_compressed(
                    slist.at[pl.ds(p * cl + n, LANES)], sl16, mask=msk)
                plsc.store_compressed(
                    dloc.at[pl.ds(p * cl + n, LANES)], d16 - lo, mask=msk)
                return n + plsc.all_reduce_population_count(msk)[0]

            n = lax.fori_loop(0, n_grp, grp, jnp.int32(0), unroll=4)
            slist[pl.ds(p * cl + n, LANES)] = jnp.zeros((LANES,), jnp.int32)
            slist[pl.ds(p * cl + n + LANES, LANES)] = jnp.zeros(
                (LANES,), jnp.int32)
            dloc[pl.ds(p * cl + n, LANES)] = jnp.full((LANES,), r, jnp.int32)
            dloc[pl.ds(p * cl + n + LANES, LANES)] = jnp.full(
                (LANES,), r, jnp.int32)
            nb_cur = (n + K_GATHER - 1) // K_GATHER
            b_cur = b_prev + nb_prev
            frontier = b_cur + nb_cur

            def issue_global(q):
                is_cur = q >= b_cur
                par = jnp.where(is_cur, p, 1 - p)
                loc = q - jnp.where(is_cur, b_cur, b_prev)
                issue(par, loc, q % G_RING)

            def seed(k, iq2):
                can = (iq2 < frontier) & (iq2 - pq < G_RING)

                @pl.when(can)
                def _():
                    issue_global(iq2)

                return iq2 + can.astype(jnp.int32)

            iq = lax.fori_loop(0, G_RING, seed, iq)

            def pbody(b, carry2):
                pq2, iq2 = carry2
                g = b_prev + b

                @pl.when(iq2 == g)
                def _():
                    issue_global(g)

                iq2 = jnp.maximum(iq2, g + 1)
                slot = g % G_RING
                wait_gather(slot)

                def grp16(h, carry3):
                    dl16 = dloc[pl.ds((1 - p) * cl + b * K_GATHER + h * LANES,
                                      LANES)]

                    def edge(i, carry4):
                        dlv = dl16.at[jnp.full((LANES,), i, jnp.int32)].get(
                            mode="promise_in_bounds")
                        gs, rs = [], []
                        for j in range(n_sub):
                            gs.append(plsc.load_gather(
                                m_loc, [dlv, iota + (j * LANES)]))
                            rs.append(rows[slot * K_GATHER + h * LANES + i,
                                           pl.ds(j * LANES, LANES)])
                        mx = [
                            plsc.bitcast(
                                jnp.maximum(plsc.bitcast(a, jnp.bfloat16),
                                            plsc.bitcast(c, jnp.bfloat16)),
                                jnp.int32)
                            for a, c in zip(gs, rs)
                        ]
                        for j in range(n_sub):
                            plsc.store_scatter(
                                m_loc, [dlv, iota + (j * LANES)], mx[j])
                        return carry4

                    lax.fori_loop(0, LANES, edge, jnp.int32(0), unroll=2)
                    return carry3

                lax.fori_loop(0, K_GATHER // LANES, grp16, jnp.int32(0))
                pq2 = g + 1
                can = (iq2 < frontier) & (iq2 - pq2 < G_RING)

                @pl.when(can)
                def _():
                    issue_global(iq2)

                return pq2, iq2 + can.astype(jnp.int32)

            pq, iq = lax.fori_loop(0, nb_prev, pbody, (pq, iq))
            return pq, iq, b_cur, nb_cur

        z = jnp.int32(0)
        s_rows = part_rows // 16
        for t in range(n_parts):
            base_t = min(t * part_rows, np_rows - part_rows)
            pltpu.async_copy(
                xs_hbm.at[pl.ds(base_t + sid * s_rows, s_rows)],
                xs_sp.at[pl.ds(sid * s_rows, s_rows)], ssem)
            pltpu.make_async_copy(
                xs_hbm.at[pl.ds(0, s_rows)],
                xs_sp.at[pl.ds(sid * s_rows, s_rows)], ssem).wait()
            plsc.subcore_barrier()
            start_edges(0)
            lax.fori_loop(0, n_rounds,
                          functools.partial(round_body, base_t),
                          (z, z, z, z))
            plsc.subcore_barrier()
        pltpu.sync_copy(m_loc.at[pl.ds(0, r)], m_hbm.at[pl.ds(lo, r)])

    return seg_max


def kernel(x, pos, edge_index, W_local, b_local, W_global, b_global):
    n, d = x.shape
    e = edge_index.shape[1]
    r = -(-n // (NW * 8)) * 8
    np_rows = NW * r
    ep = (-(-e // C_EDGES) + 1) * C_EDGES

    x_pad = jnp.pad(x, ((0, np_rows - n), (0, 0)))
    pos_pad = jnp.pad(pos, ((0, np_rows - n), (0, 128 - pos.shape[1])))
    wx = W_local[:d]
    wv = jnp.pad(W_local[d:], ((0, 128 - (W_local.shape[0] - d)), (0, 0)))
    src = jnp.pad(edge_index[0], (0, ep - e))
    dst = jnp.pad(edge_index[1], (0, ep - e), constant_values=0xFFFF)
    edges = jnp.left_shift(dst, 16) | src

    blk_rows = 512
    grid = (np_rows // blk_rows,)
    v, xs_bf = pl.pallas_call(
        _mm_xs_body,
        grid=grid,
        in_specs=[
            pl.BlockSpec((blk_rows, d), lambda i: (i, 0)),
            pl.BlockSpec((blk_rows, 128), lambda i: (i, 0)),
            pl.BlockSpec((d, d), lambda i: (0, 0)),
            pl.BlockSpec((128, d), lambda i: (0, 0)),
        ],
        out_specs=[
            pl.BlockSpec((blk_rows, d), lambda i: (i, 0)),
            pl.BlockSpec((blk_rows, d), lambda i: (i, 0)),
        ],
        out_shape=[
            jax.ShapeDtypeStruct((np_rows, d), jnp.float32),
            jax.ShapeDtypeStruct((np_rows, d), jnp.bfloat16),
        ],
    )(x_pad, pos_pad, wx, wv)

    dw = d // 2
    xs_pack = lax.bitcast_convert_type(
        xs_bf.reshape(np_rows, dw, 2), jnp.int32)

    part_max = 442368 // dw // 128 * 128
    n_parts = -(-np_rows // part_max)
    part_rows = -(-np_rows // (n_parts * 128)) * 128

    m = _sc_segmax(np_rows, dw, ep, r, part_rows, n_parts)(xs_pack, edges)

    m_bf = lax.bitcast_convert_type(m, jnp.bfloat16).reshape(np_rows, d)

    out = pl.pallas_call(
        _mm_out_body,
        grid=grid,
        in_specs=[
            pl.BlockSpec((blk_rows, d), lambda i: (i, 0)),
            pl.BlockSpec((blk_rows, d), lambda i: (i, 0)),
            pl.BlockSpec((1, d), lambda i: (0, 0)),
            pl.BlockSpec((d, d), lambda i: (0, 0)),
            pl.BlockSpec((1, d), lambda i: (0, 0)),
        ],
        out_specs=pl.BlockSpec((blk_rows, d), lambda i: (i, 0)),
        out_shape=jax.ShapeDtypeStruct((np_rows, d), jnp.float32),
    )(m_bf, v, b_local.reshape(1, d), W_global, b_global.reshape(1, d))

    return out[:n]

# --- scband reference (transcript-rebuilt; emitter-appended) ---
"""Pipeline reference for scband-my-point-conv-39754217292048 (READ-ONLY COPY).

The authoritative reference and input builder live on the scoring server;
editing this copy changes nothing except your own understanding.
"""

import jax, jax.numpy as jnp
import numpy as np

N = 10000
E = 160000
D = 256

def setup_inputs(seed: int = 0) -> dict:
    key = jax.random.key(seed)
    ks = jax.random.split(key, 6)
    x = jax.random.normal(ks[0], (N, D), dtype=jnp.float32)
    pos = jax.random.uniform(ks[1], (N, 3), dtype=jnp.float32)
    edge_index = jax.random.randint(ks[2], (2, E), 0, N, dtype=jnp.int32)
    # local_nn: Linear(D+3 -> D) + ReLU ; global_nn: Linear(D -> D)
    W_local = jax.random.normal(ks[3], (D + 3, D), dtype=jnp.float32) * (1.0 / np.sqrt(D + 3))
    b_local = jnp.zeros((D,), dtype=jnp.float32)
    W_global = jax.random.normal(ks[4], (D, D), dtype=jnp.float32) * (1.0 / np.sqrt(D))
    b_global = jnp.zeros((D,), dtype=jnp.float32)
    return {"x": x, "pos": pos, "edge_index": edge_index,
            "W_local": W_local, "b_local": b_local,
            "W_global": W_global, "b_global": b_global}

def reference(x, pos, edge_index, W_local, b_local, W_global, b_global):
    n = x.shape[0]
    # add_self_loops = True
    loops = jnp.arange(n, dtype=edge_index.dtype)
    src = jnp.concatenate([edge_index[0], loops])
    dst = jnp.concatenate([edge_index[1], loops])
    # PointConv message: cat([x_j, pos_j - pos_i]) -> local_nn
    rel_pos = jnp.take(pos, src, axis=0) - jnp.take(pos, dst, axis=0)
    msg = jnp.concatenate([jnp.take(x, src, axis=0), rel_pos], axis=1)
    h = jax.nn.relu(msg @ W_local + b_local)
    # aggr = 'max'; self-loops guarantee every segment is non-empty
    agg = jax.ops.segment_max(h, dst, num_segments=n)
    out = agg @ W_global + b_global
    return out

if __name__ == "__main__":
    import jax
    _d = setup_inputs()
    print(jax.jit(kernel)(*tuple(_d.values())))

</pallas_src>

<mosaic_0001>
#map = affine_map<(d0, d1) -> (0, 0)>
#map1 = affine_map<(d0, d1) -> (0)>
module attributes {stable_mosaic.version = 14 : i64} {
  func.func @seg_max(%arg0: i32, %arg1: i32, %arg2: memref<10240x128xi32, #tpu.memory_space<hbm>>, %arg3: memref<162000xi32, #tpu.memory_space<hbm>>, %arg4: memref<10240x128xi32, #tpu.memory_space<hbm>>, %arg5: memref<321x128xi32, #tpu.memory_space<vmem>>, %arg6: memref<4000xi32, #tpu.memory_space<vmem>>, %arg7: memref<4096xi32, #tpu.memory_space<vmem>>, %arg8: memref<4096xi32, #tpu.memory_space<vmem>>, %arg9: memref<256x128xi32, #tpu.memory_space<vmem>>, %arg10: memref<3456x128xi32, #tpu.memory_space<vmem_shared>>, %arg11: memref<!tpu.dma_semaphore, #tpu.memory_space<semaphore_mem>>, %arg12: memref<!tpu.dma_semaphore, #tpu.memory_space<semaphore_mem>>, %arg13: memref<!tpu.dma_semaphore, #tpu.memory_space<semaphore_mem>>) attributes {dimension_semantics = [#tpu.dimension_semantics<core_parallel>, #tpu.dimension_semantics<subcore_parallel>], iteration_bounds = array<i64: 2, 16>, scalar_prefetch = 0 : i64, scratch_operands = 9 : i64, tpu.core_type = #tpu.core_type<sc_vector_subcore>, window_params = [{transform_indices = #map}, {transform_indices = #map1}, {transform_indices = #map}]} {
    %mul3A = arith.constant 2 : i32
    %mul3A_0 = arith.muli %arg1, %mul3A : i32
    %add3A = arith.addi %mul3A_0, %arg0 : i32
    %mul3A_1 = arith.constant 320 : i32
    %mul3A_2 = arith.muli %add3A, %mul3A_1 : i32
    %iota3A = tpu.iota {dimensions = array<i32: 0>} : vector<16xi32>
    "tpu.region"() ({
      %run_scoped3A = tpu.sem_alloc : memref<!tpu.dma_semaphore, #tpu.memory_space<semaphore_mem>>
      %dma_start3A_110 = arith.constant 0 : i32
      %dma_start3A_111 = arith.constant 0 : i32
      %dma_start3A_112 = tpu.memref_slice %arg5[%dma_start3A_110, %dma_start3A_111] : memref<321x128xi32, #tpu.memory_space<vmem>> -> memref<320x128xi32, #tpu.memory_space<vmem>>
      %dma_start3A_113 = arith.constant 0 : i32
      %dma_start3A_114 = tpu.memref_slice %arg2[%mul3A_2, %dma_start3A_113] : memref<10240x128xi32, #tpu.memory_space<hbm>> -> memref<320x128xi32, #tpu.memory_space<hbm>>
      %dma_start3A_115 = arith.constant 0 : i32
      %dma_start3A_116 = arith.constant 0 : i32
      %dma_start3A_117 = tpu.memref_slice %arg5[%dma_start3A_115, %dma_start3A_116] : memref<321x128xi32, #tpu.memory_space<vmem>> -> memref<320x128xi32, #tpu.memory_space<vmem>>
      %dma_start3A_118 = arith.constant 0 : i32
      %dma_start3A_119 = tpu.memref_slice %arg2[%mul3A_2, %dma_start3A_118] : memref<10240x128xi32, #tpu.memory_space<hbm>> -> memref<320x128xi32, #tpu.memory_space<hbm>>
      tpu.enqueue_dma source(%dma_start3A_119 : memref<320x128xi32, #tpu.memory_space<hbm>>) target(%dma_start3A_117 : memref<320x128xi32, #tpu.memory_space<vmem>>) target_semaphore(%run_scoped3A : memref<!tpu.dma_semaphore, #tpu.memory_space<semaphore_mem>>)
      %dma_wait3A_120 = arith.constant 0 : i32
      %dma_wait3A_121 = arith.constant 0 : i32
      %dma_wait3A_122 = tpu.memref_slice %arg5[%dma_wait3A_120, %dma_wait3A_121] : memref<321x128xi32, #tpu.memory_space<vmem>> -> memref<320x128xi32, #tpu.memory_space<vmem>>
      %dma_wait3A_123 = arith.constant 0 : i32
      %dma_wait3A_124 = tpu.memref_slice %arg2[%mul3A_2, %dma_wait3A_123] : memref<10240x128xi32, #tpu.memory_space<hbm>> -> memref<320x128xi32, #tpu.memory_space<hbm>>
      %dma_wait3A_125 = arith.constant 0 : i32
      %dma_wait3A_126 = arith.constant 0 : i32
      %dma_wait3A_127 = tpu.memref_slice %arg5[%dma_wait3A_125, %dma_wait3A_126] : memref<321x128xi32, #tpu.memory_space<vmem>> -> memref<320x128xi32, #tpu.memory_space<vmem>>
      %dma_wait3A_128 = arith.constant 0 : i32
      %dma_wait3A_129 = tpu.memref_slice %arg2[%mul3A_2, %dma_wait3A_128] : memref<10240x128xi32, #tpu.memory_space<hbm>> -> memref<320x128xi32, #tpu.memory_space<hbm>>
      tpu.wait_dma2 semaphore(%run_scoped3A : memref<!tpu.dma_semaphore, #tpu.memory_space<semaphore_mem>>) src(%dma_wait3A_129 : memref<320x128xi32, #tpu.memory_space<hbm>>) dst(%dma_wait3A_127 : memref<320x128xi32, #tpu.memory_space<vmem>>)
      tpu.yield
    }) : () -> ()
    %mul3A_3 = arith.constant 216 : i32
    %mul3A_4 = arith.muli %arg1, %mul3A_3 : i32
    %add3A_5 = arith.constant 0 : i32
    %add3A_6 = arith.addi %add3A_5, %mul3A_4 : i32
    %mul3A_7 = arith.constant 216 : i32
    %mul3A_8 = arith.muli %arg1, %mul3A_7 : i32
    %dma_start3A = arith.constant 0 : i32
    %dma_start3A_9 = tpu.memref_slice %arg10[%mul3A_8, %dma_start3A] : memref<3456x128xi32, #tpu.memory_space<vmem_shared>> -> memref<216x128xi32, #tpu.memory_space<vmem_shared>>
    %dma_start3A_10 = arith.constant 0 : i32
    %dma_start3A_11 = tpu.memref_slice %arg2[%add3A_6, %dma_start3A_10] : memref<10240x128xi32, #tpu.memory_space<hbm>> -> memref<216x128xi32, #tpu.memory_space<hbm>>
    tpu.enqueue_dma source(%dma_start3A_11 : memref<216x128xi32, #tpu.memory_space<hbm>>) target(%dma_start3A_9 : memref<216x128xi32, #tpu.memory_space<vmem_shared>>) target_semaphore(%arg13 : memref<!tpu.dma_semaphore, #tpu.memory_space<semaphore_mem>>)
    %mul3A_12 = arith.constant 216 : i32
    %mul3A_13 = arith.muli %arg1, %mul3A_12 : i32
    %dma_wait3A = arith.constant 0 : i32
    %dma_wait3A_14 = tpu.memref_slice %arg10[%mul3A_13, %dma_wait3A] : memref<3456x128xi32, #tpu.memory_space<vmem_shared>> -> memref<216x128xi32, #tpu.memory_space<vmem_shared>>
    %dma_wait3A_15 = arith.constant 0 : i32
    %dma_wait3A_16 = arith.constant 0 : i32
    %dma_wait3A_17 = tpu.memref_slice %arg2[%dma_wait3A_15, %dma_wait3A_16] : memref<10240x128xi32, #tpu.memory_space<hbm>> -> memref<216x128xi32, #tpu.memory_space<hbm>>
    tpu.wait_dma2 semaphore(%arg13 : memref<!tpu.dma_semaphore, #tpu.memory_space<semaphore_mem>>) src(%dma_wait3A_17 : memref<216x128xi32, #tpu.memory_space<hbm>>) dst(%dma_wait3A_14 : memref<216x128xi32, #tpu.memory_space<vmem_shared>>)
    %barrier3A = arith.constant 0 : index
    tpu.barrier barrier_id(%barrier3A)
    %dma_start3A_18 = arith.constant 0 : i32
    %dma_start3A_19 = tpu.memref_slice %arg6[%dma_start3A_18] : memref<4000xi32, #tpu.memory_space<vmem>> -> memref<2000xi32, #tpu.memory_space<vmem>>
    %dma_start3A_20 = arith.constant 0 : i32
    %dma_start3A_21 = tpu.memref_slice %arg3[%dma_start3A_20] : memref<162000xi32, #tpu.memory_space<hbm>> -> memref<2000xi32, #tpu.memory_space<hbm>>
    %dma_start3A_22 = arith.constant 0 : i32
    %dma_start3A_23 = tpu.memref_slice %arg6[%dma_start3A_22] : memref<4000xi32, #tpu.memory_space<vmem>> -> memref<2000xi32, #tpu.memory_space<vmem>>
    %dma_start3A_24 = arith.constant 0 : i32
    %dma_start3A_25 = tpu.memref_slice %arg3[%dma_start3A_24] : memref<162000xi32, #tpu.memory_space<hbm>> -> memref<2000xi32, #tpu.memory_space<hbm>>
    tpu.enqueue_dma source(%dma_start3A_25 : memref<2000xi32, #tpu.memory_space<hbm>>) target(%dma_start3A_23 : memref<2000xi32, #tpu.memory_space<vmem>>) target_semaphore(%arg11 : memref<!tpu.dma_semaphore, #tpu.memory_space<semaphore_mem>>)
    %scan3A = arith.constant 0 : i32
    %scan3A_26 = arith.constant 0 : i32
    %scan3A_27 = arith.constant 0 : i32
    %scan3A_28 = arith.constant 0 : i32
    %scan3A_29 = arith.constant 0 : i32
    %scan3A_30 = arith.constant 81 : i32
    %scan3A_31 = arith.addi %scan3A_29, %scan3A_30 : i32
    %scan3A_32 = arith.constant 1 : i32
    %scan3A_33:4 = scf.for %scan3A_110 = %scan3A_29 to %scan3A_31 step %scan3A_32 iter_args(%scan3A_111 = %scan3A, %scan3A_112 = %scan3A_26, %scan3A_113 = %scan3A_27, %scan3A_114 = %scan3A_28) -> (i32, i32, i32, i32)  : i32 {
      %jit3A = arith.constant 2 : i32
      %eq3A = arith.constant 0 : i32
      %eq3A_115 = arith.cmpi eq, %jit3A, %eq3A : i32
      %jit3A_116 = arith.constant 1 : i32
      %select_n3A = arith.select %eq3A_115, %jit3A_116, %jit3A : i32
      %rem3A = arith.remsi %scan3A_110, %select_n3A : i32
      %ne3A = arith.constant 0 : i32
      %ne3A_117 = arith.cmpi ne, %rem3A, %ne3A : i32
      %lt3A = arith.constant 0 : i32
      %lt3A_118 = arith.cmpi slt, %rem3A, %lt3A : i32
      %lt3A_119 = arith.constant 0 : i32
      %lt3A_120 = arith.cmpi slt, %select_n3A, %lt3A_119 : i32
      %ne3A_121 = arith.xori %lt3A_118, %lt3A_120 : i1
      %and3A = arith.andi %ne3A_121, %ne3A_117 : i1
      %add3A_122 = arith.addi %rem3A, %select_n3A : i32
      %select_n3A_123 = arith.select %and3A, %add3A_122, %rem3A : i32
      %mul3A_124 = arith.constant 2000 : i32
      %mul3A_125 = arith.muli %select_n3A_123, %mul3A_124 : i32
      %dma_wait3A_126 = tpu.memref_slice %arg6[%mul3A_125] : memref<4000xi32, #tpu.memory_space<vmem>> -> memref<2000xi32, #tpu.memory_space<vmem>>
      %dma_wait3A_127 = arith.constant 0 : i32
      %dma_wait3A_128 = tpu.memref_slice %arg3[%dma_wait3A_127] : memref<162000xi32, #tpu.memory_space<hbm>> -> memref<2000xi32, #tpu.memory_space<hbm>>
      %dma_wait3A_129 = tpu.memref_slice %arg6[%mul3A_125] : memref<4000xi32, #tpu.memory_space<vmem>> -> memref<2000xi32, #tpu.memory_space<vmem>>
      %dma_wait3A_130 = arith.constant 0 : i32
      %dma_wait3A_131 = tpu.memref_slice %arg3[%dma_wait3A_130] : memref<162000xi32, #tpu.memory_space<hbm>> -> memref<2000xi32, #tpu.memory_space<hbm>>
      tpu.wait_dma2 semaphore(%arg11 : memref<!tpu.dma_semaphore, #tpu.memory_space<semaphore_mem>>) src(%dma_wait3A_131 : memref<2000xi32, #tpu.memory_space<hbm>>) dst(%dma_wait3A_129 : memref<2000xi32, #tpu.memory_space<vmem>>)
      %add3A_132 = arith.constant 1 : i32
      %add3A_133 = arith.addi %scan3A_110, %add3A_132 : i32
      %lt3A_134 = arith.constant 81 : i32
      %lt3A_135 = arith.cmpi slt, %add3A_133, %lt3A_134 : i32
      %convert_element_type3A = arith.extui %lt3A_135 : i1 to i32
      %cond3A = arith.constant 0 : i32
      %cond3A_136 = arith.cmpi ne, %convert_element_type3A, %cond3A : i32
      scf.if %cond3A_136 {
        %add3A_255 = arith.constant 1 : i32
        %add3A_256 = arith.addi %scan3A_110, %add3A_255 : i32
        %jit3A_257 = arith.constant 2 : i32
        %eq3A_258 = arith.constant 0 : i32
        %eq3A_259 = arith.cmpi eq, %jit3A_257, %eq3A_258 : i32
        %jit3A_260 = arith.constant 1 : i32
        %select_n3A_261 = arith.select %eq3A_259, %jit3A_260, %jit3A_257 : i32
        %rem3A_262 = arith.remsi %add3A_256, %select_n3A_261 : i32
        %ne3A_263 = arith.constant 0 : i32
        %ne3A_264 = arith.cmpi ne, %rem3A_262, %ne3A_263 : i32
        %lt3A_265 = arith.constant 0 : i32
        %lt3A_266 = arith.cmpi slt, %rem3A_262, %lt3A_265 : i32
        %lt3A_267 = arith.constant 0 : i32
        %lt3A_268 = arith.cmpi slt, %select_n3A_261, %lt3A_267 : i32
        %ne3A_269 = arith.xori %lt3A_266, %lt3A_268 : i1
        %and3A_270 = arith.andi %ne3A_269, %ne3A_264 : i1
        %add3A_271 = arith.addi %rem3A_262, %select_n3A_261 : i32
        %select_n3A_272 = arith.select %and3A_270, %add3A_271, %rem3A_262 : i32
        %mul3A_273 = arith.constant 2000 : i32
        %mul3A_274 = arith.muli %add3A_256, %mul3A_273 : i32
        %mul3A_275 = arith.constant 2000 : i32
        %mul3A_276 = arith.muli %select_n3A_272, %mul3A_275 : i32
        %dma_start3A_277 = tpu.memref_slice %arg6[%mul3A_276] : memref<4000xi32, #tpu.memory_space<vmem>> -> memref<2000xi32, #tpu.memory_space<vmem>>
        %dma_start3A_278 = tpu.memref_slice %arg3[%mul3A_274] : memref<162000xi32, #tpu.memory_space<hbm>> -> memref<2000xi32, #tpu.memory_space<hbm>>
        %dma_start3A_279 = tpu.memref_slice %arg6[%mul3A_276] : memref<4000xi32, #tpu.memory_space<vmem>> -> memref<2000xi32, #tpu.memory_space<vmem>>
        %dma_start3A_280 = tpu.memref_slice %arg3[%mul3A_274] : memref<162000xi32, #tpu.memory_space<hbm>> -> memref<2000xi32, #tpu.memory_space<hbm>>
        tpu.enqueue_dma source(%dma_start3A_280 : memref<2000xi32, #tpu.memory_space<hbm>>) target(%dma_start3A_279 : memref<2000xi32, #tpu.memory_space<vmem>>) target_semaphore(%arg11 : memref<!tpu.dma_semaphore, #tpu.memory_space<semaphore_mem>>)
      } else {
      }
      %scan3A_137 = arith.constant 0 : i32
      %scan3A_138 = arith.constant 0 : i32
      %scan3A_139 = arith.constant 124 : i32
      %scan3A_140 = arith.addi %scan3A_138, %scan3A_139 : i32
      %scan3A_141 = arith.constant 4 : i32
      %scan3A_142 = scf.for %scan3A_255 = %scan3A_138 to %scan3A_140 step %scan3A_141 iter_args(%scan3A_256 = %scan3A_137) -> (i32)  : i32 {
        %mul3A_257 = arith.constant 2000 : i32
        %mul3A_258 = arith.muli %select_n3A_123, %mul3A_257 : i32
        %mul3A_259 = arith.constant 16 : i32
        %mul3A_260 = arith.muli %scan3A_255, %mul3A_259 : i32
        %add3A_261 = arith.addi %mul3A_258, %mul3A_260 : i32
        %get3A_262 = arith.index_cast %add3A_261 : i32 to index
        %get3A_263 = tpu.vector_load %arg6[%get3A_262] {strides = array<i32>} : memref<4000xi32, #tpu.memory_space<vmem>>, vector<16xi32>,
        %shift_right_logical3A_264 = arith.constant 16 : i32
        %shift_right_logical3A_265 = vector.broadcast %shift_right_logical3A_264 : i32 to vector<16xi32>
        %shift_right_logical3A_266 = arith.shrui %get3A_263, %shift_right_logical3A_265 : vector<16xi32>
        %and3A_267 = arith.constant 65535 : i32
        %and3A_268 = vector.broadcast %and3A_267 : i32 to vector<16xi32>
        %and3A_269 = arith.andi %get3A_263, %and3A_268 : vector<16xi32>
        %sub3A_270 = arith.constant 0 : i32
        %sub3A_271 = vector.broadcast %sub3A_270 : i32 to vector<16xi32>
        %sub3A_272 = arith.subi %and3A_269, %sub3A_271 : vector<16xi32>
        %sub3A_273 = vector.broadcast %mul3A_2 : i32 to vector<16xi32>
        %sub3A_274 = arith.subi %shift_right_logical3A_266, %sub3A_273 : vector<16xi32>
        %lt3A_275 = arith.constant 320 : i32
        %lt3A_276 = vector.broadcast %lt3A_275 : i32 to vector<16xi32>
        %lt3A_277 = arith.cmpi ult, %sub3A_274, %lt3A_276 : vector<16xi32>
        %lt3A_278 = arith.constant 3456 : i32
        %lt3A_279 = vector.broadcast %lt3A_278 : i32 to vector<16xi32>
        %lt3A_280 = arith.cmpi ult, %sub3A_272, %lt3A_279 : vector<16xi32>
        %and3A_281 = arith.andi %lt3A_277, %lt3A_280 : vector<16xi1>
        %mul3A_282 = arith.constant 2048 : i32
        %mul3A_283 = arith.muli %select_n3A_123, %mul3A_282 : i32
        %add3A_284 = arith.addi %mul3A_283, %scan3A_256 : i32
        %swap3A_285 = arith.index_cast %add3A_284 : i32 to index
        %swap3A_286 = tpu.vector_load %arg7[%swap3A_285] masked %and3A_281 {strides = array<i32>} : memref<4096xi32, #tpu.memory_space<vmem>>, vector<16xi32>, vector<16xi1>
        tpu.vector_store %arg7[%swap3A_285], %sub3A_272 masked %and3A_281 {strides = array<i32>} : memref<4096xi32, #tpu.memory_space<vmem>>, vector<16xi32>, vector<16xi1>
        %mul3A_287 = arith.constant 2048 : i32
        %mul3A_288 = arith.muli %select_n3A_123, %mul3A_287 : i32
        %add3A_289 = arith.addi %mul3A_288, %scan3A_256 : i32
        %sub3A_290 = vector.broadcast %mul3A_2 : i32 to vector<16xi32>
        %sub3A_291 = arith.subi %shift_right_logical3A_266, %sub3A_290 : vector<16xi32>
        %swap3A_292 = arith.index_cast %add3A_289 : i32 to index
        %swap3A_293 = tpu.vector_load %arg8[%swap3A_292] masked %and3A_281 {strides = array<i32>} : memref<4096xi32, #tpu.memory_space<vmem>>, vector<16xi32>, vector<16xi1>
        tpu.vector_store %arg8[%swap3A_292], %sub3A_291 masked %and3A_281 {strides = array<i32>} : memref<4096xi32, #tpu.memory_space<vmem>>, vector<16xi32>, vector<16xi1>
        %all_reduce_population_count3A_294 = tpu.all_reduce %and3A_281 {dim = 0 : i64, kind = #tpu.reduction_kind<sum>} : vector<16xi1> -> vector<16xi32>
        %slice3A_295 = vector.extract_strided_slice %all_reduce_population_count3A_294 {offsets = [0], sizes = [1], strides = [1]} : vector<16xi32> to vector<1xi32>
        %squeeze3A_296 = vector.extract %slice3A_295[0] : i32 from vector<1xi32>
        %add3A_297 = arith.addi %scan3A_256, %squeeze3A_296 : i32
        %scan3A_298 = arith.constant 1 : i32
        %scan3A_299 = arith.addi %scan3A_255, %scan3A_298 : i32
        %mul3A_300 = arith.constant 2000 : i32
        %mul3A_301 = arith.muli %select_n3A_123, %mul3A_300 : i32
        %mul3A_302 = arith.constant 16 : i32
        %mul3A_303 = arith.muli %scan3A_299, %mul3A_302 : i32
        %add3A_304 = arith.addi %mul3A_301, %mul3A_303 : i32
        %get3A_305 = arith.index_cast %add3A_304 : i32 to index
        %get3A_306 = tpu.vector_load %arg6[%get3A_305] {strides = array<i32>} : memref<4000xi32, #tpu.memory_space<vmem>>, vector<16xi32>,
        %shift_right_logical3A_307 = arith.constant 16 : i32
        %shift_right_logical3A_308 = vector.broadcast %shift_right_logical3A_307 : i32 to vector<16xi32>
        %shift_right_logical3A_309 = arith.shrui %get3A_306, %shift_right_logical3A_308 : vector<16xi32>
        %and3A_310 = arith.constant 65535 : i32
        %and3A_311 = vector.broadcast %and3A_310 : i32 to vector<16xi32>
        %and3A_312 = arith.andi %get3A_306, %and3A_311 : vector<16xi32>
        %sub3A_313 = arith.constant 0 : i32
        %sub3A_314 = vector.broadcast %sub3A_313 : i32 to vector<16xi32>
        %sub3A_315 = arith.subi %and3A_312, %sub3A_314 : vector<16xi32>
        %sub3A_316 = vector.broadcast %mul3A_2 : i32 to vector<16xi32>
        %sub3A_317 = arith.subi %shift_right_logical3A_309, %sub3A_316 : vector<16xi32>
        %lt3A_318 = arith.constant 320 : i32
        %lt3A_319 = vector.broadcast %lt3A_318 : i32 to vector<16xi32>
        %lt3A_320 = arith.cmpi ult, %sub3A_317, %lt3A_319 : vector<16xi32>
        %lt3A_321 = arith.constant 3456 : i32
        %lt3A_322 = vector.broadcast %lt3A_321 : i32 to vector<16xi32>
        %lt3A_323 = arith.cmpi ult, %sub3A_315, %lt3A_322 : vector<16xi32>
        %and3A_324 = arith.andi %lt3A_320, %lt3A_323 : vector<16xi1>
        %mul3A_325 = arith.constant 2048 : i32
        %mul3A_326 = arith.muli %select_n3A_123, %mul3A_325 : i32
        %add3A_327 = arith.addi %mul3A_326, %add3A_297 : i32
        %swap3A_328 = arith.index_cast %add3A_327 : i32 to index
        %swap3A_329 = tpu.vector_load %arg7[%swap3A_328] masked %and3A_324 {strides = array<i32>} : memref<4096xi32, #tpu.memory_space<vmem>>, vector<16xi32>, vector<16xi1>
        tpu.vector_store %arg7[%swap3A_328], %sub3A_315 masked %and3A_324 {strides = array<i32>} : memref<4096xi32, #tpu.memory_space<vmem>>, vector<16xi32>, vector<16xi1>
        %mul3A_330 = arith.constant 2048 : i32
        %mul3A_331 = arith.muli %select_n3A_123, %mul3A_330 : i32
        %add3A_332 = arith.addi %mul3A_331, %add3A_297 : i32
        %sub3A_333 = vector.broadcast %mul3A_2 : i32 to vector<16xi32>
        %sub3A_334 = arith.subi %shift_right_logical3A_309, %sub3A_333 : vector<16xi32>
        %swap3A_335 = arith.index_cast %add3A_332 : i32 to index
        %swap3A_336 = tpu.vector_load %arg8[%swap3A_335] masked %and3A_324 {strides = array<i32>} : memref<4096xi32, #tpu.memory_space<vmem>>, vector<16xi32>, vector<16xi1>
        tpu.vector_store %arg8[%swap3A_335], %sub3A_334 masked %and3A_324 {strides = array<i32>} : memref<4096xi32, #tpu.memory_space<vmem>>, vector<16xi32>, vector<16xi1>
        %all_reduce_population_count3A_337 = tpu.all_reduce %and3A_324 {dim = 0 : i64, kind = #tpu.reduction_kind<sum>} : vector<16xi1> -> vector<16xi32>
        %slice3A_338 = vector.extract_strided_slice %all_reduce_population_count3A_337 {offsets = [0], sizes = [1], strides = [1]} : vector<16xi32> to vector<1xi32>
        %squeeze3A_339 = vector.extract %slice3A_338[0] : i32 from vector<1xi32>
        %add3A_340 = arith.addi %add3A_297, %squeeze3A_339 : i32
        %scan3A_341 = arith.constant 2 : i32
        %scan3A_342 = arith.addi %scan3A_255, %scan3A_341 : i32
        %mul3A_343 = arith.constant 2000 : i32
        %mul3A_344 = arith.muli %select_n3A_123, %mul3A_343 : i32
        %mul3A_345 = arith.constant 16 : i32
        %mul3A_346 = arith.muli %scan3A_342, %mul3A_345 : i32
        %add3A_347 = arith.addi %mul3A_344, %mul3A_346 : i32
        %get3A_348 = arith.index_cast %add3A_347 : i32 to index
        %get3A_349 = tpu.vector_load %arg6[%get3A_348] {strides = array<i32>} : memref<4000xi32, #tpu.memory_space<vmem>>, vector<16xi32>,
        %shift_right_logical3A_350 = arith.constant 16 : i32
        %shift_right_logical3A_351 = vector.broadcast %shift_right_logical3A_350 : i32 to vector<16xi32>
        %shift_right_logical3A_352 = arith.shrui %get3A_349, %shift_right_logical3A_351 : vector<16xi32>
        %and3A_353 = arith.constant 65535 : i32
        %and3A_354 = vector.broadcast %and3A_353 : i32 to vector<16xi32>
        %and3A_355 = arith.andi %get3A_349, %and3A_354 : vector<16xi32>
        %sub3A_356 = arith.constant 0 : i32
        %sub3A_357 = vector.broadcast %sub3A_356 : i32 to vector<16xi32>
        %sub3A_358 = arith.subi %and3A_355, %sub3A_357 : vector<16xi32>
        %sub3A_359 = vector.broadcast %mul3A_2 : i32 to vector<16xi32>
        %sub3A_360 = arith.subi %shift_right_logical3A_352, %sub3A_359 : vector<16xi32>
        %lt3A_361 = arith.constant 320 : i32
        %lt3A_362 = vector.broadcast %lt3A_361 : i32 to vector<16xi32>
        %lt3A_363 = arith.cmpi ult, %sub3A_360, %lt3A_362 : vector<16xi32>
        %lt3A_364 = arith.constant 3456 : i32
        %lt3A_365 = vector.broadcast %lt3A_364 : i32 to vector<16xi32>
        %lt3A_366 = arith.cmpi ult, %sub3A_358, %lt3A_365 : vector<16xi32>
        %and3A_367 = arith.andi %lt3A_363, %lt3A_366 : vector<16xi1>
        %mul3A_368 = arith.constant 2048 : i32
        %mul3A_369 = arith.muli %select_n3A_123, %mul3A_368 : i32
        %add3A_370 = arith.addi %mul3A_369, %add3A_340 : i32
        %swap3A_371 = arith.index_cast %add3A_370 : i32 to index
        %swap3A_372 = tpu.vector_load %arg7[%swap3A_371] masked %and3A_367 {strides = array<i32>} : memref<4096xi32, #tpu.memory_space<vmem>>, vector<16xi32>, vector<16xi1>
        tpu.vector_store %arg7[%swap3A_371], %sub3A_358 masked %and3A_367 {strides = array<i32>} : memref<4096xi32, #tpu.memory_space<vmem>>, vector<16xi32>, vector<16xi1>
        %mul3A_373 = arith.constant 2048 : i32
        %mul3A_374 = arith.muli %select_n3A_123, %mul3A_373 : i32
        %add3A_375 = arith.addi %mul3A_374, %add3A_340 : i32
        %sub3A_376 = vector.broadcast %mul3A_2 : i32 to vector<16xi32>
        %sub3A_377 = arith.subi %shift_right_logical3A_352, %sub3A_376 : vector<16xi32>
        %swap3A_378 = arith.index_cast %add3A_375 : i32 to index
        %swap3A_379 = tpu.vector_load %arg8[%swap3A_378] masked %and3A_367 {strides = array<i32>} : memref<4096xi32, #tpu.memory_space<vmem>>, vector<16xi32>, vector<16xi1>
        tpu.vector_store %arg8[%swap3A_378], %sub3A_377 masked %and3A_367 {strides = array<i32>} : memref<4096xi32, #tpu.memory_space<vmem>>, vector<16xi32>, vector<16xi1>
        %all_reduce_population_count3A_380 = tpu.all_reduce %and3A_367 {dim = 0 : i64, kind = #tpu.reduction_kind<sum>} : vector<16xi1> -> vector<16xi32>
        %slice3A_381 = vector.extract_strided_slice %all_reduce_population_count3A_380 {offsets = [0], sizes = [1], strides = [1]} : vector<16xi32> to vector<1xi32>
        %squeeze3A_382 = vector.extract %slice3A_381[0] : i32 from vector<1xi32>
        %add3A_383 = arith.addi %add3A_340, %squeeze3A_382 : i32
        %scan3A_384 = arith.constant 3 : i32
        %scan3A_385 = arith.addi %scan3A_255, %scan3A_384 : i32
        %mul3A_386 = arith.constant 2000 : i32
        %mul3A_387 = arith.muli %select_n3A_123, %mul3A_386 : i32
        %mul3A_388 = arith.constant 16 : i32
        %mul3A_389 = arith.muli %scan3A_385, %mul3A_388 : i32
        %add3A_390 = arith.addi %mul3A_387, %mul3A_389 : i32
        %get3A_391 = arith.index_cast %add3A_390 : i32 to index
        %get3A_392 = tpu.vector_load %arg6[%get3A_391] {strides = array<i32>} : memref<4000xi32, #tpu.memory_space<vmem>>, vector<16xi32>,
        %shift_right_logical3A_393 = arith.constant 16 : i32
        %shift_right_logical3A_394 = vector.broadcast %shift_right_logical3A_393 : i32 to vector<16xi32>
        %shift_right_logical3A_395 = arith.shrui %get3A_392, %shift_right_logical3A_394 : vector<16xi32>
        %and3A_396 = arith.constant 65535 : i32
        %and3A_397 = vector.broadcast %and3A_396 : i32 to vector<16xi32>
        %and3A_398 = arith.andi %get3A_392, %and3A_397 : vector<16xi32>
        %sub3A_399 = arith.constant 0 : i32
        %sub3A_400 = vector.broadcast %sub3A_399 : i32 to vector<16xi32>
        %sub3A_401 = arith.subi %and3A_398, %sub3A_400 : vector<16xi32>
        %sub3A_402 = vector.broadcast %mul3A_2 : i32 to vector<16xi32>
        %sub3A_403 = arith.subi %shift_right_logical3A_395, %sub3A_402 : vector<16xi32>
        %lt3A_404 = arith.constant 320 : i32
        %lt3A_405 = vector.broadcast %lt3A_404 : i32 to vector<16xi32>
        %lt3A_406 = arith.cmpi ult, %sub3A_403, %lt3A_405 : vector<16xi32>
        %lt3A_407 = arith.constant 3456 : i32
        %lt3A_408 = vector.broadcast %lt3A_407 : i32 to vector<16xi32>
        %lt3A_409 = arith.cmpi ult, %sub3A_401, %lt3A_408 : vector<16xi32>
        %and3A_410 = arith.andi %lt3A_406, %lt3A_409 : vector<16xi1>
        %mul3A_411 = arith.constant 2048 : i32
        %mul3A_412 = arith.muli %select_n3A_123, %mul3A_411 : i32
        %add3A_413 = arith.addi %mul3A_412, %add3A_383 : i32
        %swap3A_414 = arith.index_cast %add3A_413 : i32 to index
        %swap3A_415 = tpu.vector_load %arg7[%swap3A_414] masked %and3A_410 {strides = array<i32>} : memref<4096xi32, #tpu.memory_space<vmem>>, vector<16xi32>, vector<16xi1>
        tpu.vector_store %arg7[%swap3A_414], %sub3A_401 masked %and3A_410 {strides = array<i32>} : memref<4096xi32, #tpu.memory_space<vmem>>, vector<16xi32>, vector<16xi1>
        %mul3A_416 = arith.constant 2048 : i32
        %mul3A_417 = arith.muli %select_n3A_123, %mul3A_416 : i32
        %add3A_418 = arith.addi %mul3A_417, %add3A_383 : i32
        %sub3A_419 = vector.broadcast %mul3A_2 : i32 to vector<16xi32>
        %sub3A_420 = arith.subi %shift_right_logical3A_395, %sub3A_419 : vector<16xi32>
        %swap3A_421 = arith.index_cast %add3A_418 : i32 to index
        %swap3A_422 = tpu.vector_load %arg8[%swap3A_421] masked %and3A_410 {strides = array<i32>} : memref<4096xi32, #tpu.memory_space<vmem>>, vector<16xi32>, vector<16xi1>
        tpu.vector_store %arg8[%swap3A_421], %sub3A_420 masked %and3A_410 {strides = array<i32>} : memref<4096xi32, #tpu.memory_space<vmem>>, vector<16xi32>, vector<16xi1>
        %all_reduce_population_count3A_423 = tpu.all_reduce %and3A_410 {dim = 0 : i64, kind = #tpu.reduction_kind<sum>} : vector<16xi1> -> vector<16xi32>
        %slice3A_424 = vector.extract_strided_slice %all_reduce_population_count3A_423 {offsets = [0], sizes = [1], strides = [1]} : vector<16xi32> to vector<1xi32>
        %squeeze3A_425 = vector.extract %slice3A_424[0] : i32 from vector<1xi32>
        %add3A_426 = arith.addi %add3A_383, %squeeze3A_425 : i32
        scf.yield %add3A_426 : i32
      }
      %scan3A_143 = arith.constant 124 : i32
      %scan3A_144 = arith.addi %scan3A_138, %scan3A_143 : i32
      %mul3A_145 = arith.constant 2000 : i32
      %mul3A_146 = arith.muli %select_n3A_123, %mul3A_145 : i32
      %mul3A_147 = arith.constant 16 : i32
      %mul3A_148 = arith.muli %scan3A_144, %mul3A_147 : i32
      %add3A_149 = arith.addi %mul3A_146, %mul3A_148 : i32
      %get3A = arith.index_cast %add3A_149 : i32 to index
      %get3A_150 = tpu.vector_load %arg6[%get3A] {strides = array<i32>} : memref<4000xi32, #tpu.memory_space<vmem>>, vector<16xi32>,
      %shift_right_logical3A = arith.constant 16 : i32
      %shift_right_logical3A_151 = vector.broadcast %shift_right_logical3A : i32 to vector<16xi32>
      %shift_right_logical3A_152 = arith.shrui %get3A_150, %shift_right_logical3A_151 : vector<16xi32>
      %and3A_153 = arith.constant 65535 : i32
      %and3A_154 = vector.broadcast %and3A_153 : i32 to vector<16xi32>
      %and3A_155 = arith.andi %get3A_150, %and3A_154 : vector<16xi32>
      %sub3A = arith.constant 0 : i32
      %sub3A_156 = vector.broadcast %sub3A : i32 to vector<16xi32>
      %sub3A_157 = arith.subi %and3A_155, %sub3A_156 : vector<16xi32>
      %sub3A_158 = vector.broadcast %mul3A_2 : i32 to vector<16xi32>
      %sub3A_159 = arith.subi %shift_right_logical3A_152, %sub3A_158 : vector<16xi32>
      %lt3A_160 = arith.constant 320 : i32
      %lt3A_161 = vector.broadcast %lt3A_160 : i32 to vector<16xi32>
      %lt3A_162 = arith.cmpi ult, %sub3A_159, %lt3A_161 : vector<16xi32>
      %lt3A_163 = arith.constant 3456 : i32
      %lt3A_164 = vector.broadcast %lt3A_163 : i32 to vector<16xi32>
      %lt3A_165 = arith.cmpi ult, %sub3A_157, %lt3A_164 : vector<16xi32>
      %and3A_166 = arith.andi %lt3A_162, %lt3A_165 : vector<16xi1>
      %mul3A_167 = arith.constant 2048 : i32
      %mul3A_168 = arith.muli %select_n3A_123, %mul3A_167 : i32
      %add3A_169 = arith.addi %mul3A_168, %scan3A_142 : i32
      %swap3A = arith.index_cast %add3A_169 : i32 to index
      %swap3A_170 = tpu.vector_load %arg7[%swap3A] masked %and3A_166 {strides = array<i32>} : memref<4096xi32, #tpu.memory_space<vmem>>, vector<16xi32>, vector<16xi1>
      tpu.vector_store %arg7[%swap3A], %sub3A_157 masked %and3A_166 {strides = array<i32>} : memref<4096xi32, #tpu.memory_space<vmem>>, vector<16xi32>, vector<16xi1>
      %mul3A_171 = arith.constant 2048 : i32
      %mul3A_172 = arith.muli %select_n3A_123, %mul3A_171 : i32
      %add3A_173 = arith.addi %mul3A_172, %scan3A_142 : i32
      %sub3A_174 = vector.broadcast %mul3A_2 : i32 to vector<16xi32>
      %sub3A_175 = arith.subi %shift_right_logical3A_152, %sub3A_174 : vector<16xi32>
      %swap3A_176 = arith.index_cast %add3A_173 : i32 to index
      %swap3A_177 = tpu.vector_load %arg8[%swap3A_176] masked %and3A_166 {strides = array<i32>} : memref<4096xi32, #tpu.memory_space<vmem>>, vector<16xi32>, vector<16xi1>
      tpu.vector_store %arg8[%swap3A_176], %sub3A_175 masked %and3A_166 {strides = array<i32>} : memref<4096xi32, #tpu.memory_space<vmem>>, vector<16xi32>, vector<16xi1>
      %all_reduce_population_count3A = tpu.all_reduce %and3A_166 {dim = 0 : i64, kind = #tpu.reduction_kind<sum>} : vector<16xi1> -> vector<16xi32>
      %slice3A = vector.extract_strided_slice %all_reduce_population_count3A {offsets = [0], sizes = [1], strides = [1]} : vector<16xi32> to vector<1xi32>
      %squeeze3A = vector.extract %slice3A[0] : i32 from vector<1xi32>
      %add3A_178 = arith.addi %scan3A_142, %squeeze3A : i32
      %scan3A_179 = arith.constant 125 : i32
      %broadcast_in_dim3A = arith.constant 0 : i32
      %broadcast_in_dim3A_180 = vector.broadcast %broadcast_in_dim3A : i32 to vector<16xi32>
      %mul3A_181 = arith.constant 2048 : i32
      %mul3A_182 = arith.muli %select_n3A_123, %mul3A_181 : i32
      %add3A_183 = arith.addi %mul3A_182, %add3A_178 : i32
      %swap3A_184 = arith.index_cast %add3A_183 : i32 to index
      %swap3A_185 = tpu.vector_load %arg7[%swap3A_184] {strides = array<i32>} : memref<4096xi32, #tpu.memory_space<vmem>>, vector<16xi32>,
      tpu.vector_store %arg7[%swap3A_184], %broadcast_in_dim3A_180 {strides = array<i32>} : memref<4096xi32, #tpu.memory_space<vmem>>, vector<16xi32>,
      %broadcast_in_dim3A_186 = arith.constant 0 : i32
      %broadcast_in_dim3A_187 = vector.broadcast %broadcast_in_dim3A_186 : i32 to vector<16xi32>
      %mul3A_188 = arith.constant 2048 : i32
      %mul3A_189 = arith.muli %select_n3A_123, %mul3A_188 : i32
      %add3A_190 = arith.addi %mul3A_189, %add3A_178 : i32
      %add3A_191 = arith.constant 16 : i32
      %add3A_192 = arith.addi %add3A_190, %add3A_191 : i32
      %swap3A_193 = arith.index_cast %add3A_192 : i32 to index
      %swap3A_194 = tpu.vector_load %arg7[%swap3A_193] {strides = array<i32>} : memref<4096xi32, #tpu.memory_space<vmem>>, vector<16xi32>,
      tpu.vector_store %arg7[%swap3A_193], %broadcast_in_dim3A_187 {strides = array<i32>} : memref<4096xi32, #tpu.memory_space<vmem>>, vector<16xi32>,
      %broadcast_in_dim3A_195 = arith.constant 320 : i32
      %broadcast_in_dim3A_196 = vector.broadcast %broadcast_in_dim3A_195 : i32 to vector<16xi32>
      %mul3A_197 = arith.constant 2048 : i32
      %mul3A_198 = arith.muli %select_n3A_123, %mul3A_197 : i32
      %add3A_199 = arith.addi %mul3A_198, %add3A_178 : i32
      %swap3A_200 = arith.index_cast %add3A_199 : i32 to index
      %swap3A_201 = tpu.vector_load %arg8[%swap3A_200] {strides = array<i32>} : memref<4096xi32, #tpu.memory_space<vmem>>, vector<16xi32>,
      tpu.vector_store %arg8[%swap3A_200], %broadcast_in_dim3A_196 {strides = array<i32>} : memref<4096xi32, #tpu.memory_space<vmem>>, vector<16xi32>,
      %broadcast_in_dim3A_202 = arith.constant 320 : i32
      %broadcast_in_dim3A_203 = vector.broadcast %broadcast_in_dim3A_202 : i32 to vector<16xi32>
      %mul3A_204 = arith.constant 2048 : i32
      %mul3A_205 = arith.muli %select_n3A_123, %mul3A_204 : i32
      %add3A_206 = arith.addi %mul3A_205, %add3A_178 : i32
      %add3A_207 = arith.constant 16 : i32
      %add3A_208 = arith.addi %add3A_206, %add3A_207 : i32
      %swap3A_209 = arith.index_cast %add3A_208 : i32 to index
      %swap3A_210 = tpu.vector_load %arg8[%swap3A_209] {strides = array<i32>} : memref<4096xi32, #tpu.memory_space<vmem>>, vector<16xi32>,
      tpu.vector_store %arg8[%swap3A_209], %broadcast_in_dim3A_203 {strides = array<i32>} : memref<4096xi32, #tpu.memory_space<vmem>>, vector<16xi32>,
      %add3A_211 = arith.constant 32 : i32
      %add3A_212 = arith.addi %add3A_178, %add3A_211 : i32
      %sub3A_213 = arith.constant 1 : i32
      %sub3A_214 = arith.subi %add3A_212, %sub3A_213 : i32
      %jit3A_215 = arith.constant 32 : i32
      %div3A = arith.divsi %sub3A_214, %jit3A_215 : i32
      %sign3A = arith.constant 0 : i32
      %sign3A_216 = arith.cmpi sgt, %sub3A_214, %sign3A : i32
      %sign3A_217 = arith.extui %sign3A_216 : i1 to i32
      %sign3A_218 = arith.constant 0 : i32
      %sign3A_219 = arith.cmpi slt, %sub3A_214, %sign3A_218 : i32
      %sign3A_220 = arith.extui %sign3A_219 : i1 to i32
      %sign3A_221 = arith.subi %sign3A_217, %sign3A_220 : i32
      %sign3A_222 = arith.constant 0 : i32
      %sign3A_223 = arith.cmpi sgt, %jit3A_215, %sign3A_222 : i32
      %sign3A_224 = arith.extui %sign3A_223 : i1 to i32
      %sign3A_225 = arith.constant 0 : i32
      %sign3A_226 = arith.cmpi slt, %jit3A_215, %sign3A_225 : i32
      %sign3A_227 = arith.extui %sign3A_226 : i1 to i32
      %sign3A_228 = arith.subi %sign3A_224, %sign3A_227 : i32
      %ne3A_229 = arith.cmpi ne, %sign3A_221, %sign3A_228 : i32
      %rem3A_230 = arith.remsi %sub3A_214, %jit3A_215 : i32
      %ne3A_231 = arith.constant 0 : i32
      %ne3A_232 = arith.cmpi ne, %rem3A_230, %ne3A_231 : i32
      %and3A_233 = arith.andi %ne3A_229, %ne3A_232 : i1
      %sub3A_234 = arith.constant 1 : i32
      %sub3A_235 = arith.subi %div3A, %sub3A_234 : i32
      %select_n3A_236 = arith.select %and3A_233, %sub3A_235, %div3A : i32
      %add3A_237 = arith.addi %scan3A_113, %scan3A_114 : i32
      %add3A_238 = arith.addi %add3A_237, %select_n3A_236 : i32
      %scan3A_239 = arith.constant 0 : i32
      %scan3A_240 = arith.constant 8 : i32
      %scan3A_241 = arith.addi %scan3A_239, %scan3A_240 : i32
      %scan3A_242 = arith.constant 1 : i32
      %scan3A_243 = scf.for %scan3A_255 = %scan3A_239 to %scan3A_241 step %scan3A_242 iter_args(%scan3A_256 = %scan3A_112) -> (i32)  : i32 {
        %lt3A_257 = arith.cmpi slt, %scan3A_256, %add3A_238 : i32
        %sub3A_258 = arith.subi %scan3A_256, %scan3A_111 : i32
        %lt3A_259 = arith.constant 8 : i32
        %lt3A_260 = arith.cmpi slt, %sub3A_258, %lt3A_259 : i32
        %and3A_261 = arith.andi %lt3A_257, %lt3A_260 : i1
        %convert_element_type3A_262 = arith.extui %and3A_261 : i1 to i32
        %cond3A_263 = arith.constant 0 : i32
        %cond3A_264 = arith.cmpi ne, %convert_element_type3A_262, %cond3A_263 : i32
        scf.if %cond3A_264 {
          %ge3A = arith.cmpi sge, %scan3A_256, %add3A_237 : i32
          %sub3A_267 = arith.constant 1 : i32
          %sub3A_268 = arith.subi %sub3A_267, %select_n3A_123 : i32
          %select_n3A_269 = arith.select %ge3A, %select_n3A_123, %sub3A_268 : i32
          %select_n3A_270 = arith.select %ge3A, %add3A_237, %scan3A_113 : i32
          %sub3A_271 = arith.subi %scan3A_256, %select_n3A_270 : i32
          %jit3A_272 = arith.constant 8 : i32
          %eq3A_273 = arith.constant 0 : i32
          %eq3A_274 = arith.cmpi eq, %jit3A_272, %eq3A_273 : i32
          %jit3A_275 = arith.constant 1 : i32
          %select_n3A_276 = arith.select %eq3A_274, %jit3A_275, %jit3A_272 : i32
          %rem3A_277 = arith.remsi %scan3A_256, %select_n3A_276 : i32
          %ne3A_278 = arith.constant 0 : i32
          %ne3A_279 = arith.cmpi ne, %rem3A_277, %ne3A_278 : i32
          %lt3A_280 = arith.constant 0 : i32
          %lt3A_281 = arith.cmpi slt, %rem3A_277, %lt3A_280 : i32
          %lt3A_282 = arith.constant 0 : i32
          %lt3A_283 = arith.cmpi slt, %select_n3A_276, %lt3A_282 : i32
          %ne3A_284 = arith.xori %lt3A_281, %lt3A_283 : i1
          %and3A_285 = arith.andi %ne3A_284, %ne3A_279 : i1
          %add3A_286 = arith.addi %rem3A_277, %select_n3A_276 : i32
          %select_n3A_287 = arith.select %and3A_285, %add3A_286, %rem3A_277 : i32
          %mul3A_288 = arith.constant 2048 : i32
          %mul3A_289 = arith.muli %select_n3A_269, %mul3A_288 : i32
          %mul3A_290 = arith.constant 32 : i32
          %mul3A_291 = arith.muli %sub3A_271, %mul3A_290 : i32
          %add3A_292 = arith.addi %mul3A_289, %mul3A_291 : i32
          %mul3A_293 = arith.constant 32 : i32
          %mul3A_294 = arith.muli %select_n3A_287, %mul3A_293 : i32
          %dma_start3A_295 = arith.constant 0 : i32
          %dma_start3A_296 = tpu.memref_slice %arg9[%mul3A_294, %dma_start3A_295] : memref<256x128xi32, #tpu.memory_space<vmem>> -> memref<32x128xi32, #tpu.memory_space<vmem>>
          %dma_start3A_297 = tpu.memref_slice %arg7[%add3A_292] : memref<4096xi32, #tpu.memory_space<vmem>> -> memref<32xi32, #tpu.memory_space<vmem>>
          %dma_start3A_298 = arith.constant 0 : i32
          %dma_start3A_299 = arith.constant 0 : i32
          %dma_start3A_300 = tpu.memref_slice %arg10[%dma_start3A_298, %dma_start3A_299] : memref<3456x128xi32, #tpu.memory_space<vmem_shared>> -> memref<3456x128xi32, #tpu.memory_space<vmem_shared>>
          tpu.enqueue_indirect_dma source(%dma_start3A_300 : memref<3456x128xi32, #tpu.memory_space<vmem_shared>>) target(%dma_start3A_296 : memref<32x128xi32, #tpu.memory_space<vmem>>) offsets(%dma_start3A_297 : memref<32xi32, #tpu.memory_space<vmem>>) semaphore(%arg12 : memref<!tpu.dma_semaphore, #tpu.memory_space<semaphore_mem>>)
        } else {
        }
        %convert_element_type3A_265 = arith.extui %and3A_261 : i1 to i32
        %add3A_266 = arith.addi %scan3A_256, %convert_element_type3A_265 : i32
        scf.yield %add3A_266 : i32
      }
      %scan3A_244 = arith.constant 8 : i32
      %while3A = arith.constant 0 : i32
      %while3A_245 = arith.subi %scan3A_114, %while3A : i32
      %while3A_246 = arith.addi %while3A, %while3A_245 : i32
      %while3A_247 = arith.constant 1 : i32
      %while3A_248 = arith.divsi %while3A_245, %while3A_247 : i32
      %while3A_249 = arith.muli %while3A_248, %while3A_247 : i32
      %while3A_250 = arith.addi %while3A, %while3A_249 : i32
      %while3A_251 = arith.constant 1 : i32
      %while3A_252:2 = scf.for %while3A_255 = %while3A to %while3A_250 step %while3A_251 iter_args(%while3A_256 = %scan3A_111, %while3A_257 = %scan3A_243) -> (i32, i32)  : i32 {
        %add3A_258 = arith.addi %scan3A_113, %while3A_255 : i32
        %eq3A_259 = arith.cmpi eq, %while3A_257, %add3A_258 : i32
        %convert_element_type3A_260 = arith.extui %eq3A_259 : i1 to i32
        %cond3A_261 = arith.constant 0 : i32
        %cond3A_262 = arith.cmpi ne, %convert_element_type3A_260, %cond3A_261 : i32
        scf.if %cond3A_262 {
          %ge3A = arith.cmpi sge, %add3A_258, %add3A_237 : i32
          %sub3A_311 = arith.constant 1 : i32
          %sub3A_312 = arith.subi %sub3A_311, %select_n3A_123 : i32
          %select_n3A_313 = arith.select %ge3A, %select_n3A_123, %sub3A_312 : i32
          %select_n3A_314 = arith.select %ge3A, %add3A_237, %scan3A_113 : i32
          %sub3A_315 = arith.subi %add3A_258, %select_n3A_314 : i32
          %jit3A_316 = arith.constant 8 : i32
          %eq3A_317 = arith.constant 0 : i32
          %eq3A_318 = arith.cmpi eq, %jit3A_316, %eq3A_317 : i32
          %jit3A_319 = arith.constant 1 : i32
          %select_n3A_320 = arith.select %eq3A_318, %jit3A_319, %jit3A_316 : i32
          %rem3A_321 = arith.remsi %add3A_258, %select_n3A_320 : i32
          %ne3A_322 = arith.constant 0 : i32
          %ne3A_323 = arith.cmpi ne, %rem3A_321, %ne3A_322 : i32
          %lt3A_324 = arith.constant 0 : i32
          %lt3A_325 = arith.cmpi slt, %rem3A_321, %lt3A_324 : i32
          %lt3A_326 = arith.constant 0 : i32
          %lt3A_327 = arith.cmpi slt, %select_n3A_320, %lt3A_326 : i32
          %ne3A_328 = arith.xori %lt3A_325, %lt3A_327 : i1
          %and3A_329 = arith.andi %ne3A_328, %ne3A_323 : i1
          %add3A_330 = arith.addi %rem3A_321, %select_n3A_320 : i32
          %select_n3A_331 = arith.select %and3A_329, %add3A_330, %rem3A_321 : i32
          %mul3A_332 = arith.constant 2048 : i32
          %mul3A_333 = arith.muli %select_n3A_313, %mul3A_332 : i32
          %mul3A_334 = arith.constant 32 : i32
          %mul3A_335 = arith.muli %sub3A_315, %mul3A_334 : i32
          %add3A_336 = arith.addi %mul3A_333, %mul3A_335 : i32
          %mul3A_337 = arith.constant 32 : i32
          %mul3A_338 = arith.muli %select_n3A_331, %mul3A_337 : i32
          %dma_start3A_339 = arith.constant 0 : i32
          %dma_start3A_340 = tpu.memref_slice %arg9[%mul3A_338, %dma_start3A_339] : memref<256x128xi32, #tpu.memory_space<vmem>> -> memref<32x128xi32, #tpu.memory_space<vmem>>
          %dma_start3A_341 = tpu.memref_slice %arg7[%add3A_336] : memref<4096xi32, #tpu.memory_space<vmem>> -> memref<32xi32, #tpu.memory_space<vmem>>
          %dma_start3A_342 = arith.constant 0 : i32
          %dma_start3A_343 = arith.constant 0 : i32
          %dma_start3A_344 = tpu.memref_slice %arg10[%dma_start3A_342, %dma_start3A_343] : memref<3456x128xi32, #tpu.memory_space<vmem_shared>> -> memref<3456x128xi32, #tpu.memory_space<vmem_shared>>
          tpu.enqueue_indirect_dma source(%dma_start3A_344 : memref<3456x128xi32, #tpu.memory_space<vmem_shared>>) target(%dma_start3A_340 : memref<32x128xi32, #tpu.memory_space<vmem>>) offsets(%dma_start3A_341 : memref<32xi32, #tpu.memory_space<vmem>>) semaphore(%arg12 : memref<!tpu.dma_semaphore, #tpu.memory_space<semaphore_mem>>)
        } else {
        }
        %add3A_263 = arith.constant 1 : i32
        %add3A_264 = arith.addi %add3A_258, %add3A_263 : i32
        %max3A = arith.maxsi %while3A_257, %add3A_264 : i32
        %jit3A_265 = arith.constant 8 : i32
        %eq3A_266 = arith.constant 0 : i32
        %eq3A_267 = arith.cmpi eq, %jit3A_265, %eq3A_266 : i32
        %jit3A_268 = arith.constant 1 : i32
        %select_n3A_269 = arith.select %eq3A_267, %jit3A_268, %jit3A_265 : i32
        %rem3A_270 = arith.remsi %add3A_258, %select_n3A_269 : i32
        %ne3A_271 = arith.constant 0 : i32
        %ne3A_272 = arith.cmpi ne, %rem3A_270, %ne3A_271 : i32
        %lt3A_273 = arith.constant 0 : i32
        %lt3A_274 = arith.cmpi slt, %rem3A_270, %lt3A_273 : i32
        %lt3A_275 = arith.constant 0 : i32
        %lt3A_276 = arith.cmpi slt, %select_n3A_269, %lt3A_275 : i32
        %ne3A_277 = arith.xori %lt3A_274, %lt3A_276 : i1
        %and3A_278 = arith.andi %ne3A_277, %ne3A_272 : i1
        %add3A_279 = arith.addi %rem3A_270, %select_n3A_269 : i32
        %select_n3A_280 = arith.select %and3A_278, %add3A_279, %rem3A_270 : i32
        %mul3A_281 = arith.constant 32 : i32
        %mul3A_282 = arith.muli %select_n3A_280, %mul3A_281 : i32
        %dma_wait3A_283 = arith.constant 0 : i32
        %dma_wait3A_284 = tpu.memref_slice %arg9[%mul3A_282, %dma_wait3A_283] : memref<256x128xi32, #tpu.memory_space<vmem>> -> memref<32x128xi32, #tpu.memory_space<vmem>>
        %dma_wait3A_285 = arith.constant 0 : i32
        %dma_wait3A_286 = arith.constant 0 : i32
        %dma_wait3A_287 = tpu.memref_slice %arg2[%dma_wait3A_285, %dma_wait3A_286] : memref<10240x128xi32, #tpu.memory_space<hbm>> -> memref<32x128xi32, #tpu.memory_space<hbm>>
        %dma_wait3A_288 = arith.constant 0 : i32
        %dma_wait3A_289 = tpu.memref_slice %arg9[%mul3A_282, %dma_wait3A_288] : memref<256x128xi32, #tpu.memory_space<vmem>> -> memref<32x128xi32, #tpu.memory_space<vmem>>
        %dma_wait3A_290 = arith.constant 0 : i32
        %dma_wait3A_291 = arith.constant 0 : i32
        %dma_wait3A_292 = tpu.memref_slice %arg2[%dma_wait3A_290, %dma_wait3A_291] : memref<10240x128xi32, #tpu.memory_space<hbm>> -> memref<32x128xi32, #tpu.memory_space<hbm>>
        tpu.wait_dma2 semaphore(%arg12 : memref<!tpu.dma_semaphore, #tpu.memory_space<semaphore_mem>>) src(%dma_wait3A_292 : memref<32x128xi32, #tpu.memory_space<hbm>>) dst(%dma_wait3A_289 : memref<32x128xi32, #tpu.memory_space<vmem>>)
        %scan3A_293 = arith.constant 0 : i32
        %scan3A_294 = arith.constant 0 : i32
        %scan3A_295 = arith.constant 2 : i32
        %scan3A_296 = arith.addi %scan3A_294, %scan3A_295 : i32
        %scan3A_297 = arith.constant 1 : i32
        scf.for %scan3A_311 = %scan3A_294 to %scan3A_296 step %scan3A_297  : i32 {
          %sub3A_312 = arith.constant 1 : i32
          %sub3A_313 = arith.subi %sub3A_312, %select_n3A_123 : i32
          %mul3A_314 = arith.constant 2048 : i32
          %mul3A_315 = arith.muli %sub3A_313, %mul3A_314 : i32
          %mul3A_316 = arith.constant 32 : i32
          %mul3A_317 = arith.muli %while3A_255, %mul3A_316 : i32
          %add3A_318 = arith.addi %mul3A_315, %mul3A_317 : i32
          %mul3A_319 = arith.constant 16 : i32
          %mul3A_320 = arith.muli %scan3A_311, %mul3A_319 : i32
          %add3A_321 = arith.addi %add3A_318, %mul3A_320 : i32
          %get3A_322 = arith.index_cast %add3A_321 : i32 to index
          %get3A_323 = tpu.vector_load %arg8[%get3A_322] {strides = array<i32>} : memref<4096xi32, #tpu.memory_space<vmem>>, vector<16xi32>,
          %scan3A_324 = arith.constant 0 : i32
          %scan3A_325 = arith.constant 0 : i32
          %scan3A_326 = arith.constant 16 : i32
          %scan3A_327 = arith.addi %scan3A_325, %scan3A_326 : i32
          %scan3A_328 = arith.constant 2 : i32
          scf.for %scan3A_330 = %scan3A_325 to %scan3A_327 step %scan3A_328  : i32 {
            %broadcast_in_dim3A_331 = vector.broadcast %scan3A_330 : i32 to vector<16xi32>
            %lt3A_332 = arith.constant 0 : i32
            %lt3A_333 = vector.broadcast %lt3A_332 : i32 to vector<16xi32>
            %lt3A_334 = arith.cmpi slt, %broadcast_in_dim3A_331, %lt3A_333 : vector<16xi32>
            %add3A_335 = arith.constant 16 : i32
            %add3A_336 = vector.broadcast %add3A_335 : i32 to vector<16xi32>
            %add3A_337 = arith.addi %broadcast_in_dim3A_331, %add3A_336 : vector<16xi32>
            %select_n3A_338 = arith.select %lt3A_334, %add3A_337, %broadcast_in_dim3A_331 : vector<16xi1>, vector<16xi32>
            %broadcast_in_dim3A_339 = vector.shape_cast %select_n3A_338 : vector<16xi32> to vector<16x1xi32>
            %gather3A = vector.shape_cast %broadcast_in_dim3A_339 : vector<16x1xi32> to vector<16xi32>
            %gather3A_340 = tpu.dynamic_gather %get3A_323[%gather3A] in [0] : vector<16xi32>, vector<16xi32> -> vector<16xi32>
            %add3A_341 = arith.constant 0 : i32
            %add3A_342 = vector.broadcast %add3A_341 : i32 to vector<16xi32>
            %add3A_343 = arith.addi %iota3A, %add3A_342 : vector<16xi32>
            %gather3A_344 = tpu.vector_load_idx %arg5[%gather3A_340, %add3A_343] : memref<321x128xi32, #tpu.memory_space<vmem>>[vector<16xi32>, vector<16xi32>], vector<16xi32>,
            %mul3A_345 = arith.constant 32 : i32
            %mul3A_346 = arith.muli %select_n3A_280, %mul3A_345 : i32
            %mul3A_347 = arith.constant 16 : i32
            %mul3A_348 = arith.muli %scan3A_311, %mul3A_347 : i32
            %add3A_349 = arith.addi %mul3A_346, %mul3A_348 : i32
            %add3A_350 = arith.addi %add3A_349, %scan3A_330 : i32
            %get3A_351 = arith.index_cast %add3A_350 : i32 to index
            %get3A_352 = arith.constant 0 : index
            %get3A_353 = tpu.vector_load %arg9[%get3A_351, %get3A_352] {strides = array<i32>} : memref<256x128xi32, #tpu.memory_space<vmem>>, vector<16xi32>,
            %add3A_354 = arith.constant 16 : i32
            %add3A_355 = vector.broadcast %add3A_354 : i32 to vector<16xi32>
            %add3A_356 = arith.addi %iota3A, %add3A_355 : vector<16xi32>
            %gather3A_357 = tpu.vector_load_idx %arg5[%gather3A_340, %add3A_356] : memref<321x128xi32, #tpu.memory_space<vmem>>[vector<16xi32>, vector<16xi32>], vector<16xi32>,
            %mul3A_358 = arith.constant 32 : i32
            %mul3A_359 = arith.muli %select_n3A_280, %mul3A_358 : i32
            %mul3A_360 = arith.constant 16 : i32
            %mul3A_361 = arith.muli %scan3A_311, %mul3A_360 : i32
            %add3A_362 = arith.addi %mul3A_359, %mul3A_361 : i32
            %add3A_363 = arith.addi %add3A_362, %scan3A_330 : i32
            %get3A_364 = arith.index_cast %add3A_363 : i32 to index
            %get3A_365 = arith.constant 16 : index
            %get3A_366 = tpu.vector_load %arg9[%get3A_364, %get3A_365] {strides = array<i32>} : memref<256x128xi32, #tpu.memory_space<vmem>>, vector<16xi32>,
            %add3A_367 = arith.constant 32 : i32
            %add3A_368 = vector.broadcast %add3A_367 : i32 to vector<16xi32>
            %add3A_369 = arith.addi %iota3A, %add3A_368 : vector<16xi32>
            %gather3A_370 = tpu.vector_load_idx %arg5[%gather3A_340, %add3A_369] : memref<321x128xi32, #tpu.memory_space<vmem>>[vector<16xi32>, vector<16xi32>], vector<16xi32>,
            %mul3A_371 = arith.constant 32 : i32
            %mul3A_372 = arith.muli %select_n3A_280, %mul3A_371 : i32
            %mul3A_373 = arith.constant 16 : i32
            %mul3A_374 = arith.muli %scan3A_311, %mul3A_373 : i32
            %add3A_375 = arith.addi %mul3A_372, %mul3A_374 : i32
            %add3A_376 = arith.addi %add3A_375, %scan3A_330 : i32
            %get3A_377 = arith.index_cast %add3A_376 : i32 to index
            %get3A_378 = arith.constant 32 : index
            %get3A_379 = tpu.vector_load %arg9[%get3A_377, %get3A_378] {strides = array<i32>} : memref<256x128xi32, #tpu.memory_space<vmem>>, vector<16xi32>,
            %add3A_380 = arith.constant 48 : i32
            %add3A_381 = vector.broadcast %add3A_380 : i32 to vector<16xi32>
            %add3A_382 = arith.addi %iota3A, %add3A_381 : vector<16xi32>
            %gather3A_383 = tpu.vector_load_idx %arg5[%gather3A_340, %add3A_382] : memref<321x128xi32, #tpu.memory_space<vmem>>[vector<16xi32>, vector<16xi32>], vector<16xi32>,
            %mul3A_384 = arith.constant 32 : i32
            %mul3A_385 = arith.muli %select_n3A_280, %mul3A_384 : i32
            %mul3A_386 = arith.constant 16 : i32
            %mul3A_387 = arith.muli %scan3A_311, %mul3A_386 : i32
            %add3A_388 = arith.addi %mul3A_385, %mul3A_387 : i32
            %add3A_389 = arith.addi %add3A_388, %scan3A_330 : i32
            %get3A_390 = arith.index_cast %add3A_389 : i32 to index
            %get3A_391 = arith.constant 48 : index
            %get3A_392 = tpu.vector_load %arg9[%get3A_390, %get3A_391] {strides = array<i32>} : memref<256x128xi32, #tpu.memory_space<vmem>>, vector<16xi32>,
            %add3A_393 = arith.constant 64 : i32
            %add3A_394 = vector.broadcast %add3A_393 : i32 to vector<16xi32>
            %add3A_395 = arith.addi %iota3A, %add3A_394 : vector<16xi32>
            %gather3A_396 = tpu.vector_load_idx %arg5[%gather3A_340, %add3A_395] : memref<321x128xi32, #tpu.memory_space<vmem>>[vector<16xi32>, vector<16xi32>], vector<16xi32>,
            %mul3A_397 = arith.constant 32 : i32
            %mul3A_398 = arith.muli %select_n3A_280, %mul3A_397 : i32
            %mul3A_399 = arith.constant 16 : i32
            %mul3A_400 = arith.muli %scan3A_311, %mul3A_399 : i32
            %add3A_401 = arith.addi %mul3A_398, %mul3A_400 : i32
            %add3A_402 = arith.addi %add3A_401, %scan3A_330 : i32
            %get3A_403 = arith.index_cast %add3A_402 : i32 to index
            %get3A_404 = arith.constant 64 : index
            %get3A_405 = tpu.vector_load %arg9[%get3A_403, %get3A_404] {strides = array<i32>} : memref<256x128xi32, #tpu.memory_space<vmem>>, vector<16xi32>,
            %add3A_406 = arith.constant 80 : i32
            %add3A_407 = vector.broadcast %add3A_406 : i32 to vector<16xi32>
            %add3A_408 = arith.addi %iota3A, %add3A_407 : vector<16xi32>
            %gather3A_409 = tpu.vector_load_idx %arg5[%gather3A_340, %add3A_408] : memref<321x128xi32, #tpu.memory_space<vmem>>[vector<16xi32>, vector<16xi32>], vector<16xi32>,
            %mul3A_410 = arith.constant 32 : i32
            %mul3A_411 = arith.muli %select_n3A_280, %mul3A_410 : i32
            %mul3A_412 = arith.constant 16 : i32
            %mul3A_413 = arith.muli %scan3A_311, %mul3A_412 : i32
            %add3A_414 = arith.addi %mul3A_411, %mul3A_413 : i32
            %add3A_415 = arith.addi %add3A_414, %scan3A_330 : i32
            %get3A_416 = arith.index_cast %add3A_415 : i32 to index
            %get3A_417 = arith.constant 80 : index
            %get3A_418 = tpu.vector_load %arg9[%get3A_416, %get3A_417] {strides = array<i32>} : memref<256x128xi32, #tpu.memory_space<vmem>>, vector<16xi32>,
            %add3A_419 = arith.constant 96 : i32
            %add3A_420 = vector.broadcast %add3A_419 : i32 to vector<16xi32>
            %add3A_421 = arith.addi %iota3A, %add3A_420 : vector<16xi32>
            %gather3A_422 = tpu.vector_load_idx %arg5[%gather3A_340, %add3A_421] : memref<321x128xi32, #tpu.memory_space<vmem>>[vector<16xi32>, vector<16xi32>], vector<16xi32>,
            %mul3A_423 = arith.constant 32 : i32
            %mul3A_424 = arith.muli %select_n3A_280, %mul3A_423 : i32
            %mul3A_425 = arith.constant 16 : i32
            %mul3A_426 = arith.muli %scan3A_311, %mul3A_425 : i32
            %add3A_427 = arith.addi %mul3A_424, %mul3A_426 : i32
            %add3A_428 = arith.addi %add3A_427, %scan3A_330 : i32
            %get3A_429 = arith.index_cast %add3A_428 : i32 to index
            %get3A_430 = arith.constant 96 : index
            %get3A_431 = tpu.vector_load %arg9[%get3A_429, %get3A_430] {strides = array<i32>} : memref<256x128xi32, #tpu.memory_space<vmem>>, vector<16xi32>,
            %add3A_432 = arith.constant 112 : i32
            %add3A_433 = vector.broadcast %add3A_432 : i32 to vector<16xi32>
            %add3A_434 = arith.addi %iota3A, %add3A_433 : vector<16xi32>
            %gather3A_435 = tpu.vector_load_idx %arg5[%gather3A_340, %add3A_434] : memref<321x128xi32, #tpu.memory_space<vmem>>[vector<16xi32>, vector<16xi32>], vector<16xi32>,
            %mul3A_436 = arith.constant 32 : i32
            %mul3A_437 = arith.muli %select_n3A_280, %mul3A_436 : i32
            %mul3A_438 = arith.constant 16 : i32
            %mul3A_439 = arith.muli %scan3A_311, %mul3A_438 : i32
            %add3A_440 = arith.addi %mul3A_437, %mul3A_439 : i32
            %add3A_441 = arith.addi %add3A_440, %scan3A_330 : i32
            %get3A_442 = arith.index_cast %add3A_441 : i32 to index
            %get3A_443 = arith.constant 112 : index
            %get3A_444 = tpu.vector_load %arg9[%get3A_442, %get3A_443] {strides = array<i32>} : memref<256x128xi32, #tpu.memory_space<vmem>>, vector<16xi32>,
            %bitcast3A = vector.bitcast %gather3A_344 : vector<16xi32> to vector<32xbf16>
            %bitcast3A_445 = vector.bitcast %get3A_353 : vector<16xi32> to vector<32xbf16>
            %max3A_446 = arith.maximumf %bitcast3A, %bitcast3A_445 : vector<32xbf16>
            %bitcast3A_447 = vector.bitcast %max3A_446 : vector<32xbf16> to vector<16xi32>
            %bitcast3A_448 = vector.bitcast %gather3A_357 : vector<16xi32> to vector<32xbf16>
            %bitcast3A_449 = vector.bitcast %get3A_366 : vector<16xi32> to vector<32xbf16>
            %max3A_450 = arith.maximumf %bitcast3A_448, %bitcast3A_449 : vector<32xbf16>
            %bitcast3A_451 = vector.bitcast %max3A_450 : vector<32xbf16> to vector<16xi32>
            %bitcast3A_452 = vector.bitcast %gather3A_370 : vector<16xi32> to vector<32xbf16>
            %bitcast3A_453 = vector.bitcast %get3A_379 : vector<16xi32> to vector<32xbf16>
            %max3A_454 = arith.maximumf %bitcast3A_452, %bitcast3A_453 : vector<32xbf16>
            %bitcast3A_455 = vector.bitcast %max3A_454 : vector<32xbf16> to vector<16xi32>
            %bitcast3A_456 = vector.bitcast %gather3A_383 : vector<16xi32> to vector<32xbf16>
            %bitcast3A_457 = vector.bitcast %get3A_392 : vector<16xi32> to vector<32xbf16>
            %max3A_458 = arith.maximumf %bitcast3A_456, %bitcast3A_457 : vector<32xbf16>
            %bitcast3A_459 = vector.bitcast %max3A_458 : vector<32xbf16> to vector<16xi32>
            %bitcast3A_460 = vector.bitcast %gather3A_396 : vector<16xi32> to vector<32xbf16>
            %bitcast3A_461 = vector.bitcast %get3A_405 : vector<16xi32> to vector<32xbf16>
            %max3A_462 = arith.maximumf %bitcast3A_460, %bitcast3A_461 : vector<32xbf16>
            %bitcast3A_463 = vector.bitcast %max3A_462 : vector<32xbf16> to vector<16xi32>
            %bitcast3A_464 = vector.bitcast %gather3A_409 : vector<16xi32> to vector<32xbf16>
            %bitcast3A_465 = vector.bitcast %get3A_418 : vector<16xi32> to vector<32xbf16>
            %max3A_466 = arith.maximumf %bitcast3A_464, %bitcast3A_465 : vector<32xbf16>
            %bitcast3A_467 = vector.bitcast %max3A_466 : vector<32xbf16> to vector<16xi32>
            %bitcast3A_468 = vector.bitcast %gather3A_422 : vector<16xi32> to vector<32xbf16>
            %bitcast3A_469 = vector.bitcast %get3A_431 : vector<16xi32> to vector<32xbf16>
            %max3A_470 = arith.maximumf %bitcast3A_468, %bitcast3A_469 : vector<32xbf16>
            %bitcast3A_471 = vector.bitcast %max3A_470 : vector<32xbf16> to vector<16xi32>
            %bitcast3A_472 = vector.bitcast %gather3A_435 : vector<16xi32> to vector<32xbf16>
            %bitcast3A_473 = vector.bitcast %get3A_444 : vector<16xi32> to vector<32xbf16>
            %max3A_474 = arith.maximumf %bitcast3A_472, %bitcast3A_473 : vector<32xbf16>
            %bitcast3A_475 = vector.bitcast %max3A_474 : vector<32xbf16> to vector<16xi32>
            %add3A_476 = arith.constant 0 : i32
            %add3A_477 = vector.broadcast %add3A_476 : i32 to vector<16xi32>
            %add3A_478 = arith.addi %iota3A, %add3A_477 : vector<16xi32>
            tpu.vector_store_idx %arg5[%gather3A_340, %add3A_478], %bitcast3A_447 : memref<321x128xi32, #tpu.memory_space<vmem>>[vector<16xi32>, vector<16xi32>], vector<16xi32>,
            %add3A_479 = arith.constant 16 : i32
            %add3A_480 = vector.broadcast %add3A_479 : i32 to vector<16xi32>
            %add3A_481 = arith.addi %iota3A, %add3A_480 : vector<16xi32>
            tpu.vector_store_idx %arg5[%gather3A_340, %add3A_481], %bitcast3A_451 : memref<321x128xi32, #tpu.memory_space<vmem>>[vector<16xi32>, vector<16xi32>], vector<16xi32>,
            %add3A_482 = arith.constant 32 : i32
            %add3A_483 = vector.broadcast %add3A_482 : i32 to vector<16xi32>
            %add3A_484 = arith.addi %iota3A, %add3A_483 : vector<16xi32>
            tpu.vector_store_idx %arg5[%gather3A_340, %add3A_484], %bitcast3A_455 : memref<321x128xi32, #tpu.memory_space<vmem>>[vector<16xi32>, vector<16xi32>], vector<16xi32>,
            %add3A_485 = arith.constant 48 : i32
            %add3A_486 = vector.broadcast %add3A_485 : i32 to vector<16xi32>
            %add3A_487 = arith.addi %iota3A, %add3A_486 : vector<16xi32>
            tpu.vector_store_idx %arg5[%gather3A_340, %add3A_487], %bitcast3A_459 : memref<321x128xi32, #tpu.memory_space<vmem>>[vector<16xi32>, vector<16xi32>], vector<16xi32>,
            %add3A_488 = arith.constant 64 : i32
            %add3A_489 = vector.broadcast %add3A_488 : i32 to vector<16xi32>
            %add3A_490 = arith.addi %iota3A, %add3A_489 : vector<16xi32>
            tpu.vector_store_idx %arg5[%gather3A_340, %add3A_490], %bitcast3A_463 : memref<321x128xi32, #tpu.memory_space<vmem>>[vector<16xi32>, vector<16xi32>], vector<16xi32>,
            %add3A_491 = arith.constant 80 : i32
            %add3A_492 = vector.broadcast %add3A_491 : i32 to vector<16xi32>
            %add3A_493 = arith.addi %iota3A, %add3A_492 : vector<16xi32>
            tpu.vector_store_idx %arg5[%gather3A_340, %add3A_493], %bitcast3A_467 : memref<321x128xi32, #tpu.memory_space<vmem>>[vector<16xi32>, vector<16xi32>], vector<16xi32>,
            %add3A_494 = arith.constant 96 : i32
            %add3A_495 = vector.broadcast %add3A_494 : i32 to vector<16xi32>
            %add3A_496 = arith.addi %iota3A, %add3A_495 : vector<16xi32>
            tpu.vector_store_idx %arg5[%gather3A_340, %add3A_496], %bitcast3A_471 : memref<321x128xi32, #tpu.memory_space<vmem>>[vector<16xi32>, vector<16xi32>], vector<16xi32>,
            %add3A_497 = arith.constant 112 : i32
            %add3A_498 = vector.broadcast %add3A_497 : i32 to vector<16xi32>
            %add3A_499 = arith.addi %iota3A, %add3A_498 : vector<16xi32>
            tpu.vector_store_idx %arg5[%gather3A_340, %add3A_499], %bitcast3A_475 : memref<321x128xi32, #tpu.memory_space<vmem>>[vector<16xi32>, vector<16xi32>], vector<16xi32>,
            %scan3A_500 = arith.constant 1 : i32
            %scan3A_501 = arith.addi %scan3A_330, %scan3A_500 : i32
            %broadcast_in_dim3A_502 = vector.broadcast %scan3A_501 : i32 to vector<16xi32>
            %lt3A_503 = arith.constant 0 : i32
            %lt3A_504 = vector.broadcast %lt3A_503 : i32 to vector<16xi32>
            %lt3A_505 = arith.cmpi slt, %broadcast_in_dim3A_502, %lt3A_504 : vector<16xi32>
            %add3A_506 = arith.constant 16 : i32
            %add3A_507 = vector.broadcast %add3A_506 : i32 to vector<16xi32>
            %add3A_508 = arith.addi %broadcast_in_dim3A_502, %add3A_507 : vector<16xi32>
            %select_n3A_509 = arith.select %lt3A_505, %add3A_508, %broadcast_in_dim3A_502 : vector<16xi1>, vector<16xi32>
            %broadcast_in_dim3A_510 = vector.shape_cast %select_n3A_509 : vector<16xi32> to vector<16x1xi32>
            %gather3A_511 = vector.shape_cast %broadcast_in_dim3A_510 : vector<16x1xi32> to vector<16xi32>
            %gather3A_512 = tpu.dynamic_gather %get3A_323[%gather3A_511] in [0] : vector<16xi32>, vector<16xi32> -> vector<16xi32>
            %add3A_513 = arith.constant 0 : i32
            %add3A_514 = vector.broadcast %add3A_513 : i32 to vector<16xi32>
            %add3A_515 = arith.addi %iota3A, %add3A_514 : vector<16xi32>
            %gather3A_516 = tpu.vector_load_idx %arg5[%gather3A_512, %add3A_515] : memref<321x128xi32, #tpu.memory_space<vmem>>[vector<16xi32>, vector<16xi32>], vector<16xi32>,
            %mul3A_517 = arith.constant 32 : i32
            %mul3A_518 = arith.muli %select_n3A_280, %mul3A_517 : i32
            %mul3A_519 = arith.constant 16 : i32
            %mul3A_520 = arith.muli %scan3A_311, %mul3A_519 : i32
            %add3A_521 = arith.addi %mul3A_518, %mul3A_520 : i32
            %add3A_522 = arith.addi %add3A_521, %scan3A_501 : i32
            %get3A_523 = arith.index_cast %add3A_522 : i32 to index
            %get3A_524 = arith.constant 0 : index
            %get3A_525 = tpu.vector_load %arg9[%get3A_523, %get3A_524] {strides = array<i32>} : memref<256x128xi32, #tpu.memory_space<vmem>>, vector<16xi32>,
            %add3A_526 = arith.constant 16 : i32
            %add3A_527 = vector.broadcast %add3A_526 : i32 to vector<16xi32>
            %add3A_528 = arith.addi %iota3A, %add3A_527 : vector<16xi32>
            %gather3A_529 = tpu.vector_load_idx %arg5[%gather3A_512, %add3A_528] : memref<321x128xi32, #tpu.memory_space<vmem>>[vector<16xi32>, vector<16xi32>], vector<16xi32>,
            %mul3A_530 = arith.constant 32 : i32
            %mul3A_531 = arith.muli %select_n3A_280, %mul3A_530 : i32
            %mul3A_532 = arith.constant 16 : i32
            %mul3A_533 = arith.muli %scan3A_311, %mul3A_532 : i32
            %add3A_534 = arith.addi %mul3A_531, %mul3A_533 : i32
            %add3A_535 = arith.addi %add3A_534, %scan3A_501 : i32
            %get3A_536 = arith.index_cast %add3A_535 : i32 to index
            %get3A_537 = arith.constant 16 : index
            %get3A_538 = tpu.vector_load %arg9[%get3A_536, %get3A_537] {strides = array<i32>} : memref<256x128xi32, #tpu.memory_space<vmem>>, vector<16xi32>,
            %add3A_539 = arith.constant 32 : i32
            %add3A_540 = vector.broadcast %add3A_539 : i32 to vector<16xi32>
            %add3A_541 = arith.addi %iota3A, %add3A_540 : vector<16xi32>
            %gather3A_542 = tpu.vector_load_idx %arg5[%gather3A_512, %add3A_541] : memref<321x128xi32, #tpu.memory_space<vmem>>[vector<16xi32>, vector<16xi32>], vector<16xi32>,
            %mul3A_543 = arith.constant 32 : i32
            %mul3A_544 = arith.muli %select_n3A_280, %mul3A_543 : i32
            %mul3A_545 = arith.constant 16 : i32
            %mul3A_546 = arith.muli %scan3A_311, %mul3A_545 : i32
            %add3A_547 = arith.addi %mul3A_544, %mul3A_546 : i32
            %add3A_548 = arith.addi %add3A_547, %scan3A_501 : i32
            %get3A_549 = arith.index_cast %add3A_548 : i32 to index
            %get3A_550 = arith.constant 32 : index
            %get3A_551 = tpu.vector_load %arg9[%get3A_549, %get3A_550] {strides = array<i32>} : memref<256x128xi32, #tpu.memory_space<vmem>>, vector<16xi32>,
            %add3A_552 = arith.constant 48 : i32
            %add3A_553 = vector.broadcast %add3A_552 : i32 to vector<16xi32>
            %add3A_554 = arith.addi %iota3A, %add3A_553 : vector<16xi32>
            %gather3A_555 = tpu.vector_load_idx %arg5[%gather3A_512, %add3A_554] : memref<321x128xi32, #tpu.memory_space<vmem>>[vector<16xi32>, vector<16xi32>], vector<16xi32>,
            %mul3A_556 = arith.constant 32 : i32
            %mul3A_557 = arith.muli %select_n3A_280, %mul3A_556 : i32
            %mul3A_558 = arith.constant 16 : i32
            %mul3A_559 = arith.muli %scan3A_311, %mul3A_558 : i32
            %add3A_560 = arith.addi %mul3A_557, %mul3A_559 : i32
            %add3A_561 = arith.addi %add3A_560, %scan3A_501 : i32
            %get3A_562 = arith.index_cast %add3A_561 : i32 to index
            %get3A_563 = arith.constant 48 : index
            %get3A_564 = tpu.vector_load %arg9[%get3A_562, %get3A_563] {strides = array<i32>} : memref<256x128xi32, #tpu.memory_space<vmem>>, vector<16xi32>,
            %add3A_565 = arith.constant 64 : i32
            %add3A_566 = vector.broadcast %add3A_565 : i32 to vector<16xi32>
            %add3A_567 = arith.addi %iota3A, %add3A_566 : vector<16xi32>
            %gather3A_568 = tpu.vector_load_idx %arg5[%gather3A_512, %add3A_567] : memref<321x128xi32, #tpu.memory_space<vmem>>[vector<16xi32>, vector<16xi32>], vector<16xi32>,
            %mul3A_569 = arith.constant 32 : i32
            %mul3A_570 = arith.muli %select_n3A_280, %mul3A_569 : i32
            %mul3A_571 = arith.constant 16 : i32
            %mul3A_572 = arith.muli %scan3A_311, %mul3A_571 : i32
            %add3A_573 = arith.addi %mul3A_570, %mul3A_572 : i32
            %add3A_574 = arith.addi %add3A_573, %scan3A_501 : i32
            %get3A_575 = arith.index_cast %add3A_574 : i32 to index
            %get3A_576 = arith.constant 64 : index
            %get3A_577 = tpu.vector_load %arg9[%get3A_575, %get3A_576] {strides = array<i32>} : memref<256x128xi32, #tpu.memory_space<vmem>>, vector<16xi32>,
            %add3A_578 = arith.constant 80 : i32
            %add3A_579 = vector.broadcast %add3A_578 : i32 to vector<16xi32>
            %add3A_580 = arith.addi %iota3A, %add3A_579 : vector<16xi32>
            %gather3A_581 = tpu.vector_load_idx %arg5[%gather3A_512, %add3A_580] : memref<321x128xi32, #tpu.memory_space<vmem>>[vector<16xi32>, vector<16xi32>], vector<16xi32>,
            %mul3A_582 = arith.constant 32 : i32
            %mul3A_583 = arith.muli %select_n3A_280, %mul3A_582 : i32
            %mul3A_584 = arith.constant 16 : i32
            %mul3A_585 = arith.muli %scan3A_311, %mul3A_584 : i32
            %add3A_586 = arith.addi %mul3A_583, %mul3A_585 : i32
            %add3A_587 = arith.addi %add3A_586, %scan3A_501 : i32
            %get3A_588 = arith.index_cast %add3A_587 : i32 to index
            %get3A_589 = arith.constant 80 : index
            %get3A_590 = tpu.vector_load %arg9[%get3A_588, %get3A_589] {strides = array<i32>} : memref<256x128xi32, #tpu.memory_space<vmem>>, vector<16xi32>,
            %add3A_591 = arith.constant 96 : i32
            %add3A_592 = vector.broadcast %add3A_591 : i32 to vector<16xi32>
            %add3A_593 = arith.addi %iota3A, %add3A_592 : vector<16xi32>
            %gather3A_594 = tpu.vector_load_idx %arg5[%gather3A_512, %add3A_593] : memref<321x128xi32, #tpu.memory_space<vmem>>[vector<16xi32>, vector<16xi32>], vector<16xi32>,
            %mul3A_595 = arith.constant 32 : i32
            %mul3A_596 = arith.muli %select_n3A_280, %mul3A_595 : i32
            %mul3A_597 = arith.constant 16 : i32
            %mul3A_598 = arith.muli %scan3A_311, %mul3A_597 : i32
            %add3A_599 = arith.addi %mul3A_596, %mul3A_598 : i32
            %add3A_600 = arith.addi %add3A_599, %scan3A_501 : i32
            %get3A_601 = arith.index_cast %add3A_600 : i32 to index
            %get3A_602 = arith.constant 96 : index
            %get3A_603 = tpu.vector_load %arg9[%get3A_601, %get3A_602] {strides = array<i32>} : memref<256x128xi32, #tpu.memory_space<vmem>>, vector<16xi32>,
            %add3A_604 = arith.constant 112 : i32
            %add3A_605 = vector.broadcast %add3A_604 : i32 to vector<16xi32>
            %add3A_606 = arith.addi %iota3A, %add3A_605 : vector<16xi32>
            %gather3A_607 = tpu.vector_load_idx %arg5[%gather3A_512, %add3A_606] : memref<321x128xi32, #tpu.memory_space<vmem>>[vector<16xi32>, vector<16xi32>], vector<16xi32>,
            %mul3A_608 = arith.constant 32 : i32
            %mul3A_609 = arith.muli %select_n3A_280, %mul3A_608 : i32
            %mul3A_610 = arith.constant 16 : i32
            %mul3A_611 = arith.muli %scan3A_311, %mul3A_610 : i32
            %add3A_612 = arith.addi %mul3A_609, %mul3A_611 : i32
            %add3A_613 = arith.addi %add3A_612, %scan3A_501 : i32
            %get3A_614 = arith.index_cast %add3A_613 : i32 to index
            %get3A_615 = arith.constant 112 : index
            %get3A_616 = tpu.vector_load %arg9[%get3A_614, %get3A_615] {strides = array<i32>} : memref<256x128xi32, #tpu.memory_space<vmem>>, vector<16xi32>,
            %bitcast3A_617 = vector.bitcast %gather3A_516 : vector<16xi32> to vector<32xbf16>
            %bitcast3A_618 = vector.bitcast %get3A_525 : vector<16xi32> to vector<32xbf16>
            %max3A_619 = arith.maximumf %bitcast3A_617, %bitcast3A_618 : vector<32xbf16>
            %bitcast3A_620 = vector.bitcast %max3A_619 : vector<32xbf16> to vector<16xi32>
            %bitcast3A_621 = vector.bitcast %gather3A_529 : vector<16xi32> to vector<32xbf16>
            %bitcast3A_622 = vector.bitcast %get3A_538 : vector<16xi32> to vector<32xbf16>
            %max3A_623 = arith.maximumf %bitcast3A_621, %bitcast3A_622 : vector<32xbf16>
            %bitcast3A_624 = vector.bitcast %max3A_623 : vector<32xbf16> to vector<16xi32>
            %bitcast3A_625 = vector.bitcast %gather3A_542 : vector<16xi32> to vector<32xbf16>
            %bitcast3A_626 = vector.bitcast %get3A_551 : vector<16xi32> to vector<32xbf16>
            %max3A_627 = arith.maximumf %bitcast3A_625, %bitcast3A_626 : vector<32xbf16>
            %bitcast3A_628 = vector.bitcast %max3A_627 : vector<32xbf16> to vector<16xi32>
            %bitcast3A_629 = vector.bitcast %gather3A_555 : vector<16xi32> to vector<32xbf16>
            %bitcast3A_630 = vector.bitcast %get3A_564 : vector<16xi32> to vector<32xbf16>
            %max3A_631 = arith.maximumf %bitcast3A_629, %bitcast3A_630 : vector<32xbf16>
            %bitcast3A_632 = vector.bitcast %max3A_631 : vector<32xbf16> to vector<16xi32>
            %bitcast3A_633 = vector.bitcast %gather3A_568 : vector<16xi32> to vector<32xbf16>
            %bitcast3A_634 = vector.bitcast %get3A_577 : vector<16xi32> to vector<32xbf16>
            %max3A_635 = arith.maximumf %bitcast3A_633, %bitcast3A_634 : vector<32xbf16>
            %bitcast3A_636 = vector.bitcast %max3A_635 : vector<32xbf16> to vector<16xi32>
            %bitcast3A_637 = vector.bitcast %gather3A_581 : vector<16xi32> to vector<32xbf16>
            %bitcast3A_638 = vector.bitcast %get3A_590 : vector<16xi32> to vector<32xbf16>
            %max3A_639 = arith.maximumf %bitcast3A_637, %bitcast3A_638 : vector<32xbf16>
            %bitcast3A_640 = vector.bitcast %max3A_639 : vector<32xbf16> to vector<16xi32>
            %bitcast3A_641 = vector.bitcast %gather3A_594 : vector<16xi32> to vector<32xbf16>
            %bitcast3A_642 = vector.bitcast %get3A_603 : vector<16xi32> to vector<32xbf16>
            %max3A_643 = arith.maximumf %bitcast3A_641, %bitcast3A_642 : vector<32xbf16>
            %bitcast3A_644 = vector.bitcast %max3A_643 : vector<32xbf16> to vector<16xi32>
            %bitcast3A_645 = vector.bitcast %gather3A_607 : vector<16xi32> to vector<32xbf16>
            %bitcast3A_646 = vector.bitcast %get3A_616 : vector<16xi32> to vector<32xbf16>
            %max3A_647 = arith.maximumf %bitcast3A_645, %bitcast3A_646 : vector<32xbf16>
            %bitcast3A_648 = vector.bitcast %max3A_647 : vector<32xbf16> to vector<16xi32>
            %add3A_649 = arith.constant 0 : i32
            %add3A_650 = vector.broadcast %add3A_649 : i32 to vector<16xi32>
            %add3A_651 = arith.addi %iota3A, %add3A_650 : vector<16xi32>
            tpu.vector_store_idx %arg5[%gather3A_512, %add3A_651], %bitcast3A_620 : memref<321x128xi32, #tpu.memory_space<vmem>>[vector<16xi32>, vector<16xi32>], vector<16xi32>,
            %add3A_652 = arith.constant 16 : i32
            %add3A_653 = vector.broadcast %add3A_652 : i32 to vector<16xi32>
            %add3A_654 = arith.addi %iota3A, %add3A_653 : vector<16xi32>
            tpu.vector_store_idx %arg5[%gather3A_512, %add3A_654], %bitcast3A_624 : memref<321x128xi32, #tpu.memory_space<vmem>>[vector<16xi32>, vector<16xi32>], vector<16xi32>,
            %add3A_655 = arith.constant 32 : i32
            %add3A_656 = vector.broadcast %add3A_655 : i32 to vector<16xi32>
            %add3A_657 = arith.addi %iota3A, %add3A_656 : vector<16xi32>
            tpu.vector_store_idx %arg5[%gather3A_512, %add3A_657], %bitcast3A_628 : memref<321x128xi32, #tpu.memory_space<vmem>>[vector<16xi32>, vector<16xi32>], vector<16xi32>,
            %add3A_658 = arith.constant 48 : i32
            %add3A_659 = vector.broadcast %add3A_658 : i32 to vector<16xi32>
            %add3A_660 = arith.addi %iota3A, %add3A_659 : vector<16xi32>
            tpu.vector_store_idx %arg5[%gather3A_512, %add3A_660], %bitcast3A_632 : memref<321x128xi32, #tpu.memory_space<vmem>>[vector<16xi32>, vector<16xi32>], vector<16xi32>,
            %add3A_661 = arith.constant 64 : i32
            %add3A_662 = vector.broadcast %add3A_661 : i32 to vector<16xi32>
            %add3A_663 = arith.addi %iota3A, %add3A_662 : vector<16xi32>
            tpu.vector_store_idx %arg5[%gather3A_512, %add3A_663], %bitcast3A_636 : memref<321x128xi32, #tpu.memory_space<vmem>>[vector<16xi32>, vector<16xi32>], vector<16xi32>,
            %add3A_664 = arith.constant 80 : i32
            %add3A_665 = vector.broadcast %add3A_664 : i32 to vector<16xi32>
            %add3A_666 = arith.addi %iota3A, %add3A_665 : vector<16xi32>
            tpu.vector_store_idx %arg5[%gather3A_512, %add3A_666], %bitcast3A_640 : memref<321x128xi32, #tpu.memory_space<vmem>>[vector<16xi32>, vector<16xi32>], vector<16xi32>,
            %add3A_667 = arith.constant 96 : i32
            %add3A_668 = vector.broadcast %add3A_667 : i32 to vector<16xi32>
            %add3A_669 = arith.addi %iota3A, %add3A_668 : vector<16xi32>
            tpu.vector_store_idx %arg5[%gather3A_512, %add3A_669], %bitcast3A_644 : memref<321x128xi32, #tpu.memory_space<vmem>>[vector<16xi32>, vector<16xi32>], vector<16xi32>,
            %add3A_670 = arith.constant 112 : i32
            %add3A_671 = vector.broadcast %add3A_670 : i32 to vector<16xi32>
            %add3A_672 = arith.addi %iota3A, %add3A_671 : vector<16xi32>
            tpu.vector_store_idx %arg5[%gather3A_512, %add3A_672], %bitcast3A_648 : memref<321x128xi32, #tpu.memory_space<vmem>>[vector<16xi32>, vector<16xi32>], vector<16xi32>,
          }
          %scan3A_329 = arith.constant 16 : i32
        }
        %scan3A_298 = arith.constant 2 : i32
        %add3A_299 = arith.constant 1 : i32
        %add3A_300 = arith.addi %add3A_258, %add3A_299 : i32
        %lt3A_301 = arith.cmpi slt, %max3A, %add3A_238 : i32
        %sub3A_302 = arith.subi %max3A, %add3A_300 : i32
        %lt3A_303 = arith.constant 8 : i32
        %lt3A_304 = arith.cmpi slt, %sub3A_302, %lt3A_303 : i32
        %and3A_305 = arith.andi %lt3A_301, %lt3A_304 : i1
        %convert_element_type3A_306 = arith.extui %and3A_305 : i1 to i32
        %cond3A_307 = arith.constant 0 : i32
        %cond3A_308 = arith.cmpi ne, %convert_element_type3A_306, %cond3A_307 : i32
        scf.if %cond3A_308 {
          %ge3A = arith.cmpi sge, %max3A, %add3A_237 : i32
          %sub3A_311 = arith.constant 1 : i32
          %sub3A_312 = arith.subi %sub3A_311, %select_n3A_123 : i32
          %select_n3A_313 = arith.select %ge3A, %select_n3A_123, %sub3A_312 : i32
          %select_n3A_314 = arith.select %ge3A, %add3A_237, %scan3A_113 : i32
          %sub3A_315 = arith.subi %max3A, %select_n3A_314 : i32
          %jit3A_316 = arith.constant 8 : i32
          %eq3A_317 = arith.constant 0 : i32
          %eq3A_318 = arith.cmpi eq, %jit3A_316, %eq3A_317 : i32
          %jit3A_319 = arith.constant 1 : i32
          %select_n3A_320 = arith.select %eq3A_318, %jit3A_319, %jit3A_316 : i32
          %rem3A_321 = arith.remsi %max3A, %select_n3A_320 : i32
          %ne3A_322 = arith.constant 0 : i32
          %ne3A_323 = arith.cmpi ne, %rem3A_321, %ne3A_322 : i32
          %lt3A_324 = arith.constant 0 : i32
          %lt3A_325 = arith.cmpi slt, %rem3A_321, %lt3A_324 : i32
          %lt3A_326 = arith.constant 0 : i32
          %lt3A_327 = arith.cmpi slt, %select_n3A_320, %lt3A_326 : i32
          %ne3A_328 = arith.xori %lt3A_325, %lt3A_327 : i1
          %and3A_329 = arith.andi %ne3A_328, %ne3A_323 : i1
          %add3A_330 = arith.addi %rem3A_321, %select_n3A_320 : i32
          %select_n3A_331 = arith.select %and3A_329, %add3A_330, %rem3A_321 : i32
          %mul3A_332 = arith.constant 2048 : i32
          %mul3A_333 = arith.muli %select_n3A_313, %mul3A_332 : i32
          %mul3A_334 = arith.constant 32 : i32
          %mul3A_335 = arith.muli %sub3A_315, %mul3A_334 : i32
          %add3A_336 = arith.addi %mul3A_333, %mul3A_335 : i32
          %mul3A_337 = arith.constant 32 : i32
          %mul3A_338 = arith.muli %select_n3A_331, %mul3A_337 : i32
          %dma_start3A_339 = arith.constant 0 : i32
          %dma_start3A_340 = tpu.memref_slice %arg9[%mul3A_338, %dma_start3A_339] : memref<256x128xi32, #tpu.memory_space<vmem>> -> memref<32x128xi32, #tpu.memory_space<vmem>>
          %dma_start3A_341 = tpu.memref_slice %arg7[%add3A_336] : memref<4096xi32, #tpu.memory_space<vmem>> -> memref<32xi32, #tpu.memory_space<vmem>>
          %dma_start3A_342 = arith.constant 0 : i32
          %dma_start3A_343 = arith.constant 0 : i32
          %dma_start3A_344 = tpu.memref_slice %arg10[%dma_start3A_342, %dma_start3A_343] : memref<3456x128xi32, #tpu.memory_space<vmem_shared>> -> memref<3456x128xi32, #tpu.memory_space<vmem_shared>>
          tpu.enqueue_indirect_dma source(%dma_start3A_344 : memref<3456x128xi32, #tpu.memory_space<vmem_shared>>) target(%dma_start3A_340 : memref<32x128xi32, #tpu.memory_space<vmem>>) offsets(%dma_start3A_341 : memref<32xi32, #tpu.memory_space<vmem>>) semaphore(%arg12 : memref<!tpu.dma_semaphore, #tpu.memory_space<semaphore_mem>>)
        } else {
        }
        %convert_element_type3A_309 = arith.extui %and3A_305 : i1 to i32
        %add3A_310 = arith.addi %max3A, %convert_element_type3A_309 : i32
        scf.yield %add3A_300, %add3A_310 : i32, i32
      }
      %while3A_253 = arith.constant 1 : i32
      %while3A_254:2 = scf.for %while3A_255 = %while3A_250 to %while3A_246 step %while3A_253 iter_args(%while3A_256 = %while3A_252#0, %while3A_257 = %while3A_252#1) -> (i32, i32)  : i32 {
        %add3A_258 = arith.addi %scan3A_113, %while3A_255 : i32
        %eq3A_259 = arith.cmpi eq, %while3A_257, %add3A_258 : i32
        %convert_element_type3A_260 = arith.extui %eq3A_259 : i1 to i32
        %cond3A_261 = arith.constant 0 : i32
        %cond3A_262 = arith.cmpi ne, %convert_element_type3A_260, %cond3A_261 : i32
        scf.if %cond3A_262 {
          %ge3A = arith.cmpi sge, %add3A_258, %add3A_237 : i32
          %sub3A_311 = arith.constant 1 : i32
          %sub3A_312 = arith.subi %sub3A_311, %select_n3A_123 : i32
          %select_n3A_313 = arith.select %ge3A, %select_n3A_123, %sub3A_312 : i32
          %select_n3A_314 = arith.select %ge3A, %add3A_237, %scan3A_113 : i32
          %sub3A_315 = arith.subi %add3A_258, %select_n3A_314 : i32
          %jit3A_316 = arith.constant 8 : i32
          %eq3A_317 = arith.constant 0 : i32
          %eq3A_318 = arith.cmpi eq, %jit3A_316, %eq3A_317 : i32
          %jit3A_319 = arith.constant 1 : i32
          %select_n3A_320 = arith.select %eq3A_318, %jit3A_319, %jit3A_316 : i32
          %rem3A_321 = arith.remsi %add3A_258, %select_n3A_320 : i32
          %ne3A_322 = arith.constant 0 : i32
          %ne3A_323 = arith.cmpi ne, %rem3A_321, %ne3A_322 : i32
          %lt3A_324 = arith.constant 0 : i32
          %lt3A_325 = arith.cmpi slt, %rem3A_321, %lt3A_324 : i32
          %lt3A_326 = arith.constant 0 : i32
          %lt3A_327 = arith.cmpi slt, %select_n3A_320, %lt3A_326 : i32
          %ne3A_328 = arith.xori %lt3A_325, %lt3A_327 : i1
          %and3A_329 = arith.andi %ne3A_328, %ne3A_323 : i1
          %add3A_330 = arith.addi %rem3A_321, %select_n3A_320 : i32
          %select_n3A_331 = arith.select %and3A_329, %add3A_330, %rem3A_321 : i32
          %mul3A_332 = arith.constant 2048 : i32
          %mul3A_333 = arith.muli %select_n3A_313, %mul3A_332 : i32
          %mul3A_334 = arith.constant 32 : i32
          %mul3A_335 = arith.muli %sub3A_315, %mul3A_334 : i32
          %add3A_336 = arith.addi %mul3A_333, %mul3A_335 : i32
          %mul3A_337 = arith.constant 32 : i32
          %mul3A_338 = arith.muli %select_n3A_331, %mul3A_337 : i32
          %dma_start3A_339 = arith.constant 0 : i32
          %dma_start3A_340 = tpu.memref_slice %arg9[%mul3A_338, %dma_start3A_339] : memref<256x128xi32, #tpu.memory_space<vmem>> -> memref<32x128xi32, #tpu.memory_space<vmem>>
          %dma_start3A_341 = tpu.memref_slice %arg7[%add3A_336] : memref<4096xi32, #tpu.memory_space<vmem>> -> memref<32xi32, #tpu.memory_space<vmem>>
          %dma_start3A_342 = arith.constant 0 : i32
          %dma_start3A_343 = arith.constant 0 : i32
          %dma_start3A_344 = tpu.memref_slice %arg10[%dma_start3A_342, %dma_start3A_343] : memref<3456x128xi32, #tpu.memory_space<vmem_shared>> -> memref<3456x128xi32, #tpu.memory_space<vmem_shared>>
          tpu.enqueue_indirect_dma source(%dma_start3A_344 : memref<3456x128xi32, #tpu.memory_space<vmem_shared>>) target(%dma_start3A_340 : memref<32x128xi32, #tpu.memory_space<vmem>>) offsets(%dma_start3A_341 : memref<32xi32, #tpu.memory_space<vmem>>) semaphore(%arg12 : memref<!tpu.dma_semaphore, #tpu.memory_space<semaphore_mem>>)
        } else {
        }
        %add3A_263 = arith.constant 1 : i32
        %add3A_264 = arith.addi %add3A_258, %add3A_263 : i32
        %max3A = arith.maxsi %while3A_257, %add3A_264 : i32
        %jit3A_265 = arith.constant 8 : i32
        %eq3A_266 = arith.constant 0 : i32
        %eq3A_267 = arith.cmpi eq, %jit3A_265, %eq3A_266 : i32
        %jit3A_268 = arith.constant 1 : i32
        %select_n3A_269 = arith.select %eq3A_267, %jit3A_268, %jit3A_265 : i32
        %rem3A_270 = arith.remsi %add3A_258, %select_n3A_269 : i32
        %ne3A_271 = arith.constant 0 : i32
        %ne3A_272 = arith.cmpi ne, %rem3A_270, %ne3A_271 : i32
        %lt3A_273 = arith.constant 0 : i32
        %lt3A_274 = arith.cmpi slt, %rem3A_270, %lt3A_273 : i32
        %lt3A_275 = arith.constant 0 : i32
        %lt3A_276 = arith.cmpi slt, %select_n3A_269, %lt3A_275 : i32
        %ne3A_277 = arith.xori %lt3A_274, %lt3A_276 : i1
        %and3A_278 = arith.andi %ne3A_277, %ne3A_272 : i1
        %add3A_279 = arith.addi %rem3A_270, %select_n3A_269 : i32
        %select_n3A_280 = arith.select %and3A_278, %add3A_279, %rem3A_270 : i32
        %mul3A_281 = arith.constant 32 : i32
        %mul3A_282 = arith.muli %select_n3A_280, %mul3A_281 : i32
        %dma_wait3A_283 = arith.constant 0 : i32
        %dma_wait3A_284 = tpu.memref_slice %arg9[%mul3A_282, %dma_wait3A_283] : memref<256x128xi32, #tpu.memory_space<vmem>> -> memref<32x128xi32, #tpu.memory_space<vmem>>
        %dma_wait3A_285 = arith.constant 0 : i32
        %dma_wait3A_286 = arith.constant 0 : i32
        %dma_wait3A_287 = tpu.memref_slice %arg2[%dma_wait3A_285, %dma_wait3A_286] : memref<10240x128xi32, #tpu.memory_space<hbm>> -> memref<32x128xi32, #tpu.memory_space<hbm>>
        %dma_wait3A_288 = arith.constant 0 : i32
        %dma_wait3A_289 = tpu.memref_slice %arg9[%mul3A_282, %dma_wait3A_288] : memref<256x128xi32, #tpu.memory_space<vmem>> -> memref<32x128xi32, #tpu.memory_space<vmem>>
        %dma_wait3A_290 = arith.constant 0 : i32
        %dma_wait3A_291 = arith.constant 0 : i32
        %dma_wait3A_292 = tpu.memref_slice %arg2[%dma_wait3A_290, %dma_wait3A_291] : memref<10240x128xi32, #tpu.memory_space<hbm>> -> memref<32x128xi32, #tpu.memory_space<hbm>>
        tpu.wait_dma2 semaphore(%arg12 : memref<!tpu.dma_semaphore, #tpu.memory_space<semaphore_mem>>) src(%dma_wait3A_292 : memref<32x128xi32, #tpu.memory_space<hbm>>) dst(%dma_wait3A_289 : memref<32x128xi32, #tpu.memory_space<vmem>>)
        %scan3A_293 = arith.constant 0 : i32
        %scan3A_294 = arith.constant 0 : i32
        %scan3A_295 = arith.constant 2 : i32
        %scan3A_296 = arith.addi %scan3A_294, %scan3A_295 : i32
        %scan3A_297 = arith.constant 1 : i32
        scf.for %scan3A_311 = %scan3A_294 to %scan3A_296 step %scan3A_297  : i32 {
          %sub3A_312 = arith.constant 1 : i32
          %sub3A_313 = arith.subi %sub3A_312, %select_n3A_123 : i32
          %mul3A_314 = arith.constant 2048 : i32
          %mul3A_315 = arith.muli %sub3A_313, %mul3A_314 : i32
          %mul3A_316 = arith.constant 32 : i32
          %mul3A_317 = arith.muli %while3A_255, %mul3A_316 : i32
          %add3A_318 = arith.addi %mul3A_315, %mul3A_317 : i32
          %mul3A_319 = arith.constant 16 : i32
          %mul3A_320 = arith.muli %scan3A_311, %mul3A_319 : i32
          %add3A_321 = arith.addi %add3A_318, %mul3A_320 : i32
          %get3A_322 = arith.index_cast %add3A_321 : i32 to index
          %get3A_323 = tpu.vector_load %arg8[%get3A_322] {strides = array<i32>} : memref<4096xi32, #tpu.memory_space<vmem>>, vector<16xi32>,
          %scan3A_324 = arith.constant 0 : i32
          %scan3A_325 = arith.constant 0 : i32
          %scan3A_326 = arith.constant 16 : i32
          %scan3A_327 = arith.addi %scan3A_325, %scan3A_326 : i32
          %scan3A_328 = arith.constant 2 : i32
          scf.for %scan3A_330 = %scan3A_325 to %scan3A_327 step %scan3A_328  : i32 {
            %broadcast_in_dim3A_331 = vector.broadcast %scan3A_330 : i32 to vector<16xi32>
            %lt3A_332 = arith.constant 0 : i32
            %lt3A_333 = vector.broadcast %lt3A_332 : i32 to vector<16xi32>
            %lt3A_334 = arith.cmpi slt, %broadcast_in_dim3A_331, %lt3A_333 : vector<16xi32>
            %add3A_335 = arith.constant 16 : i32
            %add3A_336 = vector.broadcast %add3A_335 : i32 to vector<16xi32>
            %add3A_337 = arith.addi %broadcast_in_dim3A_331, %add3A_336 : vector<16xi32>
            %select_n3A_338 = arith.select %lt3A_334, %add3A_337, %broadcast_in_dim3A_331 : vector<16xi1>, vector<16xi32>
            %broadcast_in_dim3A_339 = vector.shape_cast %select_n3A_338 : vector<16xi32> to vector<16x1xi32>
            %gather3A = vector.shape_cast %broadcast_in_dim3A_339 : vector<16x1xi32> to vector<16xi32>
            %gather3A_340 = tpu.dynamic_gather %get3A_323[%gather3A] in [0] : vector<16xi32>, vector<16xi32> -> vector<16xi32>
            %add3A_341 = arith.constant 0 : i32
            %add3A_342 = vector.broadcast %add3A_341 : i32 to vector<16xi32>
            %add3A_343 = arith.addi %iota3A, %add3A_342 : vector<16xi32>
            %gather3A_344 = tpu.vector_load_idx %arg5[%gather3A_340, %add3A_343] : memref<321x128xi32, #tpu.memory_space<vmem>>[vector<16xi32>, vector<16xi32>], vector<16xi32>,
            %mul3A_345 = arith.constant 32 : i32
            %mul3A_346 = arith.muli %select_n3A_280, %mul3A_345 : i32
            %mul3A_347 = arith.constant 16 : i32
            %mul3A_348 = arith.muli %scan3A_311, %mul3A_347 : i32
            %add3A_349 = arith.addi %mul3A_346, %mul3A_348 : i32
            %add3A_350 = arith.addi %add3A_349, %scan3A_330 : i32
            %get3A_351 = arith.index_cast %add3A_350 : i32 to index
            %get3A_352 = arith.constant 0 : index
            %get3A_353 = tpu.vector_load %arg9[%get3A_351, %get3A_352] {strides = array<i32>} : memref<256x128xi32, #tpu.memory_space<vmem>>, vector<16xi32>,
            %add3A_354 = arith.constant 16 : i32
            %add3A_355 = vector.broadcast %add3A_354 : i32 to vector<16xi32>
            %add3A_356 = arith.addi %iota3A, %add3A_355 : vector<16xi32>
            %gather3A_357 = tpu.vector_load_idx %arg5[%gather3A_340, %add3A_356] : memref<321x128xi32, #tpu.memory_space<vmem>>[vector<16xi32>, vector<16xi32>], vector<16xi32>,
            %mul3A_358 = arith.constant 32 : i32
            %mul3A_359 = arith.muli %select_n3A_280, %mul3A_358 : i32
            %mul3A_360 = arith.constant 16 : i32
            %mul3A_361 = arith.muli %scan3A_311, %mul3A_360 : i32
            %add3A_362 = arith.addi %mul3A_359, %mul3A_361 : i32
            %add3A_363 = arith.addi %add3A_362, %scan3A_330 : i32
            %get3A_364 = arith.index_cast %add3A_363 : i32 to index
            %get3A_365 = arith.constant 16 : index
            %get3A_366 = tpu.vector_load %arg9[%get3A_364, %get3A_365] {strides = array<i32>} : memref<256x128xi32, #tpu.memory_space<vmem>>, vector<16xi32>,
            %add3A_367 = arith.constant 32 : i32
            %add3A_368 = vector.broadcast %add3A_367 : i32 to vector<16xi32>
            %add3A_369 = arith.addi %iota3A, %add3A_368 : vector<16xi32>
            %gather3A_370 = tpu.vector_load_idx %arg5[%gather3A_340, %add3A_369] : memref<321x128xi32, #tpu.memory_space<vmem>>[vector<16xi32>, vector<16xi32>], vector<16xi32>,
            %mul3A_371 = arith.constant 32 : i32
            %mul3A_372 = arith.muli %select_n3A_280, %mul3A_371 : i32
            %mul3A_373 = arith.constant 16 : i32
            %mul3A_374 = arith.muli %scan3A_311, %mul3A_373 : i32
            %add3A_375 = arith.addi %mul3A_372, %mul3A_374 : i32
            %add3A_376 = arith.addi %add3A_375, %scan3A_330 : i32
            %get3A_377 = arith.index_cast %add3A_376 : i32 to index
            %get3A_378 = arith.constant 32 : index
            %get3A_379 = tpu.vector_load %arg9[%get3A_377, %get3A_378] {strides = array<i32>} : memref<256x128xi32, #tpu.memory_space<vmem>>, vector<16xi32>,
            %add3A_380 = arith.constant 48 : i32
            %add3A_381 = vector.broadcast %add3A_380 : i32 to vector<16xi32>
            %add3A_382 = arith.addi %iota3A, %add3A_381 : vector<16xi32>
            %gather3A_383 = tpu.vector_load_idx %arg5[%gather3A_340, %add3A_382] : memref<321x128xi32, #tpu.memory_space<vmem>>[vector<16xi32>, vector<16xi32>], vector<16xi32>,
            %mul3A_384 = arith.constant 32 : i32
            %mul3A_385 = arith.muli %select_n3A_280, %mul3A_384 : i32
            %mul3A_386 = arith.constant 16 : i32
            %mul3A_387 = arith.muli %scan3A_311, %mul3A_386 : i32
            %add3A_388 = arith.addi %mul3A_385, %mul3A_387 : i32
            %add3A_389 = arith.addi %add3A_388, %scan3A_330 : i32
            %get3A_390 = arith.index_cast %add3A_389 : i32 to index
            %get3A_391 = arith.constant 48 : index
            %get3A_392 = tpu.vector_load %arg9[%get3A_390, %get3A_391] {strides = array<i32>} : memref<256x128xi32, #tpu.memory_space<vmem>>, vector<16xi32>,
            %add3A_393 = arith.constant 64 : i32
            %add3A_394 = vector.broadcast %add3A_393 : i32 to vector<16xi32>
            %add3A_395 = arith.addi %iota3A, %add3A_394 : vector<16xi32>
            %gather3A_396 = tpu.vector_load_idx %arg5[%gather3A_340, %add3A_395] : memref<321x128xi32, #tpu.memory_space<vmem>>[vector<16xi32>, vector<16xi32>], vector<16xi32>,
            %mul3A_397 = arith.constant 32 : i32
            %mul3A_398 = arith.muli %select_n3A_280, %mul3A_397 : i32
            %mul3A_399 = arith.constant 16 : i32
            %mul3A_400 = arith.muli %scan3A_311, %mul3A_399 : i32
            %add3A_401 = arith.addi %mul3A_398, %mul3A_400 : i32
            %add3A_402 = arith.addi %add3A_401, %scan3A_330 : i32
            %get3A_403 = arith.index_cast %add3A_402 : i32 to index
            %get3A_404 = arith.constant 64 : index
            %get3A_405 = tpu.vector_load %arg9[%get3A_403, %get3A_404] {strides = array<i32>} : memref<256x128xi32, #tpu.memory_space<vmem>>, vector<16xi32>,
            %add3A_406 = arith.constant 80 : i32
            %add3A_407 = vector.broadcast %add3A_406 : i32 to vector<16xi32>
            %add3A_408 = arith.addi %iota3A, %add3A_407 : vector<16xi32>
            %gather3A_409 = tpu.vector_load_idx %arg5[%gather3A_340, %add3A_408] : memref<321x128xi32, #tpu.memory_space<vmem>>[vector<16xi32>, vector<16xi32>], vector<16xi32>,
            %mul3A_410 = arith.constant 32 : i32
            %mul3A_411 = arith.muli %select_n3A_280, %mul3A_410 : i32
            %mul3A_412 = arith.constant 16 : i32
            %mul3A_413 = arith.muli %scan3A_311, %mul3A_412 : i32
            %add3A_414 = arith.addi %mul3A_411, %mul3A_413 : i32
            %add3A_415 = arith.addi %add3A_414, %scan3A_330 : i32
            %get3A_416 = arith.index_cast %add3A_415 : i32 to index
            %get3A_417 = arith.constant 80 : index
            %get3A_418 = tpu.vector_load %arg9[%get3A_416, %get3A_417] {strides = array<i32>} : memref<256x128xi32, #tpu.memory_space<vmem>>, vector<16xi32>,
            %add3A_419 = arith.constant 96 : i32
            %add3A_420 = vector.broadcast %add3A_419 : i32 to vector<16xi32>
            %add3A_421 = arith.addi %iota3A, %add3A_420 : vector<16xi32>
            %gather3A_422 = tpu.vector_load_idx %arg5[%gather3A_340, %add3A_421] : memref<321x128xi32, #tpu.memory_space<vmem>>[vector<16xi32>, vector<16xi32>], vector<16xi32>,
            %mul3A_423 = arith.constant 32 : i32
            %mul3A_424 = arith.muli %select_n3A_280, %mul3A_423 : i32
            %mul3A_425 = arith.constant 16 : i32
            %mul3A_426 = arith.muli %scan3A_311, %mul3A_425 : i32
            %add3A_427 = arith.addi %mul3A_424, %mul3A_426 : i32
            %add3A_428 = arith.addi %add3A_427, %scan3A_330 : i32
            %get3A_429 = arith.index_cast %add3A_428 : i32 to index
            %get3A_430 = arith.constant 96 : index
            %get3A_431 = tpu.vector_load %arg9[%get3A_429, %get3A_430] {strides = array<i32>} : memref<256x128xi32, #tpu.memory_space<vmem>>, vector<16xi32>,
            %add3A_432 = arith.constant 112 : i32
            %add3A_433 = vector.broadcast %add3A_432 : i32 to vector<16xi32>
            %add3A_434 = arith.addi %iota3A, %add3A_433 : vector<16xi32>
            %gather3A_435 = tpu.vector_load_idx %arg5[%gather3A_340, %add3A_434] : memref<321x128xi32, #tpu.memory_space<vmem>>[vector<16xi32>, vector<16xi32>], vector<16xi32>,
            %mul3A_436 = arith.constant 32 : i32
            %mul3A_437 = arith.muli %select_n3A_280, %mul3A_436 : i32
            %mul3A_438 = arith.constant 16 : i32
            %mul3A_439 = arith.muli %scan3A_311, %mul3A_438 : i32
            %add3A_440 = arith.addi %mul3A_437, %mul3A_439 : i32
            %add3A_441 = arith.addi %add3A_440, %scan3A_330 : i32
            %get3A_442 = arith.index_cast %add3A_441 : i32 to index
            %get3A_443 = arith.constant 112 : index
            %get3A_444 = tpu.vector_load %arg9[%get3A_442, %get3A_443] {strides = array<i32>} : memref<256x128xi32, #tpu.memory_space<vmem>>, vector<16xi32>,
            %bitcast3A = vector.bitcast %gather3A_344 : vector<16xi32> to vector<32xbf16>
            %bitcast3A_445 = vector.bitcast %get3A_353 : vector<16xi32> to vector<32xbf16>
            %max3A_446 = arith.maximumf %bitcast3A, %bitcast3A_445 : vector<32xbf16>
            %bitcast3A_447 = vector.bitcast %max3A_446 : vector<32xbf16> to vector<16xi32>
            %bitcast3A_448 = vector.bitcast %gather3A_357 : vector<16xi32> to vector<32xbf16>
            %bitcast3A_449 = vector.bitcast %get3A_366 : vector<16xi32> to vector<32xbf16>
            %max3A_450 = arith.maximumf %bitcast3A_448, %bitcast3A_449 : vector<32xbf16>
            %bitcast3A_451 = vector.bitcast %max3A_450 : vector<32xbf16> to vector<16xi32>
            %bitcast3A_452 = vector.bitcast %gather3A_370 : vector<16xi32> to vector<32xbf16>
            %bitcast3A_453 = vector.bitcast %get3A_379 : vector<16xi32> to vector<32xbf16>
            %max3A_454 = arith.maximumf %bitcast3A_452, %bitcast3A_453 : vector<32xbf16>
            %bitcast3A_455 = vector.bitcast %max3A_454 : vector<32xbf16> to vector<16xi32>
            %bitcast3A_456 = vector.bitcast %gather3A_383 : vector<16xi32> to vector<32xbf16>
            %bitcast3A_457 = vector.bitcast %get3A_392 : vector<16xi32> to vector<32xbf16>
            %max3A_458 = arith.maximumf %bitcast3A_456, %bitcast3A_457 : vector<32xbf16>
            %bitcast3A_459 = vector.bitcast %max3A_458 : vector<32xbf16> to vector<16xi32>
            %bitcast3A_460 = vector.bitcast %gather3A_396 : vector<16xi32> to vector<32xbf16>
            %bitcast3A_461 = vector.bitcast %get3A_405 : vector<16xi32> to vector<32xbf16>
            %max3A_462 = arith.maximumf %bitcast3A_460, %bitcast3A_461 : vector<32xbf16>
            %bitcast3A_463 = vector.bitcast %max3A_462 : vector<32xbf16> to vector<16xi32>
            %bitcast3A_464 = vector.bitcast %gather3A_409 : vector<16xi32> to vector<32xbf16>
            %bitcast3A_465 = vector.bitcast %get3A_418 : vector<16xi32> to vector<32xbf16>
            %max3A_466 = arith.maximumf %bitcast3A_464, %bitcast3A_465 : vector<32xbf16>
            %bitcast3A_467 = vector.bitcast %max3A_466 : vector<32xbf16> to vector<16xi32>
            %bitcast3A_468 = vector.bitcast %gather3A_422 : vector<16xi32> to vector<32xbf16>
            %bitcast3A_469 = vector.bitcast %get3A_431 : vector<16xi32> to vector<32xbf16>
            %max3A_470 = arith.maximumf %bitcast3A_468, %bitcast3A_469 : vector<32xbf16>
            %bitcast3A_471 = vector.bitcast %max3A_470 : vector<32xbf16> to vector<16xi32>
            %bitcast3A_472 = vector.bitcast %gather3A_435 : vector<16xi32> to vector<32xbf16>
            %bitcast3A_473 = vector.bitcast %get3A_444 : vector<16xi32> to vector<32xbf16>
            %max3A_474 = arith.maximumf %bitcast3A_472, %bitcast3A_473 : vector<32xbf16>
            %bitcast3A_475 = vector.bitcast %max3A_474 : vector<32xbf16> to vector<16xi32>
            %add3A_476 = arith.constant 0 : i32
            %add3A_477 = vector.broadcast %add3A_476 : i32 to vector<16xi32>
            %add3A_478 = arith.addi %iota3A, %add3A_477 : vector<16xi32>
            tpu.vector_store_idx %arg5[%gather3A_340, %add3A_478], %bitcast3A_447 : memref<321x128xi32, #tpu.memory_space<vmem>>[vector<16xi32>, vector<16xi32>], vector<16xi32>,
            %add3A_479 = arith.constant 16 : i32
            %add3A_480 = vector.broadcast %add3A_479 : i32 to vector<16xi32>
            %add3A_481 = arith.addi %iota3A, %add3A_480 : vector<16xi32>
            tpu.vector_store_idx %arg5[%gather3A_340, %add3A_481], %bitcast3A_451 : memref<321x128xi32, #tpu.memory_space<vmem>>[vector<16xi32>, vector<16xi32>], vector<16xi32>,
            %add3A_482 = arith.constant 32 : i32
            %add3A_483 = vector.broadcast %add3A_482 : i32 to vector<16xi32>
            %add3A_484 = arith.addi %iota3A, %add3A_483 : vector<16xi32>
            tpu.vector_store_idx %arg5[%gather3A_340, %add3A_484], %bitcast3A_455 : memref<321x128xi32, #tpu.memory_space<vmem>>[vector<16xi32>, vector<16xi32>], vector<16xi32>,
            %add3A_485 = arith.constant 48 : i32
            %add3A_486 = vector.broadcast %add3A_485 : i32 to vector<16xi32>
            %add3A_487 = arith.addi %iota3A, %add3A_486 : vector<16xi32>
            tpu.vector_store_idx %arg5[%gather3A_340, %add3A_487], %bitcast3A_459 : memref<321x128xi32, #tpu.memory_space<vmem>>[vector<16xi32>, vector<16xi32>], vector<16xi32>,
            %add3A_488 = arith.constant 64 : i32
            %add3A_489 = vector.broadcast %add3A_488 : i32 to vector<16xi32>
            %add3A_490 = arith.addi %iota3A, %add3A_489 : vector<16xi32>
            tpu.vector_store_idx %arg5[%gather3A_340, %add3A_490], %bitcast3A_463 : memref<321x128xi32, #tpu.memory_space<vmem>>[vector<16xi32>, vector<16xi32>], vector<16xi32>,
            %add3A_491 = arith.constant 80 : i32
            %add3A_492 = vector.broadcast %add3A_491 : i32 to vector<16xi32>
            %add3A_493 = arith.addi %iota3A, %add3A_492 : vector<16xi32>
            tpu.vector_store_idx %arg5[%gather3A_340, %add3A_493], %bitcast3A_467 : memref<321x128xi32, #tpu.memory_space<vmem>>[vector<16xi32>, vector<16xi32>], vector<16xi32>,
            %add3A_494 = arith.constant 96 : i32
            %add3A_495 = vector.broadcast %add3A_494 : i32 to vector<16xi32>
            %add3A_496 = arith.addi %iota3A, %add3A_495 : vector<16xi32>
            tpu.vector_store_idx %arg5[%gather3A_340, %add3A_496], %bitcast3A_471 : memref<321x128xi32, #tpu.memory_space<vmem>>[vector<16xi32>, vector<16xi32>], vector<16xi32>,
            %add3A_497 = arith.constant 112 : i32
            %add3A_498 = vector.broadcast %add3A_497 : i32 to vector<16xi32>
            %add3A_499 = arith.addi %iota3A, %add3A_498 : vector<16xi32>
            tpu.vector_store_idx %arg5[%gather3A_340, %add3A_499], %bitcast3A_475 : memref<321x128xi32, #tpu.memory_space<vmem>>[vector<16xi32>, vector<16xi32>], vector<16xi32>,
            %scan3A_500 = arith.constant 1 : i32
            %scan3A_501 = arith.addi %scan3A_330, %scan3A_500 : i32
            %broadcast_in_dim3A_502 = vector.broadcast %scan3A_501 : i32 to vector<16xi32>
            %lt3A_503 = arith.constant 0 : i32
            %lt3A_504 = vector.broadcast %lt3A_503 : i32 to vector<16xi32>
            %lt3A_505 = arith.cmpi slt, %broadcast_in_dim3A_502, %lt3A_504 : vector<16xi32>
            %add3A_506 = arith.constant 16 : i32
            %add3A_507 = vector.broadcast %add3A_506 : i32 to vector<16xi32>
            %add3A_508 = arith.addi %broadcast_in_dim3A_502, %add3A_507 : vector<16xi32>
            %select_n3A_509 = arith.select %lt3A_505, %add3A_508, %broadcast_in_dim3A_502 : vector<16xi1>, vector<16xi32>
            %broadcast_in_dim3A_510 = vector.shape_cast %select_n3A_509 : vector<16xi32> to vector<16x1xi32>
            %gather3A_511 = vector.shape_cast %broadcast_in_dim3A_510 : vector<16x1xi32> to vector<16xi32>
            %gather3A_512 = tpu.dynamic_gather %get3A_323[%gather3A_511] in [0] : vector<16xi32>, vector<16xi32> -> vector<16xi32>
            %add3A_513 = arith.constant 0 : i32
            %add3A_514 = vector.broadcast %add3A_513 : i32 to vector<16xi32>
            %add3A_515 = arith.addi %iota3A, %add3A_514 : vector<16xi32>
            %gather3A_516 = tpu.vector_load_idx %arg5[%gather3A_512, %add3A_515] : memref<321x128xi32, #tpu.memory_space<vmem>>[vector<16xi32>, vector<16xi32>], vector<16xi32>,
            %mul3A_517 = arith.constant 32 : i32
            %mul3A_518 = arith.muli %select_n3A_280, %mul3A_517 : i32
            %mul3A_519 = arith.constant 16 : i32
            %mul3A_520 = arith.muli %scan3A_311, %mul3A_519 : i32
            %add3A_521 = arith.addi %mul3A_518, %mul3A_520 : i32
            %add3A_522 = arith.addi %add3A_521, %scan3A_501 : i32
            %get3A_523 = arith.index_cast %add3A_522 : i32 to index
            %get3A_524 = arith.constant 0 : index
            %get3A_525 = tpu.vector_load %arg9[%get3A_523, %get3A_524] {strides = array<i32>} : memref<256x128xi32, #tpu.memory_space<vmem>>, vector<16xi32>,
            %add3A_526 = arith.constant 16 : i32
            %add3A_527 = vector.broadcast %add3A_526 : i32 to vector<16xi32>
            %add3A_528 = arith.addi %iota3A, %add3A_527 : vector<16xi32>
            %gather3A_529 = tpu.vector_load_idx %arg5[%gather3A_512, %add3A_528] : memref<321x128xi32, #tpu.memory_space<vmem>>[vector<16xi32>, vector<16xi32>], vector<16xi32>,
            %mul3A_530 = arith.constant 32 : i32
            %mul3A_531 = arith.muli %select_n3A_280, %mul3A_530 : i32
            %mul3A_532 = arith.constant 16 : i32
            %mul3A_533 = arith.muli %scan3A_311, %mul3A_532 : i32
            %add3A_534 = arith.addi %mul3A_531, %mul3A_533 : i32
            %add3A_535 = arith.addi %add3A_534, %scan3A_501 : i32
            %get3A_536 = arith.index_cast %add3A_535 : i32 to index
            %get3A_537 = arith.constant 16 : index
            %get3A_538 = tpu.vector_load %arg9[%get3A_536, %get3A_537] {strides = array<i32>} : memref<256x128xi32, #tpu.memory_space<vmem>>, vector<16xi32>,
            %add3A_539 = arith.constant 32 : i32
            %add3A_540 = vector.broadcast %add3A_539 : i32 to vector<16xi32>
            %add3A_541 = arith.addi %iota3A, %add3A_540 : vector<16xi32>
            %gather3A_542 = tpu.vector_load_idx %arg5[%gather3A_512, %add3A_541] : memref<321x128xi32, #tpu.memory_space<vmem>>[vector<16xi32>, vector<16xi32>], vector<16xi32>,
            %mul3A_543 = arith.constant 32 : i32
            %mul3A_544 = arith.muli %select_n3A_280, %mul3A_543 : i32
            %mul3A_545 = arith.constant 16 : i32
            %mul3A_546 = arith.muli %scan3A_311, %mul3A_545 : i32
            %add3A_547 = arith.addi %mul3A_544, %mul3A_546 : i32
            %add3A_548 = arith.addi %add3A_547, %scan3A_501 : i32
            %get3A_549 = arith.index_cast %add3A_548 : i32 to index
            %get3A_550 = arith.constant 32 : index
            %get3A_551 = tpu.vector_load %arg9[%get3A_549, %get3A_550] {strides = array<i32>} : memref<256x128xi32, #tpu.memory_space<vmem>>, vector<16xi32>,
            %add3A_552 = arith.constant 48 : i32
            %add3A_553 = vector.broadcast %add3A_552 : i32 to vector<16xi32>
            %add3A_554 = arith.addi %iota3A, %add3A_553 : vector<16xi32>
            %gather3A_555 = tpu.vector_load_idx %arg5[%gather3A_512, %add3A_554] : memref<321x128xi32, #tpu.memory_space<vmem>>[vector<16xi32>, vector<16xi32>], vector<16xi32>,
            %mul3A_556 = arith.constant 32 : i32
            %mul3A_557 = arith.muli %select_n3A_280, %mul3A_556 : i32
            %mul3A_558 = arith.constant 16 : i32
            %mul3A_559 = arith.muli %scan3A_311, %mul3A_558 : i32
            %add3A_560 = arith.addi %mul3A_557, %mul3A_559 : i32
            %add3A_561 = arith.addi %add3A_560, %scan3A_501 : i32
            %get3A_562 = arith.index_cast %add3A_561 : i32 to index
            %get3A_563 = arith.constant 48 : index
            %get3A_564 = tpu.vector_load %arg9[%get3A_562, %get3A_563] {strides = array<i32>} : memref<256x128xi32, #tpu.memory_space<vmem>>, vector<16xi32>,
            %add3A_565 = arith.constant 64 : i32
            %add3A_566 = vector.broadcast %add3A_565 : i32 to vector<16xi32>
            %add3A_567 = arith.addi %iota3A, %add3A_566 : vector<16xi32>
            %gather3A_568 = tpu.vector_load_idx %arg5[%gather3A_512, %add3A_567] : memref<321x128xi32, #tpu.memory_space<vmem>>[vector<16xi32>, vector<16xi32>], vector<16xi32>,
            %mul3A_569 = arith.constant 32 : i32
            %mul3A_570 = arith.muli %select_n3A_280, %mul3A_569 : i32
            %mul3A_571 = arith.constant 16 : i32
            %mul3A_572 = arith.muli %scan3A_311, %mul3A_571 : i32
            %add3A_573 = arith.addi %mul3A_570, %mul3A_572 : i32
            %add3A_574 = arith.addi %add3A_573, %scan3A_501 : i32
            %get3A_575 = arith.index_cast %add3A_574 : i32 to index
            %get3A_576 = arith.constant 64 : index
            %get3A_577 = tpu.vector_load %arg9[%get3A_575, %get3A_576] {strides = array<i32>} : memref<256x128xi32, #tpu.memory_space<vmem>>, vector<16xi32>,
            %add3A_578 = arith.constant 80 : i32
            %add3A_579 = vector.broadcast %add3A_578 : i32 to vector<16xi32>
            %add3A_580 = arith.addi %iota3A, %add3A_579 : vector<16xi32>
            %gather3A_581 = tpu.vector_load_idx %arg5[%gather3A_512, %add3A_580] : memref<321x128xi32, #tpu.memory_space<vmem>>[vector<16xi32>, vector<16xi32>], vector<16xi32>,
            %mul3A_582 = arith.constant 32 : i32
            %mul3A_583 = arith.muli %select_n3A_280, %mul3A_582 : i32
            %mul3A_584 = arith.constant 16 : i32
            %mul3A_585 = arith.muli %scan3A_311, %mul3A_584 : i32
            %add3A_586 = arith.addi %mul3A_583, %mul3A_585 : i32
            %add3A_587 = arith.addi %add3A_586, %scan3A_501 : i32
            %get3A_588 = arith.index_cast %add3A_587 : i32 to index
            %get3A_589 = arith.constant 80 : index
            %get3A_590 = tpu.vector_load %arg9[%get3A_588, %get3A_589] {strides = array<i32>} : memref<256x128xi32, #tpu.memory_space<vmem>>, vector<16xi32>,
            %add3A_591 = arith.constant 96 : i32
            %add3A_592 = vector.broadcast %add3A_591 : i32 to vector<16xi32>
            %add3A_593 = arith.addi %iota3A, %add3A_592 : vector<16xi32>
            %gather3A_594 = tpu.vector_load_idx %arg5[%gather3A_512, %add3A_593] : memref<321x128xi32, #tpu.memory_space<vmem>>[vector<16xi32>, vector<16xi32>], vector<16xi32>,
            %mul3A_595 = arith.constant 32 : i32
            %mul3A_596 = arith.muli %select_n3A_280, %mul3A_595 : i32
            %mul3A_597 = arith.constant 16 : i32
            %mul3A_598 = arith.muli %scan3A_311, %mul3A_597 : i32
            %add3A_599 = arith.addi %mul3A_596, %mul3A_598 : i32
            %add3A_600 = arith.addi %add3A_599, %scan3A_501 : i32
            %get3A_601 = arith.index_cast %add3A_600 : i32 to index
            %get3A_602 = arith.constant 96 : index
            %get3A_603 = tpu.vector_load %arg9[%get3A_601, %get3A_602] {strides = array<i32>} : memref<256x128xi32, #tpu.memory_space<vmem>>, vector<16xi32>,
            %add3A_604 = arith.constant 112 : i32
            %add3A_605 = vector.broadcast %add3A_604 : i32 to vector<16xi32>
            %add3A_606 = arith.addi %iota3A, %add3A_605 : vector<16xi32>
            %gather3A_607 = tpu.vector_load_idx %arg5[%gather3A_512, %add3A_606] : memref<321x128xi32, #tpu.memory_space<vmem>>[vector<16xi32>, vector<16xi32>], vector<16xi32>,
            %mul3A_608 = arith.constant 32 : i32
            %mul3A_609 = arith.muli %select_n3A_280, %mul3A_608 : i32
            %mul3A_610 = arith.constant 16 : i32
            %mul3A_611 = arith.muli %scan3A_311, %mul3A_610 : i32
            %add3A_612 = arith.addi %mul3A_609, %mul3A_611 : i32
            %add3A_613 = arith.addi %add3A_612, %scan3A_501 : i32
            %get3A_614 = arith.index_cast %add3A_613 : i32 to index
            %get3A_615 = arith.constant 112 : index
            %get3A_616 = tpu.vector_load %arg9[%get3A_614, %get3A_615] {strides = array<i32>} : memref<256x128xi32, #tpu.memory_space<vmem>>, vector<16xi32>,
            %bitcast3A_617 = vector.bitcast %gather3A_516 : vector<16xi32> to vector<32xbf16>
            %bitcast3A_618 = vector.bitcast %get3A_525 : vector<16xi32> to vector<32xbf16>
            %max3A_619 = arith.maximumf %bitcast3A_617, %bitcast3A_618 : vector<32xbf16>
            %bitcast3A_620 = vector.bitcast %max3A_619 : vector<32xbf16> to vector<16xi32>
            %bitcast3A_621 = vector.bitcast %gather3A_529 : vector<16xi32> to vector<32xbf16>
            %bitcast3A_622 = vector.bitcast %get3A_538 : vector<16xi32> to vector<32xbf16>
            %max3A_623 = arith.maximumf %bitcast3A_621, %bitcast3A_622 : vector<32xbf16>
            %bitcast3A_624 = vector.bitcast %max3A_623 : vector<32xbf16> to vector<16xi32>
            %bitcast3A_625 = vector.bitcast %gather3A_542 : vector<16xi32> to vector<32xbf16>
            %bitcast3A_626 = vector.bitcast %get3A_551 : vector<16xi32> to vector<32xbf16>
            %max3A_627 = arith.maximumf %bitcast3A_625, %bitcast3A_626 : vector<32xbf16>
            %bitcast3A_628 = vector.bitcast %max3A_627 : vector<32xbf16> to vector<16xi32>
            %bitcast3A_629 = vector.bitcast %gather3A_555 : vector<16xi32> to vector<32xbf16>
            %bitcast3A_630 = vector.bitcast %get3A_564 : vector<16xi32> to vector<32xbf16>
            %max3A_631 = arith.maximumf %bitcast3A_629, %bitcast3A_630 : vector<32xbf16>
            %bitcast3A_632 = vector.bitcast %max3A_631 : vector<32xbf16> to vector<16xi32>
            %bitcast3A_633 = vector.bitcast %gather3A_568 : vector<16xi32> to vector<32xbf16>
            %bitcast3A_634 = vector.bitcast %get3A_577 : vector<16xi32> to vector<32xbf16>
            %max3A_635 = arith.maximumf %bitcast3A_633, %bitcast3A_634 : vector<32xbf16>
            %bitcast3A_636 = vector.bitcast %max3A_635 : vector<32xbf16> to vector<16xi32>
            %bitcast3A_637 = vector.bitcast %gather3A_581 : vector<16xi32> to vector<32xbf16>
            %bitcast3A_638 = vector.bitcast %get3A_590 : vector<16xi32> to vector<32xbf16>
            %max3A_639 = arith.maximumf %bitcast3A_637, %bitcast3A_638 : vector<32xbf16>
            %bitcast3A_640 = vector.bitcast %max3A_639 : vector<32xbf16> to vector<16xi32>
            %bitcast3A_641 = vector.bitcast %gather3A_594 : vector<16xi32> to vector<32xbf16>
            %bitcast3A_642 = vector.bitcast %get3A_603 : vector<16xi32> to vector<32xbf16>
            %max3A_643 = arith.maximumf %bitcast3A_641, %bitcast3A_642 : vector<32xbf16>
            %bitcast3A_644 = vector.bitcast %max3A_643 : vector<32xbf16> to vector<16xi32>
            %bitcast3A_645 = vector.bitcast %gather3A_607 : vector<16xi32> to vector<32xbf16>
            %bitcast3A_646 = vector.bitcast %get3A_616 : vector<16xi32> to vector<32xbf16>
            %max3A_647 = arith.maximumf %bitcast3A_645, %bitcast3A_646 : vector<32xbf16>
            %bitcast3A_648 = vector.bitcast %max3A_647 : vector<32xbf16> to vector<16xi32>
            %add3A_649 = arith.constant 0 : i32
            %add3A_650 = vector.broadcast %add3A_649 : i32 to vector<16xi32>
            %add3A_651 = arith.addi %iota3A, %add3A_650 : vector<16xi32>
            tpu.vector_store_idx %arg5[%gather3A_512, %add3A_651], %bitcast3A_620 : memref<321x128xi32, #tpu.memory_space<vmem>>[vector<16xi32>, vector<16xi32>], vector<16xi32>,
            %add3A_652 = arith.constant 16 : i32
            %add3A_653 = vector.broadcast %add3A_652 : i32 to vector<16xi32>
            %add3A_654 = arith.addi %iota3A, %add3A_653 : vector<16xi32>
            tpu.vector_store_idx %arg5[%gather3A_512, %add3A_654], %bitcast3A_624 : memref<321x128xi32, #tpu.memory_space<vmem>>[vector<16xi32>, vector<16xi32>], vector<16xi32>,
            %add3A_655 = arith.constant 32 : i32
            %add3A_656 = vector.broadcast %add3A_655 : i32 to vector<16xi32>
            %add3A_657 = arith.addi %iota3A, %add3A_656 : vector<16xi32>
            tpu.vector_store_idx %arg5[%gather3A_512, %add3A_657], %bitcast3A_628 : memref<321x128xi32, #tpu.memory_space<vmem>>[vector<16xi32>, vector<16xi32>], vector<16xi32>,
            %add3A_658 = arith.constant 48 : i32
            %add3A_659 = vector.broadcast %add3A_658 : i32 to vector<16xi32>
            %add3A_660 = arith.addi %iota3A, %add3A_659 : vector<16xi32>
            tpu.vector_store_idx %arg5[%gather3A_512, %add3A_660], %bitcast3A_632 : memref<321x128xi32, #tpu.memory_space<vmem>>[vector<16xi32>, vector<16xi32>], vector<16xi32>,
            %add3A_661 = arith.constant 64 : i32
            %add3A_662 = vector.broadcast %add3A_661 : i32 to vector<16xi32>
            %add3A_663 = arith.addi %iota3A, %add3A_662 : vector<16xi32>
            tpu.vector_store_idx %arg5[%gather3A_512, %add3A_663], %bitcast3A_636 : memref<321x128xi32, #tpu.memory_space<vmem>>[vector<16xi32>, vector<16xi32>], vector<16xi32>,
            %add3A_664 = arith.constant 80 : i32
            %add3A_665 = vector.broadcast %add3A_664 : i32 to vector<16xi32>
            %add3A_666 = arith.addi %iota3A, %add3A_665 : vector<16xi32>
            tpu.vector_store_idx %arg5[%gather3A_512, %add3A_666], %bitcast3A_640 : memref<321x128xi32, #tpu.memory_space<vmem>>[vector<16xi32>, vector<16xi32>], vector<16xi32>,
            %add3A_667 = arith.constant 96 : i32
            %add3A_668 = vector.broadcast %add3A_667 : i32 to vector<16xi32>
            %add3A_669 = arith.addi %iota3A, %add3A_668 : vector<16xi32>
            tpu.vector_store_idx %arg5[%gather3A_512, %add3A_669], %bitcast3A_644 : memref<321x128xi32, #tpu.memory_space<vmem>>[vector<16xi32>, vector<16xi32>], vector<16xi32>,
            %add3A_670 = arith.constant 112 : i32
            %add3A_671 = vector.broadcast %add3A_670 : i32 to vector<16xi32>
            %add3A_672 = arith.addi %iota3A, %add3A_671 : vector<16xi32>
            tpu.vector_store_idx %arg5[%gather3A_512, %add3A_672], %bitcast3A_648 : memref<321x128xi32, #tpu.memory_space<vmem>>[vector<16xi32>, vector<16xi32>], vector<16xi32>,
          }
          %scan3A_329 = arith.constant 16 : i32
        }
        %scan3A_298 = arith.constant 2 : i32
        %add3A_299 = arith.constant 1 : i32
        %add3A_300 = arith.addi %add3A_258, %add3A_299 : i32
        %lt3A_301 = arith.cmpi slt, %max3A, %add3A_238 : i32
        %sub3A_302 = arith.subi %max3A, %add3A_300 : i32
        %lt3A_303 = arith.constant 8 : i32
        %lt3A_304 = arith.cmpi slt, %sub3A_302, %lt3A_303 : i32
        %and3A_305 = arith.andi %lt3A_301, %lt3A_304 : i1
        %convert_element_type3A_306 = arith.extui %and3A_305 : i1 to i32
        %cond3A_307 = arith.constant 0 : i32
        %cond3A_308 = arith.cmpi ne, %convert_element_type3A_306, %cond3A_307 : i32
        scf.if %cond3A_308 {
          %ge3A = arith.cmpi sge, %max3A, %add3A_237 : i32
          %sub3A_311 = arith.constant 1 : i32
          %sub3A_312 = arith.subi %sub3A_311, %select_n3A_123 : i32
          %select_n3A_313 = arith.select %ge3A, %select_n3A_123, %sub3A_312 : i32
          %select_n3A_314 = arith.select %ge3A, %add3A_237, %scan3A_113 : i32
          %sub3A_315 = arith.subi %max3A, %select_n3A_314 : i32
          %jit3A_316 = arith.constant 8 : i32
          %eq3A_317 = arith.constant 0 : i32
          %eq3A_318 = arith.cmpi eq, %jit3A_316, %eq3A_317 : i32
          %jit3A_319 = arith.constant 1 : i32
          %select_n3A_320 = arith.select %eq3A_318, %jit3A_319, %jit3A_316 : i32
          %rem3A_321 = arith.remsi %max3A, %select_n3A_320 : i32
          %ne3A_322 = arith.constant 0 : i32
          %ne3A_323 = arith.cmpi ne, %rem3A_321, %ne3A_322 : i32
          %lt3A_324 = arith.constant 0 : i32
          %lt3A_325 = arith.cmpi slt, %rem3A_321, %lt3A_324 : i32
          %lt3A_326 = arith.constant 0 : i32
          %lt3A_327 = arith.cmpi slt, %select_n3A_320, %lt3A_326 : i32
          %ne3A_328 = arith.xori %lt3A_325, %lt3A_327 : i1
          %and3A_329 = arith.andi %ne3A_328, %ne3A_323 : i1
          %add3A_330 = arith.addi %rem3A_321, %select_n3A_320 : i32
          %select_n3A_331 = arith.select %and3A_329, %add3A_330, %rem3A_321 : i32
          %mul3A_332 = arith.constant 2048 : i32
          %mul3A_333 = arith.muli %select_n3A_313, %mul3A_332 : i32
          %mul3A_334 = arith.constant 32 : i32
          %mul3A_335 = arith.muli %sub3A_315, %mul3A_334 : i32
          %add3A_336 = arith.addi %mul3A_333, %mul3A_335 : i32
          %mul3A_337 = arith.constant 32 : i32
          %mul3A_338 = arith.muli %select_n3A_331, %mul3A_337 : i32
          %dma_start3A_339 = arith.constant 0 : i32
          %dma_start3A_340 = tpu.memref_slice %arg9[%mul3A_338, %dma_start3A_339] : memref<256x128xi32, #tpu.memory_space<vmem>> -> memref<32x128xi32, #tpu.memory_space<vmem>>
          %dma_start3A_341 = tpu.memref_slice %arg7[%add3A_336] : memref<4096xi32, #tpu.memory_space<vmem>> -> memref<32xi32, #tpu.memory_space<vmem>>
          %dma_start3A_342 = arith.constant 0 : i32
          %dma_start3A_343 = arith.constant 0 : i32
          %dma_start3A_344 = tpu.memref_slice %arg10[%dma_start3A_342, %dma_start3A_343] : memref<3456x128xi32, #tpu.memory_space<vmem_shared>> -> memref<3456x128xi32, #tpu.memory_space<vmem_shared>>
          tpu.enqueue_indirect_dma source(%dma_start3A_344 : memref<3456x128xi32, #tpu.memory_space<vmem_shared>>) target(%dma_start3A_340 : memref<32x128xi32, #tpu.memory_space<vmem>>) offsets(%dma_start3A_341 : memref<32xi32, #tpu.memory_space<vmem>>) semaphore(%arg12 : memref<!tpu.dma_semaphore, #tpu.memory_space<semaphore_mem>>)
        } else {
        }
        %convert_element_type3A_309 = arith.extui %and3A_305 : i1 to i32
        %add3A_310 = arith.addi %max3A, %convert_element_type3A_309 : i32
        scf.yield %add3A_300, %add3A_310 : i32, i32
      }
      scf.yield %while3A_254#0, %while3A_254#1, %add3A_237, %select_n3A_236 : i32, i32, i32, i32
    }
    %scan3A_34 = arith.constant 81 : i32
    %barrier3A_35 = arith.constant 0 : index
    tpu.barrier barrier_id(%barrier3A_35)
    %mul3A_36 = arith.constant 216 : i32
    %mul3A_37 = arith.muli %arg1, %mul3A_36 : i32
    %add3A_38 = arith.constant 3456 : i32
    %add3A_39 = arith.addi %add3A_38, %mul3A_37 : i32
    %mul3A_40 = arith.constant 216 : i32
    %mul3A_41 = arith.muli %arg1, %mul3A_40 : i32
    %dma_start3A_42 = arith.constant 0 : i32
    %dma_start3A_43 = tpu.memref_slice %arg10[%mul3A_41, %dma_start3A_42] : memref<3456x128xi32, #tpu.memory_space<vmem_shared>> -> memref<216x128xi32, #tpu.memory_space<vmem_shared>>
    %dma_start3A_44 = arith.constant 0 : i32
    %dma_start3A_45 = tpu.memref_slice %arg2[%add3A_39, %dma_start3A_44] : memref<10240x128xi32, #tpu.memory_space<hbm>> -> memref<216x128xi32, #tpu.memory_space<hbm>>
    tpu.enqueue_dma source(%dma_start3A_45 : memref<216x128xi32, #tpu.memory_space<hbm>>) target(%dma_start3A_43 : memref<216x128xi32, #tpu.memory_space<vmem_shared>>) target_semaphore(%arg13 : memref<!tpu.dma_semaphore, #tpu.memory_space<semaphore_mem>>)
    %mul3A_46 = arith.constant 216 : i32
    %mul3A_47 = arith.muli %arg1, %mul3A_46 : i32
    %dma_wait3A_48 = arith.constant 0 : i32
    %dma_wait3A_49 = tpu.memref_slice %arg10[%mul3A_47, %dma_wait3A_48] : memref<3456x128xi32, #tpu.memory_space<vmem_shared>> -> memref<216x128xi32, #tpu.memory_space<vmem_shared>>
    %dma_wait3A_50 = arith.constant 0 : i32
    %dma_wait3A_51 = arith.constant 0 : i32
    %dma_wait3A_52 = tpu.memref_slice %arg2[%dma_wait3A_50, %dma_wait3A_51] : memref<10240x128xi32, #tpu.memory_space<hbm>> -> memref<216x128xi32, #tpu.memory_space<hbm>>
    tpu.wait_dma2 semaphore(%arg13 : memref<!tpu.dma_semaphore, #tpu.memory_space<semaphore_mem>>) src(%dma_wait3A_52 : memref<216x128xi32, #tpu.memory_space<hbm>>) dst(%dma_wait3A_49 : memref<216x128xi32, #tpu.memory_space<vmem_shared>>)
    %barrier3A_53 = arith.constant 0 : index
    tpu.barrier barrier_id(%barrier3A_53)
    %dma_start3A_54 = arith.constant 0 : i32
    %dma_start3A_55 = tpu.memref_slice %arg6[%dma_start3A_54] : memref<4000xi32, #tpu.memory_space<vmem>> -> memref<2000xi32, #tpu.memory_space<vmem>>
    %dma_start3A_56 = arith.constant 0 : i32
    %dma_start3A_57 = tpu.memref_slice %arg3[%dma_start3A_56] : memref<162000xi32, #tpu.memory_space<hbm>> -> memref<2000xi32, #tpu.memory_space<hbm>>
    %dma_start3A_58 = arith.constant 0 : i32
    %dma_start3A_59 = tpu.memref_slice %arg6[%dma_start3A_58] : memref<4000xi32, #tpu.memory_space<vmem>> -> memref<2000xi32, #tpu.memory_space<vmem>>
    %dma_start3A_60 = arith.constant 0 : i32
    %dma_start3A_61 = tpu.memref_slice %arg3[%dma_start3A_60] : memref<162000xi32, #tpu.memory_space<hbm>> -> memref<2000xi32, #tpu.memory_space<hbm>>
    tpu.enqueue_dma source(%dma_start3A_61 : memref<2000xi32, #tpu.memory_space<hbm>>) target(%dma_start3A_59 : memref<2000xi32, #tpu.memory_space<vmem>>) target_semaphore(%arg11 : memref<!tpu.dma_semaphore, #tpu.memory_space<semaphore_mem>>)
    %scan3A_62 = arith.constant 0 : i32
    %scan3A_63 = arith.constant 0 : i32
    %scan3A_64 = arith.constant 0 : i32
    %scan3A_65 = arith.constant 0 : i32
    %scan3A_66 = arith.constant 0 : i32
    %scan3A_67 = arith.constant 81 : i32
    %scan3A_68 = arith.addi %scan3A_66, %scan3A_67 : i32
    %scan3A_69 = arith.constant 1 : i32
    %scan3A_70:4 = scf.for %scan3A_110 = %scan3A_66 to %scan3A_68 step %scan3A_69 iter_args(%scan3A_111 = %scan3A_62, %scan3A_112 = %scan3A_63, %scan3A_113 = %scan3A_64, %scan3A_114 = %scan3A_65) -> (i32, i32, i32, i32)  : i32 {
      %jit3A = arith.constant 2 : i32
      %eq3A = arith.constant 0 : i32
      %eq3A_115 = arith.cmpi eq, %jit3A, %eq3A : i32
      %jit3A_116 = arith.constant 1 : i32
      %select_n3A = arith.select %eq3A_115, %jit3A_116, %jit3A : i32
      %rem3A = arith.remsi %scan3A_110, %select_n3A : i32
      %ne3A = arith.constant 0 : i32
      %ne3A_117 = arith.cmpi ne, %rem3A, %ne3A : i32
      %lt3A = arith.constant 0 : i32
      %lt3A_118 = arith.cmpi slt, %rem3A, %lt3A : i32
      %lt3A_119 = arith.constant 0 : i32
      %lt3A_120 = arith.cmpi slt, %select_n3A, %lt3A_119 : i32
      %ne3A_121 = arith.xori %lt3A_118, %lt3A_120 : i1
      %and3A = arith.andi %ne3A_121, %ne3A_117 : i1
      %add3A_122 = arith.addi %rem3A, %select_n3A : i32
      %select_n3A_123 = arith.select %and3A, %add3A_122, %rem3A : i32
      %mul3A_124 = arith.constant 2000 : i32
      %mul3A_125 = arith.muli %select_n3A_123, %mul3A_124 : i32
      %dma_wait3A_126 = tpu.memref_slice %arg6[%mul3A_125] : memref<4000xi32, #tpu.memory_space<vmem>> -> memref<2000xi32, #tpu.memory_space<vmem>>
      %dma_wait3A_127 = arith.constant 0 : i32
      %dma_wait3A_128 = tpu.memref_slice %arg3[%dma_wait3A_127] : memref<162000xi32, #tpu.memory_space<hbm>> -> memref<2000xi32, #tpu.memory_space<hbm>>
      %dma_wait3A_129 = tpu.memref_slice %arg6[%mul3A_125] : memref<4000xi32, #tpu.memory_space<vmem>> -> memref<2000xi32, #tpu.memory_space<vmem>>
      %dma_wait3A_130 = arith.constant 0 : i32
      %dma_wait3A_131 = tpu.memref_slice %arg3[%dma_wait3A_130] : memref<162000xi32, #tpu.memory_space<hbm>> -> memref<2000xi32, #tpu.memory_space<hbm>>
      tpu.wait_dma2 semaphore(%arg11 : memref<!tpu.dma_semaphore, #tpu.memory_space<semaphore_mem>>) src(%dma_wait3A_131 : memref<2000xi32, #tpu.memory_space<hbm>>) dst(%dma_wait3A_129 : memref<2000xi32, #tpu.memory_space<vmem>>)
      %add3A_132 = arith.constant 1 : i32
      %add3A_133 = arith.addi %scan3A_110, %add3A_132 : i32
      %lt3A_134 = arith.constant 81 : i32
      %lt3A_135 = arith.cmpi slt, %add3A_133, %lt3A_134 : i32
      %convert_element_type3A = arith.extui %lt3A_135 : i1 to i32
      %cond3A = arith.constant 0 : i32
      %cond3A_136 = arith.cmpi ne, %convert_element_type3A, %cond3A : i32
      scf.if %cond3A_136 {
        %add3A_255 = arith.constant 1 : i32
        %add3A_256 = arith.addi %scan3A_110, %add3A_255 : i32
        %jit3A_257 = arith.constant 2 : i32
        %eq3A_258 = arith.constant 0 : i32
        %eq3A_259 = arith.cmpi eq, %jit3A_257, %eq3A_258 : i32
        %jit3A_260 = arith.constant 1 : i32
        %select_n3A_261 = arith.select %eq3A_259, %jit3A_260, %jit3A_257 : i32
        %rem3A_262 = arith.remsi %add3A_256, %select_n3A_261 : i32
        %ne3A_263 = arith.constant 0 : i32
        %ne3A_264 = arith.cmpi ne, %rem3A_262, %ne3A_263 : i32
        %lt3A_265 = arith.constant 0 : i32
        %lt3A_266 = arith.cmpi slt, %rem3A_262, %lt3A_265 : i32
        %lt3A_267 = arith.constant 0 : i32
        %lt3A_268 = arith.cmpi slt, %select_n3A_261, %lt3A_267 : i32
        %ne3A_269 = arith.xori %lt3A_266, %lt3A_268 : i1
        %and3A_270 = arith.andi %ne3A_269, %ne3A_264 : i1
        %add3A_271 = arith.addi %rem3A_262, %select_n3A_261 : i32
        %select_n3A_272 = arith.select %and3A_270, %add3A_271, %rem3A_262 : i32
        %mul3A_273 = arith.constant 2000 : i32
        %mul3A_274 = arith.muli %add3A_256, %mul3A_273 : i32
        %mul3A_275 = arith.constant 2000 : i32
        %mul3A_276 = arith.muli %select_n3A_272, %mul3A_275 : i32
        %dma_start3A_277 = tpu.memref_slice %arg6[%mul3A_276] : memref<4000xi32, #tpu.memory_space<vmem>> -> memref<2000xi32, #tpu.memory_space<vmem>>
        %dma_start3A_278 = tpu.memref_slice %arg3[%mul3A_274] : memref<162000xi32, #tpu.memory_space<hbm>> -> memref<2000xi32, #tpu.memory_space<hbm>>
        %dma_start3A_279 = tpu.memref_slice %arg6[%mul3A_276] : memref<4000xi32, #tpu.memory_space<vmem>> -> memref<2000xi32, #tpu.memory_space<vmem>>
        %dma_start3A_280 = tpu.memref_slice %arg3[%mul3A_274] : memref<162000xi32, #tpu.memory_space<hbm>> -> memref<2000xi32, #tpu.memory_space<hbm>>
        tpu.enqueue_dma source(%dma_start3A_280 : memref<2000xi32, #tpu.memory_space<hbm>>) target(%dma_start3A_279 : memref<2000xi32, #tpu.memory_space<vmem>>) target_semaphore(%arg11 : memref<!tpu.dma_semaphore, #tpu.memory_space<semaphore_mem>>)
      } else {
      }
      %scan3A_137 = arith.constant 0 : i32
      %scan3A_138 = arith.constant 0 : i32
      %scan3A_139 = arith.constant 124 : i32
      %scan3A_140 = arith.addi %scan3A_138, %scan3A_139 : i32
      %scan3A_141 = arith.constant 4 : i32
      %scan3A_142 = scf.for %scan3A_255 = %scan3A_138 to %scan3A_140 step %scan3A_141 iter_args(%scan3A_256 = %scan3A_137) -> (i32)  : i32 {
        %mul3A_257 = arith.constant 2000 : i32
        %mul3A_258 = arith.muli %select_n3A_123, %mul3A_257 : i32
        %mul3A_259 = arith.constant 16 : i32
        %mul3A_260 = arith.muli %scan3A_255, %mul3A_259 : i32
        %add3A_261 = arith.addi %mul3A_258, %mul3A_260 : i32
        %get3A_262 = arith.index_cast %add3A_261 : i32 to index
        %get3A_263 = tpu.vector_load %arg6[%get3A_262] {strides = array<i32>} : memref<4000xi32, #tpu.memory_space<vmem>>, vector<16xi32>,
        %shift_right_logical3A_264 = arith.constant 16 : i32
        %shift_right_logical3A_265 = vector.broadcast %shift_right_logical3A_264 : i32 to vector<16xi32>
        %shift_right_logical3A_266 = arith.shrui %get3A_263, %shift_right_logical3A_265 : vector<16xi32>
        %and3A_267 = arith.constant 65535 : i32
        %and3A_268 = vector.broadcast %and3A_267 : i32 to vector<16xi32>
        %and3A_269 = arith.andi %get3A_263, %and3A_268 : vector<16xi32>
        %sub3A_270 = arith.constant 3456 : i32
        %sub3A_271 = vector.broadcast %sub3A_270 : i32 to vector<16xi32>
        %sub3A_272 = arith.subi %and3A_269, %sub3A_271 : vector<16xi32>
        %sub3A_273 = vector.broadcast %mul3A_2 : i32 to vector<16xi32>
        %sub3A_274 = arith.subi %shift_right_logical3A_266, %sub3A_273 : vector<16xi32>
        %lt3A_275 = arith.constant 320 : i32
        %lt3A_276 = vector.broadcast %lt3A_275 : i32 to vector<16xi32>
        %lt3A_277 = arith.cmpi ult, %sub3A_274, %lt3A_276 : vector<16xi32>
        %lt3A_278 = arith.constant 3456 : i32
        %lt3A_279 = vector.broadcast %lt3A_278 : i32 to vector<16xi32>
        %lt3A_280 = arith.cmpi ult, %sub3A_272, %lt3A_279 : vector<16xi32>
        %and3A_281 = arith.andi %lt3A_277, %lt3A_280 : vector<16xi1>
        %mul3A_282 = arith.constant 2048 : i32
        %mul3A_283 = arith.muli %select_n3A_123, %mul3A_282 : i32
        %add3A_284 = arith.addi %mul3A_283, %scan3A_256 : i32
        %swap3A_285 = arith.index_cast %add3A_284 : i32 to index
        %swap3A_286 = tpu.vector_load %arg7[%swap3A_285] masked %and3A_281 {strides = array<i32>} : memref<4096xi32, #tpu.memory_space<vmem>>, vector<16xi32>, vector<16xi1>
        tpu.vector_store %arg7[%swap3A_285], %sub3A_272 masked %and3A_281 {strides = array<i32>} : memref<4096xi32, #tpu.memory_space<vmem>>, vector<16xi32>, vector<16xi1>
        %mul3A_287 = arith.constant 2048 : i32
        %mul3A_288 = arith.muli %select_n3A_123, %mul3A_287 : i32
        %add3A_289 = arith.addi %mul3A_288, %scan3A_256 : i32
        %sub3A_290 = vector.broadcast %mul3A_2 : i32 to vector<16xi32>
        %sub3A_291 = arith.subi %shift_right_logical3A_266, %sub3A_290 : vector<16xi32>
        %swap3A_292 = arith.index_cast %add3A_289 : i32 to index
        %swap3A_293 = tpu.vector_load %arg8[%swap3A_292] masked %and3A_281 {strides = array<i32>} : memref<4096xi32, #tpu.memory_space<vmem>>, vector<16xi32>, vector<16xi1>
        tpu.vector_store %arg8[%swap3A_292], %sub3A_291 masked %and3A_281 {strides = array<i32>} : memref<4096xi32, #tpu.memory_space<vmem>>, vector<16xi32>, vector<16xi1>
        %all_reduce_population_count3A_294 = tpu.all_reduce %and3A_281 {dim = 0 : i64, kind = #tpu.reduction_kind<sum>} : vector<16xi1> -> vector<16xi32>
        %slice3A_295 = vector.extract_strided_slice %all_reduce_population_count3A_294 {offsets = [0], sizes = [1], strides = [1]} : vector<16xi32> to vector<1xi32>
        %squeeze3A_296 = vector.extract %slice3A_295[0] : i32 from vector<1xi32>
        %add3A_297 = arith.addi %scan3A_256, %squeeze3A_296 : i32
        %scan3A_298 = arith.constant 1 : i32
        %scan3A_299 = arith.addi %scan3A_255, %scan3A_298 : i32
        %mul3A_300 = arith.constant 2000 : i32
        %mul3A_301 = arith.muli %select_n3A_123, %mul3A_300 : i32
        %mul3A_302 = arith.constant 16 : i32
        %mul3A_303 = arith.muli %scan3A_299, %mul3A_302 : i32
        %add3A_304 = arith.addi %mul3A_301, %mul3A_303 : i32
        %get3A_305 = arith.index_cast %add3A_304 : i32 to index
        %get3A_306 = tpu.vector_load %arg6[%get3A_305] {strides = array<i32>} : memref<4000xi32, #tpu.memory_space<vmem>>, vector<16xi32>,
        %shift_right_logical3A_307 = arith.constant 16 : i32
        %shift_right_logical3A_308 = vector.broadcast %shift_right_logical3A_307 : i32 to vector<16xi32>
        %shift_right_logical3A_309 = arith.shrui %get3A_306, %shift_right_logical3A_308 : vector<16xi32>
        %and3A_310 = arith.constant 65535 : i32
        %and3A_311 = vector.broadcast %and3A_310 : i32 to vector<16xi32>
        %and3A_312 = arith.andi %get3A_306, %and3A_311 : vector<16xi32>
        %sub3A_313 = arith.constant 3456 : i32
        %sub3A_314 = vector.broadcast %sub3A_313 : i32 to vector<16xi32>
        %sub3A_315 = arith.subi %and3A_312, %sub3A_314 : vector<16xi32>
        %sub3A_316 = vector.broadcast %mul3A_2 : i32 to vector<16xi32>
        %sub3A_317 = arith.subi %shift_right_logical3A_309, %sub3A_316 : vector<16xi32>
        %lt3A_318 = arith.constant 320 : i32
        %lt3A_319 = vector.broadcast %lt3A_318 : i32 to vector<16xi32>
        %lt3A_320 = arith.cmpi ult, %sub3A_317, %lt3A_319 : vector<16xi32>
        %lt3A_321 = arith.constant 3456 : i32
        %lt3A_322 = vector.broadcast %lt3A_321 : i32 to vector<16xi32>
        %lt3A_323 = arith.cmpi ult, %sub3A_315, %lt3A_322 : vector<16xi32>
        %and3A_324 = arith.andi %lt3A_320, %lt3A_323 : vector<16xi1>
        %mul3A_325 = arith.constant 2048 : i32
        %mul3A_326 = arith.muli %select_n3A_123, %mul3A_325 : i32
        %add3A_327 = arith.addi %mul3A_326, %add3A_297 : i32
        %swap3A_328 = arith.index_cast %add3A_327 : i32 to index
        %swap3A_329 = tpu.vector_load %arg7[%swap3A_328] masked %and3A_324 {strides = array<i32>} : memref<4096xi32, #tpu.memory_space<vmem>>, vector<16xi32>, vector<16xi1>
        tpu.vector_store %arg7[%swap3A_328], %sub3A_315 masked %and3A_324 {strides = array<i32>} : memref<4096xi32, #tpu.memory_space<vmem>>, vector<16xi32>, vector<16xi1>
        %mul3A_330 = arith.constant 2048 : i32
        %mul3A_331 = arith.muli %select_n3A_123, %mul3A_330 : i32
        %add3A_332 = arith.addi %mul3A_331, %add3A_297 : i32
        %sub3A_333 = vector.broadcast %mul3A_2 : i32 to vector<16xi32>
        %sub3A_334 = arith.subi %shift_right_logical3A_309, %sub3A_333 : vector<16xi32>
        %swap3A_335 = arith.index_cast %add3A_332 : i32 to index
        %swap3A_336 = tpu.vector_load %arg8[%swap3A_335] masked %and3A_324 {strides = array<i32>} : memref<4096xi32, #tpu.memory_space<vmem>>, vector<16xi32>, vector<16xi1>
        tpu.vector_store %arg8[%swap3A_335], %sub3A_334 masked %and3A_324 {strides = array<i32>} : memref<4096xi32, #tpu.memory_space<vmem>>, vector<16xi32>, vector<16xi1>
        %all_reduce_population_count3A_337 = tpu.all_reduce %and3A_324 {dim = 0 : i64, kind = #tpu.reduction_kind<sum>} : vector<16xi1> -> vector<16xi32>
        %slice3A_338 = vector.extract_strided_slice %all_reduce_population_count3A_337 {offsets = [0], sizes = [1], strides = [1]} : vector<16xi32> to vector<1xi32>
        %squeeze3A_339 = vector.extract %slice3A_338[0] : i32 from vector<1xi32>
        %add3A_340 = arith.addi %add3A_297, %squeeze3A_339 : i32
        %scan3A_341 = arith.constant 2 : i32
        %scan3A_342 = arith.addi %scan3A_255, %scan3A_341 : i32
        %mul3A_343 = arith.constant 2000 : i32
        %mul3A_344 = arith.muli %select_n3A_123, %mul3A_343 : i32
        %mul3A_345 = arith.constant 16 : i32
        %mul3A_346 = arith.muli %scan3A_342, %mul3A_345 : i32
        %add3A_347 = arith.addi %mul3A_344, %mul3A_346 : i32
        %get3A_348 = arith.index_cast %add3A_347 : i32 to index
        %get3A_349 = tpu.vector_load %arg6[%get3A_348] {strides = array<i32>} : memref<4000xi32, #tpu.memory_space<vmem>>, vector<16xi32>,
        %shift_right_logical3A_350 = arith.constant 16 : i32
        %shift_right_logical3A_351 = vector.broadcast %shift_right_logical3A_350 : i32 to vector<16xi32>
        %shift_right_logical3A_352 = arith.shrui %get3A_349, %shift_right_logical3A_351 : vector<16xi32>
        %and3A_353 = arith.constant 65535 : i32
        %and3A_354 = vector.broadcast %and3A_353 : i32 to vector<16xi32>
        %and3A_355 = arith.andi %get3A_349, %and3A_354 : vector<16xi32>
        %sub3A_356 = arith.constant 3456 : i32
        %sub3A_357 = vector.broadcast %sub3A_356 : i32 to vector<16xi32>
        %sub3A_358 = arith.subi %and3A_355, %sub3A_357 : vector<16xi32>
        %sub3A_359 = vector.broadcast %mul3A_2 : i32 to vector<16xi32>
        %sub3A_360 = arith.subi %shift_right_logical3A_352, %sub3A_359 : vector<16xi32>
        %lt3A_361 = arith.constant 320 : i32
        %lt3A_362 = vector.broadcast %lt3A_361 : i32 to vector<16xi32>
        %lt3A_363 = arith.cmpi ult, %sub3A_360, %lt3A_362 : vector<16xi32>
        %lt3A_364 = arith.constant 3456 : i32
        %lt3A_365 = vector.broadcast %lt3A_364 : i32 to vector<16xi32>
        %lt3A_366 = arith.cmpi ult, %sub3A_358, %lt3A_365 : vector<16xi32>
        %and3A_367 = arith.andi %lt3A_363, %lt3A_366 : vector<16xi1>
        %mul3A_368 = arith.constant 2048 : i32
        %mul3A_369 = arith.muli %select_n3A_123, %mul3A_368 : i32
        %add3A_370 = arith.addi %mul3A_369, %add3A_340 : i32
        %swap3A_371 = arith.index_cast %add3A_370 : i32 to index
        %swap3A_372 = tpu.vector_load %arg7[%swap3A_371] masked %and3A_367 {strides = array<i32>} : memref<4096xi32, #tpu.memory_space<vmem>>, vector<16xi32>, vector<16xi1>
        tpu.vector_store %arg7[%swap3A_371], %sub3A_358 masked %and3A_367 {strides = array<i32>} : memref<4096xi32, #tpu.memory_space<vmem>>, vector<16xi32>, vector<16xi1>
        %mul3A_373 = arith.constant 2048 : i32
        %mul3A_374 = arith.muli %select_n3A_123, %mul3A_373 : i32
        %add3A_375 = arith.addi %mul3A_374, %add3A_340 : i32
        %sub3A_376 = vector.broadcast %mul3A_2 : i32 to vector<16xi32>
        %sub3A_377 = arith.subi %shift_right_logical3A_352, %sub3A_376 : vector<16xi32>
        %swap3A_378 = arith.index_cast %add3A_375 : i32 to index
        %swap3A_379 = tpu.vector_load %arg8[%swap3A_378] masked %and3A_367 {strides = array<i32>} : memref<4096xi32, #tpu.memory_space<vmem>>, vector<16xi32>, vector<16xi1>
        tpu.vector_store %arg8[%swap3A_378], %sub3A_377 masked %and3A_367 {strides = array<i32>} : memref<4096xi32, #tpu.memory_space<vmem>>, vector<16xi32>, vector<16xi1>
        %all_reduce_population_count3A_380 = tpu.all_reduce %and3A_367 {dim = 0 : i64, kind = #tpu.reduction_kind<sum>} : vector<16xi1> -> vector<16xi32>
        %slice3A_381 = vector.extract_strided_slice %all_reduce_population_count3A_380 {offsets = [0], sizes = [1], strides = [1]} : vector<16xi32> to vector<1xi32>
        %squeeze3A_382 = vector.extract %slice3A_381[0] : i32 from vector<1xi32>
        %add3A_383 = arith.addi %add3A_340, %squeeze3A_382 : i32
        %scan3A_384 = arith.constant 3 : i32
        %scan3A_385 = arith.addi %scan3A_255, %scan3A_384 : i32
        %mul3A_386 = arith.constant 2000 : i32
        %mul3A_387 = arith.muli %select_n3A_123, %mul3A_386 : i32
        %mul3A_388 = arith.constant 16 : i32
        %mul3A_389 = arith.muli %scan3A_385, %mul3A_388 : i32
        %add3A_390 = arith.addi %mul3A_387, %mul3A_389 : i32
        %get3A_391 = arith.index_cast %add3A_390 : i32 to index
        %get3A_392 = tpu.vector_load %arg6[%get3A_391] {strides = array<i32>} : memref<4000xi32, #tpu.memory_space<vmem>>, vector<16xi32>,
        %shift_right_logical3A_393 = arith.constant 16 : i32
        %shift_right_logical3A_394 = vector.broadcast %shift_right_logical3A_393 : i32 to vector<16xi32>
        %shift_right_logical3A_395 = arith.shrui %get3A_392, %shift_right_logical3A_394 : vector<16xi32>
        %and3A_396 = arith.constant 65535 : i32
        %and3A_397 = vector.broadcast %and3A_396 : i32 to vector<16xi32>
        %and3A_398 = arith.andi %get3A_392, %and3A_397 : vector<16xi32>
        %sub3A_399 = arith.constant 3456 : i32
        %sub3A_400 = vector.broadcast %sub3A_399 : i32 to vector<16xi32>
        %sub3A_401 = arith.subi %and3A_398, %sub3A_400 : vector<16xi32>
        %sub3A_402 = vector.broadcast %mul3A_2 : i32 to vector<16xi32>
        %sub3A_403 = arith.subi %shift_right_logical3A_395, %sub3A_402 : vector<16xi32>
        %lt3A_404 = arith.constant 320 : i32
        %lt3A_405 = vector.broadcast %lt3A_404 : i32 to vector<16xi32>
        %lt3A_406 = arith.cmpi ult, %sub3A_403, %lt3A_405 : vector<16xi32>
        %lt3A_407 = arith.constant 3456 : i32
        %lt3A_408 = vector.broadcast %lt3A_407 : i32 to vector<16xi32>
        %lt3A_409 = arith.cmpi ult, %sub3A_401, %lt3A_408 : vector<16xi32>
        %and3A_410 = arith.andi %lt3A_406, %lt3A_409 : vector<16xi1>
        %mul3A_411 = arith.constant 2048 : i32
        %mul3A_412 = arith.muli %select_n3A_123, %mul3A_411 : i32
        %add3A_413 = arith.addi %mul3A_412, %add3A_383 : i32
        %swap3A_414 = arith.index_cast %add3A_413 : i32 to index
        %swap3A_415 = tpu.vector_load %arg7[%swap3A_414] masked %and3A_410 {strides = array<i32>} : memref<4096xi32, #tpu.memory_space<vmem>>, vector<16xi32>, vector<16xi1>
        tpu.vector_store %arg7[%swap3A_414], %sub3A_401 masked %and3A_410 {strides = array<i32>} : memref<4096xi32, #tpu.memory_space<vmem>>, vector<16xi32>, vector<16xi1>
        %mul3A_416 = arith.constant 2048 : i32
        %mul3A_417 = arith.muli %select_n3A_123, %mul3A_416 : i32
        %add3A_418 = arith.addi %mul3A_417, %add3A_383 : i32
        %sub3A_419 = vector.broadcast %mul3A_2 : i32 to vector<16xi32>
        %sub3A_420 = arith.subi %shift_right_logical3A_395, %sub3A_419 : vector<16xi32>
        %swap3A_421 = arith.index_cast %add3A_418 : i32 to index
        %swap3A_422 = tpu.vector_load %arg8[%swap3A_421] masked %and3A_410 {strides = array<i32>} : memref<4096xi32, #tpu.memory_space<vmem>>, vector<16xi32>, vector<16xi1>
        tpu.vector_store %arg8[%swap3A_421], %sub3A_420 masked %and3A_410 {strides = array<i32>} : memref<4096xi32, #tpu.memory_space<vmem>>, vector<16xi32>, vector<16xi1>
        %all_reduce_population_count3A_423 = tpu.all_reduce %and3A_410 {dim = 0 : i64, kind = #tpu.reduction_kind<sum>} : vector<16xi1> -> vector<16xi32>
        %slice3A_424 = vector.extract_strided_slice %all_reduce_population_count3A_423 {offsets = [0], sizes = [1], strides = [1]} : vector<16xi32> to vector<1xi32>
        %squeeze3A_425 = vector.extract %slice3A_424[0] : i32 from vector<1xi32>
        %add3A_426 = arith.addi %add3A_383, %squeeze3A_425 : i32
        scf.yield %add3A_426 : i32
      }
      %scan3A_143 = arith.constant 124 : i32
      %scan3A_144 = arith.addi %scan3A_138, %scan3A_143 : i32
      %mul3A_145 = arith.constant 2000 : i32
      %mul3A_146 = arith.muli %select_n3A_123, %mul3A_145 : i32
      %mul3A_147 = arith.constant 16 : i32
      %mul3A_148 = arith.muli %scan3A_144, %mul3A_147 : i32
      %add3A_149 = arith.addi %mul3A_146, %mul3A_148 : i32
      %get3A = arith.index_cast %add3A_149 : i32 to index
      %get3A_150 = tpu.vector_load %arg6[%get3A] {strides = array<i32>} : memref<4000xi32, #tpu.memory_space<vmem>>, vector<16xi32>,
      %shift_right_logical3A = arith.constant 16 : i32
      %shift_right_logical3A_151 = vector.broadcast %shift_right_logical3A : i32 to vector<16xi32>
      %shift_right_logical3A_152 = arith.shrui %get3A_150, %shift_right_logical3A_151 : vector<16xi32>
      %and3A_153 = arith.constant 65535 : i32
      %and3A_154 = vector.broadcast %and3A_153 : i32 to vector<16xi32>
      %and3A_155 = arith.andi %get3A_150, %and3A_154 : vector<16xi32>
      %sub3A = arith.constant 3456 : i32
      %sub3A_156 = vector.broadcast %sub3A : i32 to vector<16xi32>
      %sub3A_157 = arith.subi %and3A_155, %sub3A_156 : vector<16xi32>
      %sub3A_158 = vector.broadcast %mul3A_2 : i32 to vector<16xi32>
      %sub3A_159 = arith.subi %shift_right_logical3A_152, %sub3A_158 : vector<16xi32>
      %lt3A_160 = arith.constant 320 : i32
      %lt3A_161 = vector.broadcast %lt3A_160 : i32 to vector<16xi32>
      %lt3A_162 = arith.cmpi ult, %sub3A_159, %lt3A_161 : vector<16xi32>
      %lt3A_163 = arith.constant 3456 : i32
      %lt3A_164 = vector.broadcast %lt3A_163 : i32 to vector<16xi32>
      %lt3A_165 = arith.cmpi ult, %sub3A_157, %lt3A_164 : vector<16xi32>
      %and3A_166 = arith.andi %lt3A_162, %lt3A_165 : vector<16xi1>
      %mul3A_167 = arith.constant 2048 : i32
      %mul3A_168 = arith.muli %select_n3A_123, %mul3A_167 : i32
      %add3A_169 = arith.addi %mul3A_168, %scan3A_142 : i32
      %swap3A = arith.index_cast %add3A_169 : i32 to index
      %swap3A_170 = tpu.vector_load %arg7[%swap3A] masked %and3A_166 {strides = array<i32>} : memref<4096xi32, #tpu.memory_space<vmem>>, vector<16xi32>, vector<16xi1>
      tpu.vector_store %arg7[%swap3A], %sub3A_157 masked %and3A_166 {strides = array<i32>} : memref<4096xi32, #tpu.memory_space<vmem>>, vector<16xi32>, vector<16xi1>
      %mul3A_171 = arith.constant 2048 : i32
      %mul3A_172 = arith.muli %select_n3A_123, %mul3A_171 : i32
      %add3A_173 = arith.addi %mul3A_172, %scan3A_142 : i32
      %sub3A_174 = vector.broadcast %mul3A_2 : i32 to vector<16xi32>
      %sub3A_175 = arith.subi %shift_right_logical3A_152, %sub3A_174 : vector<16xi32>
      %swap3A_176 = arith.index_cast %add3A_173 : i32 to index
      %swap3A_177 = tpu.vector_load %arg8[%swap3A_176] masked %and3A_166 {strides = array<i32>} : memref<4096xi32, #tpu.memory_space<vmem>>, vector<16xi32>, vector<16xi1>
      tpu.vector_store %arg8[%swap3A_176], %sub3A_175 masked %and3A_166 {strides = array<i32>} : memref<4096xi32, #tpu.memory_space<vmem>>, vector<16xi32>, vector<16xi1>
      %all_reduce_population_count3A = tpu.all_reduce %and3A_166 {dim = 0 : i64, kind = #tpu.reduction_kind<sum>} : vector<16xi1> -> vector<16xi32>
      %slice3A = vector.extract_strided_slice %all_reduce_population_count3A {offsets = [0], sizes = [1], strides = [1]} : vector<16xi32> to vector<1xi32>
      %squeeze3A = vector.extract %slice3A[0] : i32 from vector<1xi32>
      %add3A_178 = arith.addi %scan3A_142, %squeeze3A : i32
      %scan3A_179 = arith.constant 125 : i32
      %broadcast_in_dim3A = arith.constant 0 : i32
      %broadcast_in_dim3A_180 = vector.broadcast %broadcast_in_dim3A : i32 to vector<16xi32>
      %mul3A_181 = arith.constant 2048 : i32
      %mul3A_182 = arith.muli %select_n3A_123, %mul3A_181 : i32
      %add3A_183 = arith.addi %mul3A_182, %add3A_178 : i32
      %swap3A_184 = arith.index_cast %add3A_183 : i32 to index
      %swap3A_185 = tpu.vector_load %arg7[%swap3A_184] {strides = array<i32>} : memref<4096xi32, #tpu.memory_space<vmem>>, vector<16xi32>,
      tpu.vector_store %arg7[%swap3A_184], %broadcast_in_dim3A_180 {strides = array<i32>} : memref<4096xi32, #tpu.memory_space<vmem>>, vector<16xi32>,
      %broadcast_in_dim3A_186 = arith.constant 0 : i32
      %broadcast_in_dim3A_187 = vector.broadcast %broadcast_in_dim3A_186 : i32 to vector<16xi32>
      %mul3A_188 = arith.constant 2048 : i32
      %mul3A_189 = arith.muli %select_n3A_123, %mul3A_188 : i32
      %add3A_190 = arith.addi %mul3A_189, %add3A_178 : i32
      %add3A_191 = arith.constant 16 : i32
      %add3A_192 = arith.addi %add3A_190, %add3A_191 : i32
      %swap3A_193 = arith.index_cast %add3A_192 : i32 to index
      %swap3A_194 = tpu.vector_load %arg7[%swap3A_193] {strides = array<i32>} : memref<4096xi32, #tpu.memory_space<vmem>>, vector<16xi32>,
      tpu.vector_store %arg7[%swap3A_193], %broadcast_in_dim3A_187 {strides = array<i32>} : memref<4096xi32, #tpu.memory_space<vmem>>, vector<16xi32>,
      %broadcast_in_dim3A_195 = arith.constant 320 : i32
      %broadcast_in_dim3A_196 = vector.broadcast %broadcast_in_dim3A_195 : i32 to vector<16xi32>
      %mul3A_197 = arith.constant 2048 : i32
      %mul3A_198 = arith.muli %select_n3A_123, %mul3A_197 : i32
      %add3A_199 = arith.addi %mul3A_198, %add3A_178 : i32
      %swap3A_200 = arith.index_cast %add3A_199 : i32 to index
      %swap3A_201 = tpu.vector_load %arg8[%swap3A_200] {strides = array<i32>} : memref<4096xi32, #tpu.memory_space<vmem>>, vector<16xi32>,
      tpu.vector_store %arg8[%swap3A_200], %broadcast_in_dim3A_196 {strides = array<i32>} : memref<4096xi32, #tpu.memory_space<vmem>>, vector<16xi32>,
      %broadcast_in_dim3A_202 = arith.constant 320 : i32
      %broadcast_in_dim3A_203 = vector.broadcast %broadcast_in_dim3A_202 : i32 to vector<16xi32>
      %mul3A_204 = arith.constant 2048 : i32
      %mul3A_205 = arith.muli %select_n3A_123, %mul3A_204 : i32
      %add3A_206 = arith.addi %mul3A_205, %add3A_178 : i32
      %add3A_207 = arith.constant 16 : i32
      %add3A_208 = arith.addi %add3A_206, %add3A_207 : i32
      %swap3A_209 = arith.index_cast %add3A_208 : i32 to index
      %swap3A_210 = tpu.vector_load %arg8[%swap3A_209] {strides = array<i32>} : memref<4096xi32, #tpu.memory_space<vmem>>, vector<16xi32>,
      tpu.vector_store %arg8[%swap3A_209], %broadcast_in_dim3A_203 {strides = array<i32>} : memref<4096xi32, #tpu.memory_space<vmem>>, vector<16xi32>,
      %add3A_211 = arith.constant 32 : i32
      %add3A_212 = arith.addi %add3A_178, %add3A_211 : i32
      %sub3A_213 = arith.constant 1 : i32
      %sub3A_214 = arith.subi %add3A_212, %sub3A_213 : i32
      %jit3A_215 = arith.constant 32 : i32
      %div3A = arith.divsi %sub3A_214, %jit3A_215 : i32
      %sign3A = arith.constant 0 : i32
      %sign3A_216 = arith.cmpi sgt, %sub3A_214, %sign3A : i32
      %sign3A_217 = arith.extui %sign3A_216 : i1 to i32
      %sign3A_218 = arith.constant 0 : i32
      %sign3A_219 = arith.cmpi slt, %sub3A_214, %sign3A_218 : i32
      %sign3A_220 = arith.extui %sign3A_219 : i1 to i32
      %sign3A_221 = arith.subi %sign3A_217, %sign3A_220 : i32
      %sign3A_222 = arith.constant 0 : i32
      %sign3A_223 = arith.cmpi sgt, %jit3A_215, %sign3A_222 : i32
      %sign3A_224 = arith.extui %sign3A_223 : i1 to i32
      %sign3A_225 = arith.constant 0 : i32
      %sign3A_226 = arith.cmpi slt, %jit3A_215, %sign3A_225 : i32
      %sign3A_227 = arith.extui %sign3A_226 : i1 to i32
      %sign3A_228 = arith.subi %sign3A_224, %sign3A_227 : i32
      %ne3A_229 = arith.cmpi ne, %sign3A_221, %sign3A_228 : i32
      %rem3A_230 = arith.remsi %sub3A_214, %jit3A_215 : i32
      %ne3A_231 = arith.constant 0 : i32
      %ne3A_232 = arith.cmpi ne, %rem3A_230, %ne3A_231 : i32
      %and3A_233 = arith.andi %ne3A_229, %ne3A_232 : i1
      %sub3A_234 = arith.constant 1 : i32
      %sub3A_235 = arith.subi %div3A, %sub3A_234 : i32
      %select_n3A_236 = arith.select %and3A_233, %sub3A_235, %div3A : i32
      %add3A_237 = arith.addi %scan3A_113, %scan3A_114 : i32
      %add3A_238 = arith.addi %add3A_237, %select_n3A_236 : i32
      %scan3A_239 = arith.constant 0 : i32
      %scan3A_240 = arith.constant 8 : i32
      %scan3A_241 = arith.addi %scan3A_239, %scan3A_240 : i32
      %scan3A_242 = arith.constant 1 : i32
      %scan3A_243 = scf.for %scan3A_255 = %scan3A_239 to %scan3A_241 step %scan3A_242 iter_args(%scan3A_256 = %scan3A_112) -> (i32)  : i32 {
        %lt3A_257 = arith.cmpi slt, %scan3A_256, %add3A_238 : i32
        %sub3A_258 = arith.subi %scan3A_256, %scan3A_111 : i32
        %lt3A_259 = arith.constant 8 : i32
        %lt3A_260 = arith.cmpi slt, %sub3A_258, %lt3A_259 : i32
        %and3A_261 = arith.andi %lt3A_257, %lt3A_260 : i1
        %convert_element_type3A_262 = arith.extui %and3A_261 : i1 to i32
        %cond3A_263 = arith.constant 0 : i32
        %cond3A_264 = arith.cmpi ne, %convert_element_type3A_262, %cond3A_263 : i32
        scf.if %cond3A_264 {
          %ge3A = arith.cmpi sge, %scan3A_256, %add3A_237 : i32
          %sub3A_267 = arith.constant 1 : i32
          %sub3A_268 = arith.subi %sub3A_267, %select_n3A_123 : i32
          %select_n3A_269 = arith.select %ge3A, %select_n3A_123, %sub3A_268 : i32
          %select_n3A_270 = arith.select %ge3A, %add3A_237, %scan3A_113 : i32
          %sub3A_271 = arith.subi %scan3A_256, %select_n3A_270 : i32
          %jit3A_272 = arith.constant 8 : i32
          %eq3A_273 = arith.constant 0 : i32
          %eq3A_274 = arith.cmpi eq, %jit3A_272, %eq3A_273 : i32
          %jit3A_275 = arith.constant 1 : i32
          %select_n3A_276 = arith.select %eq3A_274, %jit3A_275, %jit3A_272 : i32
          %rem3A_277 = arith.remsi %scan3A_256, %select_n3A_276 : i32
          %ne3A_278 = arith.constant 0 : i32
          %ne3A_279 = arith.cmpi ne, %rem3A_277, %ne3A_278 : i32
          %lt3A_280 = arith.constant 0 : i32
          %lt3A_281 = arith.cmpi slt, %rem3A_277, %lt3A_280 : i32
          %lt3A_282 = arith.constant 0 : i32
          %lt3A_283 = arith.cmpi slt, %select_n3A_276, %lt3A_282 : i32
          %ne3A_284 = arith.xori %lt3A_281, %lt3A_283 : i1
          %and3A_285 = arith.andi %ne3A_284, %ne3A_279 : i1
          %add3A_286 = arith.addi %rem3A_277, %select_n3A_276 : i32
          %select_n3A_287 = arith.select %and3A_285, %add3A_286, %rem3A_277 : i32
          %mul3A_288 = arith.constant 2048 : i32
          %mul3A_289 = arith.muli %select_n3A_269, %mul3A_288 : i32
          %mul3A_290 = arith.constant 32 : i32
          %mul3A_291 = arith.muli %sub3A_271, %mul3A_290 : i32
          %add3A_292 = arith.addi %mul3A_289, %mul3A_291 : i32
          %mul3A_293 = arith.constant 32 : i32
          %mul3A_294 = arith.muli %select_n3A_287, %mul3A_293 : i32
          %dma_start3A_295 = arith.constant 0 : i32
          %dma_start3A_296 = tpu.memref_slice %arg9[%mul3A_294, %dma_start3A_295] : memref<256x128xi32, #tpu.memory_space<vmem>> -> memref<32x128xi32, #tpu.memory_space<vmem>>
          %dma_start3A_297 = tpu.memref_slice %arg7[%add3A_292] : memref<4096xi32, #tpu.memory_space<vmem>> -> memref<32xi32, #tpu.memory_space<vmem>>
          %dma_start3A_298 = arith.constant 0 : i32
          %dma_start3A_299 = arith.constant 0 : i32
          %dma_start3A_300 = tpu.memref_slice %arg10[%dma_start3A_298, %dma_start3A_299] : memref<3456x128xi32, #tpu.memory_space<vmem_shared>> -> memref<3456x128xi32, #tpu.memory_space<vmem_shared>>
          tpu.enqueue_indirect_dma source(%dma_start3A_300 : memref<3456x128xi32, #tpu.memory_space<vmem_shared>>) target(%dma_start3A_296 : memref<32x128xi32, #tpu.memory_space<vmem>>) offsets(%dma_start3A_297 : memref<32xi32, #tpu.memory_space<vmem>>) semaphore(%arg12 : memref<!tpu.dma_semaphore, #tpu.memory_space<semaphore_mem>>)
        } else {
        }
        %convert_element_type3A_265 = arith.extui %and3A_261 : i1 to i32
        %add3A_266 = arith.addi %scan3A_256, %convert_element_type3A_265 : i32
        scf.yield %add3A_266 : i32
      }
      %scan3A_244 = arith.constant 8 : i32
      %while3A = arith.constant 0 : i32
      %while3A_245 = arith.subi %scan3A_114, %while3A : i32
      %while3A_246 = arith.addi %while3A, %while3A_245 : i32
      %while3A_247 = arith.constant 1 : i32
      %while3A_248 = arith.divsi %while3A_245, %while3A_247 : i32
      %while3A_249 = arith.muli %while3A_248, %while3A_247 : i32
      %while3A_250 = arith.addi %while3A, %while3A_249 : i32
      %while3A_251 = arith.constant 1 : i32
      %while3A_252:2 = scf.for %while3A_255 = %while3A to %while3A_250 step %while3A_251 iter_args(%while3A_256 = %scan3A_111, %while3A_257 = %scan3A_243) -> (i32, i32)  : i32 {
        %add3A_258 = arith.addi %scan3A_113, %while3A_255 : i32
        %eq3A_259 = arith.cmpi eq, %while3A_257, %add3A_258 : i32
        %convert_element_type3A_260 = arith.extui %eq3A_259 : i1 to i32
        %cond3A_261 = arith.constant 0 : i32
        %cond3A_262 = arith.cmpi ne, %convert_element_type3A_260, %cond3A_261 : i32
        scf.if %cond3A_262 {
          %ge3A = arith.cmpi sge, %add3A_258, %add3A_237 : i32
          %sub3A_311 = arith.constant 1 : i32
          %sub3A_312 = arith.subi %sub3A_311, %select_n3A_123 : i32
          %select_n3A_313 = arith.select %ge3A, %select_n3A_123, %sub3A_312 : i32
          %select_n3A_314 = arith.select %ge3A, %add3A_237, %scan3A_113 : i32
          %sub3A_315 = arith.subi %add3A_258, %select_n3A_314 : i32
          %jit3A_316 = arith.constant 8 : i32
          %eq3A_317 = arith.constant 0 : i32
          %eq3A_318 = arith.cmpi eq, %jit3A_316, %eq3A_317 : i32
          %jit3A_319 = arith.constant 1 : i32
          %select_n3A_320 = arith.select %eq3A_318, %jit3A_319, %jit3A_316 : i32
          %rem3A_321 = arith.remsi %add3A_258, %select_n3A_320 : i32
          %ne3A_322 = arith.constant 0 : i32
          %ne3A_323 = arith.cmpi ne, %rem3A_321, %ne3A_322 : i32
          %lt3A_324 = arith.constant 0 : i32
          %lt3A_325 = arith.cmpi slt, %rem3A_321, %lt3A_324 : i32
          %lt3A_326 = arith.constant 0 : i32
          %lt3A_327 = arith.cmpi slt, %select_n3A_320, %lt3A_326 : i32
          %ne3A_328 = arith.xori %lt3A_325, %lt3A_327 : i1
          %and3A_329 = arith.andi %ne3A_328, %ne3A_323 : i1
          %add3A_330 = arith.addi %rem3A_321, %select_n3A_320 : i32
          %select_n3A_331 = arith.select %and3A_329, %add3A_330, %rem3A_321 : i32
          %mul3A_332 = arith.constant 2048 : i32
          %mul3A_333 = arith.muli %select_n3A_313, %mul3A_332 : i32
          %mul3A_334 = arith.constant 32 : i32
          %mul3A_335 = arith.muli %sub3A_315, %mul3A_334 : i32
          %add3A_336 = arith.addi %mul3A_333, %mul3A_335 : i32
          %mul3A_337 = arith.constant 32 : i32
          %mul3A_338 = arith.muli %select_n3A_331, %mul3A_337 : i32
          %dma_start3A_339 = arith.constant 0 : i32
          %dma_start3A_340 = tpu.memref_slice %arg9[%mul3A_338, %dma_start3A_339] : memref<256x128xi32, #tpu.memory_space<vmem>> -> memref<32x128xi32, #tpu.memory_space<vmem>>
          %dma_start3A_341 = tpu.memref_slice %arg7[%add3A_336] : memref<4096xi32, #tpu.memory_space<vmem>> -> memref<32xi32, #tpu.memory_space<vmem>>
          %dma_start3A_342 = arith.constant 0 : i32
          %dma_start3A_343 = arith.constant 0 : i32
          %dma_start3A_344 = tpu.memref_slice %arg10[%dma_start3A_342, %dma_start3A_343] : memref<3456x128xi32, #tpu.memory_space<vmem_shared>> -> memref<3456x128xi32, #tpu.memory_space<vmem_shared>>
          tpu.enqueue_indirect_dma source(%dma_start3A_344 : memref<3456x128xi32, #tpu.memory_space<vmem_shared>>) target(%dma_start3A_340 : memref<32x128xi32, #tpu.memory_space<vmem>>) offsets(%dma_start3A_341 : memref<32xi32, #tpu.memory_space<vmem>>) semaphore(%arg12 : memref<!tpu.dma_semaphore, #tpu.memory_space<semaphore_mem>>)
        } else {
        }
        %add3A_263 = arith.constant 1 : i32
        %add3A_264 = arith.addi %add3A_258, %add3A_263 : i32
        %max3A = arith.maxsi %while3A_257, %add3A_264 : i32
        %jit3A_265 = arith.constant 8 : i32
        %eq3A_266 = arith.constant 0 : i32
        %eq3A_267 = arith.cmpi eq, %jit3A_265, %eq3A_266 : i32
        %jit3A_268 = arith.constant 1 : i32
        %select_n3A_269 = arith.select %eq3A_267, %jit3A_268, %jit3A_265 : i32
        %rem3A_270 = arith.remsi %add3A_258, %select_n3A_269 : i32
        %ne3A_271 = arith.constant 0 : i32
        %ne3A_272 = arith.cmpi ne, %rem3A_270, %ne3A_271 : i32
        %lt3A_273 = arith.constant 0 : i32
        %lt3A_274 = arith.cmpi slt, %rem3A_270, %lt3A_273 : i32
        %lt3A_275 = arith.constant 0 : i32
        %lt3A_276 = arith.cmpi slt, %select_n3A_269, %lt3A_275 : i32
        %ne3A_277 = arith.xori %lt3A_274, %lt3A_276 : i1
        %and3A_278 = arith.andi %ne3A_277, %ne3A_272 : i1
        %add3A_279 = arith.addi %rem3A_270, %select_n3A_269 : i32
        %select_n3A_280 = arith.select %and3A_278, %add3A_279, %rem3A_270 : i32
        %mul3A_281 = arith.constant 32 : i32
        %mul3A_282 = arith.muli %select_n3A_280, %mul3A_281 : i32
        %dma_wait3A_283 = arith.constant 0 : i32
        %dma_wait3A_284 = tpu.memref_slice %arg9[%mul3A_282, %dma_wait3A_283] : memref<256x128xi32, #tpu.memory_space<vmem>> -> memref<32x128xi32, #tpu.memory_space<vmem>>
        %dma_wait3A_285 = arith.constant 0 : i32
        %dma_wait3A_286 = arith.constant 0 : i32
        %dma_wait3A_287 = tpu.memref_slice %arg2[%dma_wait3A_285, %dma_wait3A_286] : memref<10240x128xi32, #tpu.memory_space<hbm>> -> memref<32x128xi32, #tpu.memory_space<hbm>>
        %dma_wait3A_288 = arith.constant 0 : i32
        %dma_wait3A_289 = tpu.memref_slice %arg9[%mul3A_282, %dma_wait3A_288] : memref<256x128xi32, #tpu.memory_space<vmem>> -> memref<32x128xi32, #tpu.memory_space<vmem>>
        %dma_wait3A_290 = arith.constant 0 : i32
        %dma_wait3A_291 = arith.constant 0 : i32
        %dma_wait3A_292 = tpu.memref_slice %arg2[%dma_wait3A_290, %dma_wait3A_291] : memref<10240x128xi32, #tpu.memory_space<hbm>> -> memref<32x128xi32, #tpu.memory_space<hbm>>
        tpu.wait_dma2 semaphore(%arg12 : memref<!tpu.dma_semaphore, #tpu.memory_space<semaphore_mem>>) src(%dma_wait3A_292 : memref<32x128xi32, #tpu.memory_space<hbm>>) dst(%dma_wait3A_289 : memref<32x128xi32, #tpu.memory_space<vmem>>)
        %scan3A_293 = arith.constant 0 : i32
        %scan3A_294 = arith.constant 0 : i32
        %scan3A_295 = arith.constant 2 : i32
        %scan3A_296 = arith.addi %scan3A_294, %scan3A_295 : i32
        %scan3A_297 = arith.constant 1 : i32
        scf.for %scan3A_311 = %scan3A_294 to %scan3A_296 step %scan3A_297  : i32 {
          %sub3A_312 = arith.constant 1 : i32
          %sub3A_313 = arith.subi %sub3A_312, %select_n3A_123 : i32
          %mul3A_314 = arith.constant 2048 : i32
          %mul3A_315 = arith.muli %sub3A_313, %mul3A_314 : i32
          %mul3A_316 = arith.constant 32 : i32
          %mul3A_317 = arith.muli %while3A_255, %mul3A_316 : i32
          %add3A_318 = arith.addi %mul3A_315, %mul3A_317 : i32
          %mul3A_319 = arith.constant 16 : i32
          %mul3A_320 = arith.muli %scan3A_311, %mul3A_319 : i32
          %add3A_321 = arith.addi %add3A_318, %mul3A_320 : i32
          %get3A_322 = arith.index_cast %add3A_321 : i32 to index
          %get3A_323 = tpu.vector_load %arg8[%get3A_322] {strides = array<i32>} : memref<4096xi32, #tpu.memory_space<vmem>>, vector<16xi32>,
          %scan3A_324 = arith.constant 0 : i32
          %scan3A_325 = arith.constant 0 : i32
          %scan3A_326 = arith.constant 16 : i32
          %scan3A_327 = arith.addi %scan3A_325, %scan3A_326 : i32
          %scan3A_328 = arith.constant 2 : i32
          scf.for %scan3A_330 = %scan3A_325 to %scan3A_327 step %scan3A_328  : i32 {
            %broadcast_in_dim3A_331 = vector.broadcast %scan3A_330 : i32 to vector<16xi32>
            %lt3A_332 = arith.constant 0 : i32
            %lt3A_333 = vector.broadcast %lt3A_332 : i32 to vector<16xi32>
            %lt3A_334 = arith.cmpi slt, %broadcast_in_dim3A_331, %lt3A_333 : vector<16xi32>
            %add3A_335 = arith.constant 16 : i32
            %add3A_336 = vector.broadcast %add3A_335 : i32 to vector<16xi32>
            %add3A_337 = arith.addi %broadcast_in_dim3A_331, %add3A_336 : vector<16xi32>
            %select_n3A_338 = arith.select %lt3A_334, %add3A_337, %broadcast_in_dim3A_331 : vector<16xi1>, vector<16xi32>
            %broadcast_in_dim3A_339 = vector.shape_cast %select_n3A_338 : vector<16xi32> to vector<16x1xi32>
            %gather3A = vector.shape_cast %broadcast_in_dim3A_339 : vector<16x1xi32> to vector<16xi32>
            %gather3A_340 = tpu.dynamic_gather %get3A_323[%gather3A] in [0] : vector<16xi32>, vector<16xi32> -> vector<16xi32>
            %add3A_341 = arith.constant 0 : i32
            %add3A_342 = vector.broadcast %add3A_341 : i32 to vector<16xi32>
            %add3A_343 = arith.addi %iota3A, %add3A_342 : vector<16xi32>
            %gather3A_344 = tpu.vector_load_idx %arg5[%gather3A_340, %add3A_343] : memref<321x128xi32, #tpu.memory_space<vmem>>[vector<16xi32>, vector<16xi32>], vector<16xi32>,
            %mul3A_345 = arith.constant 32 : i32
            %mul3A_346 = arith.muli %select_n3A_280, %mul3A_345 : i32
            %mul3A_347 = arith.constant 16 : i32
            %mul3A_348 = arith.muli %scan3A_311, %mul3A_347 : i32
            %add3A_349 = arith.addi %mul3A_346, %mul3A_348 : i32
            %add3A_350 = arith.addi %add3A_349, %scan3A_330 : i32
            %get3A_351 = arith.index_cast %add3A_350 : i32 to index
            %get3A_352 = arith.constant 0 : index
            %get3A_353 = tpu.vector_load %arg9[%get3A_351, %get3A_352] {strides = array<i32>} : memref<256x128xi32, #tpu.memory_space<vmem>>, vector<16xi32>,
            %add3A_354 = arith.constant 16 : i32
            %add3A_355 = vector.broadcast %add3A_354 : i32 to vector<16xi32>
            %add3A_356 = arith.addi %iota3A, %add3A_355 : vector<16xi32>
            %gather3A_357 = tpu.vector_load_idx %arg5[%gather3A_340, %add3A_356] : memref<321x128xi32, #tpu.memory_space<vmem>>[vector<16xi32>, vector<16xi32>], vector<16xi32>,
            %mul3A_358 = arith.constant 32 : i32
            %mul3A_359 = arith.muli %select_n3A_280, %mul3A_358 : i32
            %mul3A_360 = arith.constant 16 : i32
            %mul3A_361 = arith.muli %scan3A_311, %mul3A_360 : i32
            %add3A_362 = arith.addi %mul3A_359, %mul3A_361 : i32
            %add3A_363 = arith.addi %add3A_362, %scan3A_330 : i32
            %get3A_364 = arith.index_cast %add3A_363 : i32 to index
            %get3A_365 = arith.constant 16 : index
            %get3A_366 = tpu.vector_load %arg9[%get3A_364, %get3A_365] {strides = array<i32>} : memref<256x128xi32, #tpu.memory_space<vmem>>, vector<16xi32>,
            %add3A_367 = arith.constant 32 : i32
            %add3A_368 = vector.broadcast %add3A_367 : i32 to vector<16xi32>
            %add3A_369 = arith.addi %iota3A, %add3A_368 : vector<16xi32>
            %gather3A_370 = tpu.vector_load_idx %arg5[%gather3A_340, %add3A_369] : memref<321x128xi32, #tpu.memory_space<vmem>>[vector<16xi32>, vector<16xi32>], vector<16xi32>,
            %mul3A_371 = arith.constant 32 : i32
            %mul3A_372 = arith.muli %select_n3A_280, %mul3A_371 : i32
            %mul3A_373 = arith.constant 16 : i32
            %mul3A_374 = arith.muli %scan3A_311, %mul3A_373 : i32
            %add3A_375 = arith.addi %mul3A_372, %mul3A_374 : i32
            %add3A_376 = arith.addi %add3A_375, %scan3A_330 : i32
            %get3A_377 = arith.index_cast %add3A_376 : i32 to index
            %get3A_378 = arith.constant 32 : index
            %get3A_379 = tpu.vector_load %arg9[%get3A_377, %get3A_378] {strides = array<i32>} : memref<256x128xi32, #tpu.memory_space<vmem>>, vector<16xi32>,
            %add3A_380 = arith.constant 48 : i32
            %add3A_381 = vector.broadcast %add3A_380 : i32 to vector<16xi32>
            %add3A_382 = arith.addi %iota3A, %add3A_381 : vector<16xi32>
            %gather3A_383 = tpu.vector_load_idx %arg5[%gather3A_340, %add3A_382] : memref<321x128xi32, #tpu.memory_space<vmem>>[vector<16xi32>, vector<16xi32>], vector<16xi32>,
            %mul3A_384 = arith.constant 32 : i32
            %mul3A_385 = arith.muli %select_n3A_280, %mul3A_384 : i32
            %mul3A_386 = arith.constant 16 : i32
            %mul3A_387 = arith.muli %scan3A_311, %mul3A_386 : i32
            %add3A_388 = arith.addi %mul3A_385, %mul3A_387 : i32
            %add3A_389 = arith.addi %add3A_388, %scan3A_330 : i32
            %get3A_390 = arith.index_cast %add3A_389 : i32 to index
            %get3A_391 = arith.constant 48 : index
            %get3A_392 = tpu.vector_load %arg9[%get3A_390, %get3A_391] {strides = array<i32>} : memref<256x128xi32, #tpu.memory_space<vmem>>, vector<16xi32>,
            %add3A_393 = arith.constant 64 : i32
            %add3A_394 = vector.broadcast %add3A_393 : i32 to vector<16xi32>
            %add3A_395 = arith.addi %iota3A, %add3A_394 : vector<16xi32>
            %gather3A_396 = tpu.vector_load_idx %arg5[%gather3A_340, %add3A_395] : memref<321x128xi32, #tpu.memory_space<vmem>>[vector<16xi32>, vector<16xi32>], vector<16xi32>,
            %mul3A_397 = arith.constant 32 : i32
            %mul3A_398 = arith.muli %select_n3A_280, %mul3A_397 : i32
            %mul3A_399 = arith.constant 16 : i32
            %mul3A_400 = arith.muli %scan3A_311, %mul3A_399 : i32
            %add3A_401 = arith.addi %mul3A_398, %mul3A_400 : i32
            %add3A_402 = arith.addi %add3A_401, %scan3A_330 : i32
            %get3A_403 = arith.index_cast %add3A_402 : i32 to index
            %get3A_404 = arith.constant 64 : index
            %get3A_405 = tpu.vector_load %arg9[%get3A_403, %get3A_404] {strides = array<i32>} : memref<256x128xi32, #tpu.memory_space<vmem>>, vector<16xi32>,
            %add3A_406 = arith.constant 80 : i32
            %add3A_407 = vector.broadcast %add3A_406 : i32 to vector<16xi32>
            %add3A_408 = arith.addi %iota3A, %add3A_407 : vector<16xi32>
            %gather3A_409 = tpu.vector_load_idx %arg5[%gather3A_340, %add3A_408] : memref<321x128xi32, #tpu.memory_space<vmem>>[vector<16xi32>, vector<16xi32>], vector<16xi32>,
            %mul3A_410 = arith.constant 32 : i32
            %mul3A_411 = arith.muli %select_n3A_280, %mul3A_410 : i32
            %mul3A_412 = arith.constant 16 : i32
            %mul3A_413 = arith.muli %scan3A_311, %mul3A_412 : i32
            %add3A_414 = arith.addi %mul3A_411, %mul3A_413 : i32
            %add3A_415 = arith.addi %add3A_414, %scan3A_330 : i32
            %get3A_416 = arith.index_cast %add3A_415 : i32 to index
            %get3A_417 = arith.constant 80 : index
            %get3A_418 = tpu.vector_load %arg9[%get3A_416, %get3A_417] {strides = array<i32>} : memref<256x128xi32, #tpu.memory_space<vmem>>, vector<16xi32>,
            %add3A_419 = arith.constant 96 : i32
            %add3A_420 = vector.broadcast %add3A_419 : i32 to vector<16xi32>
            %add3A_421 = arith.addi %iota3A, %add3A_420 : vector<16xi32>
            %gather3A_422 = tpu.vector_load_idx %arg5[%gather3A_340, %add3A_421] : memref<321x128xi32, #tpu.memory_space<vmem>>[vector<16xi32>, vector<16xi32>], vector<16xi32>,
            %mul3A_423 = arith.constant 32 : i32
            %mul3A_424 = arith.muli %select_n3A_280, %mul3A_423 : i32
            %mul3A_425 = arith.constant 16 : i32
            %mul3A_426 = arith.muli %scan3A_311, %mul3A_425 : i32
            %add3A_427 = arith.addi %mul3A_424, %mul3A_426 : i32
            %add3A_428 = arith.addi %add3A_427, %scan3A_330 : i32
            %get3A_429 = arith.index_cast %add3A_428 : i32 to index
            %get3A_430 = arith.constant 96 : index
            %get3A_431 = tpu.vector_load %arg9[%get3A_429, %get3A_430] {strides = array<i32>} : memref<256x128xi32, #tpu.memory_space<vmem>>, vector<16xi32>,
            %add3A_432 = arith.constant 112 : i32
            %add3A_433 = vector.broadcast %add3A_432 : i32 to vector<16xi32>
            %add3A_434 = arith.addi %iota3A, %add3A_433 : vector<16xi32>
            %gather3A_435 = tpu.vector_load_idx %arg5[%gather3A_340, %add3A_434] : memref<321x128xi32, #tpu.memory_space<vmem>>[vector<16xi32>, vector<16xi32>], vector<16xi32>,
            %mul3A_436 = arith.constant 32 : i32
            %mul3A_437 = arith.muli %select_n3A_280, %mul3A_436 : i32
            %mul3A_438 = arith.constant 16 : i32
            %mul3A_439 = arith.muli %scan3A_311, %mul3A_438 : i32
            %add3A_440 = arith.addi %mul3A_437, %mul3A_439 : i32
            %add3A_441 = arith.addi %add3A_440, %scan3A_330 : i32
            %get3A_442 = arith.index_cast %add3A_441 : i32 to index
            %get3A_443 = arith.constant 112 : index
            %get3A_444 = tpu.vector_load %arg9[%get3A_442, %get3A_443] {strides = array<i32>} : memref<256x128xi32, #tpu.memory_space<vmem>>, vector<16xi32>,
            %bitcast3A = vector.bitcast %gather3A_344 : vector<16xi32> to vector<32xbf16>
            %bitcast3A_445 = vector.bitcast %get3A_353 : vector<16xi32> to vector<32xbf16>
            %max3A_446 = arith.maximumf %bitcast3A, %bitcast3A_445 : vector<32xbf16>
            %bitcast3A_447 = vector.bitcast %max3A_446 : vector<32xbf16> to vector<16xi32>
            %bitcast3A_448 = vector.bitcast %gather3A_357 : vector<16xi32> to vector<32xbf16>
            %bitcast3A_449 = vector.bitcast %get3A_366 : vector<16xi32> to vector<32xbf16>
            %max3A_450 = arith.maximumf %bitcast3A_448, %bitcast3A_449 : vector<32xbf16>
            %bitcast3A_451 = vector.bitcast %max3A_450 : vector<32xbf16> to vector<16xi32>
            %bitcast3A_452 = vector.bitcast %gather3A_370 : vector<16xi32> to vector<32xbf16>
            %bitcast3A_453 = vector.bitcast %get3A_379 : vector<16xi32> to vector<32xbf16>
            %max3A_454 = arith.maximumf %bitcast3A_452, %bitcast3A_453 : vector<32xbf16>
            %bitcast3A_455 = vector.bitcast %max3A_454 : vector<32xbf16> to vector<16xi32>
            %bitcast3A_456 = vector.bitcast %gather3A_383 : vector<16xi32> to vector<32xbf16>
            %bitcast3A_457 = vector.bitcast %get3A_392 : vector<16xi32> to vector<32xbf16>
            %max3A_458 = arith.maximumf %bitcast3A_456, %bitcast3A_457 : vector<32xbf16>
            %bitcast3A_459 = vector.bitcast %max3A_458 : vector<32xbf16> to vector<16xi32>
            %bitcast3A_460 = vector.bitcast %gather3A_396 : vector<16xi32> to vector<32xbf16>
            %bitcast3A_461 = vector.bitcast %get3A_405 : vector<16xi32> to vector<32xbf16>
            %max3A_462 = arith.maximumf %bitcast3A_460, %bitcast3A_461 : vector<32xbf16>
            %bitcast3A_463 = vector.bitcast %max3A_462 : vector<32xbf16> to vector<16xi32>
            %bitcast3A_464 = vector.bitcast %gather3A_409 : vector<16xi32> to vector<32xbf16>
            %bitcast3A_465 = vector.bitcast %get3A_418 : vector<16xi32> to vector<32xbf16>
            %max3A_466 = arith.maximumf %bitcast3A_464, %bitcast3A_465 : vector<32xbf16>
            %bitcast3A_467 = vector.bitcast %max3A_466 : vector<32xbf16> to vector<16xi32>
            %bitcast3A_468 = vector.bitcast %gather3A_422 : vector<16xi32> to vector<32xbf16>
            %bitcast3A_469 = vector.bitcast %get3A_431 : vector<16xi32> to vector<32xbf16>
            %max3A_470 = arith.maximumf %bitcast3A_468, %bitcast3A_469 : vector<32xbf16>
            %bitcast3A_471 = vector.bitcast %max3A_470 : vector<32xbf16> to vector<16xi32>
            %bitcast3A_472 = vector.bitcast %gather3A_435 : vector<16xi32> to vector<32xbf16>
            %bitcast3A_473 = vector.bitcast %get3A_444 : vector<16xi32> to vector<32xbf16>
            %max3A_474 = arith.maximumf %bitcast3A_472, %bitcast3A_473 : vector<32xbf16>
            %bitcast3A_475 = vector.bitcast %max3A_474 : vector<32xbf16> to vector<16xi32>
            %add3A_476 = arith.constant 0 : i32
            %add3A_477 = vector.broadcast %add3A_476 : i32 to vector<16xi32>
            %add3A_478 = arith.addi %iota3A, %add3A_477 : vector<16xi32>
            tpu.vector_store_idx %arg5[%gather3A_340, %add3A_478], %bitcast3A_447 : memref<321x128xi32, #tpu.memory_space<vmem>>[vector<16xi32>, vector<16xi32>], vector<16xi32>,
            %add3A_479 = arith.constant 16 : i32
            %add3A_480 = vector.broadcast %add3A_479 : i32 to vector<16xi32>
            %add3A_481 = arith.addi %iota3A, %add3A_480 : vector<16xi32>
            tpu.vector_store_idx %arg5[%gather3A_340, %add3A_481], %bitcast3A_451 : memref<321x128xi32, #tpu.memory_space<vmem>>[vector<16xi32>, vector<16xi32>], vector<16xi32>,
            %add3A_482 = arith.constant 32 : i32
            %add3A_483 = vector.broadcast %add3A_482 : i32 to vector<16xi32>
            %add3A_484 = arith.addi %iota3A, %add3A_483 : vector<16xi32>
            tpu.vector_store_idx %arg5[%gather3A_340, %add3A_484], %bitcast3A_455 : memref<321x128xi32, #tpu.memory_space<vmem>>[vector<16xi32>, vector<16xi32>], vector<16xi32>,
            %add3A_485 = arith.constant 48 : i32
            %add3A_486 = vector.broadcast %add3A_485 : i32 to vector<16xi32>
            %add3A_487 = arith.addi %iota3A, %add3A_486 : vector<16xi32>
            tpu.vector_store_idx %arg5[%gather3A_340, %add3A_487], %bitcast3A_459 : memref<321x128xi32, #tpu.memory_space<vmem>>[vector<16xi32>, vector<16xi32>], vector<16xi32>,
            %add3A_488 = arith.constant 64 : i32
            %add3A_489 = vector.broadcast %add3A_488 : i32 to vector<16xi32>
            %add3A_490 = arith.addi %iota3A, %add3A_489 : vector<16xi32>
            tpu.vector_store_idx %arg5[%gather3A_340, %add3A_490], %bitcast3A_463 : memref<321x128xi32, #tpu.memory_space<vmem>>[vector<16xi32>, vector<16xi32>], vector<16xi32>,
            %add3A_491 = arith.constant 80 : i32
            %add3A_492 = vector.broadcast %add3A_491 : i32 to vector<16xi32>
            %add3A_493 = arith.addi %iota3A, %add3A_492 : vector<16xi32>
            tpu.vector_store_idx %arg5[%gather3A_340, %add3A_493], %bitcast3A_467 : memref<321x128xi32, #tpu.memory_space<vmem>>[vector<16xi32>, vector<16xi32>], vector<16xi32>,
            %add3A_494 = arith.constant 96 : i32
            %add3A_495 = vector.broadcast %add3A_494 : i32 to vector<16xi32>
            %add3A_496 = arith.addi %iota3A, %add3A_495 : vector<16xi32>
            tpu.vector_store_idx %arg5[%gather3A_340, %add3A_496], %bitcast3A_471 : memref<321x128xi32, #tpu.memory_space<vmem>>[vector<16xi32>, vector<16xi32>], vector<16xi32>,
            %add3A_497 = arith.constant 112 : i32
            %add3A_498 = vector.broadcast %add3A_497 : i32 to vector<16xi32>
            %add3A_499 = arith.addi %iota3A, %add3A_498 : vector<16xi32>
            tpu.vector_store_idx %arg5[%gather3A_340, %add3A_499], %bitcast3A_475 : memref<321x128xi32, #tpu.memory_space<vmem>>[vector<16xi32>, vector<16xi32>], vector<16xi32>,
            %scan3A_500 = arith.constant 1 : i32
            %scan3A_501 = arith.addi %scan3A_330, %scan3A_500 : i32
            %broadcast_in_dim3A_502 = vector.broadcast %scan3A_501 : i32 to vector<16xi32>
            %lt3A_503 = arith.constant 0 : i32
            %lt3A_504 = vector.broadcast %lt3A_503 : i32 to vector<16xi32>
            %lt3A_505 = arith.cmpi slt, %broadcast_in_dim3A_502, %lt3A_504 : vector<16xi32>
            %add3A_506 = arith.constant 16 : i32
            %add3A_507 = vector.broadcast %add3A_506 : i32 to vector<16xi32>
            %add3A_508 = arith.addi %broadcast_in_dim3A_502, %add3A_507 : vector<16xi32>
            %select_n3A_509 = arith.select %lt3A_505, %add3A_508, %broadcast_in_dim3A_502 : vector<16xi1>, vector<16xi32>
            %broadcast_in_dim3A_510 = vector.shape_cast %select_n3A_509 : vector<16xi32> to vector<16x1xi32>
            %gather3A_511 = vector.shape_cast %broadcast_in_dim3A_510 : vector<16x1xi32> to vector<16xi32>
            %gather3A_512 = tpu.dynamic_gather %get3A_323[%gather3A_511] in [0] : vector<16xi32>, vector<16xi32> -> vector<16xi32>
            %add3A_513 = arith.constant 0 : i32
            %add3A_514 = vector.broadcast %add3A_513 : i32 to vector<16xi32>
            %add3A_515 = arith.addi %iota3A, %add3A_514 : vector<16xi32>
            %gather3A_516 = tpu.vector_load_idx %arg5[%gather3A_512, %add3A_515] : memref<321x128xi32, #tpu.memory_space<vmem>>[vector<16xi32>, vector<16xi32>], vector<16xi32>,
            %mul3A_517 = arith.constant 32 : i32
            %mul3A_518 = arith.muli %select_n3A_280, %mul3A_517 : i32
            %mul3A_519 = arith.constant 16 : i32
            %mul3A_520 = arith.muli %scan3A_311, %mul3A_519 : i32
            %add3A_521 = arith.addi %mul3A_518, %mul3A_520 : i32
            %add3A_522 = arith.addi %add3A_521, %scan3A_501 : i32
            %get3A_523 = arith.index_cast %add3A_522 : i32 to index
            %get3A_524 = arith.constant 0 : index
            %get3A_525 = tpu.vector_load %arg9[%get3A_523, %get3A_524] {strides = array<i32>} : memref<256x128xi32, #tpu.memory_space<vmem>>, vector<16xi32>,
            %add3A_526 = arith.constant 16 : i32
            %add3A_527 = vector.broadcast %add3A_526 : i32 to vector<16xi32>
            %add3A_528 = arith.addi %iota3A, %add3A_527 : vector<16xi32>
            %gather3A_529 = tpu.vector_load_idx %arg5[%gather3A_512, %add3A_528] : memref<321x128xi32, #tpu.memory_space<vmem>>[vector<16xi32>, vector<16xi32>], vector<16xi32>,
            %mul3A_530 = arith.constant 32 : i32
            %mul3A_531 = arith.muli %select_n3A_280, %mul3A_530 : i32
            %mul3A_532 = arith.constant 16 : i32
            %mul3A_533 = arith.muli %scan3A_311, %mul3A_532 : i32
            %add3A_534 = arith.addi %mul3A_531, %mul3A_533 : i32
            %add3A_535 = arith.addi %add3A_534, %scan3A_501 : i32
            %get3A_536 = arith.index_cast %add3A_535 : i32 to index
            %get3A_537 = arith.constant 16 : index
            %get3A_538 = tpu.vector_load %arg9[%get3A_536, %get3A_537] {strides = array<i32>} : memref<256x128xi32, #tpu.memory_space<vmem>>, vector<16xi32>,
            %add3A_539 = arith.constant 32 : i32
            %add3A_540 = vector.broadcast %add3A_539 : i32 to vector<16xi32>
            %add3A_541 = arith.addi %iota3A, %add3A_540 : vector<16xi32>
            %gather3A_542 = tpu.vector_load_idx %arg5[%gather3A_512, %add3A_541] : memref<321x128xi32, #tpu.memory_space<vmem>>[vector<16xi32>, vector<16xi32>], vector<16xi32>,
            %mul3A_543 = arith.constant 32 : i32
            %mul3A_544 = arith.muli %select_n3A_280, %mul3A_543 : i32
            %mul3A_545 = arith.constant 16 : i32
            %mul3A_546 = arith.muli %scan3A_311, %mul3A_545 : i32
            %add3A_547 = arith.addi %mul3A_544, %mul3A_546 : i32
            %add3A_548 = arith.addi %add3A_547, %scan3A_501 : i32
            %get3A_549 = arith.index_cast %add3A_548 : i32 to index
            %get3A_550 = arith.constant 32 : index
            %get3A_551 = tpu.vector_load %arg9[%get3A_549, %get3A_550] {strides = array<i32>} : memref<256x128xi32, #tpu.memory_space<vmem>>, vector<16xi32>,
            %add3A_552 = arith.constant 48 : i32
            %add3A_553 = vector.broadcast %add3A_552 : i32 to vector<16xi32>
            %add3A_554 = arith.addi %iota3A, %add3A_553 : vector<16xi32>
            %gather3A_555 = tpu.vector_load_idx %arg5[%gather3A_512, %add3A_554] : memref<321x128xi32, #tpu.memory_space<vmem>>[vector<16xi32>, vector<16xi32>], vector<16xi32>,
            %mul3A_556 = arith.constant 32 : i32
            %mul3A_557 = arith.muli %select_n3A_280, %mul3A_556 : i32
            %mul3A_558 = arith.constant 16 : i32
            %mul3A_559 = arith.muli %scan3A_311, %mul3A_558 : i32
            %add3A_560 = arith.addi %mul3A_557, %mul3A_559 : i32
            %add3A_561 = arith.addi %add3A_560, %scan3A_501 : i32
            %get3A_562 = arith.index_cast %add3A_561 : i32 to index
            %get3A_563 = arith.constant 48 : index
            %get3A_564 = tpu.vector_load %arg9[%get3A_562, %get3A_563] {strides = array<i32>} : memref<256x128xi32, #tpu.memory_space<vmem>>, vector<16xi32>,
            %add3A_565 = arith.constant 64 : i32
            %add3A_566 = vector.broadcast %add3A_565 : i32 to vector<16xi32>
            %add3A_567 = arith.addi %iota3A, %add3A_566 : vector<16xi32>
            %gather3A_568 = tpu.vector_load_idx %arg5[%gather3A_512, %add3A_567] : memref<321x128xi32, #tpu.memory_space<vmem>>[vector<16xi32>, vector<16xi32>], vector<16xi32>,
            %mul3A_569 = arith.constant 32 : i32
            %mul3A_570 = arith.muli %select_n3A_280, %mul3A_569 : i32
            %mul3A_571 = arith.constant 16 : i32
            %mul3A_572 = arith.muli %scan3A_311, %mul3A_571 : i32
            %add3A_573 = arith.addi %mul3A_570, %mul3A_572 : i32
            %add3A_574 = arith.addi %add3A_573, %scan3A_501 : i32
            %get3A_575 = arith.index_cast %add3A_574 : i32 to index
            %get3A_576 = arith.constant 64 : index
            %get3A_577 = tpu.vector_load %arg9[%get3A_575, %get3A_576] {strides = array<i32>} : memref<256x128xi32, #tpu.memory_space<vmem>>, vector<16xi32>,
            %add3A_578 = arith.constant 80 : i32
            %add3A_579 = vector.broadcast %add3A_578 : i32 to vector<16xi32>
            %add3A_580 = arith.addi %iota3A, %add3A_579 : vector<16xi32>
            %gather3A_581 = tpu.vector_load_idx %arg5[%gather3A_512, %add3A_580] : memref<321x128xi32, #tpu.memory_space<vmem>>[vector<16xi32>, vector<16xi32>], vector<16xi32>,
            %mul3A_582 = arith.constant 32 : i32
            %mul3A_583 = arith.muli %select_n3A_280, %mul3A_582 : i32
            %mul3A_584 = arith.constant 16 : i32
            %mul3A_585 = arith.muli %scan3A_311, %mul3A_584 : i32
            %add3A_586 = arith.addi %mul3A_583, %mul3A_585 : i32
            %add3A_587 = arith.addi %add3A_586, %scan3A_501 : i32
            %get3A_588 = arith.index_cast %add3A_587 : i32 to index
            %get3A_589 = arith.constant 80 : index
            %get3A_590 = tpu.vector_load %arg9[%get3A_588, %get3A_589] {strides = array<i32>} : memref<256x128xi32, #tpu.memory_space<vmem>>, vector<16xi32>,
            %add3A_591 = arith.constant 96 : i32
            %add3A_592 = vector.broadcast %add3A_591 : i32 to vector<16xi32>
            %add3A_593 = arith.addi %iota3A, %add3A_592 : vector<16xi32>
            %gather3A_594 = tpu.vector_load_idx %arg5[%gather3A_512, %add3A_593] : memref<321x128xi32, #tpu.memory_space<vmem>>[vector<16xi32>, vector<16xi32>], vector<16xi32>,
            %mul3A_595 = arith.constant 32 : i32
            %mul3A_596 = arith.muli %select_n3A_280, %mul3A_595 : i32
            %mul3A_597 = arith.constant 16 : i32
            %mul3A_598 = arith.muli %scan3A_311, %mul3A_597 : i32
            %add3A_599 = arith.addi %mul3A_596, %mul3A_598 : i32
            %add3A_600 = arith.addi %add3A_599, %scan3A_501 : i32
            %get3A_601 = arith.index_cast %add3A_600 : i32 to index
            %get3A_602 = arith.constant 96 : index
            %get3A_603 = tpu.vector_load %arg9[%get3A_601, %get3A_602] {strides = array<i32>} : memref<256x128xi32, #tpu.memory_space<vmem>>, vector<16xi32>,
            %add3A_604 = arith.constant 112 : i32
            %add3A_605 = vector.broadcast %add3A_604 : i32 to vector<16xi32>
            %add3A_606 = arith.addi %iota3A, %add3A_605 : vector<16xi32>
            %gather3A_607 = tpu.vector_load_idx %arg5[%gather3A_512, %add3A_606] : memref<321x128xi32, #tpu.memory_space<vmem>>[vector<16xi32>, vector<16xi32>], vector<16xi32>,
            %mul3A_608 = arith.constant 32 : i32
            %mul3A_609 = arith.muli %select_n3A_280, %mul3A_608 : i32
            %mul3A_610 = arith.constant 16 : i32
            %mul3A_611 = arith.muli %scan3A_311, %mul3A_610 : i32
            %add3A_612 = arith.addi %mul3A_609, %mul3A_611 : i32
            %add3A_613 = arith.addi %add3A_612, %scan3A_501 : i32
            %get3A_614 = arith.index_cast %add3A_613 : i32 to index
            %get3A_615 = arith.constant 112 : index
            %get3A_616 = tpu.vector_load %arg9[%get3A_614, %get3A_615] {strides = array<i32>} : memref<256x128xi32, #tpu.memory_space<vmem>>, vector<16xi32>,
            %bitcast3A_617 = vector.bitcast %gather3A_516 : vector<16xi32> to vector<32xbf16>
            %bitcast3A_618 = vector.bitcast %get3A_525 : vector<16xi32> to vector<32xbf16>
            %max3A_619 = arith.maximumf %bitcast3A_617, %bitcast3A_618 : vector<32xbf16>
            %bitcast3A_620 = vector.bitcast %max3A_619 : vector<32xbf16> to vector<16xi32>
            %bitcast3A_621 = vector.bitcast %gather3A_529 : vector<16xi32> to vector<32xbf16>
            %bitcast3A_622 = vector.bitcast %get3A_538 : vector<16xi32> to vector<32xbf16>
            %max3A_623 = arith.maximumf %bitcast3A_621, %bitcast3A_622 : vector<32xbf16>
            %bitcast3A_624 = vector.bitcast %max3A_623 : vector<32xbf16> to vector<16xi32>
            %bitcast3A_625 = vector.bitcast %gather3A_542 : vector<16xi32> to vector<32xbf16>
            %bitcast3A_626 = vector.bitcast %get3A_551 : vector<16xi32> to vector<32xbf16>
            %max3A_627 = arith.maximumf %bitcast3A_625, %bitcast3A_626 : vector<32xbf16>
            %bitcast3A_628 = vector.bitcast %max3A_627 : vector<32xbf16> to vector<16xi32>
            %bitcast3A_629 = vector.bitcast %gather3A_555 : vector<16xi32> to vector<32xbf16>
            %bitcast3A_630 = vector.bitcast %get3A_564 : vector<16xi32> to vector<32xbf16>
            %max3A_631 = arith.maximumf %bitcast3A_629, %bitcast3A_630 : vector<32xbf16>
            %bitcast3A_632 = vector.bitcast %max3A_631 : vector<32xbf16> to vector<16xi32>
            %bitcast3A_633 = vector.bitcast %gather3A_568 : vector<16xi32> to vector<32xbf16>
            %bitcast3A_634 = vector.bitcast %get3A_577 : vector<16xi32> to vector<32xbf16>
            %max3A_635 = arith.maximumf %bitcast3A_633, %bitcast3A_634 : vector<32xbf16>
            %bitcast3A_636 = vector.bitcast %max3A_635 : vector<32xbf16> to vector<16xi32>
            %bitcast3A_637 = vector.bitcast %gather3A_581 : vector<16xi32> to vector<32xbf16>
            %bitcast3A_638 = vector.bitcast %get3A_590 : vector<16xi32> to vector<32xbf16>
            %max3A_639 = arith.maximumf %bitcast3A_637, %bitcast3A_638 : vector<32xbf16>
            %bitcast3A_640 = vector.bitcast %max3A_639 : vector<32xbf16> to vector<16xi32>
            %bitcast3A_641 = vector.bitcast %gather3A_594 : vector<16xi32> to vector<32xbf16>
            %bitcast3A_642 = vector.bitcast %get3A_603 : vector<16xi32> to vector<32xbf16>
            %max3A_643 = arith.maximumf %bitcast3A_641, %bitcast3A_642 : vector<32xbf16>
            %bitcast3A_644 = vector.bitcast %max3A_643 : vector<32xbf16> to vector<16xi32>
            %bitcast3A_645 = vector.bitcast %gather3A_607 : vector<16xi32> to vector<32xbf16>
            %bitcast3A_646 = vector.bitcast %get3A_616 : vector<16xi32> to vector<32xbf16>
            %max3A_647 = arith.maximumf %bitcast3A_645, %bitcast3A_646 : vector<32xbf16>
            %bitcast3A_648 = vector.bitcast %max3A_647 : vector<32xbf16> to vector<16xi32>
            %add3A_649 = arith.constant 0 : i32
            %add3A_650 = vector.broadcast %add3A_649 : i32 to vector<16xi32>
            %add3A_651 = arith.addi %iota3A, %add3A_650 : vector<16xi32>
            tpu.vector_store_idx %arg5[%gather3A_512, %add3A_651], %bitcast3A_620 : memref<321x128xi32, #tpu.memory_space<vmem>>[vector<16xi32>, vector<16xi32>], vector<16xi32>,
            %add3A_652 = arith.constant 16 : i32
            %add3A_653 = vector.broadcast %add3A_652 : i32 to vector<16xi32>
            %add3A_654 = arith.addi %iota3A, %add3A_653 : vector<16xi32>
            tpu.vector_store_idx %arg5[%gather3A_512, %add3A_654], %bitcast3A_624 : memref<321x128xi32, #tpu.memory_space<vmem>>[vector<16xi32>, vector<16xi32>], vector<16xi32>,
            %add3A_655 = arith.constant 32 : i32
            %add3A_656 = vector.broadcast %add3A_655 : i32 to vector<16xi32>
            %add3A_657 = arith.addi %iota3A, %add3A_656 : vector<16xi32>
            tpu.vector_store_idx %arg5[%gather3A_512, %add3A_657], %bitcast3A_628 : memref<321x128xi32, #tpu.memory_space<vmem>>[vector<16xi32>, vector<16xi32>], vector<16xi32>,
            %add3A_658 = arith.constant 48 : i32
            %add3A_659 = vector.broadcast %add3A_658 : i32 to vector<16xi32>
            %add3A_660 = arith.addi %iota3A, %add3A_659 : vector<16xi32>
            tpu.vector_store_idx %arg5[%gather3A_512, %add3A_660], %bitcast3A_632 : memref<321x128xi32, #tpu.memory_space<vmem>>[vector<16xi32>, vector<16xi32>], vector<16xi32>,
            %add3A_661 = arith.constant 64 : i32
            %add3A_662 = vector.broadcast %add3A_661 : i32 to vector<16xi32>
            %add3A_663 = arith.addi %iota3A, %add3A_662 : vector<16xi32>
            tpu.vector_store_idx %arg5[%gather3A_512, %add3A_663], %bitcast3A_636 : memref<321x128xi32, #tpu.memory_space<vmem>>[vector<16xi32>, vector<16xi32>], vector<16xi32>,
            %add3A_664 = arith.constant 80 : i32
            %add3A_665 = vector.broadcast %add3A_664 : i32 to vector<16xi32>
            %add3A_666 = arith.addi %iota3A, %add3A_665 : vector<16xi32>
            tpu.vector_store_idx %arg5[%gather3A_512, %add3A_666], %bitcast3A_640 : memref<321x128xi32, #tpu.memory_space<vmem>>[vector<16xi32>, vector<16xi32>], vector<16xi32>,
            %add3A_667 = arith.constant 96 : i32
            %add3A_668 = vector.broadcast %add3A_667 : i32 to vector<16xi32>
            %add3A_669 = arith.addi %iota3A, %add3A_668 : vector<16xi32>
            tpu.vector_store_idx %arg5[%gather3A_512, %add3A_669], %bitcast3A_644 : memref<321x128xi32, #tpu.memory_space<vmem>>[vector<16xi32>, vector<16xi32>], vector<16xi32>,
            %add3A_670 = arith.constant 112 : i32
            %add3A_671 = vector.broadcast %add3A_670 : i32 to vector<16xi32>
            %add3A_672 = arith.addi %iota3A, %add3A_671 : vector<16xi32>
            tpu.vector_store_idx %arg5[%gather3A_512, %add3A_672], %bitcast3A_648 : memref<321x128xi32, #tpu.memory_space<vmem>>[vector<16xi32>, vector<16xi32>], vector<16xi32>,
          }
          %scan3A_329 = arith.constant 16 : i32
        }
        %scan3A_298 = arith.constant 2 : i32
        %add3A_299 = arith.constant 1 : i32
        %add3A_300 = arith.addi %add3A_258, %add3A_299 : i32
        %lt3A_301 = arith.cmpi slt, %max3A, %add3A_238 : i32
        %sub3A_302 = arith.subi %max3A, %add3A_300 : i32
        %lt3A_303 = arith.constant 8 : i32
        %lt3A_304 = arith.cmpi slt, %sub3A_302, %lt3A_303 : i32
        %and3A_305 = arith.andi %lt3A_301, %lt3A_304 : i1
        %convert_element_type3A_306 = arith.extui %and3A_305 : i1 to i32
        %cond3A_307 = arith.constant 0 : i32
        %cond3A_308 = arith.cmpi ne, %convert_element_type3A_306, %cond3A_307 : i32
        scf.if %cond3A_308 {
          %ge3A = arith.cmpi sge, %max3A, %add3A_237 : i32
          %sub3A_311 = arith.constant 1 : i32
          %sub3A_312 = arith.subi %sub3A_311, %select_n3A_123 : i32
          %select_n3A_313 = arith.select %ge3A, %select_n3A_123, %sub3A_312 : i32
          %select_n3A_314 = arith.select %ge3A, %add3A_237, %scan3A_113 : i32
          %sub3A_315 = arith.subi %max3A, %select_n3A_314 : i32
          %jit3A_316 = arith.constant 8 : i32
          %eq3A_317 = arith.constant 0 : i32
          %eq3A_318 = arith.cmpi eq, %jit3A_316, %eq3A_317 : i32
          %jit3A_319 = arith.constant 1 : i32
          %select_n3A_320 = arith.select %eq3A_318, %jit3A_319, %jit3A_316 : i32
          %rem3A_321 = arith.remsi %max3A, %select_n3A_320 : i32
          %ne3A_322 = arith.constant 0 : i32
          %ne3A_323 = arith.cmpi ne, %rem3A_321, %ne3A_322 : i32
          %lt3A_324 = arith.constant 0 : i32
          %lt3A_325 = arith.cmpi slt, %rem3A_321, %lt3A_324 : i32
          %lt3A_326 = arith.constant 0 : i32
          %lt3A_327 = arith.cmpi slt, %select_n3A_320, %lt3A_326 : i32
          %ne3A_328 = arith.xori %lt3A_325, %lt3A_327 : i1
          %and3A_329 = arith.andi %ne3A_328, %ne3A_323 : i1
          %add3A_330 = arith.addi %rem3A_321, %select_n3A_320 : i32
          %select_n3A_331 = arith.select %and3A_329, %add3A_330, %rem3A_321 : i32
          %mul3A_332 = arith.constant 2048 : i32
          %mul3A_333 = arith.muli %select_n3A_313, %mul3A_332 : i32
          %mul3A_334 = arith.constant 32 : i32
          %mul3A_335 = arith.muli %sub3A_315, %mul3A_334 : i32
          %add3A_336 = arith.addi %mul3A_333, %mul3A_335 : i32
          %mul3A_337 = arith.constant 32 : i32
          %mul3A_338 = arith.muli %select_n3A_331, %mul3A_337 : i32
          %dma_start3A_339 = arith.constant 0 : i32
          %dma_start3A_340 = tpu.memref_slice %arg9[%mul3A_338, %dma_start3A_339] : memref<256x128xi32, #tpu.memory_space<vmem>> -> memref<32x128xi32, #tpu.memory_space<vmem>>
          %dma_start3A_341 = tpu.memref_slice %arg7[%add3A_336] : memref<4096xi32, #tpu.memory_space<vmem>> -> memref<32xi32, #tpu.memory_space<vmem>>
          %dma_start3A_342 = arith.constant 0 : i32
          %dma_start3A_343 = arith.constant 0 : i32
          %dma_start3A_344 = tpu.memref_slice %arg10[%dma_start3A_342, %dma_start3A_343] : memref<3456x128xi32, #tpu.memory_space<vmem_shared>> -> memref<3456x128xi32, #tpu.memory_space<vmem_shared>>
          tpu.enqueue_indirect_dma source(%dma_start3A_344 : memref<3456x128xi32, #tpu.memory_space<vmem_shared>>) target(%dma_start3A_340 : memref<32x128xi32, #tpu.memory_space<vmem>>) offsets(%dma_start3A_341 : memref<32xi32, #tpu.memory_space<vmem>>) semaphore(%arg12 : memref<!tpu.dma_semaphore, #tpu.memory_space<semaphore_mem>>)
        } else {
        }
        %convert_element_type3A_309 = arith.extui %and3A_305 : i1 to i32
        %add3A_310 = arith.addi %max3A, %convert_element_type3A_309 : i32
        scf.yield %add3A_300, %add3A_310 : i32, i32
      }
      %while3A_253 = arith.constant 1 : i32
      %while3A_254:2 = scf.for %while3A_255 = %while3A_250 to %while3A_246 step %while3A_253 iter_args(%while3A_256 = %while3A_252#0, %while3A_257 = %while3A_252#1) -> (i32, i32)  : i32 {
        %add3A_258 = arith.addi %scan3A_113, %while3A_255 : i32
        %eq3A_259 = arith.cmpi eq, %while3A_257, %add3A_258 : i32
        %convert_element_type3A_260 = arith.extui %eq3A_259 : i1 to i32
        %cond3A_261 = arith.constant 0 : i32
        %cond3A_262 = arith.cmpi ne, %convert_element_type3A_260, %cond3A_261 : i32
        scf.if %cond3A_262 {
          %ge3A = arith.cmpi sge, %add3A_258, %add3A_237 : i32
          %sub3A_311 = arith.constant 1 : i32
          %sub3A_312 = arith.subi %sub3A_311, %select_n3A_123 : i32
          %select_n3A_313 = arith.select %ge3A, %select_n3A_123, %sub3A_312 : i32
          %select_n3A_314 = arith.select %ge3A, %add3A_237, %scan3A_113 : i32
          %sub3A_315 = arith.subi %add3A_258, %select_n3A_314 : i32
          %jit3A_316 = arith.constant 8 : i32
          %eq3A_317 = arith.constant 0 : i32
          %eq3A_318 = arith.cmpi eq, %jit3A_316, %eq3A_317 : i32
          %jit3A_319 = arith.constant 1 : i32
          %select_n3A_320 = arith.select %eq3A_318, %jit3A_319, %jit3A_316 : i32
          %rem3A_321 = arith.remsi %add3A_258, %select_n3A_320 : i32
          %ne3A_322 = arith.constant 0 : i32
          %ne3A_323 = arith.cmpi ne, %rem3A_321, %ne3A_322 : i32
          %lt3A_324 = arith.constant 0 : i32
          %lt3A_325 = arith.cmpi slt, %rem3A_321, %lt3A_324 : i32
          %lt3A_326 = arith.constant 0 : i32
          %lt3A_327 = arith.cmpi slt, %select_n3A_320, %lt3A_326 : i32
          %ne3A_328 = arith.xori %lt3A_325, %lt3A_327 : i1
          %and3A_329 = arith.andi %ne3A_328, %ne3A_323 : i1
          %add3A_330 = arith.addi %rem3A_321, %select_n3A_320 : i32
          %select_n3A_331 = arith.select %and3A_329, %add3A_330, %rem3A_321 : i32
          %mul3A_332 = arith.constant 2048 : i32
          %mul3A_333 = arith.muli %select_n3A_313, %mul3A_332 : i32
          %mul3A_334 = arith.constant 32 : i32
          %mul3A_335 = arith.muli %sub3A_315, %mul3A_334 : i32
          %add3A_336 = arith.addi %mul3A_333, %mul3A_335 : i32
          %mul3A_337 = arith.constant 32 : i32
          %mul3A_338 = arith.muli %select_n3A_331, %mul3A_337 : i32
          %dma_start3A_339 = arith.constant 0 : i32
          %dma_start3A_340 = tpu.memref_slice %arg9[%mul3A_338, %dma_start3A_339] : memref<256x128xi32, #tpu.memory_space<vmem>> -> memref<32x128xi32, #tpu.memory_space<vmem>>
          %dma_start3A_341 = tpu.memref_slice %arg7[%add3A_336] : memref<4096xi32, #tpu.memory_space<vmem>> -> memref<32xi32, #tpu.memory_space<vmem>>
          %dma_start3A_342 = arith.constant 0 : i32
          %dma_start3A_343 = arith.constant 0 : i32
          %dma_start3A_344 = tpu.memref_slice %arg10[%dma_start3A_342, %dma_start3A_343] : memref<3456x128xi32, #tpu.memory_space<vmem_shared>> -> memref<3456x128xi32, #tpu.memory_space<vmem_shared>>
          tpu.enqueue_indirect_dma source(%dma_start3A_344 : memref<3456x128xi32, #tpu.memory_space<vmem_shared>>) target(%dma_start3A_340 : memref<32x128xi32, #tpu.memory_space<vmem>>) offsets(%dma_start3A_341 : memref<32xi32, #tpu.memory_space<vmem>>) semaphore(%arg12 : memref<!tpu.dma_semaphore, #tpu.memory_space<semaphore_mem>>)
        } else {
        }
        %add3A_263 = arith.constant 1 : i32
        %add3A_264 = arith.addi %add3A_258, %add3A_263 : i32
        %max3A = arith.maxsi %while3A_257, %add3A_264 : i32
        %jit3A_265 = arith.constant 8 : i32
        %eq3A_266 = arith.constant 0 : i32
        %eq3A_267 = arith.cmpi eq, %jit3A_265, %eq3A_266 : i32
        %jit3A_268 = arith.constant 1 : i32
        %select_n3A_269 = arith.select %eq3A_267, %jit3A_268, %jit3A_265 : i32
        %rem3A_270 = arith.remsi %add3A_258, %select_n3A_269 : i32
        %ne3A_271 = arith.constant 0 : i32
        %ne3A_272 = arith.cmpi ne, %rem3A_270, %ne3A_271 : i32
        %lt3A_273 = arith.constant 0 : i32
        %lt3A_274 = arith.cmpi slt, %rem3A_270, %lt3A_273 : i32
        %lt3A_275 = arith.constant 0 : i32
        %lt3A_276 = arith.cmpi slt, %select_n3A_269, %lt3A_275 : i32
        %ne3A_277 = arith.xori %lt3A_274, %lt3A_276 : i1
        %and3A_278 = arith.andi %ne3A_277, %ne3A_272 : i1
        %add3A_279 = arith.addi %rem3A_270, %select_n3A_269 : i32
        %select_n3A_280 = arith.select %and3A_278, %add3A_279, %rem3A_270 : i32
        %mul3A_281 = arith.constant 32 : i32
        %mul3A_282 = arith.muli %select_n3A_280, %mul3A_281 : i32
        %dma_wait3A_283 = arith.constant 0 : i32
        %dma_wait3A_284 = tpu.memref_slice %arg9[%mul3A_282, %dma_wait3A_283] : memref<256x128xi32, #tpu.memory_space<vmem>> -> memref<32x128xi32, #tpu.memory_space<vmem>>
        %dma_wait3A_285 = arith.constant 0 : i32
        %dma_wait3A_286 = arith.constant 0 : i32
        %dma_wait3A_287 = tpu.memref_slice %arg2[%dma_wait3A_285, %dma_wait3A_286] : memref<10240x128xi32, #tpu.memory_space<hbm>> -> memref<32x128xi32, #tpu.memory_space<hbm>>
        %dma_wait3A_288 = arith.constant 0 : i32
        %dma_wait3A_289 = tpu.memref_slice %arg9[%mul3A_282, %dma_wait3A_288] : memref<256x128xi32, #tpu.memory_space<vmem>> -> memref<32x128xi32, #tpu.memory_space<vmem>>
        %dma_wait3A_290 = arith.constant 0 : i32
        %dma_wait3A_291 = arith.constant 0 : i32
        %dma_wait3A_292 = tpu.memref_slice %arg2[%dma_wait3A_290, %dma_wait3A_291] : memref<10240x128xi32, #tpu.memory_space<hbm>> -> memref<32x128xi32, #tpu.memory_space<hbm>>
        tpu.wait_dma2 semaphore(%arg12 : memref<!tpu.dma_semaphore, #tpu.memory_space<semaphore_mem>>) src(%dma_wait3A_292 : memref<32x128xi32, #tpu.memory_space<hbm>>) dst(%dma_wait3A_289 : memref<32x128xi32, #tpu.memory_space<vmem>>)
        %scan3A_293 = arith.constant 0 : i32
        %scan3A_294 = arith.constant 0 : i32
        %scan3A_295 = arith.constant 2 : i32
        %scan3A_296 = arith.addi %scan3A_294, %scan3A_295 : i32
        %scan3A_297 = arith.constant 1 : i32
        scf.for %scan3A_311 = %scan3A_294 to %scan3A_296 step %scan3A_297  : i32 {
          %sub3A_312 = arith.constant 1 : i32
          %sub3A_313 = arith.subi %sub3A_312, %select_n3A_123 : i32
          %mul3A_314 = arith.constant 2048 : i32
          %mul3A_315 = arith.muli %sub3A_313, %mul3A_314 : i32
          %mul3A_316 = arith.constant 32 : i32
          %mul3A_317 = arith.muli %while3A_255, %mul3A_316 : i32
          %add3A_318 = arith.addi %mul3A_315, %mul3A_317 : i32
          %mul3A_319 = arith.constant 16 : i32
          %mul3A_320 = arith.muli %scan3A_311, %mul3A_319 : i32
          %add3A_321 = arith.addi %add3A_318, %mul3A_320 : i32
          %get3A_322 = arith.index_cast %add3A_321 : i32 to index
          %get3A_323 = tpu.vector_load %arg8[%get3A_322] {strides = array<i32>} : memref<4096xi32, #tpu.memory_space<vmem>>, vector<16xi32>,
          %scan3A_324 = arith.constant 0 : i32
          %scan3A_325 = arith.constant 0 : i32
          %scan3A_326 = arith.constant 16 : i32
          %scan3A_327 = arith.addi %scan3A_325, %scan3A_326 : i32
          %scan3A_328 = arith.constant 2 : i32
          scf.for %scan3A_330 = %scan3A_325 to %scan3A_327 step %scan3A_328  : i32 {
            %broadcast_in_dim3A_331 = vector.broadcast %scan3A_330 : i32 to vector<16xi32>
            %lt3A_332 = arith.constant 0 : i32
            %lt3A_333 = vector.broadcast %lt3A_332 : i32 to vector<16xi32>
            %lt3A_334 = arith.cmpi slt, %broadcast_in_dim3A_331, %lt3A_333 : vector<16xi32>
            %add3A_335 = arith.constant 16 : i32
            %add3A_336 = vector.broadcast %add3A_335 : i32 to vector<16xi32>
            %add3A_337 = arith.addi %broadcast_in_dim3A_331, %add3A_336 : vector<16xi32>
            %select_n3A_338 = arith.select %lt3A_334, %add3A_337, %broadcast_in_dim3A_331 : vector<16xi1>, vector<16xi32>
            %broadcast_in_dim3A_339 = vector.shape_cast %select_n3A_338 : vector<16xi32> to vector<16x1xi32>
            %gather3A = vector.shape_cast %broadcast_in_dim3A_339 : vector<16x1xi32> to vector<16xi32>
            %gather3A_340 = tpu.dynamic_gather %get3A_323[%gather3A] in [0] : vector<16xi32>, vector<16xi32> -> vector<16xi32>
            %add3A_341 = arith.constant 0 : i32
            %add3A_342 = vector.broadcast %add3A_341 : i32 to vector<16xi32>
            %add3A_343 = arith.addi %iota3A, %add3A_342 : vector<16xi32>
            %gather3A_344 = tpu.vector_load_idx %arg5[%gather3A_340, %add3A_343] : memref<321x128xi32, #tpu.memory_space<vmem>>[vector<16xi32>, vector<16xi32>], vector<16xi32>,
            %mul3A_345 = arith.constant 32 : i32
            %mul3A_346 = arith.muli %select_n3A_280, %mul3A_345 : i32
            %mul3A_347 = arith.constant 16 : i32
            %mul3A_348 = arith.muli %scan3A_311, %mul3A_347 : i32
            %add3A_349 = arith.addi %mul3A_346, %mul3A_348 : i32
            %add3A_350 = arith.addi %add3A_349, %scan3A_330 : i32
            %get3A_351 = arith.index_cast %add3A_350 : i32 to index
            %get3A_352 = arith.constant 0 : index
            %get3A_353 = tpu.vector_load %arg9[%get3A_351, %get3A_352] {strides = array<i32>} : memref<256x128xi32, #tpu.memory_space<vmem>>, vector<16xi32>,
            %add3A_354 = arith.constant 16 : i32
            %add3A_355 = vector.broadcast %add3A_354 : i32 to vector<16xi32>
            %add3A_356 = arith.addi %iota3A, %add3A_355 : vector<16xi32>
            %gather3A_357 = tpu.vector_load_idx %arg5[%gather3A_340, %add3A_356] : memref<321x128xi32, #tpu.memory_space<vmem>>[vector<16xi32>, vector<16xi32>], vector<16xi32>,
            %mul3A_358 = arith.constant 32 : i32
            %mul3A_359 = arith.muli %select_n3A_280, %mul3A_358 : i32
            %mul3A_360 = arith.constant 16 : i32
            %mul3A_361 = arith.muli %scan3A_311, %mul3A_360 : i32
            %add3A_362 = arith.addi %mul3A_359, %mul3A_361 : i32
            %add3A_363 = arith.addi %add3A_362, %scan3A_330 : i32
            %get3A_364 = arith.index_cast %add3A_363 : i32 to index
            %get3A_365 = arith.constant 16 : index
            %get3A_366 = tpu.vector_load %arg9[%get3A_364, %get3A_365] {strides = array<i32>} : memref<256x128xi32, #tpu.memory_space<vmem>>, vector<16xi32>,
            %add3A_367 = arith.constant 32 : i32
            %add3A_368 = vector.broadcast %add3A_367 : i32 to vector<16xi32>
            %add3A_369 = arith.addi %iota3A, %add3A_368 : vector<16xi32>
            %gather3A_370 = tpu.vector_load_idx %arg5[%gather3A_340, %add3A_369] : memref<321x128xi32, #tpu.memory_space<vmem>>[vector<16xi32>, vector<16xi32>], vector<16xi32>,
            %mul3A_371 = arith.constant 32 : i32
            %mul3A_372 = arith.muli %select_n3A_280, %mul3A_371 : i32
            %mul3A_373 = arith.constant 16 : i32
            %mul3A_374 = arith.muli %scan3A_311, %mul3A_373 : i32
            %add3A_375 = arith.addi %mul3A_372, %mul3A_374 : i32
            %add3A_376 = arith.addi %add3A_375, %scan3A_330 : i32
            %get3A_377 = arith.index_cast %add3A_376 : i32 to index
            %get3A_378 = arith.constant 32 : index
            %get3A_379 = tpu.vector_load %arg9[%get3A_377, %get3A_378] {strides = array<i32>} : memref<256x128xi32, #tpu.memory_space<vmem>>, vector<16xi32>,
            %add3A_380 = arith.constant 48 : i32
            %add3A_381 = vector.broadcast %add3A_380 : i32 to vector<16xi32>
            %add3A_382 = arith.addi %iota3A, %add3A_381 : vector<16xi32>
            %gather3A_383 = tpu.vector_load_idx %arg5[%gather3A_340, %add3A_382] : memref<321x128xi32, #tpu.memory_space<vmem>>[vector<16xi32>, vector<16xi32>], vector<16xi32>,
            %mul3A_384 = arith.constant 32 : i32
            %mul3A_385 = arith.muli %select_n3A_280, %mul3A_384 : i32
            %mul3A_386 = arith.constant 16 : i32
            %mul3A_387 = arith.muli %scan3A_311, %mul3A_386 : i32
            %add3A_388 = arith.addi %mul3A_385, %mul3A_387 : i32
            %add3A_389 = arith.addi %add3A_388, %scan3A_330 : i32
            %get3A_390 = arith.index_cast %add3A_389 : i32 to index
            %get3A_391 = arith.constant 48 : index
            %get3A_392 = tpu.vector_load %arg9[%get3A_390, %get3A_391] {strides = array<i32>} : memref<256x128xi32, #tpu.memory_space<vmem>>, vector<16xi32>,
            %add3A_393 = arith.constant 64 : i32
            %add3A_394 = vector.broadcast %add3A_393 : i32 to vector<16xi32>
            %add3A_395 = arith.addi %iota3A, %add3A_394 : vector<16xi32>
            %gather3A_396 = tpu.vector_load_idx %arg5[%gather3A_340, %add3A_395] : memref<321x128xi32, #tpu.memory_space<vmem>>[vector<16xi32>, vector<16xi32>], vector<16xi32>,
            %mul3A_397 = arith.constant 32 : i32
            %mul3A_398 = arith.muli %select_n3A_280, %mul3A_397 : i32
            %mul3A_399 = arith.constant 16 : i32
            %mul3A_400 = arith.muli %scan3A_311, %mul3A_399 : i32
            %add3A_401 = arith.addi %mul3A_398, %mul3A_400 : i32
            %add3A_402 = arith.addi %add3A_401, %scan3A_330 : i32
            %get3A_403 = arith.index_cast %add3A_402 : i32 to index
            %get3A_404 = arith.constant 64 : index
            %get3A_405 = tpu.vector_load %arg9[%get3A_403, %get3A_404] {strides = array<i32>} : memref<256x128xi32, #tpu.memory_space<vmem>>, vector<16xi32>,
            %add3A_406 = arith.constant 80 : i32
            %add3A_407 = vector.broadcast %add3A_406 : i32 to vector<16xi32>
            %add3A_408 = arith.addi %iota3A, %add3A_407 : vector<16xi32>
            %gather3A_409 = tpu.vector_load_idx %arg5[%gather3A_340, %add3A_408] : memref<321x128xi32, #tpu.memory_space<vmem>>[vector<16xi32>, vector<16xi32>], vector<16xi32>,
            %mul3A_410 = arith.constant 32 : i32
            %mul3A_411 = arith.muli %select_n3A_280, %mul3A_410 : i32
            %mul3A_412 = arith.constant 16 : i32
            %mul3A_413 = arith.muli %scan3A_311, %mul3A_412 : i32
            %add3A_414 = arith.addi %mul3A_411, %mul3A_413 : i32
            %add3A_415 = arith.addi %add3A_414, %scan3A_330 : i32
            %get3A_416 = arith.index_cast %add3A_415 : i32 to index
            %get3A_417 = arith.constant 80 : index
            %get3A_418 = tpu.vector_load %arg9[%get3A_416, %get3A_417] {strides = array<i32>} : memref<256x128xi32, #tpu.memory_space<vmem>>, vector<16xi32>,
            %add3A_419 = arith.constant 96 : i32
            %add3A_420 = vector.broadcast %add3A_419 : i32 to vector<16xi32>
            %add3A_421 = arith.addi %iota3A, %add3A_420 : vector<16xi32>
            %gather3A_422 = tpu.vector_load_idx %arg5[%gather3A_340, %add3A_421] : memref<321x128xi32, #tpu.memory_space<vmem>>[vector<16xi32>, vector<16xi32>], vector<16xi32>,
            %mul3A_423 = arith.constant 32 : i32
            %mul3A_424 = arith.muli %select_n3A_280, %mul3A_423 : i32
            %mul3A_425 = arith.constant 16 : i32
            %mul3A_426 = arith.muli %scan3A_311, %mul3A_425 : i32
            %add3A_427 = arith.addi %mul3A_424, %mul3A_426 : i32
            %add3A_428 = arith.addi %add3A_427, %scan3A_330 : i32
            %get3A_429 = arith.index_cast %add3A_428 : i32 to index
            %get3A_430 = arith.constant 96 : index
            %get3A_431 = tpu.vector_load %arg9[%get3A_429, %get3A_430] {strides = array<i32>} : memref<256x128xi32, #tpu.memory_space<vmem>>, vector<16xi32>,
            %add3A_432 = arith.constant 112 : i32
            %add3A_433 = vector.broadcast %add3A_432 : i32 to vector<16xi32>
            %add3A_434 = arith.addi %iota3A, %add3A_433 : vector<16xi32>
            %gather3A_435 = tpu.vector_load_idx %arg5[%gather3A_340, %add3A_434] : memref<321x128xi32, #tpu.memory_space<vmem>>[vector<16xi32>, vector<16xi32>], vector<16xi32>,
            %mul3A_436 = arith.constant 32 : i32
            %mul3A_437 = arith.muli %select_n3A_280, %mul3A_436 : i32
            %mul3A_438 = arith.constant 16 : i32
            %mul3A_439 = arith.muli %scan3A_311, %mul3A_438 : i32
            %add3A_440 = arith.addi %mul3A_437, %mul3A_439 : i32
            %add3A_441 = arith.addi %add3A_440, %scan3A_330 : i32
            %get3A_442 = arith.index_cast %add3A_441 : i32 to index
            %get3A_443 = arith.constant 112 : index
            %get3A_444 = tpu.vector_load %arg9[%get3A_442, %get3A_443] {strides = array<i32>} : memref<256x128xi32, #tpu.memory_space<vmem>>, vector<16xi32>,
            %bitcast3A = vector.bitcast %gather3A_344 : vector<16xi32> to vector<32xbf16>
            %bitcast3A_445 = vector.bitcast %get3A_353 : vector<16xi32> to vector<32xbf16>
            %max3A_446 = arith.maximumf %bitcast3A, %bitcast3A_445 : vector<32xbf16>
            %bitcast3A_447 = vector.bitcast %max3A_446 : vector<32xbf16> to vector<16xi32>
            %bitcast3A_448 = vector.bitcast %gather3A_357 : vector<16xi32> to vector<32xbf16>
            %bitcast3A_449 = vector.bitcast %get3A_366 : vector<16xi32> to vector<32xbf16>
            %max3A_450 = arith.maximumf %bitcast3A_448, %bitcast3A_449 : vector<32xbf16>
            %bitcast3A_451 = vector.bitcast %max3A_450 : vector<32xbf16> to vector<16xi32>
            %bitcast3A_452 = vector.bitcast %gather3A_370 : vector<16xi32> to vector<32xbf16>
            %bitcast3A_453 = vector.bitcast %get3A_379 : vector<16xi32> to vector<32xbf16>
            %max3A_454 = arith.maximumf %bitcast3A_452, %bitcast3A_453 : vector<32xbf16>
            %bitcast3A_455 = vector.bitcast %max3A_454 : vector<32xbf16> to vector<16xi32>
            %bitcast3A_456 = vector.bitcast %gather3A_383 : vector<16xi32> to vector<32xbf16>
            %bitcast3A_457 = vector.bitcast %get3A_392 : vector<16xi32> to vector<32xbf16>
            %max3A_458 = arith.maximumf %bitcast3A_456, %bitcast3A_457 : vector<32xbf16>
            %bitcast3A_459 = vector.bitcast %max3A_458 : vector<32xbf16> to vector<16xi32>
            %bitcast3A_460 = vector.bitcast %gather3A_396 : vector<16xi32> to vector<32xbf16>
            %bitcast3A_461 = vector.bitcast %get3A_405 : vector<16xi32> to vector<32xbf16>
            %max3A_462 = arith.maximumf %bitcast3A_460, %bitcast3A_461 : vector<32xbf16>
            %bitcast3A_463 = vector.bitcast %max3A_462 : vector<32xbf16> to vector<16xi32>
            %bitcast3A_464 = vector.bitcast %gather3A_409 : vector<16xi32> to vector<32xbf16>
            %bitcast3A_465 = vector.bitcast %get3A_418 : vector<16xi32> to vector<32xbf16>
            %max3A_466 = arith.maximumf %bitcast3A_464, %bitcast3A_465 : vector<32xbf16>
            %bitcast3A_467 = vector.bitcast %max3A_466 : vector<32xbf16> to vector<16xi32>
            %bitcast3A_468 = vector.bitcast %gather3A_422 : vector<16xi32> to vector<32xbf16>
            %bitcast3A_469 = vector.bitcast %get3A_431 : vector<16xi32> to vector<32xbf16>
            %max3A_470 = arith.maximumf %bitcast3A_468, %bitcast3A_469 : vector<32xbf16>
            %bitcast3A_471 = vector.bitcast %max3A_470 : vector<32xbf16> to vector<16xi32>
            %bitcast3A_472 = vector.bitcast %gather3A_435 : vector<16xi32> to vector<32xbf16>
            %bitcast3A_473 = vector.bitcast %get3A_444 : vector<16xi32> to vector<32xbf16>
            %max3A_474 = arith.maximumf %bitcast3A_472, %bitcast3A_473 : vector<32xbf16>
            %bitcast3A_475 = vector.bitcast %max3A_474 : vector<32xbf16> to vector<16xi32>
            %add3A_476 = arith.constant 0 : i32
            %add3A_477 = vector.broadcast %add3A_476 : i32 to vector<16xi32>
            %add3A_478 = arith.addi %iota3A, %add3A_477 : vector<16xi32>
            tpu.vector_store_idx %arg5[%gather3A_340, %add3A_478], %bitcast3A_447 : memref<321x128xi32, #tpu.memory_space<vmem>>[vector<16xi32>, vector<16xi32>], vector<16xi32>,
            %add3A_479 = arith.constant 16 : i32
            %add3A_480 = vector.broadcast %add3A_479 : i32 to vector<16xi32>
            %add3A_481 = arith.addi %iota3A, %add3A_480 : vector<16xi32>
            tpu.vector_store_idx %arg5[%gather3A_340, %add3A_481], %bitcast3A_451 : memref<321x128xi32, #tpu.memory_space<vmem>>[vector<16xi32>, vector<16xi32>], vector<16xi32>,
            %add3A_482 = arith.constant 32 : i32
            %add3A_483 = vector.broadcast %add3A_482 : i32 to vector<16xi32>
            %add3A_484 = arith.addi %iota3A, %add3A_483 : vector<16xi32>
            tpu.vector_store_idx %arg5[%gather3A_340, %add3A_484], %bitcast3A_455 : memref<321x128xi32, #tpu.memory_space<vmem>>[vector<16xi32>, vector<16xi32>], vector<16xi32>,
            %add3A_485 = arith.constant 48 : i32
            %add3A_486 = vector.broadcast %add3A_485 : i32 to vector<16xi32>
            %add3A_487 = arith.addi %iota3A, %add3A_486 : vector<16xi32>
            tpu.vector_store_idx %arg5[%gather3A_340, %add3A_487], %bitcast3A_459 : memref<321x128xi32, #tpu.memory_space<vmem>>[vector<16xi32>, vector<16xi32>], vector<16xi32>,
            %add3A_488 = arith.constant 64 : i32
            %add3A_489 = vector.broadcast %add3A_488 : i32 to vector<16xi32>
            %add3A_490 = arith.addi %iota3A, %add3A_489 : vector<16xi32>
            tpu.vector_store_idx %arg5[%gather3A_340, %add3A_490], %bitcast3A_463 : memref<321x128xi32, #tpu.memory_space<vmem>>[vector<16xi32>, vector<16xi32>], vector<16xi32>,
            %add3A_491 = arith.constant 80 : i32
            %add3A_492 = vector.broadcast %add3A_491 : i32 to vector<16xi32>
            %add3A_493 = arith.addi %iota3A, %add3A_492 : vector<16xi32>
            tpu.vector_store_idx %arg5[%gather3A_340, %add3A_493], %bitcast3A_467 : memref<321x128xi32, #tpu.memory_space<vmem>>[vector<16xi32>, vector<16xi32>], vector<16xi32>,
            %add3A_494 = arith.constant 96 : i32
            %add3A_495 = vector.broadcast %add3A_494 : i32 to vector<16xi32>
            %add3A_496 = arith.addi %iota3A, %add3A_495 : vector<16xi32>
            tpu.vector_store_idx %arg5[%gather3A_340, %add3A_496], %bitcast3A_471 : memref<321x128xi32, #tpu.memory_space<vmem>>[vector<16xi32>, vector<16xi32>], vector<16xi32>,
            %add3A_497 = arith.constant 112 : i32
            %add3A_498 = vector.broadcast %add3A_497 : i32 to vector<16xi32>
            %add3A_499 = arith.addi %iota3A, %add3A_498 : vector<16xi32>
            tpu.vector_store_idx %arg5[%gather3A_340, %add3A_499], %bitcast3A_475 : memref<321x128xi32, #tpu.memory_space<vmem>>[vector<16xi32>, vector<16xi32>], vector<16xi32>,
            %scan3A_500 = arith.constant 1 : i32
            %scan3A_501 = arith.addi %scan3A_330, %scan3A_500 : i32
            %broadcast_in_dim3A_502 = vector.broadcast %scan3A_501 : i32 to vector<16xi32>
            %lt3A_503 = arith.constant 0 : i32
            %lt3A_504 = vector.broadcast %lt3A_503 : i32 to vector<16xi32>
            %lt3A_505 = arith.cmpi slt, %broadcast_in_dim3A_502, %lt3A_504 : vector<16xi32>
            %add3A_506 = arith.constant 16 : i32
            %add3A_507 = vector.broadcast %add3A_506 : i32 to vector<16xi32>
            %add3A_508 = arith.addi %broadcast_in_dim3A_502, %add3A_507 : vector<16xi32>
            %select_n3A_509 = arith.select %lt3A_505, %add3A_508, %broadcast_in_dim3A_502 : vector<16xi1>, vector<16xi32>
            %broadcast_in_dim3A_510 = vector.shape_cast %select_n3A_509 : vector<16xi32> to vector<16x1xi32>
            %gather3A_511 = vector.shape_cast %broadcast_in_dim3A_510 : vector<16x1xi32> to vector<16xi32>
            %gather3A_512 = tpu.dynamic_gather %get3A_323[%gather3A_511] in [0] : vector<16xi32>, vector<16xi32> -> vector<16xi32>
            %add3A_513 = arith.constant 0 : i32
            %add3A_514 = vector.broadcast %add3A_513 : i32 to vector<16xi32>
            %add3A_515 = arith.addi %iota3A, %add3A_514 : vector<16xi32>
            %gather3A_516 = tpu.vector_load_idx %arg5[%gather3A_512, %add3A_515] : memref<321x128xi32, #tpu.memory_space<vmem>>[vector<16xi32>, vector<16xi32>], vector<16xi32>,
            %mul3A_517 = arith.constant 32 : i32
            %mul3A_518 = arith.muli %select_n3A_280, %mul3A_517 : i32
            %mul3A_519 = arith.constant 16 : i32
            %mul3A_520 = arith.muli %scan3A_311, %mul3A_519 : i32
            %add3A_521 = arith.addi %mul3A_518, %mul3A_520 : i32
            %add3A_522 = arith.addi %add3A_521, %scan3A_501 : i32
            %get3A_523 = arith.index_cast %add3A_522 : i32 to index
            %get3A_524 = arith.constant 0 : index
            %get3A_525 = tpu.vector_load %arg9[%get3A_523, %get3A_524] {strides = array<i32>} : memref<256x128xi32, #tpu.memory_space<vmem>>, vector<16xi32>,
            %add3A_526 = arith.constant 16 : i32
            %add3A_527 = vector.broadcast %add3A_526 : i32 to vector<16xi32>
            %add3A_528 = arith.addi %iota3A, %add3A_527 : vector<16xi32>
            %gather3A_529 = tpu.vector_load_idx %arg5[%gather3A_512, %add3A_528] : memref<321x128xi32, #tpu.memory_space<vmem>>[vector<16xi32>, vector<16xi32>], vector<16xi32>,
            %mul3A_530 = arith.constant 32 : i32
            %mul3A_531 = arith.muli %select_n3A_280, %mul3A_530 : i32
            %mul3A_532 = arith.constant 16 : i32
            %mul3A_533 = arith.muli %scan3A_311, %mul3A_532 : i32
            %add3A_534 = arith.addi %mul3A_531, %mul3A_533 : i32
            %add3A_535 = arith.addi %add3A_534, %scan3A_501 : i32
            %get3A_536 = arith.index_cast %add3A_535 : i32 to index
            %get3A_537 = arith.constant 16 : index
            %get3A_538 = tpu.vector_load %arg9[%get3A_536, %get3A_537] {strides = array<i32>} : memref<256x128xi32, #tpu.memory_space<vmem>>, vector<16xi32>,
            %add3A_539 = arith.constant 32 : i32
            %add3A_540 = vector.broadcast %add3A_539 : i32 to vector<16xi32>
            %add3A_541 = arith.addi %iota3A, %add3A_540 : vector<16xi32>
            %gather3A_542 = tpu.vector_load_idx %arg5[%gather3A_512, %add3A_541] : memref<321x128xi32, #tpu.memory_space<vmem>>[vector<16xi32>, vector<16xi32>], vector<16xi32>,
            %mul3A_543 = arith.constant 32 : i32
            %mul3A_544 = arith.muli %select_n3A_280, %mul3A_543 : i32
            %mul3A_545 = arith.constant 16 : i32
            %mul3A_546 = arith.muli %scan3A_311, %mul3A_545 : i32
            %add3A_547 = arith.addi %mul3A_544, %mul3A_546 : i32
            %add3A_548 = arith.addi %add3A_547, %scan3A_501 : i32
            %get3A_549 = arith.index_cast %add3A_548 : i32 to index
            %get3A_550 = arith.constant 32 : index
            %get3A_551 = tpu.vector_load %arg9[%get3A_549, %get3A_550] {strides = array<i32>} : memref<256x128xi32, #tpu.memory_space<vmem>>, vector<16xi32>,
            %add3A_552 = arith.constant 48 : i32
            %add3A_553 = vector.broadcast %add3A_552 : i32 to vector<16xi32>
            %add3A_554 = arith.addi %iota3A, %add3A_553 : vector<16xi32>
            %gather3A_555 = tpu.vector_load_idx %arg5[%gather3A_512, %add3A_554] : memref<321x128xi32, #tpu.memory_space<vmem>>[vector<16xi32>, vector<16xi32>], vector<16xi32>,
            %mul3A_556 = arith.constant 32 : i32
            %mul3A_557 = arith.muli %select_n3A_280, %mul3A_556 : i32
            %mul3A_558 = arith.constant 16 : i32
            %mul3A_559 = arith.muli %scan3A_311, %mul3A_558 : i32
            %add3A_560 = arith.addi %mul3A_557, %mul3A_559 : i32
            %add3A_561 = arith.addi %add3A_560, %scan3A_501 : i32
            %get3A_562 = arith.index_cast %add3A_561 : i32 to index
            %get3A_563 = arith.constant 48 : index
            %get3A_564 = tpu.vector_load %arg9[%get3A_562, %get3A_563] {strides = array<i32>} : memref<256x128xi32, #tpu.memory_space<vmem>>, vector<16xi32>,
            %add3A_565 = arith.constant 64 : i32
            %add3A_566 = vector.broadcast %add3A_565 : i32 to vector<16xi32>
            %add3A_567 = arith.addi %iota3A, %add3A_566 : vector<16xi32>
            %gather3A_568 = tpu.vector_load_idx %arg5[%gather3A_512, %add3A_567] : memref<321x128xi32, #tpu.memory_space<vmem>>[vector<16xi32>, vector<16xi32>], vector<16xi32>,
            %mul3A_569 = arith.constant 32 : i32
            %mul3A_570 = arith.muli %select_n3A_280, %mul3A_569 : i32
            %mul3A_571 = arith.constant 16 : i32
            %mul3A_572 = arith.muli %scan3A_311, %mul3A_571 : i32
            %add3A_573 = arith.addi %mul3A_570, %mul3A_572 : i32
            %add3A_574 = arith.addi %add3A_573, %scan3A_501 : i32
            %get3A_575 = arith.index_cast %add3A_574 : i32 to index
            %get3A_576 = arith.constant 64 : index
            %get3A_577 = tpu.vector_load %arg9[%get3A_575, %get3A_576] {strides = array<i32>} : memref<256x128xi32, #tpu.memory_space<vmem>>, vector<16xi32>,
            %add3A_578 = arith.constant 80 : i32
            %add3A_579 = vector.broadcast %add3A_578 : i32 to vector<16xi32>
            %add3A_580 = arith.addi %iota3A, %add3A_579 : vector<16xi32>
            %gather3A_581 = tpu.vector_load_idx %arg5[%gather3A_512, %add3A_580] : memref<321x128xi32, #tpu.memory_space<vmem>>[vector<16xi32>, vector<16xi32>], vector<16xi32>,
            %mul3A_582 = arith.constant 32 : i32
            %mul3A_583 = arith.muli %select_n3A_280, %mul3A_582 : i32
            %mul3A_584 = arith.constant 16 : i32
            %mul3A_585 = arith.muli %scan3A_311, %mul3A_584 : i32
            %add3A_586 = arith.addi %mul3A_583, %mul3A_585 : i32
            %add3A_587 = arith.addi %add3A_586, %scan3A_501 : i32
            %get3A_588 = arith.index_cast %add3A_587 : i32 to index
            %get3A_589 = arith.constant 80 : index
            %get3A_590 = tpu.vector_load %arg9[%get3A_588, %get3A_589] {strides = array<i32>} : memref<256x128xi32, #tpu.memory_space<vmem>>, vector<16xi32>,
            %add3A_591 = arith.constant 96 : i32
            %add3A_592 = vector.broadcast %add3A_591 : i32 to vector<16xi32>
            %add3A_593 = arith.addi %iota3A, %add3A_592 : vector<16xi32>
            %gather3A_594 = tpu.vector_load_idx %arg5[%gather3A_512, %add3A_593] : memref<321x128xi32, #tpu.memory_space<vmem>>[vector<16xi32>, vector<16xi32>], vector<16xi32>,
            %mul3A_595 = arith.constant 32 : i32
            %mul3A_596 = arith.muli %select_n3A_280, %mul3A_595 : i32
            %mul3A_597 = arith.constant 16 : i32
            %mul3A_598 = arith.muli %scan3A_311, %mul3A_597 : i32
            %add3A_599 = arith.addi %mul3A_596, %mul3A_598 : i32
            %add3A_600 = arith.addi %add3A_599, %scan3A_501 : i32
            %get3A_601 = arith.index_cast %add3A_600 : i32 to index
            %get3A_602 = arith.constant 96 : index
            %get3A_603 = tpu.vector_load %arg9[%get3A_601, %get3A_602] {strides = array<i32>} : memref<256x128xi32, #tpu.memory_space<vmem>>, vector<16xi32>,
            %add3A_604 = arith.constant 112 : i32
            %add3A_605 = vector.broadcast %add3A_604 : i32 to vector<16xi32>
            %add3A_606 = arith.addi %iota3A, %add3A_605 : vector<16xi32>
            %gather3A_607 = tpu.vector_load_idx %arg5[%gather3A_512, %add3A_606] : memref<321x128xi32, #tpu.memory_space<vmem>>[vector<16xi32>, vector<16xi32>], vector<16xi32>,
            %mul3A_608 = arith.constant 32 : i32
            %mul3A_609 = arith.muli %select_n3A_280, %mul3A_608 : i32
            %mul3A_610 = arith.constant 16 : i32
            %mul3A_611 = arith.muli %scan3A_311, %mul3A_610 : i32
            %add3A_612 = arith.addi %mul3A_609, %mul3A_611 : i32
            %add3A_613 = arith.addi %add3A_612, %scan3A_501 : i32
            %get3A_614 = arith.index_cast %add3A_613 : i32 to index
            %get3A_615 = arith.constant 112 : index
            %get3A_616 = tpu.vector_load %arg9[%get3A_614, %get3A_615] {strides = array<i32>} : memref<256x128xi32, #tpu.memory_space<vmem>>, vector<16xi32>,
            %bitcast3A_617 = vector.bitcast %gather3A_516 : vector<16xi32> to vector<32xbf16>
            %bitcast3A_618 = vector.bitcast %get3A_525 : vector<16xi32> to vector<32xbf16>
            %max3A_619 = arith.maximumf %bitcast3A_617, %bitcast3A_618 : vector<32xbf16>
            %bitcast3A_620 = vector.bitcast %max3A_619 : vector<32xbf16> to vector<16xi32>
            %bitcast3A_621 = vector.bitcast %gather3A_529 : vector<16xi32> to vector<32xbf16>
            %bitcast3A_622 = vector.bitcast %get3A_538 : vector<16xi32> to vector<32xbf16>
            %max3A_623 = arith.maximumf %bitcast3A_621, %bitcast3A_622 : vector<32xbf16>
            %bitcast3A_624 = vector.bitcast %max3A_623 : vector<32xbf16> to vector<16xi32>
            %bitcast3A_625 = vector.bitcast %gather3A_542 : vector<16xi32> to vector<32xbf16>
            %bitcast3A_626 = vector.bitcast %get3A_551 : vector<16xi32> to vector<32xbf16>
            %max3A_627 = arith.maximumf %bitcast3A_625, %bitcast3A_626 : vector<32xbf16>
            %bitcast3A_628 = vector.bitcast %max3A_627 : vector<32xbf16> to vector<16xi32>
            %bitcast3A_629 = vector.bitcast %gather3A_555 : vector<16xi32> to vector<32xbf16>
            %bitcast3A_630 = vector.bitcast %get3A_564 : vector<16xi32> to vector<32xbf16>
            %max3A_631 = arith.maximumf %bitcast3A_629, %bitcast3A_630 : vector<32xbf16>
            %bitcast3A_632 = vector.bitcast %max3A_631 : vector<32xbf16> to vector<16xi32>
            %bitcast3A_633 = vector.bitcast %gather3A_568 : vector<16xi32> to vector<32xbf16>
            %bitcast3A_634 = vector.bitcast %get3A_577 : vector<16xi32> to vector<32xbf16>
            %max3A_635 = arith.maximumf %bitcast3A_633, %bitcast3A_634 : vector<32xbf16>
            %bitcast3A_636 = vector.bitcast %max3A_635 : vector<32xbf16> to vector<16xi32>
            %bitcast3A_637 = vector.bitcast %gather3A_581 : vector<16xi32> to vector<32xbf16>
            %bitcast3A_638 = vector.bitcast %get3A_590 : vector<16xi32> to vector<32xbf16>
            %max3A_639 = arith.maximumf %bitcast3A_637, %bitcast3A_638 : vector<32xbf16>
            %bitcast3A_640 = vector.bitcast %max3A_639 : vector<32xbf16> to vector<16xi32>
            %bitcast3A_641 = vector.bitcast %gather3A_594 : vector<16xi32> to vector<32xbf16>
            %bitcast3A_642 = vector.bitcast %get3A_603 : vector<16xi32> to vector<32xbf16>
            %max3A_643 = arith.maximumf %bitcast3A_641, %bitcast3A_642 : vector<32xbf16>
            %bitcast3A_644 = vector.bitcast %max3A_643 : vector<32xbf16> to vector<16xi32>
            %bitcast3A_645 = vector.bitcast %gather3A_607 : vector<16xi32> to vector<32xbf16>
            %bitcast3A_646 = vector.bitcast %get3A_616 : vector<16xi32> to vector<32xbf16>
            %max3A_647 = arith.maximumf %bitcast3A_645, %bitcast3A_646 : vector<32xbf16>
            %bitcast3A_648 = vector.bitcast %max3A_647 : vector<32xbf16> to vector<16xi32>
            %add3A_649 = arith.constant 0 : i32
            %add3A_650 = vector.broadcast %add3A_649 : i32 to vector<16xi32>
            %add3A_651 = arith.addi %iota3A, %add3A_650 : vector<16xi32>
            tpu.vector_store_idx %arg5[%gather3A_512, %add3A_651], %bitcast3A_620 : memref<321x128xi32, #tpu.memory_space<vmem>>[vector<16xi32>, vector<16xi32>], vector<16xi32>,
            %add3A_652 = arith.constant 16 : i32
            %add3A_653 = vector.broadcast %add3A_652 : i32 to vector<16xi32>
            %add3A_654 = arith.addi %iota3A, %add3A_653 : vector<16xi32>
            tpu.vector_store_idx %arg5[%gather3A_512, %add3A_654], %bitcast3A_624 : memref<321x128xi32, #tpu.memory_space<vmem>>[vector<16xi32>, vector<16xi32>], vector<16xi32>,
            %add3A_655 = arith.constant 32 : i32
            %add3A_656 = vector.broadcast %add3A_655 : i32 to vector<16xi32>
            %add3A_657 = arith.addi %iota3A, %add3A_656 : vector<16xi32>
            tpu.vector_store_idx %arg5[%gather3A_512, %add3A_657], %bitcast3A_628 : memref<321x128xi32, #tpu.memory_space<vmem>>[vector<16xi32>, vector<16xi32>], vector<16xi32>,
            %add3A_658 = arith.constant 48 : i32
            %add3A_659 = vector.broadcast %add3A_658 : i32 to vector<16xi32>
            %add3A_660 = arith.addi %iota3A, %add3A_659 : vector<16xi32>
            tpu.vector_store_idx %arg5[%gather3A_512, %add3A_660], %bitcast3A_632 : memref<321x128xi32, #tpu.memory_space<vmem>>[vector<16xi32>, vector<16xi32>], vector<16xi32>,
            %add3A_661 = arith.constant 64 : i32
            %add3A_662 = vector.broadcast %add3A_661 : i32 to vector<16xi32>
            %add3A_663 = arith.addi %iota3A, %add3A_662 : vector<16xi32>
            tpu.vector_store_idx %arg5[%gather3A_512, %add3A_663], %bitcast3A_636 : memref<321x128xi32, #tpu.memory_space<vmem>>[vector<16xi32>, vector<16xi32>], vector<16xi32>,
            %add3A_664 = arith.constant 80 : i32
            %add3A_665 = vector.broadcast %add3A_664 : i32 to vector<16xi32>
            %add3A_666 = arith.addi %iota3A, %add3A_665 : vector<16xi32>
            tpu.vector_store_idx %arg5[%gather3A_512, %add3A_666], %bitcast3A_640 : memref<321x128xi32, #tpu.memory_space<vmem>>[vector<16xi32>, vector<16xi32>], vector<16xi32>,
            %add3A_667 = arith.constant 96 : i32
            %add3A_668 = vector.broadcast %add3A_667 : i32 to vector<16xi32>
            %add3A_669 = arith.addi %iota3A, %add3A_668 : vector<16xi32>
            tpu.vector_store_idx %arg5[%gather3A_512, %add3A_669], %bitcast3A_644 : memref<321x128xi32, #tpu.memory_space<vmem>>[vector<16xi32>, vector<16xi32>], vector<16xi32>,
            %add3A_670 = arith.constant 112 : i32
            %add3A_671 = vector.broadcast %add3A_670 : i32 to vector<16xi32>
            %add3A_672 = arith.addi %iota3A, %add3A_671 : vector<16xi32>
            tpu.vector_store_idx %arg5[%gather3A_512, %add3A_672], %bitcast3A_648 : memref<321x128xi32, #tpu.memory_space<vmem>>[vector<16xi32>, vector<16xi32>], vector<16xi32>,
          }
          %scan3A_329 = arith.constant 16 : i32
        }
        %scan3A_298 = arith.constant 2 : i32
        %add3A_299 = arith.constant 1 : i32
        %add3A_300 = arith.addi %add3A_258, %add3A_299 : i32
        %lt3A_301 = arith.cmpi slt, %max3A, %add3A_238 : i32
        %sub3A_302 = arith.subi %max3A, %add3A_300 : i32
        %lt3A_303 = arith.constant 8 : i32
        %lt3A_304 = arith.cmpi slt, %sub3A_302, %lt3A_303 : i32
        %and3A_305 = arith.andi %lt3A_301, %lt3A_304 : i1
        %convert_element_type3A_306 = arith.extui %and3A_305 : i1 to i32
        %cond3A_307 = arith.constant 0 : i32
        %cond3A_308 = arith.cmpi ne, %convert_element_type3A_306, %cond3A_307 : i32
        scf.if %cond3A_308 {
          %ge3A = arith.cmpi sge, %max3A, %add3A_237 : i32
          %sub3A_311 = arith.constant 1 : i32
          %sub3A_312 = arith.subi %sub3A_311, %select_n3A_123 : i32
          %select_n3A_313 = arith.select %ge3A, %select_n3A_123, %sub3A_312 : i32
          %select_n3A_314 = arith.select %ge3A, %add3A_237, %scan3A_113 : i32
          %sub3A_315 = arith.subi %max3A, %select_n3A_314 : i32
          %jit3A_316 = arith.constant 8 : i32
          %eq3A_317 = arith.constant 0 : i32
          %eq3A_318 = arith.cmpi eq, %jit3A_316, %eq3A_317 : i32
          %jit3A_319 = arith.constant 1 : i32
          %select_n3A_320 = arith.select %eq3A_318, %jit3A_319, %jit3A_316 : i32
          %rem3A_321 = arith.remsi %max3A, %select_n3A_320 : i32
          %ne3A_322 = arith.constant 0 : i32
          %ne3A_323 = arith.cmpi ne, %rem3A_321, %ne3A_322 : i32
          %lt3A_324 = arith.constant 0 : i32
          %lt3A_325 = arith.cmpi slt, %rem3A_321, %lt3A_324 : i32
          %lt3A_326 = arith.constant 0 : i32
          %lt3A_327 = arith.cmpi slt, %select_n3A_320, %lt3A_326 : i32
          %ne3A_328 = arith.xori %lt3A_325, %lt3A_327 : i1
          %and3A_329 = arith.andi %ne3A_328, %ne3A_323 : i1
          %add3A_330 = arith.addi %rem3A_321, %select_n3A_320 : i32
          %select_n3A_331 = arith.select %and3A_329, %add3A_330, %rem3A_321 : i32
          %mul3A_332 = arith.constant 2048 : i32
          %mul3A_333 = arith.muli %select_n3A_313, %mul3A_332 : i32
          %mul3A_334 = arith.constant 32 : i32
          %mul3A_335 = arith.muli %sub3A_315, %mul3A_334 : i32
          %add3A_336 = arith.addi %mul3A_333, %mul3A_335 : i32
          %mul3A_337 = arith.constant 32 : i32
          %mul3A_338 = arith.muli %select_n3A_331, %mul3A_337 : i32
          %dma_start3A_339 = arith.constant 0 : i32
          %dma_start3A_340 = tpu.memref_slice %arg9[%mul3A_338, %dma_start3A_339] : memref<256x128xi32, #tpu.memory_space<vmem>> -> memref<32x128xi32, #tpu.memory_space<vmem>>
          %dma_start3A_341 = tpu.memref_slice %arg7[%add3A_336] : memref<4096xi32, #tpu.memory_space<vmem>> -> memref<32xi32, #tpu.memory_space<vmem>>
          %dma_start3A_342 = arith.constant 0 : i32
          %dma_start3A_343 = arith.constant 0 : i32
          %dma_start3A_344 = tpu.memref_slice %arg10[%dma_start3A_342, %dma_start3A_343] : memref<3456x128xi32, #tpu.memory_space<vmem_shared>> -> memref<3456x128xi32, #tpu.memory_space<vmem_shared>>
          tpu.enqueue_indirect_dma source(%dma_start3A_344 : memref<3456x128xi32, #tpu.memory_space<vmem_shared>>) target(%dma_start3A_340 : memref<32x128xi32, #tpu.memory_space<vmem>>) offsets(%dma_start3A_341 : memref<32xi32, #tpu.memory_space<vmem>>) semaphore(%arg12 : memref<!tpu.dma_semaphore, #tpu.memory_space<semaphore_mem>>)
        } else {
        }
        %convert_element_type3A_309 = arith.extui %and3A_305 : i1 to i32
        %add3A_310 = arith.addi %max3A, %convert_element_type3A_309 : i32
        scf.yield %add3A_300, %add3A_310 : i32, i32
      }
      scf.yield %while3A_254#0, %while3A_254#1, %add3A_237, %select_n3A_236 : i32, i32, i32, i32
    }
    %scan3A_71 = arith.constant 81 : i32
    %barrier3A_72 = arith.constant 0 : index
    tpu.barrier barrier_id(%barrier3A_72)
    %mul3A_73 = arith.constant 216 : i32
    %mul3A_74 = arith.muli %arg1, %mul3A_73 : i32
    %add3A_75 = arith.constant 6784 : i32
    %add3A_76 = arith.addi %add3A_75, %mul3A_74 : i32
    %mul3A_77 = arith.constant 216 : i32
    %mul3A_78 = arith.muli %arg1, %mul3A_77 : i32
    %dma_start3A_79 = arith.constant 0 : i32
    %dma_start3A_80 = tpu.memref_slice %arg10[%mul3A_78, %dma_start3A_79] : memref<3456x128xi32, #tpu.memory_space<vmem_shared>> -> memref<216x128xi32, #tpu.memory_space<vmem_shared>>
    %dma_start3A_81 = arith.constant 0 : i32
    %dma_start3A_82 = tpu.memref_slice %arg2[%add3A_76, %dma_start3A_81] : memref<10240x128xi32, #tpu.memory_space<hbm>> -> memref<216x128xi32, #tpu.memory_space<hbm>>
    tpu.enqueue_dma source(%dma_start3A_82 : memref<216x128xi32, #tpu.memory_space<hbm>>) target(%dma_start3A_80 : memref<216x128xi32, #tpu.memory_space<vmem_shared>>) target_semaphore(%arg13 : memref<!tpu.dma_semaphore, #tpu.memory_space<semaphore_mem>>)
    %mul3A_83 = arith.constant 216 : i32
    %mul3A_84 = arith.muli %arg1, %mul3A_83 : i32
    %dma_wait3A_85 = arith.constant 0 : i32
    %dma_wait3A_86 = tpu.memref_slice %arg10[%mul3A_84, %dma_wait3A_85] : memref<3456x128xi32, #tpu.memory_space<vmem_shared>> -> memref<216x128xi32, #tpu.memory_space<vmem_shared>>
    %dma_wait3A_87 = arith.constant 0 : i32
    %dma_wait3A_88 = arith.constant 0 : i32
    %dma_wait3A_89 = tpu.memref_slice %arg2[%dma_wait3A_87, %dma_wait3A_88] : memref<10240x128xi32, #tpu.memory_space<hbm>> -> memref<216x128xi32, #tpu.memory_space<hbm>>
    tpu.wait_dma2 semaphore(%arg13 : memref<!tpu.dma_semaphore, #tpu.memory_space<semaphore_mem>>) src(%dma_wait3A_89 : memref<216x128xi32, #tpu.memory_space<hbm>>) dst(%dma_wait3A_86 : memref<216x128xi32, #tpu.memory_space<vmem_shared>>)
    %barrier3A_90 = arith.constant 0 : index
    tpu.barrier barrier_id(%barrier3A_90)
    %dma_start3A_91 = arith.constant 0 : i32
    %dma_start3A_92 = tpu.memref_slice %arg6[%dma_start3A_91] : memref<4000xi32, #tpu.memory_space<vmem>> -> memref<2000xi32, #tpu.memory_space<vmem>>
    %dma_start3A_93 = arith.constant 0 : i32
    %dma_start3A_94 = tpu.memref_slice %arg3[%dma_start3A_93] : memref<162000xi32, #tpu.memory_space<hbm>> -> memref<2000xi32, #tpu.memory_space<hbm>>
    %dma_start3A_95 = arith.constant 0 : i32
    %dma_start3A_96 = tpu.memref_slice %arg6[%dma_start3A_95] : memref<4000xi32, #tpu.memory_space<vmem>> -> memref<2000xi32, #tpu.memory_space<vmem>>
    %dma_start3A_97 = arith.constant 0 : i32
    %dma_start3A_98 = tpu.memref_slice %arg3[%dma_start3A_97] : memref<162000xi32, #tpu.memory_space<hbm>> -> memref<2000xi32, #tpu.memory_space<hbm>>
    tpu.enqueue_dma source(%dma_start3A_98 : memref<2000xi32, #tpu.memory_space<hbm>>) target(%dma_start3A_96 : memref<2000xi32, #tpu.memory_space<vmem>>) target_semaphore(%arg11 : memref<!tpu.dma_semaphore, #tpu.memory_space<semaphore_mem>>)
    %scan3A_99 = arith.constant 0 : i32
    %scan3A_100 = arith.constant 0 : i32
    %scan3A_101 = arith.constant 0 : i32
    %scan3A_102 = arith.constant 0 : i32
    %scan3A_103 = arith.constant 0 : i32
    %scan3A_104 = arith.constant 81 : i32
    %scan3A_105 = arith.addi %scan3A_103, %scan3A_104 : i32
    %scan3A_106 = arith.constant 1 : i32
    %scan3A_107:4 = scf.for %scan3A_110 = %scan3A_103 to %scan3A_105 step %scan3A_106 iter_args(%scan3A_111 = %scan3A_99, %scan3A_112 = %scan3A_100, %scan3A_113 = %scan3A_101, %scan3A_114 = %scan3A_102) -> (i32, i32, i32, i32)  : i32 {
      %jit3A = arith.constant 2 : i32
      %eq3A = arith.constant 0 : i32
      %eq3A_115 = arith.cmpi eq, %jit3A, %eq3A : i32
      %jit3A_116 = arith.constant 1 : i32
      %select_n3A = arith.select %eq3A_115, %jit3A_116, %jit3A : i32
      %rem3A = arith.remsi %scan3A_110, %select_n3A : i32
      %ne3A = arith.constant 0 : i32
      %ne3A_117 = arith.cmpi ne, %rem3A, %ne3A : i32
      %lt3A = arith.constant 0 : i32
      %lt3A_118 = arith.cmpi slt, %rem3A, %lt3A : i32
      %lt3A_119 = arith.constant 0 : i32
      %lt3A_120 = arith.cmpi slt, %select_n3A, %lt3A_119 : i32
      %ne3A_121 = arith.xori %lt3A_118, %lt3A_120 : i1
      %and3A = arith.andi %ne3A_121, %ne3A_117 : i1
      %add3A_122 = arith.addi %rem3A, %select_n3A : i32
      %select_n3A_123 = arith.select %and3A, %add3A_122, %rem3A : i32
      %mul3A_124 = arith.constant 2000 : i32
      %mul3A_125 = arith.muli %select_n3A_123, %mul3A_124 : i32
      %dma_wait3A_126 = tpu.memref_slice %arg6[%mul3A_125] : memref<4000xi32, #tpu.memory_space<vmem>> -> memref<2000xi32, #tpu.memory_space<vmem>>
      %dma_wait3A_127 = arith.constant 0 : i32
      %dma_wait3A_128 = tpu.memref_slice %arg3[%dma_wait3A_127] : memref<162000xi32, #tpu.memory_space<hbm>> -> memref<2000xi32, #tpu.memory_space<hbm>>
      %dma_wait3A_129 = tpu.memref_slice %arg6[%mul3A_125] : memref<4000xi32, #tpu.memory_space<vmem>> -> memref<2000xi32, #tpu.memory_space<vmem>>
      %dma_wait3A_130 = arith.constant 0 : i32
      %dma_wait3A_131 = tpu.memref_slice %arg3[%dma_wait3A_130] : memref<162000xi32, #tpu.memory_space<hbm>> -> memref<2000xi32, #tpu.memory_space<hbm>>
      tpu.wait_dma2 semaphore(%arg11 : memref<!tpu.dma_semaphore, #tpu.memory_space<semaphore_mem>>) src(%dma_wait3A_131 : memref<2000xi32, #tpu.memory_space<hbm>>) dst(%dma_wait3A_129 : memref<2000xi32, #tpu.memory_space<vmem>>)
      %add3A_132 = arith.constant 1 : i32
      %add3A_133 = arith.addi %scan3A_110, %add3A_132 : i32
      %lt3A_134 = arith.constant 81 : i32
      %lt3A_135 = arith.cmpi slt, %add3A_133, %lt3A_134 : i32
      %convert_element_type3A = arith.extui %lt3A_135 : i1 to i32
      %cond3A = arith.constant 0 : i32
      %cond3A_136 = arith.cmpi ne, %convert_element_type3A, %cond3A : i32
      scf.if %cond3A_136 {
        %add3A_255 = arith.constant 1 : i32
        %add3A_256 = arith.addi %scan3A_110, %add3A_255 : i32
        %jit3A_257 = arith.constant 2 : i32
        %eq3A_258 = arith.constant 0 : i32
        %eq3A_259 = arith.cmpi eq, %jit3A_257, %eq3A_258 : i32
        %jit3A_260 = arith.constant 1 : i32
        %select_n3A_261 = arith.select %eq3A_259, %jit3A_260, %jit3A_257 : i32
        %rem3A_262 = arith.remsi %add3A_256, %select_n3A_261 : i32
        %ne3A_263 = arith.constant 0 : i32
        %ne3A_264 = arith.cmpi ne, %rem3A_262, %ne3A_263 : i32
        %lt3A_265 = arith.constant 0 : i32
        %lt3A_266 = arith.cmpi slt, %rem3A_262, %lt3A_265 : i32
        %lt3A_267 = arith.constant 0 : i32
        %lt3A_268 = arith.cmpi slt, %select_n3A_261, %lt3A_267 : i32
        %ne3A_269 = arith.xori %lt3A_266, %lt3A_268 : i1
        %and3A_270 = arith.andi %ne3A_269, %ne3A_264 : i1
        %add3A_271 = arith.addi %rem3A_262, %select_n3A_261 : i32
        %select_n3A_272 = arith.select %and3A_270, %add3A_271, %rem3A_262 : i32
        %mul3A_273 = arith.constant 2000 : i32
        %mul3A_274 = arith.muli %add3A_256, %mul3A_273 : i32
        %mul3A_275 = arith.constant 2000 : i32
        %mul3A_276 = arith.muli %select_n3A_272, %mul3A_275 : i32
        %dma_start3A_277 = tpu.memref_slice %arg6[%mul3A_276] : memref<4000xi32, #tpu.memory_space<vmem>> -> memref<2000xi32, #tpu.memory_space<vmem>>
        %dma_start3A_278 = tpu.memref_slice %arg3[%mul3A_274] : memref<162000xi32, #tpu.memory_space<hbm>> -> memref<2000xi32, #tpu.memory_space<hbm>>
        %dma_start3A_279 = tpu.memref_slice %arg6[%mul3A_276] : memref<4000xi32, #tpu.memory_space<vmem>> -> memref<2000xi32, #tpu.memory_space<vmem>>
        %dma_start3A_280 = tpu.memref_slice %arg3[%mul3A_274] : memref<162000xi32, #tpu.memory_space<hbm>> -> memref<2000xi32, #tpu.memory_space<hbm>>
        tpu.enqueue_dma source(%dma_start3A_280 : memref<2000xi32, #tpu.memory_space<hbm>>) target(%dma_start3A_279 : memref<2000xi32, #tpu.memory_space<vmem>>) target_semaphore(%arg11 : memref<!tpu.dma_semaphore, #tpu.memory_space<semaphore_mem>>)
      } else {
      }
      %scan3A_137 = arith.constant 0 : i32
      %scan3A_138 = arith.constant 0 : i32
      %scan3A_139 = arith.constant 124 : i32
      %scan3A_140 = arith.addi %scan3A_138, %scan3A_139 : i32
      %scan3A_141 = arith.constant 4 : i32
      %scan3A_142 = scf.for %scan3A_255 = %scan3A_138 to %scan3A_140 step %scan3A_141 iter_args(%scan3A_256 = %scan3A_137) -> (i32)  : i32 {
        %mul3A_257 = arith.constant 2000 : i32
        %mul3A_258 = arith.muli %select_n3A_123, %mul3A_257 : i32
        %mul3A_259 = arith.constant 16 : i32
        %mul3A_260 = arith.muli %scan3A_255, %mul3A_259 : i32
        %add3A_261 = arith.addi %mul3A_258, %mul3A_260 : i32
        %get3A_262 = arith.index_cast %add3A_261 : i32 to index
        %get3A_263 = tpu.vector_load %arg6[%get3A_262] {strides = array<i32>} : memref<4000xi32, #tpu.memory_space<vmem>>, vector<16xi32>,
        %shift_right_logical3A_264 = arith.constant 16 : i32
        %shift_right_logical3A_265 = vector.broadcast %shift_right_logical3A_264 : i32 to vector<16xi32>
        %shift_right_logical3A_266 = arith.shrui %get3A_263, %shift_right_logical3A_265 : vector<16xi32>
        %and3A_267 = arith.constant 65535 : i32
        %and3A_268 = vector.broadcast %and3A_267 : i32 to vector<16xi32>
        %and3A_269 = arith.andi %get3A_263, %and3A_268 : vector<16xi32>
        %sub3A_270 = arith.constant 6784 : i32
        %sub3A_271 = vector.broadcast %sub3A_270 : i32 to vector<16xi32>
        %sub3A_272 = arith.subi %and3A_269, %sub3A_271 : vector<16xi32>
        %sub3A_273 = vector.broadcast %mul3A_2 : i32 to vector<16xi32>
        %sub3A_274 = arith.subi %shift_right_logical3A_266, %sub3A_273 : vector<16xi32>
        %lt3A_275 = arith.constant 320 : i32
        %lt3A_276 = vector.broadcast %lt3A_275 : i32 to vector<16xi32>
        %lt3A_277 = arith.cmpi ult, %sub3A_274, %lt3A_276 : vector<16xi32>
        %lt3A_278 = arith.constant 3456 : i32
        %lt3A_279 = vector.broadcast %lt3A_278 : i32 to vector<16xi32>
        %lt3A_280 = arith.cmpi ult, %sub3A_272, %lt3A_279 : vector<16xi32>
        %and3A_281 = arith.andi %lt3A_277, %lt3A_280 : vector<16xi1>
        %mul3A_282 = arith.constant 2048 : i32
        %mul3A_283 = arith.muli %select_n3A_123, %mul3A_282 : i32
        %add3A_284 = arith.addi %mul3A_283, %scan3A_256 : i32
        %swap3A_285 = arith.index_cast %add3A_284 : i32 to index
        %swap3A_286 = tpu.vector_load %arg7[%swap3A_285] masked %and3A_281 {strides = array<i32>} : memref<4096xi32, #tpu.memory_space<vmem>>, vector<16xi32>, vector<16xi1>
        tpu.vector_store %arg7[%swap3A_285], %sub3A_272 masked %and3A_281 {strides = array<i32>} : memref<4096xi32, #tpu.memory_space<vmem>>, vector<16xi32>, vector<16xi1>
        %mul3A_287 = arith.constant 2048 : i32
        %mul3A_288 = arith.muli %select_n3A_123, %mul3A_287 : i32
        %add3A_289 = arith.addi %mul3A_288, %scan3A_256 : i32
        %sub3A_290 = vector.broadcast %mul3A_2 : i32 to vector<16xi32>
        %sub3A_291 = arith.subi %shift_right_logical3A_266, %sub3A_290 : vector<16xi32>
        %swap3A_292 = arith.index_cast %add3A_289 : i32 to index
        %swap3A_293 = tpu.vector_load %arg8[%swap3A_292] masked %and3A_281 {strides = array<i32>} : memref<4096xi32, #tpu.memory_space<vmem>>, vector<16xi32>, vector<16xi1>
        tpu.vector_store %arg8[%swap3A_292], %sub3A_291 masked %and3A_281 {strides = array<i32>} : memref<4096xi32, #tpu.memory_space<vmem>>, vector<16xi32>, vector<16xi1>
        %all_reduce_population_count3A_294 = tpu.all_reduce %and3A_281 {dim = 0 : i64, kind = #tpu.reduction_kind<sum>} : vector<16xi1> -> vector<16xi32>
        %slice3A_295 = vector.extract_strided_slice %all_reduce_population_count3A_294 {offsets = [0], sizes = [1], strides = [1]} : vector<16xi32> to vector<1xi32>
        %squeeze3A_296 = vector.extract %slice3A_295[0] : i32 from vector<1xi32>
        %add3A_297 = arith.addi %scan3A_256, %squeeze3A_296 : i32
        %scan3A_298 = arith.constant 1 : i32
        %scan3A_299 = arith.addi %scan3A_255, %scan3A_298 : i32
        %mul3A_300 = arith.constant 2000 : i32
        %mul3A_301 = arith.muli %select_n3A_123, %mul3A_300 : i32
        %mul3A_302 = arith.constant 16 : i32
        %mul3A_303 = arith.muli %scan3A_299, %mul3A_302 : i32
        %add3A_304 = arith.addi %mul3A_301, %mul3A_303 : i32
        %get3A_305 = arith.index_cast %add3A_304 : i32 to index
        %get3A_306 = tpu.vector_load %arg6[%get3A_305] {strides = array<i32>} : memref<4000xi32, #tpu.memory_space<vmem>>, vector<16xi32>,
        %shift_right_logical3A_307 = arith.constant 16 : i32
        %shift_right_logical3A_308 = vector.broadcast %shift_right_logical3A_307 : i32 to vector<16xi32>
        %shift_right_logical3A_309 = arith.shrui %get3A_306, %shift_right_logical3A_308 : vector<16xi32>
        %and3A_310 = arith.constant 65535 : i32
        %and3A_311 = vector.broadcast %and3A_310 : i32 to vector<16xi32>
        %and3A_312 = arith.andi %get3A_306, %and3A_311 : vector<16xi32>
        %sub3A_313 = arith.constant 6784 : i32
        %sub3A_314 = vector.broadcast %sub3A_313 : i32 to vector<16xi32>
        %sub3A_315 = arith.subi %and3A_312, %sub3A_314 : vector<16xi32>
        %sub3A_316 = vector.broadcast %mul3A_2 : i32 to vector<16xi32>
        %sub3A_317 = arith.subi %shift_right_logical3A_309, %sub3A_316 : vector<16xi32>
        %lt3A_318 = arith.constant 320 : i32
        %lt3A_319 = vector.broadcast %lt3A_318 : i32 to vector<16xi32>
        %lt3A_320 = arith.cmpi ult, %sub3A_317, %lt3A_319 : vector<16xi32>
        %lt3A_321 = arith.constant 3456 : i32
        %lt3A_322 = vector.broadcast %lt3A_321 : i32 to vector<16xi32>
        %lt3A_323 = arith.cmpi ult, %sub3A_315, %lt3A_322 : vector<16xi32>
        %and3A_324 = arith.andi %lt3A_320, %lt3A_323 : vector<16xi1>
        %mul3A_325 = arith.constant 2048 : i32
        %mul3A_326 = arith.muli %select_n3A_123, %mul3A_325 : i32
        %add3A_327 = arith.addi %mul3A_326, %add3A_297 : i32
        %swap3A_328 = arith.index_cast %add3A_327 : i32 to index
        %swap3A_329 = tpu.vector_load %arg7[%swap3A_328] masked %and3A_324 {strides = array<i32>} : memref<4096xi32, #tpu.memory_space<vmem>>, vector<16xi32>, vector<16xi1>
        tpu.vector_store %arg7[%swap3A_328], %sub3A_315 masked %and3A_324 {strides = array<i32>} : memref<4096xi32, #tpu.memory_space<vmem>>, vector<16xi32>, vector<16xi1>
        %mul3A_330 = arith.constant 2048 : i32
        %mul3A_331 = arith.muli %select_n3A_123, %mul3A_330 : i32
        %add3A_332 = arith.addi %mul3A_331, %add3A_297 : i32
        %sub3A_333 = vector.broadcast %mul3A_2 : i32 to vector<16xi32>
        %sub3A_334 = arith.subi %shift_right_logical3A_309, %sub3A_333 : vector<16xi32>
        %swap3A_335 = arith.index_cast %add3A_332 : i32 to index
        %swap3A_336 = tpu.vector_load %arg8[%swap3A_335] masked %and3A_324 {strides = array<i32>} : memref<4096xi32, #tpu.memory_space<vmem>>, vector<16xi32>, vector<16xi1>
        tpu.vector_store %arg8[%swap3A_335], %sub3A_334 masked %and3A_324 {strides = array<i32>} : memref<4096xi32, #tpu.memory_space<vmem>>, vector<16xi32>, vector<16xi1>
        %all_reduce_population_count3A_337 = tpu.all_reduce %and3A_324 {dim = 0 : i64, kind = #tpu.reduction_kind<sum>} : vector<16xi1> -> vector<16xi32>
        %slice3A_338 = vector.extract_strided_slice %all_reduce_population_count3A_337 {offsets = [0], sizes = [1], strides = [1]} : vector<16xi32> to vector<1xi32>
        %squeeze3A_339 = vector.extract %slice3A_338[0] : i32 from vector<1xi32>
        %add3A_340 = arith.addi %add3A_297, %squeeze3A_339 : i32
        %scan3A_341 = arith.constant 2 : i32
        %scan3A_342 = arith.addi %scan3A_255, %scan3A_341 : i32
        %mul3A_343 = arith.constant 2000 : i32
        %mul3A_344 = arith.muli %select_n3A_123, %mul3A_343 : i32
        %mul3A_345 = arith.constant 16 : i32
        %mul3A_346 = arith.muli %scan3A_342, %mul3A_345 : i32
        %add3A_347 = arith.addi %mul3A_344, %mul3A_346 : i32
        %get3A_348 = arith.index_cast %add3A_347 : i32 to index
        %get3A_349 = tpu.vector_load %arg6[%get3A_348] {strides = array<i32>} : memref<4000xi32, #tpu.memory_space<vmem>>, vector<16xi32>,
        %shift_right_logical3A_350 = arith.constant 16 : i32
        %shift_right_logical3A_351 = vector.broadcast %shift_right_logical3A_350 : i32 to vector<16xi32>
        %shift_right_logical3A_352 = arith.shrui %get3A_349, %shift_right_logical3A_351 : vector<16xi32>
        %and3A_353 = arith.constant 65535 : i32
        %and3A_354 = vector.broadcast %and3A_353 : i32 to vector<16xi32>
        %and3A_355 = arith.andi %get3A_349, %and3A_354 : vector<16xi32>
        %sub3A_356 = arith.constant 6784 : i32
        %sub3A_357 = vector.broadcast %sub3A_356 : i32 to vector<16xi32>
        %sub3A_358 = arith.subi %and3A_355, %sub3A_357 : vector<16xi32>
        %sub3A_359 = vector.broadcast %mul3A_2 : i32 to vector<16xi32>
        %sub3A_360 = arith.subi %shift_right_logical3A_352, %sub3A_359 : vector<16xi32>
        %lt3A_361 = arith.constant 320 : i32
        %lt3A_362 = vector.broadcast %lt3A_361 : i32 to vector<16xi32>
        %lt3A_363 = arith.cmpi ult, %sub3A_360, %lt3A_362 : vector<16xi32>
        %lt3A_364 = arith.constant 3456 : i32
        %lt3A_365 = vector.broadcast %lt3A_364 : i32 to vector<16xi32>
        %lt3A_366 = arith.cmpi ult, %sub3A_358, %lt3A_365 : vector<16xi32>
        %and3A_367 = arith.andi %lt3A_363, %lt3A_366 : vector<16xi1>
        %mul3A_368 = arith.constant 2048 : i32
        %mul3A_369 = arith.muli %select_n3A_123, %mul3A_368 : i32
        %add3A_370 = arith.addi %mul3A_369, %add3A_340 : i32
        %swap3A_371 = arith.index_cast %add3A_370 : i32 to index
        %swap3A_372 = tpu.vector_load %arg7[%swap3A_371] masked %and3A_367 {strides = array<i32>} : memref<4096xi32, #tpu.memory_space<vmem>>, vector<16xi32>, vector<16xi1>
        tpu.vector_store %arg7[%swap3A_371], %sub3A_358 masked %and3A_367 {strides = array<i32>} : memref<4096xi32, #tpu.memory_space<vmem>>, vector<16xi32>, vector<16xi1>
        %mul3A_373 = arith.constant 2048 : i32
        %mul3A_374 = arith.muli %select_n3A_123, %mul3A_373 : i32
        %add3A_375 = arith.addi %mul3A_374, %add3A_340 : i32
        %sub3A_376 = vector.broadcast %mul3A_2 : i32 to vector<16xi32>
        %sub3A_377 = arith.subi %shift_right_logical3A_352, %sub3A_376 : vector<16xi32>
        %swap3A_378 = arith.index_cast %add3A_375 : i32 to index
        %swap3A_379 = tpu.vector_load %arg8[%swap3A_378] masked %and3A_367 {strides = array<i32>} : memref<4096xi32, #tpu.memory_space<vmem>>, vector<16xi32>, vector<16xi1>
        tpu.vector_store %arg8[%swap3A_378], %sub3A_377 masked %and3A_367 {strides = array<i32>} : memref<4096xi32, #tpu.memory_space<vmem>>, vector<16xi32>, vector<16xi1>
        %all_reduce_population_count3A_380 = tpu.all_reduce %and3A_367 {dim = 0 : i64, kind = #tpu.reduction_kind<sum>} : vector<16xi1> -> vector<16xi32>
        %slice3A_381 = vector.extract_strided_slice %all_reduce_population_count3A_380 {offsets = [0], sizes = [1], strides = [1]} : vector<16xi32> to vector<1xi32>
        %squeeze3A_382 = vector.extract %slice3A_381[0] : i32 from vector<1xi32>
        %add3A_383 = arith.addi %add3A_340, %squeeze3A_382 : i32
        %scan3A_384 = arith.constant 3 : i32
        %scan3A_385 = arith.addi %scan3A_255, %scan3A_384 : i32
        %mul3A_386 = arith.constant 2000 : i32
        %mul3A_387 = arith.muli %select_n3A_123, %mul3A_386 : i32
        %mul3A_388 = arith.constant 16 : i32
        %mul3A_389 = arith.muli %scan3A_385, %mul3A_388 : i32
        %add3A_390 = arith.addi %mul3A_387, %mul3A_389 : i32
        %get3A_391 = arith.index_cast %add3A_390 : i32 to index
        %get3A_392 = tpu.vector_load %arg6[%get3A_391] {strides = array<i32>} : memref<4000xi32, #tpu.memory_space<vmem>>, vector<16xi32>,
        %shift_right_logical3A_393 = arith.constant 16 : i32
        %shift_right_logical3A_394 = vector.broadcast %shift_right_logical3A_393 : i32 to vector<16xi32>
        %shift_right_logical3A_395 = arith.shrui %get3A_392, %shift_right_logical3A_394 : vector<16xi32>
        %and3A_396 = arith.constant 65535 : i32
        %and3A_397 = vector.broadcast %and3A_396 : i32 to vector<16xi32>
        %and3A_398 = arith.andi %get3A_392, %and3A_397 : vector<16xi32>
        %sub3A_399 = arith.constant 6784 : i32
        %sub3A_400 = vector.broadcast %sub3A_399 : i32 to vector<16xi32>
        %sub3A_401 = arith.subi %and3A_398, %sub3A_400 : vector<16xi32>
        %sub3A_402 = vector.broadcast %mul3A_2 : i32 to vector<16xi32>
        %sub3A_403 = arith.subi %shift_right_logical3A_395, %sub3A_402 : vector<16xi32>
        %lt3A_404 = arith.constant 320 : i32
        %lt3A_405 = vector.broadcast %lt3A_404 : i32 to vector<16xi32>
        %lt3A_406 = arith.cmpi ult, %sub3A_403, %lt3A_405 : vector<16xi32>
        %lt3A_407 = arith.constant 3456 : i32
        %lt3A_408 = vector.broadcast %lt3A_407 : i32 to vector<16xi32>
        %lt3A_409 = arith.cmpi ult, %sub3A_401, %lt3A_408 : vector<16xi32>
        %and3A_410 = arith.andi %lt3A_406, %lt3A_409 : vector<16xi1>
        %mul3A_411 = arith.constant 2048 : i32
        %mul3A_412 = arith.muli %select_n3A_123, %mul3A_411 : i32
        %add3A_413 = arith.addi %mul3A_412, %add3A_383 : i32
        %swap3A_414 = arith.index_cast %add3A_413 : i32 to index
        %swap3A_415 = tpu.vector_load %arg7[%swap3A_414] masked %and3A_410 {strides = array<i32>} : memref<4096xi32, #tpu.memory_space<vmem>>, vector<16xi32>, vector<16xi1>
        tpu.vector_store %arg7[%swap3A_414], %sub3A_401 masked %and3A_410 {strides = array<i32>} : memref<4096xi32, #tpu.memory_space<vmem>>, vector<16xi32>, vector<16xi1>
        %mul3A_416 = arith.constant 2048 : i32
        %mul3A_417 = arith.muli %select_n3A_123, %mul3A_416 : i32
        %add3A_418 = arith.addi %mul3A_417, %add3A_383 : i32
        %sub3A_419 = vector.broadcast %mul3A_2 : i32 to vector<16xi32>
        %sub3A_420 = arith.subi %shift_right_logical3A_395, %sub3A_419 : vector<16xi32>
        %swap3A_421 = arith.index_cast %add3A_418 : i32 to index
        %swap3A_422 = tpu.vector_load %arg8[%swap3A_421] masked %and3A_410 {strides = array<i32>} : memref<4096xi32, #tpu.memory_space<vmem>>, vector<16xi32>, vector<16xi1>
        tpu.vector_store %arg8[%swap3A_421], %sub3A_420 masked %and3A_410 {strides = array<i32>} : memref<4096xi32, #tpu.memory_space<vmem>>, vector<16xi32>, vector<16xi1>
        %all_reduce_population_count3A_423 = tpu.all_reduce %and3A_410 {dim = 0 : i64, kind = #tpu.reduction_kind<sum>} : vector<16xi1> -> vector<16xi32>
        %slice3A_424 = vector.extract_strided_slice %all_reduce_population_count3A_423 {offsets = [0], sizes = [1], strides = [1]} : vector<16xi32> to vector<1xi32>
        %squeeze3A_425 = vector.extract %slice3A_424[0] : i32 from vector<1xi32>
        %add3A_426 = arith.addi %add3A_383, %squeeze3A_425 : i32
        scf.yield %add3A_426 : i32
      }
      %scan3A_143 = arith.constant 124 : i32
      %scan3A_144 = arith.addi %scan3A_138, %scan3A_143 : i32
      %mul3A_145 = arith.constant 2000 : i32
      %mul3A_146 = arith.muli %select_n3A_123, %mul3A_145 : i32
      %mul3A_147 = arith.constant 16 : i32
      %mul3A_148 = arith.muli %scan3A_144, %mul3A_147 : i32
      %add3A_149 = arith.addi %mul3A_146, %mul3A_148 : i32
      %get3A = arith.index_cast %add3A_149 : i32 to index
      %get3A_150 = tpu.vector_load %arg6[%get3A] {strides = array<i32>} : memref<4000xi32, #tpu.memory_space<vmem>>, vector<16xi32>,
      %shift_right_logical3A = arith.constant 16 : i32
      %shift_right_logical3A_151 = vector.broadcast %shift_right_logical3A : i32 to vector<16xi32>
      %shift_right_logical3A_152 = arith.shrui %get3A_150, %shift_right_logical3A_151 : vector<16xi32>
      %and3A_153 = arith.constant 65535 : i32
      %and3A_154 = vector.broadcast %and3A_153 : i32 to vector<16xi32>
      %and3A_155 = arith.andi %get3A_150, %and3A_154 : vector<16xi32>
      %sub3A = arith.constant 6784 : i32
      %sub3A_156 = vector.broadcast %sub3A : i32 to vector<16xi32>
      %sub3A_157 = arith.subi %and3A_155, %sub3A_156 : vector<16xi32>
      %sub3A_158 = vector.broadcast %mul3A_2 : i32 to vector<16xi32>
      %sub3A_159 = arith.subi %shift_right_logical3A_152, %sub3A_158 : vector<16xi32>
      %lt3A_160 = arith.constant 320 : i32
      %lt3A_161 = vector.broadcast %lt3A_160 : i32 to vector<16xi32>
      %lt3A_162 = arith.cmpi ult, %sub3A_159, %lt3A_161 : vector<16xi32>
      %lt3A_163 = arith.constant 3456 : i32
      %lt3A_164 = vector.broadcast %lt3A_163 : i32 to vector<16xi32>
      %lt3A_165 = arith.cmpi ult, %sub3A_157, %lt3A_164 : vector<16xi32>
      %and3A_166 = arith.andi %lt3A_162, %lt3A_165 : vector<16xi1>
      %mul3A_167 = arith.constant 2048 : i32
      %mul3A_168 = arith.muli %select_n3A_123, %mul3A_167 : i32
      %add3A_169 = arith.addi %mul3A_168, %scan3A_142 : i32
      %swap3A = arith.index_cast %add3A_169 : i32 to index
      %swap3A_170 = tpu.vector_load %arg7[%swap3A] masked %and3A_166 {strides = array<i32>} : memref<4096xi32, #tpu.memory_space<vmem>>, vector<16xi32>, vector<16xi1>
      tpu.vector_store %arg7[%swap3A], %sub3A_157 masked %and3A_166 {strides = array<i32>} : memref<4096xi32, #tpu.memory_space<vmem>>, vector<16xi32>, vector<16xi1>
      %mul3A_171 = arith.constant 2048 : i32
      %mul3A_172 = arith.muli %select_n3A_123, %mul3A_171 : i32
      %add3A_173 = arith.addi %mul3A_172, %scan3A_142 : i32
      %sub3A_174 = vector.broadcast %mul3A_2 : i32 to vector<16xi32>
      %sub3A_175 = arith.subi %shift_right_logical3A_152, %sub3A_174 : vector<16xi32>
      %swap3A_176 = arith.index_cast %add3A_173 : i32 to index
      %swap3A_177 = tpu.vector_load %arg8[%swap3A_176] masked %and3A_166 {strides = array<i32>} : memref<4096xi32, #tpu.memory_space<vmem>>, vector<16xi32>, vector<16xi1>
      tpu.vector_store %arg8[%swap3A_176], %sub3A_175 masked %and3A_166 {strides = array<i32>} : memref<4096xi32, #tpu.memory_space<vmem>>, vector<16xi32>, vector<16xi1>
      %all_reduce_population_count3A = tpu.all_reduce %and3A_166 {dim = 0 : i64, kind = #tpu.reduction_kind<sum>} : vector<16xi1> -> vector<16xi32>
      %slice3A = vector.extract_strided_slice %all_reduce_population_count3A {offsets = [0], sizes = [1], strides = [1]} : vector<16xi32> to vector<1xi32>
      %squeeze3A = vector.extract %slice3A[0] : i32 from vector<1xi32>
      %add3A_178 = arith.addi %scan3A_142, %squeeze3A : i32
      %scan3A_179 = arith.constant 125 : i32
      %broadcast_in_dim3A = arith.constant 0 : i32
      %broadcast_in_dim3A_180 = vector.broadcast %broadcast_in_dim3A : i32 to vector<16xi32>
      %mul3A_181 = arith.constant 2048 : i32
      %mul3A_182 = arith.muli %select_n3A_123, %mul3A_181 : i32
      %add3A_183 = arith.addi %mul3A_182, %add3A_178 : i32
      %swap3A_184 = arith.index_cast %add3A_183 : i32 to index
      %swap3A_185 = tpu.vector_load %arg7[%swap3A_184] {strides = array<i32>} : memref<4096xi32, #tpu.memory_space<vmem>>, vector<16xi32>,
      tpu.vector_store %arg7[%swap3A_184], %broadcast_in_dim3A_180 {strides = array<i32>} : memref<4096xi32, #tpu.memory_space<vmem>>, vector<16xi32>,
      %broadcast_in_dim3A_186 = arith.constant 0 : i32
      %broadcast_in_dim3A_187 = vector.broadcast %broadcast_in_dim3A_186 : i32 to vector<16xi32>
      %mul3A_188 = arith.constant 2048 : i32
      %mul3A_189 = arith.muli %select_n3A_123, %mul3A_188 : i32
      %add3A_190 = arith.addi %mul3A_189, %add3A_178 : i32
      %add3A_191 = arith.constant 16 : i32
      %add3A_192 = arith.addi %add3A_190, %add3A_191 : i32
      %swap3A_193 = arith.index_cast %add3A_192 : i32 to index
      %swap3A_194 = tpu.vector_load %arg7[%swap3A_193] {strides = array<i32>} : memref<4096xi32, #tpu.memory_space<vmem>>, vector<16xi32>,
      tpu.vector_store %arg7[%swap3A_193], %broadcast_in_dim3A_187 {strides = array<i32>} : memref<4096xi32, #tpu.memory_space<vmem>>, vector<16xi32>,
      %broadcast_in_dim3A_195 = arith.constant 320 : i32
      %broadcast_in_dim3A_196 = vector.broadcast %broadcast_in_dim3A_195 : i32 to vector<16xi32>
      %mul3A_197 = arith.constant 2048 : i32
      %mul3A_198 = arith.muli %select_n3A_123, %mul3A_197 : i32
      %add3A_199 = arith.addi %mul3A_198, %add3A_178 : i32
      %swap3A_200 = arith.index_cast %add3A_199 : i32 to index
      %swap3A_201 = tpu.vector_load %arg8[%swap3A_200] {strides = array<i32>} : memref<4096xi32, #tpu.memory_space<vmem>>, vector<16xi32>,
      tpu.vector_store %arg8[%swap3A_200], %broadcast_in_dim3A_196 {strides = array<i32>} : memref<4096xi32, #tpu.memory_space<vmem>>, vector<16xi32>,
      %broadcast_in_dim3A_202 = arith.constant 320 : i32
      %broadcast_in_dim3A_203 = vector.broadcast %broadcast_in_dim3A_202 : i32 to vector<16xi32>
      %mul3A_204 = arith.constant 2048 : i32
      %mul3A_205 = arith.muli %select_n3A_123, %mul3A_204 : i32
      %add3A_206 = arith.addi %mul3A_205, %add3A_178 : i32
      %add3A_207 = arith.constant 16 : i32
      %add3A_208 = arith.addi %add3A_206, %add3A_207 : i32
      %swap3A_209 = arith.index_cast %add3A_208 : i32 to index
      %swap3A_210 = tpu.vector_load %arg8[%swap3A_209] {strides = array<i32>} : memref<4096xi32, #tpu.memory_space<vmem>>, vector<16xi32>,
      tpu.vector_store %arg8[%swap3A_209], %broadcast_in_dim3A_203 {strides = array<i32>} : memref<4096xi32, #tpu.memory_space<vmem>>, vector<16xi32>,
      %add3A_211 = arith.constant 32 : i32
      %add3A_212 = arith.addi %add3A_178, %add3A_211 : i32
      %sub3A_213 = arith.constant 1 : i32
      %sub3A_214 = arith.subi %add3A_212, %sub3A_213 : i32
      %jit3A_215 = arith.constant 32 : i32
      %div3A = arith.divsi %sub3A_214, %jit3A_215 : i32
      %sign3A = arith.constant 0 : i32
      %sign3A_216 = arith.cmpi sgt, %sub3A_214, %sign3A : i32
      %sign3A_217 = arith.extui %sign3A_216 : i1 to i32
      %sign3A_218 = arith.constant 0 : i32
      %sign3A_219 = arith.cmpi slt, %sub3A_214, %sign3A_218 : i32
      %sign3A_220 = arith.extui %sign3A_219 : i1 to i32
      %sign3A_221 = arith.subi %sign3A_217, %sign3A_220 : i32
      %sign3A_222 = arith.constant 0 : i32
      %sign3A_223 = arith.cmpi sgt, %jit3A_215, %sign3A_222 : i32
      %sign3A_224 = arith.extui %sign3A_223 : i1 to i32
      %sign3A_225 = arith.constant 0 : i32
      %sign3A_226 = arith.cmpi slt, %jit3A_215, %sign3A_225 : i32
      %sign3A_227 = arith.extui %sign3A_226 : i1 to i32
      %sign3A_228 = arith.subi %sign3A_224, %sign3A_227 : i32
      %ne3A_229 = arith.cmpi ne, %sign3A_221, %sign3A_228 : i32
      %rem3A_230 = arith.remsi %sub3A_214, %jit3A_215 : i32
      %ne3A_231 = arith.constant 0 : i32
      %ne3A_232 = arith.cmpi ne, %rem3A_230, %ne3A_231 : i32
      %and3A_233 = arith.andi %ne3A_229, %ne3A_232 : i1
      %sub3A_234 = arith.constant 1 : i32
      %sub3A_235 = arith.subi %div3A, %sub3A_234 : i32
      %select_n3A_236 = arith.select %and3A_233, %sub3A_235, %div3A : i32
      %add3A_237 = arith.addi %scan3A_113, %scan3A_114 : i32
      %add3A_238 = arith.addi %add3A_237, %select_n3A_236 : i32
      %scan3A_239 = arith.constant 0 : i32
      %scan3A_240 = arith.constant 8 : i32
      %scan3A_241 = arith.addi %scan3A_239, %scan3A_240 : i32
      %scan3A_242 = arith.constant 1 : i32
      %scan3A_243 = scf.for %scan3A_255 = %scan3A_239 to %scan3A_241 step %scan3A_242 iter_args(%scan3A_256 = %scan3A_112) -> (i32)  : i32 {
        %lt3A_257 = arith.cmpi slt, %scan3A_256, %add3A_238 : i32
        %sub3A_258 = arith.subi %scan3A_256, %scan3A_111 : i32
        %lt3A_259 = arith.constant 8 : i32
        %lt3A_260 = arith.cmpi slt, %sub3A_258, %lt3A_259 : i32
        %and3A_261 = arith.andi %lt3A_257, %lt3A_260 : i1
        %convert_element_type3A_262 = arith.extui %and3A_261 : i1 to i32
        %cond3A_263 = arith.constant 0 : i32
        %cond3A_264 = arith.cmpi ne, %convert_element_type3A_262, %cond3A_263 : i32
        scf.if %cond3A_264 {
          %ge3A = arith.cmpi sge, %scan3A_256, %add3A_237 : i32
          %sub3A_267 = arith.constant 1 : i32
          %sub3A_268 = arith.subi %sub3A_267, %select_n3A_123 : i32
          %select_n3A_269 = arith.select %ge3A, %select_n3A_123, %sub3A_268 : i32
          %select_n3A_270 = arith.select %ge3A, %add3A_237, %scan3A_113 : i32
          %sub3A_271 = arith.subi %scan3A_256, %select_n3A_270 : i32
          %jit3A_272 = arith.constant 8 : i32
          %eq3A_273 = arith.constant 0 : i32
          %eq3A_274 = arith.cmpi eq, %jit3A_272, %eq3A_273 : i32
          %jit3A_275 = arith.constant 1 : i32
          %select_n3A_276 = arith.select %eq3A_274, %jit3A_275, %jit3A_272 : i32
          %rem3A_277 = arith.remsi %scan3A_256, %select_n3A_276 : i32
          %ne3A_278 = arith.constant 0 : i32
          %ne3A_279 = arith.cmpi ne, %rem3A_277, %ne3A_278 : i32
          %lt3A_280 = arith.constant 0 : i32
          %lt3A_281 = arith.cmpi slt, %rem3A_277, %lt3A_280 : i32
          %lt3A_282 = arith.constant 0 : i32
          %lt3A_283 = arith.cmpi slt, %select_n3A_276, %lt3A_282 : i32
          %ne3A_284 = arith.xori %lt3A_281, %lt3A_283 : i1
          %and3A_285 = arith.andi %ne3A_284, %ne3A_279 : i1
          %add3A_286 = arith.addi %rem3A_277, %select_n3A_276 : i32
          %select_n3A_287 = arith.select %and3A_285, %add3A_286, %rem3A_277 : i32
          %mul3A_288 = arith.constant 2048 : i32
          %mul3A_289 = arith.muli %select_n3A_269, %mul3A_288 : i32
          %mul3A_290 = arith.constant 32 : i32
          %mul3A_291 = arith.muli %sub3A_271, %mul3A_290 : i32
          %add3A_292 = arith.addi %mul3A_289, %mul3A_291 : i32
          %mul3A_293 = arith.constant 32 : i32
          %mul3A_294 = arith.muli %select_n3A_287, %mul3A_293 : i32
          %dma_start3A_295 = arith.constant 0 : i32
          %dma_start3A_296 = tpu.memref_slice %arg9[%mul3A_294, %dma_start3A_295] : memref<256x128xi32, #tpu.memory_space<vmem>> -> memref<32x128xi32, #tpu.memory_space<vmem>>
          %dma_start3A_297 = tpu.memref_slice %arg7[%add3A_292] : memref<4096xi32, #tpu.memory_space<vmem>> -> memref<32xi32, #tpu.memory_space<vmem>>
          %dma_start3A_298 = arith.constant 0 : i32
          %dma_start3A_299 = arith.constant 0 : i32
          %dma_start3A_300 = tpu.memref_slice %arg10[%dma_start3A_298, %dma_start3A_299] : memref<3456x128xi32, #tpu.memory_space<vmem_shared>> -> memref<3456x128xi32, #tpu.memory_space<vmem_shared>>
          tpu.enqueue_indirect_dma source(%dma_start3A_300 : memref<3456x128xi32, #tpu.memory_space<vmem_shared>>) target(%dma_start3A_296 : memref<32x128xi32, #tpu.memory_space<vmem>>) offsets(%dma_start3A_297 : memref<32xi32, #tpu.memory_space<vmem>>) semaphore(%arg12 : memref<!tpu.dma_semaphore, #tpu.memory_space<semaphore_mem>>)
        } else {
        }
        %convert_element_type3A_265 = arith.extui %and3A_261 : i1 to i32
        %add3A_266 = arith.addi %scan3A_256, %convert_element_type3A_265 : i32
        scf.yield %add3A_266 : i32
      }
      %scan3A_244 = arith.constant 8 : i32
      %while3A = arith.constant 0 : i32
      %while3A_245 = arith.subi %scan3A_114, %while3A : i32
      %while3A_246 = arith.addi %while3A, %while3A_245 : i32
      %while3A_247 = arith.constant 1 : i32
      %while3A_248 = arith.divsi %while3A_245, %while3A_247 : i32
      %while3A_249 = arith.muli %while3A_248, %while3A_247 : i32
      %while3A_250 = arith.addi %while3A, %while3A_249 : i32
      %while3A_251 = arith.constant 1 : i32
      %while3A_252:2 = scf.for %while3A_255 = %while3A to %while3A_250 step %while3A_251 iter_args(%while3A_256 = %scan3A_111, %while3A_257 = %scan3A_243) -> (i32, i32)  : i32 {
        %add3A_258 = arith.addi %scan3A_113, %while3A_255 : i32
        %eq3A_259 = arith.cmpi eq, %while3A_257, %add3A_258 : i32
        %convert_element_type3A_260 = arith.extui %eq3A_259 : i1 to i32
        %cond3A_261 = arith.constant 0 : i32
        %cond3A_262 = arith.cmpi ne, %convert_element_type3A_260, %cond3A_261 : i32
        scf.if %cond3A_262 {
          %ge3A = arith.cmpi sge, %add3A_258, %add3A_237 : i32
          %sub3A_311 = arith.constant 1 : i32
          %sub3A_312 = arith.subi %sub3A_311, %select_n3A_123 : i32
          %select_n3A_313 = arith.select %ge3A, %select_n3A_123, %sub3A_312 : i32
          %select_n3A_314 = arith.select %ge3A, %add3A_237, %scan3A_113 : i32
          %sub3A_315 = arith.subi %add3A_258, %select_n3A_314 : i32
          %jit3A_316 = arith.constant 8 : i32
          %eq3A_317 = arith.constant 0 : i32
          %eq3A_318 = arith.cmpi eq, %jit3A_316, %eq3A_317 : i32
          %jit3A_319 = arith.constant 1 : i32
          %select_n3A_320 = arith.select %eq3A_318, %jit3A_319, %jit3A_316 : i32
          %rem3A_321 = arith.remsi %add3A_258, %select_n3A_320 : i32
          %ne3A_322 = arith.constant 0 : i32
          %ne3A_323 = arith.cmpi ne, %rem3A_321, %ne3A_322 : i32
          %lt3A_324 = arith.constant 0 : i32
          %lt3A_325 = arith.cmpi slt, %rem3A_321, %lt3A_324 : i32
          %lt3A_326 = arith.constant 0 : i32
          %lt3A_327 = arith.cmpi slt, %select_n3A_320, %lt3A_326 : i32
          %ne3A_328 = arith.xori %lt3A_325, %lt3A_327 : i1
          %and3A_329 = arith.andi %ne3A_328, %ne3A_323 : i1
          %add3A_330 = arith.addi %rem3A_321, %select_n3A_320 : i32
          %select_n3A_331 = arith.select %and3A_329, %add3A_330, %rem3A_321 : i32
          %mul3A_332 = arith.constant 2048 : i32
          %mul3A_333 = arith.muli %select_n3A_313, %mul3A_332 : i32
          %mul3A_334 = arith.constant 32 : i32
          %mul3A_335 = arith.muli %sub3A_315, %mul3A_334 : i32
          %add3A_336 = arith.addi %mul3A_333, %mul3A_335 : i32
          %mul3A_337 = arith.constant 32 : i32
          %mul3A_338 = arith.muli %select_n3A_331, %mul3A_337 : i32
          %dma_start3A_339 = arith.constant 0 : i32
          %dma_start3A_340 = tpu.memref_slice %arg9[%mul3A_338, %dma_start3A_339] : memref<256x128xi32, #tpu.memory_space<vmem>> -> memref<32x128xi32, #tpu.memory_space<vmem>>
          %dma_start3A_341 = tpu.memref_slice %arg7[%add3A_336] : memref<4096xi32, #tpu.memory_space<vmem>> -> memref<32xi32, #tpu.memory_space<vmem>>
          %dma_start3A_342 = arith.constant 0 : i32
          %dma_start3A_343 = arith.constant 0 : i32
          %dma_start3A_344 = tpu.memref_slice %arg10[%dma_start3A_342, %dma_start3A_343] : memref<3456x128xi32, #tpu.memory_space<vmem_shared>> -> memref<3456x128xi32, #tpu.memory_space<vmem_shared>>
          tpu.enqueue_indirect_dma source(%dma_start3A_344 : memref<3456x128xi32, #tpu.memory_space<vmem_shared>>) target(%dma_start3A_340 : memref<32x128xi32, #tpu.memory_space<vmem>>) offsets(%dma_start3A_341 : memref<32xi32, #tpu.memory_space<vmem>>) semaphore(%arg12 : memref<!tpu.dma_semaphore, #tpu.memory_space<semaphore_mem>>)
        } else {
        }
        %add3A_263 = arith.constant 1 : i32
        %add3A_264 = arith.addi %add3A_258, %add3A_263 : i32
        %max3A = arith.maxsi %while3A_257, %add3A_264 : i32
        %jit3A_265 = arith.constant 8 : i32
        %eq3A_266 = arith.constant 0 : i32
        %eq3A_267 = arith.cmpi eq, %jit3A_265, %eq3A_266 : i32
        %jit3A_268 = arith.constant 1 : i32
        %select_n3A_269 = arith.select %eq3A_267, %jit3A_268, %jit3A_265 : i32
        %rem3A_270 = arith.remsi %add3A_258, %select_n3A_269 : i32
        %ne3A_271 = arith.constant 0 : i32
        %ne3A_272 = arith.cmpi ne, %rem3A_270, %ne3A_271 : i32
        %lt3A_273 = arith.constant 0 : i32
        %lt3A_274 = arith.cmpi slt, %rem3A_270, %lt3A_273 : i32
        %lt3A_275 = arith.constant 0 : i32
        %lt3A_276 = arith.cmpi slt, %select_n3A_269, %lt3A_275 : i32
        %ne3A_277 = arith.xori %lt3A_274, %lt3A_276 : i1
        %and3A_278 = arith.andi %ne3A_277, %ne3A_272 : i1
        %add3A_279 = arith.addi %rem3A_270, %select_n3A_269 : i32
        %select_n3A_280 = arith.select %and3A_278, %add3A_279, %rem3A_270 : i32
        %mul3A_281 = arith.constant 32 : i32
        %mul3A_282 = arith.muli %select_n3A_280, %mul3A_281 : i32
        %dma_wait3A_283 = arith.constant 0 : i32
        %dma_wait3A_284 = tpu.memref_slice %arg9[%mul3A_282, %dma_wait3A_283] : memref<256x128xi32, #tpu.memory_space<vmem>> -> memref<32x128xi32, #tpu.memory_space<vmem>>
        %dma_wait3A_285 = arith.constant 0 : i32
        %dma_wait3A_286 = arith.constant 0 : i32
        %dma_wait3A_287 = tpu.memref_slice %arg2[%dma_wait3A_285, %dma_wait3A_286] : memref<10240x128xi32, #tpu.memory_space<hbm>> -> memref<32x128xi32, #tpu.memory_space<hbm>>
        %dma_wait3A_288 = arith.constant 0 : i32
        %dma_wait3A_289 = tpu.memref_slice %arg9[%mul3A_282, %dma_wait3A_288] : memref<256x128xi32, #tpu.memory_space<vmem>> -> memref<32x128xi32, #tpu.memory_space<vmem>>
        %dma_wait3A_290 = arith.constant 0 : i32
        %dma_wait3A_291 = arith.constant 0 : i32
        %dma_wait3A_292 = tpu.memref_slice %arg2[%dma_wait3A_290, %dma_wait3A_291] : memref<10240x128xi32, #tpu.memory_space<hbm>> -> memref<32x128xi32, #tpu.memory_space<hbm>>
        tpu.wait_dma2 semaphore(%arg12 : memref<!tpu.dma_semaphore, #tpu.memory_space<semaphore_mem>>) src(%dma_wait3A_292 : memref<32x128xi32, #tpu.memory_space<hbm>>) dst(%dma_wait3A_289 : memref<32x128xi32, #tpu.memory_space<vmem>>)
        %scan3A_293 = arith.constant 0 : i32
        %scan3A_294 = arith.constant 0 : i32
        %scan3A_295 = arith.constant 2 : i32
        %scan3A_296 = arith.addi %scan3A_294, %scan3A_295 : i32
        %scan3A_297 = arith.constant 1 : i32
        scf.for %scan3A_311 = %scan3A_294 to %scan3A_296 step %scan3A_297  : i32 {
          %sub3A_312 = arith.constant 1 : i32
          %sub3A_313 = arith.subi %sub3A_312, %select_n3A_123 : i32
          %mul3A_314 = arith.constant 2048 : i32
          %mul3A_315 = arith.muli %sub3A_313, %mul3A_314 : i32
          %mul3A_316 = arith.constant 32 : i32
          %mul3A_317 = arith.muli %while3A_255, %mul3A_316 : i32
          %add3A_318 = arith.addi %mul3A_315, %mul3A_317 : i32
          %mul3A_319 = arith.constant 16 : i32
          %mul3A_320 = arith.muli %scan3A_311, %mul3A_319 : i32
          %add3A_321 = arith.addi %add3A_318, %mul3A_320 : i32
          %get3A_322 = arith.index_cast %add3A_321 : i32 to index
          %get3A_323 = tpu.vector_load %arg8[%get3A_322] {strides = array<i32>} : memref<4096xi32, #tpu.memory_space<vmem>>, vector<16xi32>,
          %scan3A_324 = arith.constant 0 : i32
          %scan3A_325 = arith.constant 0 : i32
          %scan3A_326 = arith.constant 16 : i32
          %scan3A_327 = arith.addi %scan3A_325, %scan3A_326 : i32
          %scan3A_328 = arith.constant 2 : i32
          scf.for %scan3A_330 = %scan3A_325 to %scan3A_327 step %scan3A_328  : i32 {
            %broadcast_in_dim3A_331 = vector.broadcast %scan3A_330 : i32 to vector<16xi32>
            %lt3A_332 = arith.constant 0 : i32
            %lt3A_333 = vector.broadcast %lt3A_332 : i32 to vector<16xi32>
            %lt3A_334 = arith.cmpi slt, %broadcast_in_dim3A_331, %lt3A_333 : vector<16xi32>
            %add3A_335 = arith.constant 16 : i32
            %add3A_336 = vector.broadcast %add3A_335 : i32 to vector<16xi32>
            %add3A_337 = arith.addi %broadcast_in_dim3A_331, %add3A_336 : vector<16xi32>
            %select_n3A_338 = arith.select %lt3A_334, %add3A_337, %broadcast_in_dim3A_331 : vector<16xi1>, vector<16xi32>
            %broadcast_in_dim3A_339 = vector.shape_cast %select_n3A_338 : vector<16xi32> to vector<16x1xi32>
            %gather3A = vector.shape_cast %broadcast_in_dim3A_339 : vector<16x1xi32> to vector<16xi32>
            %gather3A_340 = tpu.dynamic_gather %get3A_323[%gather3A] in [0] : vector<16xi32>, vector<16xi32> -> vector<16xi32>
            %add3A_341 = arith.constant 0 : i32
            %add3A_342 = vector.broadcast %add3A_341 : i32 to vector<16xi32>
            %add3A_343 = arith.addi %iota3A, %add3A_342 : vector<16xi32>
            %gather3A_344 = tpu.vector_load_idx %arg5[%gather3A_340, %add3A_343] : memref<321x128xi32, #tpu.memory_space<vmem>>[vector<16xi32>, vector<16xi32>], vector<16xi32>,
            %mul3A_345 = arith.constant 32 : i32
            %mul3A_346 = arith.muli %select_n3A_280, %mul3A_345 : i32
            %mul3A_347 = arith.constant 16 : i32
            %mul3A_348 = arith.muli %scan3A_311, %mul3A_347 : i32
            %add3A_349 = arith.addi %mul3A_346, %mul3A_348 : i32
            %add3A_350 = arith.addi %add3A_349, %scan3A_330 : i32
            %get3A_351 = arith.index_cast %add3A_350 : i32 to index
            %get3A_352 = arith.constant 0 : index
            %get3A_353 = tpu.vector_load %arg9[%get3A_351, %get3A_352] {strides = array<i32>} : memref<256x128xi32, #tpu.memory_space<vmem>>, vector<16xi32>,
            %add3A_354 = arith.constant 16 : i32
            %add3A_355 = vector.broadcast %add3A_354 : i32 to vector<16xi32>
            %add3A_356 = arith.addi %iota3A, %add3A_355 : vector<16xi32>
            %gather3A_357 = tpu.vector_load_idx %arg5[%gather3A_340, %add3A_356] : memref<321x128xi32, #tpu.memory_space<vmem>>[vector<16xi32>, vector<16xi32>], vector<16xi32>,
            %mul3A_358 = arith.constant 32 : i32
            %mul3A_359 = arith.muli %select_n3A_280, %mul3A_358 : i32
            %mul3A_360 = arith.constant 16 : i32
            %mul3A_361 = arith.muli %scan3A_311, %mul3A_360 : i32
            %add3A_362 = arith.addi %mul3A_359, %mul3A_361 : i32
            %add3A_363 = arith.addi %add3A_362, %scan3A_330 : i32
            %get3A_364 = arith.index_cast %add3A_363 : i32 to index
            %get3A_365 = arith.constant 16 : index
            %get3A_366 = tpu.vector_load %arg9[%get3A_364, %get3A_365] {strides = array<i32>} : memref<256x128xi32, #tpu.memory_space<vmem>>, vector<16xi32>,
            %add3A_367 = arith.constant 32 : i32
            %add3A_368 = vector.broadcast %add3A_367 : i32 to vector<16xi32>
            %add3A_369 = arith.addi %iota3A, %add3A_368 : vector<16xi32>
            %gather3A_370 = tpu.vector_load_idx %arg5[%gather3A_340, %add3A_369] : memref<321x128xi32, #tpu.memory_space<vmem>>[vector<16xi32>, vector<16xi32>], vector<16xi32>,
            %mul3A_371 = arith.constant 32 : i32
            %mul3A_372 = arith.muli %select_n3A_280, %mul3A_371 : i32
            %mul3A_373 = arith.constant 16 : i32
            %mul3A_374 = arith.muli %scan3A_311, %mul3A_373 : i32
            %add3A_375 = arith.addi %mul3A_372, %mul3A_374 : i32
            %add3A_376 = arith.addi %add3A_375, %scan3A_330 : i32
            %get3A_377 = arith.index_cast %add3A_376 : i32 to index
            %get3A_378 = arith.constant 32 : index
            %get3A_379 = tpu.vector_load %arg9[%get3A_377, %get3A_378] {strides = array<i32>} : memref<256x128xi32, #tpu.memory_space<vmem>>, vector<16xi32>,
            %add3A_380 = arith.constant 48 : i32
            %add3A_381 = vector.broadcast %add3A_380 : i32 to vector<16xi32>
            %add3A_382 = arith.addi %iota3A, %add3A_381 : vector<16xi32>
            %gather3A_383 = tpu.vector_load_idx %arg5[%gather3A_340, %add3A_382] : memref<321x128xi32, #tpu.memory_space<vmem>>[vector<16xi32>, vector<16xi32>], vector<16xi32>,
            %mul3A_384 = arith.constant 32 : i32
            %mul3A_385 = arith.muli %select_n3A_280, %mul3A_384 : i32
            %mul3A_386 = arith.constant 16 : i32
            %mul3A_387 = arith.muli %scan3A_311, %mul3A_386 : i32
            %add3A_388 = arith.addi %mul3A_385, %mul3A_387 : i32
            %add3A_389 = arith.addi %add3A_388, %scan3A_330 : i32
            %get3A_390 = arith.index_cast %add3A_389 : i32 to index
            %get3A_391 = arith.constant 48 : index
            %get3A_392 = tpu.vector_load %arg9[%get3A_390, %get3A_391] {strides = array<i32>} : memref<256x128xi32, #tpu.memory_space<vmem>>, vector<16xi32>,
            %add3A_393 = arith.constant 64 : i32
            %add3A_394 = vector.broadcast %add3A_393 : i32 to vector<16xi32>
            %add3A_395 = arith.addi %iota3A, %add3A_394 : vector<16xi32>
            %gather3A_396 = tpu.vector_load_idx %arg5[%gather3A_340, %add3A_395] : memref<321x128xi32, #tpu.memory_space<vmem>>[vector<16xi32>, vector<16xi32>], vector<16xi32>,
            %mul3A_397 = arith.constant 32 : i32
            %mul3A_398 = arith.muli %select_n3A_280, %mul3A_397 : i32
            %mul3A_399 = arith.constant 16 : i32
            %mul3A_400 = arith.muli %scan3A_311, %mul3A_399 : i32
            %add3A_401 = arith.addi %mul3A_398, %mul3A_400 : i32
            %add3A_402 = arith.addi %add3A_401, %scan3A_330 : i32
            %get3A_403 = arith.index_cast %add3A_402 : i32 to index
            %get3A_404 = arith.constant 64 : index
            %get3A_405 = tpu.vector_load %arg9[%get3A_403, %get3A_404] {strides = array<i32>} : memref<256x128xi32, #tpu.memory_space<vmem>>, vector<16xi32>,
            %add3A_406 = arith.constant 80 : i32
            %add3A_407 = vector.broadcast %add3A_406 : i32 to vector<16xi32>
            %add3A_408 = arith.addi %iota3A, %add3A_407 : vector<16xi32>
            %gather3A_409 = tpu.vector_load_idx %arg5[%gather3A_340, %add3A_408] : memref<321x128xi32, #tpu.memory_space<vmem>>[vector<16xi32>, vector<16xi32>], vector<16xi32>,
            %mul3A_410 = arith.constant 32 : i32
            %mul3A_411 = arith.muli %select_n3A_280, %mul3A_410 : i32
            %mul3A_412 = arith.constant 16 : i32
            %mul3A_413 = arith.muli %scan3A_311, %mul3A_412 : i32
            %add3A_414 = arith.addi %mul3A_411, %mul3A_413 : i32
            %add3A_415 = arith.addi %add3A_414, %scan3A_330 : i32
            %get3A_416 = arith.index_cast %add3A_415 : i32 to index
            %get3A_417 = arith.constant 80 : index
            %get3A_418 = tpu.vector_load %arg9[%get3A_416, %get3A_417] {strides = array<i32>} : memref<256x128xi32, #tpu.memory_space<vmem>>, vector<16xi32>,
            %add3A_419 = arith.constant 96 : i32
            %add3A_420 = vector.broadcast %add3A_419 : i32 to vector<16xi32>
            %add3A_421 = arith.addi %iota3A, %add3A_420 : vector<16xi32>
            %gather3A_422 = tpu.vector_load_idx %arg5[%gather3A_340, %add3A_421] : memref<321x128xi32, #tpu.memory_space<vmem>>[vector<16xi32>, vector<16xi32>], vector<16xi32>,
            %mul3A_423 = arith.constant 32 : i32
            %mul3A_424 = arith.muli %select_n3A_280, %mul3A_423 : i32
            %mul3A_425 = arith.constant 16 : i32
            %mul3A_426 = arith.muli %scan3A_311, %mul3A_425 : i32
            %add3A_427 = arith.addi %mul3A_424, %mul3A_426 : i32
            %add3A_428 = arith.addi %add3A_427, %scan3A_330 : i32
            %get3A_429 = arith.index_cast %add3A_428 : i32 to index
            %get3A_430 = arith.constant 96 : index
            %get3A_431 = tpu.vector_load %arg9[%get3A_429, %get3A_430] {strides = array<i32>} : memref<256x128xi32, #tpu.memory_space<vmem>>, vector<16xi32>,
            %add3A_432 = arith.constant 112 : i32
            %add3A_433 = vector.broadcast %add3A_432 : i32 to vector<16xi32>
            %add3A_434 = arith.addi %iota3A, %add3A_433 : vector<16xi32>
            %gather3A_435 = tpu.vector_load_idx %arg5[%gather3A_340, %add3A_434] : memref<321x128xi32, #tpu.memory_space<vmem>>[vector<16xi32>, vector<16xi32>], vector<16xi32>,
            %mul3A_436 = arith.constant 32 : i32
            %mul3A_437 = arith.muli %select_n3A_280, %mul3A_436 : i32
            %mul3A_438 = arith.constant 16 : i32
            %mul3A_439 = arith.muli %scan3A_311, %mul3A_438 : i32
            %add3A_440 = arith.addi %mul3A_437, %mul3A_439 : i32
            %add3A_441 = arith.addi %add3A_440, %scan3A_330 : i32
            %get3A_442 = arith.index_cast %add3A_441 : i32 to index
            %get3A_443 = arith.constant 112 : index
            %get3A_444 = tpu.vector_load %arg9[%get3A_442, %get3A_443] {strides = array<i32>} : memref<256x128xi32, #tpu.memory_space<vmem>>, vector<16xi32>,
            %bitcast3A = vector.bitcast %gather3A_344 : vector<16xi32> to vector<32xbf16>
            %bitcast3A_445 = vector.bitcast %get3A_353 : vector<16xi32> to vector<32xbf16>
            %max3A_446 = arith.maximumf %bitcast3A, %bitcast3A_445 : vector<32xbf16>
            %bitcast3A_447 = vector.bitcast %max3A_446 : vector<32xbf16> to vector<16xi32>
            %bitcast3A_448 = vector.bitcast %gather3A_357 : vector<16xi32> to vector<32xbf16>
            %bitcast3A_449 = vector.bitcast %get3A_366 : vector<16xi32> to vector<32xbf16>
            %max3A_450 = arith.maximumf %bitcast3A_448, %bitcast3A_449 : vector<32xbf16>
            %bitcast3A_451 = vector.bitcast %max3A_450 : vector<32xbf16> to vector<16xi32>
            %bitcast3A_452 = vector.bitcast %gather3A_370 : vector<16xi32> to vector<32xbf16>
            %bitcast3A_453 = vector.bitcast %get3A_379 : vector<16xi32> to vector<32xbf16>
            %max3A_454 = arith.maximumf %bitcast3A_452, %bitcast3A_453 : vector<32xbf16>
            %bitcast3A_455 = vector.bitcast %max3A_454 : vector<32xbf16> to vector<16xi32>
            %bitcast3A_456 = vector.bitcast %gather3A_383 : vector<16xi32> to vector<32xbf16>
            %bitcast3A_457 = vector.bitcast %get3A_392 : vector<16xi32> to vector<32xbf16>
            %max3A_458 = arith.maximumf %bitcast3A_456, %bitcast3A_457 : vector<32xbf16>
            %bitcast3A_459 = vector.bitcast %max3A_458 : vector<32xbf16> to vector<16xi32>
            %bitcast3A_460 = vector.bitcast %gather3A_396 : vector<16xi32> to vector<32xbf16>
            %bitcast3A_461 = vector.bitcast %get3A_405 : vector<16xi32> to vector<32xbf16>
            %max3A_462 = arith.maximumf %bitcast3A_460, %bitcast3A_461 : vector<32xbf16>
            %bitcast3A_463 = vector.bitcast %max3A_462 : vector<32xbf16> to vector<16xi32>
            %bitcast3A_464 = vector.bitcast %gather3A_409 : vector<16xi32> to vector<32xbf16>
            %bitcast3A_465 = vector.bitcast %get3A_418 : vector<16xi32> to vector<32xbf16>
            %max3A_466 = arith.maximumf %bitcast3A_464, %bitcast3A_465 : vector<32xbf16>
            %bitcast3A_467 = vector.bitcast %max3A_466 : vector<32xbf16> to vector<16xi32>
            %bitcast3A_468 = vector.bitcast %gather3A_422 : vector<16xi32> to vector<32xbf16>
            %bitcast3A_469 = vector.bitcast %get3A_431 : vector<16xi32> to vector<32xbf16>
            %max3A_470 = arith.maximumf %bitcast3A_468, %bitcast3A_469 : vector<32xbf16>
            %bitcast3A_471 = vector.bitcast %max3A_470 : vector<32xbf16> to vector<16xi32>
            %bitcast3A_472 = vector.bitcast %gather3A_435 : vector<16xi32> to vector<32xbf16>
            %bitcast3A_473 = vector.bitcast %get3A_444 : vector<16xi32> to vector<32xbf16>
            %max3A_474 = arith.maximumf %bitcast3A_472, %bitcast3A_473 : vector<32xbf16>
            %bitcast3A_475 = vector.bitcast %max3A_474 : vector<32xbf16> to vector<16xi32>
            %add3A_476 = arith.constant 0 : i32
            %add3A_477 = vector.broadcast %add3A_476 : i32 to vector<16xi32>
            %add3A_478 = arith.addi %iota3A, %add3A_477 : vector<16xi32>
            tpu.vector_store_idx %arg5[%gather3A_340, %add3A_478], %bitcast3A_447 : memref<321x128xi32, #tpu.memory_space<vmem>>[vector<16xi32>, vector<16xi32>], vector<16xi32>,
            %add3A_479 = arith.constant 16 : i32
            %add3A_480 = vector.broadcast %add3A_479 : i32 to vector<16xi32>
            %add3A_481 = arith.addi %iota3A, %add3A_480 : vector<16xi32>
            tpu.vector_store_idx %arg5[%gather3A_340, %add3A_481], %bitcast3A_451 : memref<321x128xi32, #tpu.memory_space<vmem>>[vector<16xi32>, vector<16xi32>], vector<16xi32>,
            %add3A_482 = arith.constant 32 : i32
            %add3A_483 = vector.broadcast %add3A_482 : i32 to vector<16xi32>
            %add3A_484 = arith.addi %iota3A, %add3A_483 : vector<16xi32>
            tpu.vector_store_idx %arg5[%gather3A_340, %add3A_484], %bitcast3A_455 : memref<321x128xi32, #tpu.memory_space<vmem>>[vector<16xi32>, vector<16xi32>], vector<16xi32>,
            %add3A_485 = arith.constant 48 : i32
            %add3A_486 = vector.broadcast %add3A_485 : i32 to vector<16xi32>
            %add3A_487 = arith.addi %iota3A, %add3A_486 : vector<16xi32>
            tpu.vector_store_idx %arg5[%gather3A_340, %add3A_487], %bitcast3A_459 : memref<321x128xi32, #tpu.memory_space<vmem>>[vector<16xi32>, vector<16xi32>], vector<16xi32>,
            %add3A_488 = arith.constant 64 : i32
            %add3A_489 = vector.broadcast %add3A_488 : i32 to vector<16xi32>
            %add3A_490 = arith.addi %iota3A, %add3A_489 : vector<16xi32>
            tpu.vector_store_idx %arg5[%gather3A_340, %add3A_490], %bitcast3A_463 : memref<321x128xi32, #tpu.memory_space<vmem>>[vector<16xi32>, vector<16xi32>], vector<16xi32>,
            %add3A_491 = arith.constant 80 : i32
            %add3A_492 = vector.broadcast %add3A_491 : i32 to vector<16xi32>
            %add3A_493 = arith.addi %iota3A, %add3A_492 : vector<16xi32>
            tpu.vector_store_idx %arg5[%gather3A_340, %add3A_493], %bitcast3A_467 : memref<321x128xi32, #tpu.memory_space<vmem>>[vector<16xi32>, vector<16xi32>], vector<16xi32>,
            %add3A_494 = arith.constant 96 : i32
            %add3A_495 = vector.broadcast %add3A_494 : i32 to vector<16xi32>
            %add3A_496 = arith.addi %iota3A, %add3A_495 : vector<16xi32>
            tpu.vector_store_idx %arg5[%gather3A_340, %add3A_496], %bitcast3A_471 : memref<321x128xi32, #tpu.memory_space<vmem>>[vector<16xi32>, vector<16xi32>], vector<16xi32>,
            %add3A_497 = arith.constant 112 : i32
            %add3A_498 = vector.broadcast %add3A_497 : i32 to vector<16xi32>
            %add3A_499 = arith.addi %iota3A, %add3A_498 : vector<16xi32>
            tpu.vector_store_idx %arg5[%gather3A_340, %add3A_499], %bitcast3A_475 : memref<321x128xi32, #tpu.memory_space<vmem>>[vector<16xi32>, vector<16xi32>], vector<16xi32>,
            %scan3A_500 = arith.constant 1 : i32
            %scan3A_501 = arith.addi %scan3A_330, %scan3A_500 : i32
            %broadcast_in_dim3A_502 = vector.broadcast %scan3A_501 : i32 to vector<16xi32>
            %lt3A_503 = arith.constant 0 : i32
            %lt3A_504 = vector.broadcast %lt3A_503 : i32 to vector<16xi32>
            %lt3A_505 = arith.cmpi slt, %broadcast_in_dim3A_502, %lt3A_504 : vector<16xi32>
            %add3A_506 = arith.constant 16 : i32
            %add3A_507 = vector.broadcast %add3A_506 : i32 to vector<16xi32>
            %add3A_508 = arith.addi %broadcast_in_dim3A_502, %add3A_507 : vector<16xi32>
            %select_n3A_509 = arith.select %lt3A_505, %add3A_508, %broadcast_in_dim3A_502 : vector<16xi1>, vector<16xi32>
            %broadcast_in_dim3A_510 = vector.shape_cast %select_n3A_509 : vector<16xi32> to vector<16x1xi32>
            %gather3A_511 = vector.shape_cast %broadcast_in_dim3A_510 : vector<16x1xi32> to vector<16xi32>
            %gather3A_512 = tpu.dynamic_gather %get3A_323[%gather3A_511] in [0] : vector<16xi32>, vector<16xi32> -> vector<16xi32>
            %add3A_513 = arith.constant 0 : i32
            %add3A_514 = vector.broadcast %add3A_513 : i32 to vector<16xi32>
            %add3A_515 = arith.addi %iota3A, %add3A_514 : vector<16xi32>
            %gather3A_516 = tpu.vector_load_idx %arg5[%gather3A_512, %add3A_515] : memref<321x128xi32, #tpu.memory_space<vmem>>[vector<16xi32>, vector<16xi32>], vector<16xi32>,
            %mul3A_517 = arith.constant 32 : i32
            %mul3A_518 = arith.muli %select_n3A_280, %mul3A_517 : i32
            %mul3A_519 = arith.constant 16 : i32
            %mul3A_520 = arith.muli %scan3A_311, %mul3A_519 : i32
            %add3A_521 = arith.addi %mul3A_518, %mul3A_520 : i32
            %add3A_522 = arith.addi %add3A_521, %scan3A_501 : i32
            %get3A_523 = arith.index_cast %add3A_522 : i32 to index
            %get3A_524 = arith.constant 0 : index
            %get3A_525 = tpu.vector_load %arg9[%get3A_523, %get3A_524] {strides = array<i32>} : memref<256x128xi32, #tpu.memory_space<vmem>>, vector<16xi32>,
            %add3A_526 = arith.constant 16 : i32
            %add3A_527 = vector.broadcast %add3A_526 : i32 to vector<16xi32>
            %add3A_528 = arith.addi %iota3A, %add3A_527 : vector<16xi32>
            %gather3A_529 = tpu.vector_load_idx %arg5[%gather3A_512, %add3A_528] : memref<321x128xi32, #tpu.memory_space<vmem>>[vector<16xi32>, vector<16xi32>], vector<16xi32>,
            %mul3A_530 = arith.constant 32 : i32
            %mul3A_531 = arith.muli %select_n3A_280, %mul3A_530 : i32
            %mul3A_532 = arith.constant 16 : i32
            %mul3A_533 = arith.muli %scan3A_311, %mul3A_532 : i32
            %add3A_534 = arith.addi %mul3A_531, %mul3A_533 : i32
            %add3A_535 = arith.addi %add3A_534, %scan3A_501 : i32
            %get3A_536 = arith.index_cast %add3A_535 : i32 to index
            %get3A_537 = arith.constant 16 : index
            %get3A_538 = tpu.vector_load %arg9[%get3A_536, %get3A_537] {strides = array<i32>} : memref<256x128xi32, #tpu.memory_space<vmem>>, vector<16xi32>,
            %add3A_539 = arith.constant 32 : i32
            %add3A_540 = vector.broadcast %add3A_539 : i32 to vector<16xi32>
            %add3A_541 = arith.addi %iota3A, %add3A_540 : vector<16xi32>
            %gather3A_542 = tpu.vector_load_idx %arg5[%gather3A_512, %add3A_541] : memref<321x128xi32, #tpu.memory_space<vmem>>[vector<16xi32>, vector<16xi32>], vector<16xi32>,
            %mul3A_543 = arith.constant 32 : i32
            %mul3A_544 = arith.muli %select_n3A_280, %mul3A_543 : i32
            %mul3A_545 = arith.constant 16 : i32
            %mul3A_546 = arith.muli %scan3A_311, %mul3A_545 : i32
            %add3A_547 = arith.addi %mul3A_544, %mul3A_546 : i32
            %add3A_548 = arith.addi %add3A_547, %scan3A_501 : i32
            %get3A_549 = arith.index_cast %add3A_548 : i32 to index
            %get3A_550 = arith.constant 32 : index
            %get3A_551 = tpu.vector_load %arg9[%get3A_549, %get3A_550] {strides = array<i32>} : memref<256x128xi32, #tpu.memory_space<vmem>>, vector<16xi32>,
            %add3A_552 = arith.constant 48 : i32
            %add3A_553 = vector.broadcast %add3A_552 : i32 to vector<16xi32>
            %add3A_554 = arith.addi %iota3A, %add3A_553 : vector<16xi32>
            %gather3A_555 = tpu.vector_load_idx %arg5[%gather3A_512, %add3A_554] : memref<321x128xi32, #tpu.memory_space<vmem>>[vector<16xi32>, vector<16xi32>], vector<16xi32>,
            %mul3A_556 = arith.constant 32 : i32
            %mul3A_557 = arith.muli %select_n3A_280, %mul3A_556 : i32
            %mul3A_558 = arith.constant 16 : i32
            %mul3A_559 = arith.muli %scan3A_311, %mul3A_558 : i32
            %add3A_560 = arith.addi %mul3A_557, %mul3A_559 : i32
            %add3A_561 = arith.addi %add3A_560, %scan3A_501 : i32
            %get3A_562 = arith.index_cast %add3A_561 : i32 to index
            %get3A_563 = arith.constant 48 : index
            %get3A_564 = tpu.vector_load %arg9[%get3A_562, %get3A_563] {strides = array<i32>} : memref<256x128xi32, #tpu.memory_space<vmem>>, vector<16xi32>,
            %add3A_565 = arith.constant 64 : i32
            %add3A_566 = vector.broadcast %add3A_565 : i32 to vector<16xi32>
            %add3A_567 = arith.addi %iota3A, %add3A_566 : vector<16xi32>
            %gather3A_568 = tpu.vector_load_idx %arg5[%gather3A_512, %add3A_567] : memref<321x128xi32, #tpu.memory_space<vmem>>[vector<16xi32>, vector<16xi32>], vector<16xi32>,
            %mul3A_569 = arith.constant 32 : i32
            %mul3A_570 = arith.muli %select_n3A_280, %mul3A_569 : i32
            %mul3A_571 = arith.constant 16 : i32
            %mul3A_572 = arith.muli %scan3A_311, %mul3A_571 : i32
            %add3A_573 = arith.addi %mul3A_570, %mul3A_572 : i32
            %add3A_574 = arith.addi %add3A_573, %scan3A_501 : i32
            %get3A_575 = arith.index_cast %add3A_574 : i32 to index
            %get3A_576 = arith.constant 64 : index
            %get3A_577 = tpu.vector_load %arg9[%get3A_575, %get3A_576] {strides = array<i32>} : memref<256x128xi32, #tpu.memory_space<vmem>>, vector<16xi32>,
            %add3A_578 = arith.constant 80 : i32
            %add3A_579 = vector.broadcast %add3A_578 : i32 to vector<16xi32>
            %add3A_580 = arith.addi %iota3A, %add3A_579 : vector<16xi32>
            %gather3A_581 = tpu.vector_load_idx %arg5[%gather3A_512, %add3A_580] : memref<321x128xi32, #tpu.memory_space<vmem>>[vector<16xi32>, vector<16xi32>], vector<16xi32>,
            %mul3A_582 = arith.constant 32 : i32
            %mul3A_583 = arith.muli %select_n3A_280, %mul3A_582 : i32
            %mul3A_584 = arith.constant 16 : i32
            %mul3A_585 = arith.muli %scan3A_311, %mul3A_584 : i32
            %add3A_586 = arith.addi %mul3A_583, %mul3A_585 : i32
            %add3A_587 = arith.addi %add3A_586, %scan3A_501 : i32
            %get3A_588 = arith.index_cast %add3A_587 : i32 to index
            %get3A_589 = arith.constant 80 : index
            %get3A_590 = tpu.vector_load %arg9[%get3A_588, %get3A_589] {strides = array<i32>} : memref<256x128xi32, #tpu.memory_space<vmem>>, vector<16xi32>,
            %add3A_591 = arith.constant 96 : i32
            %add3A_592 = vector.broadcast %add3A_591 : i32 to vector<16xi32>
            %add3A_593 = arith.addi %iota3A, %add3A_592 : vector<16xi32>
            %gather3A_594 = tpu.vector_load_idx %arg5[%gather3A_512, %add3A_593] : memref<321x128xi32, #tpu.memory_space<vmem>>[vector<16xi32>, vector<16xi32>], vector<16xi32>,
            %mul3A_595 = arith.constant 32 : i32
            %mul3A_596 = arith.muli %select_n3A_280, %mul3A_595 : i32
            %mul3A_597 = arith.constant 16 : i32
            %mul3A_598 = arith.muli %scan3A_311, %mul3A_597 : i32
            %add3A_599 = arith.addi %mul3A_596, %mul3A_598 : i32
            %add3A_600 = arith.addi %add3A_599, %scan3A_501 : i32
            %get3A_601 = arith.index_cast %add3A_600 : i32 to index
            %get3A_602 = arith.constant 96 : index
            %get3A_603 = tpu.vector_load %arg9[%get3A_601, %get3A_602] {strides = array<i32>} : memref<256x128xi32, #tpu.memory_space<vmem>>, vector<16xi32>,
            %add3A_604 = arith.constant 112 : i32
            %add3A_605 = vector.broadcast %add3A_604 : i32 to vector<16xi32>
            %add3A_606 = arith.addi %iota3A, %add3A_605 : vector<16xi32>
            %gather3A_607 = tpu.vector_load_idx %arg5[%gather3A_512, %add3A_606] : memref<321x128xi32, #tpu.memory_space<vmem>>[vector<16xi32>, vector<16xi32>], vector<16xi32>,
            %mul3A_608 = arith.constant 32 : i32
            %mul3A_609 = arith.muli %select_n3A_280, %mul3A_608 : i32
            %mul3A_610 = arith.constant 16 : i32
            %mul3A_611 = arith.muli %scan3A_311, %mul3A_610 : i32
            %add3A_612 = arith.addi %mul3A_609, %mul3A_611 : i32
            %add3A_613 = arith.addi %add3A_612, %scan3A_501 : i32
            %get3A_614 = arith.index_cast %add3A_613 : i32 to index
            %get3A_615 = arith.constant 112 : index
            %get3A_616 = tpu.vector_load %arg9[%get3A_614, %get3A_615] {strides = array<i32>} : memref<256x128xi32, #tpu.memory_space<vmem>>, vector<16xi32>,
            %bitcast3A_617 = vector.bitcast %gather3A_516 : vector<16xi32> to vector<32xbf16>
            %bitcast3A_618 = vector.bitcast %get3A_525 : vector<16xi32> to vector<32xbf16>
            %max3A_619 = arith.maximumf %bitcast3A_617, %bitcast3A_618 : vector<32xbf16>
            %bitcast3A_620 = vector.bitcast %max3A_619 : vector<32xbf16> to vector<16xi32>
            %bitcast3A_621 = vector.bitcast %gather3A_529 : vector<16xi32> to vector<32xbf16>
            %bitcast3A_622 = vector.bitcast %get3A_538 : vector<16xi32> to vector<32xbf16>
            %max3A_623 = arith.maximumf %bitcast3A_621, %bitcast3A_622 : vector<32xbf16>
            %bitcast3A_624 = vector.bitcast %max3A_623 : vector<32xbf16> to vector<16xi32>
            %bitcast3A_625 = vector.bitcast %gather3A_542 : vector<16xi32> to vector<32xbf16>
            %bitcast3A_626 = vector.bitcast %get3A_551 : vector<16xi32> to vector<32xbf16>
            %max3A_627 = arith.maximumf %bitcast3A_625, %bitcast3A_626 : vector<32xbf16>
            %bitcast3A_628 = vector.bitcast %max3A_627 : vector<32xbf16> to vector<16xi32>
            %bitcast3A_629 = vector.bitcast %gather3A_555 : vector<16xi32> to vector<32xbf16>
            %bitcast3A_630 = vector.bitcast %get3A_564 : vector<16xi32> to vector<32xbf16>
            %max3A_631 = arith.maximumf %bitcast3A_629, %bitcast3A_630 : vector<32xbf16>
            %bitcast3A_632 = vector.bitcast %max3A_631 : vector<32xbf16> to vector<16xi32>
            %bitcast3A_633 = vector.bitcast %gather3A_568 : vector<16xi32> to vector<32xbf16>
            %bitcast3A_634 = vector.bitcast %get3A_577 : vector<16xi32> to vector<32xbf16>
            %max3A_635 = arith.maximumf %bitcast3A_633, %bitcast3A_634 : vector<32xbf16>
            %bitcast3A_636 = vector.bitcast %max3A_635 : vector<32xbf16> to vector<16xi32>
            %bitcast3A_637 = vector.bitcast %gather3A_581 : vector<16xi32> to vector<32xbf16>
            %bitcast3A_638 = vector.bitcast %get3A_590 : vector<16xi32> to vector<32xbf16>
            %max3A_639 = arith.maximumf %bitcast3A_637, %bitcast3A_638 : vector<32xbf16>
            %bitcast3A_640 = vector.bitcast %max3A_639 : vector<32xbf16> to vector<16xi32>
            %bitcast3A_641 = vector.bitcast %gather3A_594 : vector<16xi32> to vector<32xbf16>
            %bitcast3A_642 = vector.bitcast %get3A_603 : vector<16xi32> to vector<32xbf16>
            %max3A_643 = arith.maximumf %bitcast3A_641, %bitcast3A_642 : vector<32xbf16>
            %bitcast3A_644 = vector.bitcast %max3A_643 : vector<32xbf16> to vector<16xi32>
            %bitcast3A_645 = vector.bitcast %gather3A_607 : vector<16xi32> to vector<32xbf16>
            %bitcast3A_646 = vector.bitcast %get3A_616 : vector<16xi32> to vector<32xbf16>
            %max3A_647 = arith.maximumf %bitcast3A_645, %bitcast3A_646 : vector<32xbf16>
            %bitcast3A_648 = vector.bitcast %max3A_647 : vector<32xbf16> to vector<16xi32>
            %add3A_649 = arith.constant 0 : i32
            %add3A_650 = vector.broadcast %add3A_649 : i32 to vector<16xi32>
            %add3A_651 = arith.addi %iota3A, %add3A_650 : vector<16xi32>
            tpu.vector_store_idx %arg5[%gather3A_512, %add3A_651], %bitcast3A_620 : memref<321x128xi32, #tpu.memory_space<vmem>>[vector<16xi32>, vector<16xi32>], vector<16xi32>,
            %add3A_652 = arith.constant 16 : i32
            %add3A_653 = vector.broadcast %add3A_652 : i32 to vector<16xi32>
            %add3A_654 = arith.addi %iota3A, %add3A_653 : vector<16xi32>
            tpu.vector_store_idx %arg5[%gather3A_512, %add3A_654], %bitcast3A_624 : memref<321x128xi32, #tpu.memory_space<vmem>>[vector<16xi32>, vector<16xi32>], vector<16xi32>,
            %add3A_655 = arith.constant 32 : i32
            %add3A_656 = vector.broadcast %add3A_655 : i32 to vector<16xi32>
            %add3A_657 = arith.addi %iota3A, %add3A_656 : vector<16xi32>
            tpu.vector_store_idx %arg5[%gather3A_512, %add3A_657], %bitcast3A_628 : memref<321x128xi32, #tpu.memory_space<vmem>>[vector<16xi32>, vector<16xi32>], vector<16xi32>,
            %add3A_658 = arith.constant 48 : i32
            %add3A_659 = vector.broadcast %add3A_658 : i32 to vector<16xi32>
            %add3A_660 = arith.addi %iota3A, %add3A_659 : vector<16xi32>
            tpu.vector_store_idx %arg5[%gather3A_512, %add3A_660], %bitcast3A_632 : memref<321x128xi32, #tpu.memory_space<vmem>>[vector<16xi32>, vector<16xi32>], vector<16xi32>,
            %add3A_661 = arith.constant 64 : i32
            %add3A_662 = vector.broadcast %add3A_661 : i32 to vector<16xi32>
            %add3A_663 = arith.addi %iota3A, %add3A_662 : vector<16xi32>
            tpu.vector_store_idx %arg5[%gather3A_512, %add3A_663], %bitcast3A_636 : memref<321x128xi32, #tpu.memory_space<vmem>>[vector<16xi32>, vector<16xi32>], vector<16xi32>,
            %add3A_664 = arith.constant 80 : i32
            %add3A_665 = vector.broadcast %add3A_664 : i32 to vector<16xi32>
            %add3A_666 = arith.addi %iota3A, %add3A_665 : vector<16xi32>
            tpu.vector_store_idx %arg5[%gather3A_512, %add3A_666], %bitcast3A_640 : memref<321x128xi32, #tpu.memory_space<vmem>>[vector<16xi32>, vector<16xi32>], vector<16xi32>,
            %add3A_667 = arith.constant 96 : i32
            %add3A_668 = vector.broadcast %add3A_667 : i32 to vector<16xi32>
            %add3A_669 = arith.addi %iota3A, %add3A_668 : vector<16xi32>
            tpu.vector_store_idx %arg5[%gather3A_512, %add3A_669], %bitcast3A_644 : memref<321x128xi32, #tpu.memory_space<vmem>>[vector<16xi32>, vector<16xi32>], vector<16xi32>,
            %add3A_670 = arith.constant 112 : i32
            %add3A_671 = vector.broadcast %add3A_670 : i32 to vector<16xi32>
            %add3A_672 = arith.addi %iota3A, %add3A_671 : vector<16xi32>
            tpu.vector_store_idx %arg5[%gather3A_512, %add3A_672], %bitcast3A_648 : memref<321x128xi32, #tpu.memory_space<vmem>>[vector<16xi32>, vector<16xi32>], vector<16xi32>,
          }
          %scan3A_329 = arith.constant 16 : i32
        }
        %scan3A_298 = arith.constant 2 : i32
        %add3A_299 = arith.constant 1 : i32
        %add3A_300 = arith.addi %add3A_258, %add3A_299 : i32
        %lt3A_301 = arith.cmpi slt, %max3A, %add3A_238 : i32
        %sub3A_302 = arith.subi %max3A, %add3A_300 : i32
        %lt3A_303 = arith.constant 8 : i32
        %lt3A_304 = arith.cmpi slt, %sub3A_302, %lt3A_303 : i32
        %and3A_305 = arith.andi %lt3A_301, %lt3A_304 : i1
        %convert_element_type3A_306 = arith.extui %and3A_305 : i1 to i32
        %cond3A_307 = arith.constant 0 : i32
        %cond3A_308 = arith.cmpi ne, %convert_element_type3A_306, %cond3A_307 : i32
        scf.if %cond3A_308 {
          %ge3A = arith.cmpi sge, %max3A, %add3A_237 : i32
          %sub3A_311 = arith.constant 1 : i32
          %sub3A_312 = arith.subi %sub3A_311, %select_n3A_123 : i32
          %select_n3A_313 = arith.select %ge3A, %select_n3A_123, %sub3A_312 : i32
          %select_n3A_314 = arith.select %ge3A, %add3A_237, %scan3A_113 : i32
          %sub3A_315 = arith.subi %max3A, %select_n3A_314 : i32
          %jit3A_316 = arith.constant 8 : i32
          %eq3A_317 = arith.constant 0 : i32
          %eq3A_318 = arith.cmpi eq, %jit3A_316, %eq3A_317 : i32
          %jit3A_319 = arith.constant 1 : i32
          %select_n3A_320 = arith.select %eq3A_318, %jit3A_319, %jit3A_316 : i32
          %rem3A_321 = arith.remsi %max3A, %select_n3A_320 : i32
          %ne3A_322 = arith.constant 0 : i32
          %ne3A_323 = arith.cmpi ne, %rem3A_321, %ne3A_322 : i32
          %lt3A_324 = arith.constant 0 : i32
          %lt3A_325 = arith.cmpi slt, %rem3A_321, %lt3A_324 : i32
          %lt3A_326 = arith.constant 0 : i32
          %lt3A_327 = arith.cmpi slt, %select_n3A_320, %lt3A_326 : i32
          %ne3A_328 = arith.xori %lt3A_325, %lt3A_327 : i1
          %and3A_329 = arith.andi %ne3A_328, %ne3A_323 : i1
          %add3A_330 = arith.addi %rem3A_321, %select_n3A_320 : i32
          %select_n3A_331 = arith.select %and3A_329, %add3A_330, %rem3A_321 : i32
          %mul3A_332 = arith.constant 2048 : i32
          %mul3A_333 = arith.muli %select_n3A_313, %mul3A_332 : i32
          %mul3A_334 = arith.constant 32 : i32
          %mul3A_335 = arith.muli %sub3A_315, %mul3A_334 : i32
          %add3A_336 = arith.addi %mul3A_333, %mul3A_335 : i32
          %mul3A_337 = arith.constant 32 : i32
          %mul3A_338 = arith.muli %select_n3A_331, %mul3A_337 : i32
          %dma_start3A_339 = arith.constant 0 : i32
          %dma_start3A_340 = tpu.memref_slice %arg9[%mul3A_338, %dma_start3A_339] : memref<256x128xi32, #tpu.memory_space<vmem>> -> memref<32x128xi32, #tpu.memory_space<vmem>>
          %dma_start3A_341 = tpu.memref_slice %arg7[%add3A_336] : memref<4096xi32, #tpu.memory_space<vmem>> -> memref<32xi32, #tpu.memory_space<vmem>>
          %dma_start3A_342 = arith.constant 0 : i32
          %dma_start3A_343 = arith.constant 0 : i32
          %dma_start3A_344 = tpu.memref_slice %arg10[%dma_start3A_342, %dma_start3A_343] : memref<3456x128xi32, #tpu.memory_space<vmem_shared>> -> memref<3456x128xi32, #tpu.memory_space<vmem_shared>>
          tpu.enqueue_indirect_dma source(%dma_start3A_344 : memref<3456x128xi32, #tpu.memory_space<vmem_shared>>) target(%dma_start3A_340 : memref<32x128xi32, #tpu.memory_space<vmem>>) offsets(%dma_start3A_341 : memref<32xi32, #tpu.memory_space<vmem>>) semaphore(%arg12 : memref<!tpu.dma_semaphore, #tpu.memory_space<semaphore_mem>>)
        } else {
        }
        %convert_element_type3A_309 = arith.extui %and3A_305 : i1 to i32
        %add3A_310 = arith.addi %max3A, %convert_element_type3A_309 : i32
        scf.yield %add3A_300, %add3A_310 : i32, i32
      }
      %while3A_253 = arith.constant 1 : i32
      %while3A_254:2 = scf.for %while3A_255 = %while3A_250 to %while3A_246 step %while3A_253 iter_args(%while3A_256 = %while3A_252#0, %while3A_257 = %while3A_252#1) -> (i32, i32)  : i32 {
        %add3A_258 = arith.addi %scan3A_113, %while3A_255 : i32
        %eq3A_259 = arith.cmpi eq, %while3A_257, %add3A_258 : i32
        %convert_element_type3A_260 = arith.extui %eq3A_259 : i1 to i32
        %cond3A_261 = arith.constant 0 : i32
        %cond3A_262 = arith.cmpi ne, %convert_element_type3A_260, %cond3A_261 : i32
        scf.if %cond3A_262 {
          %ge3A = arith.cmpi sge, %add3A_258, %add3A_237 : i32
          %sub3A_311 = arith.constant 1 : i32
          %sub3A_312 = arith.subi %sub3A_311, %select_n3A_123 : i32
          %select_n3A_313 = arith.select %ge3A, %select_n3A_123, %sub3A_312 : i32
          %select_n3A_314 = arith.select %ge3A, %add3A_237, %scan3A_113 : i32
          %sub3A_315 = arith.subi %add3A_258, %select_n3A_314 : i32
          %jit3A_316 = arith.constant 8 : i32
          %eq3A_317 = arith.constant 0 : i32
          %eq3A_318 = arith.cmpi eq, %jit3A_316, %eq3A_317 : i32
          %jit3A_319 = arith.constant 1 : i32
          %select_n3A_320 = arith.select %eq3A_318, %jit3A_319, %jit3A_316 : i32
          %rem3A_321 = arith.remsi %add3A_258, %select_n3A_320 : i32
          %ne3A_322 = arith.constant 0 : i32
          %ne3A_323 = arith.cmpi ne, %rem3A_321, %ne3A_322 : i32
          %lt3A_324 = arith.constant 0 : i32
          %lt3A_325 = arith.cmpi slt, %rem3A_321, %lt3A_324 : i32
          %lt3A_326 = arith.constant 0 : i32
          %lt3A_327 = arith.cmpi slt, %select_n3A_320, %lt3A_326 : i32
          %ne3A_328 = arith.xori %lt3A_325, %lt3A_327 : i1
          %and3A_329 = arith.andi %ne3A_328, %ne3A_323 : i1
          %add3A_330 = arith.addi %rem3A_321, %select_n3A_320 : i32
          %select_n3A_331 = arith.select %and3A_329, %add3A_330, %rem3A_321 : i32
          %mul3A_332 = arith.constant 2048 : i32
          %mul3A_333 = arith.muli %select_n3A_313, %mul3A_332 : i32
          %mul3A_334 = arith.constant 32 : i32
          %mul3A_335 = arith.muli %sub3A_315, %mul3A_334 : i32
          %add3A_336 = arith.addi %mul3A_333, %mul3A_335 : i32
          %mul3A_337 = arith.constant 32 : i32
          %mul3A_338 = arith.muli %select_n3A_331, %mul3A_337 : i32
          %dma_start3A_339 = arith.constant 0 : i32
          %dma_start3A_340 = tpu.memref_slice %arg9[%mul3A_338, %dma_start3A_339] : memref<256x128xi32, #tpu.memory_space<vmem>> -> memref<32x128xi32, #tpu.memory_space<vmem>>
          %dma_start3A_341 = tpu.memref_slice %arg7[%add3A_336] : memref<4096xi32, #tpu.memory_space<vmem>> -> memref<32xi32, #tpu.memory_space<vmem>>
          %dma_start3A_342 = arith.constant 0 : i32
          %dma_start3A_343 = arith.constant 0 : i32
          %dma_start3A_344 = tpu.memref_slice %arg10[%dma_start3A_342, %dma_start3A_343] : memref<3456x128xi32, #tpu.memory_space<vmem_shared>> -> memref<3456x128xi32, #tpu.memory_space<vmem_shared>>
          tpu.enqueue_indirect_dma source(%dma_start3A_344 : memref<3456x128xi32, #tpu.memory_space<vmem_shared>>) target(%dma_start3A_340 : memref<32x128xi32, #tpu.memory_space<vmem>>) offsets(%dma_start3A_341 : memref<32xi32, #tpu.memory_space<vmem>>) semaphore(%arg12 : memref<!tpu.dma_semaphore, #tpu.memory_space<semaphore_mem>>)
        } else {
        }
        %add3A_263 = arith.constant 1 : i32
        %add3A_264 = arith.addi %add3A_258, %add3A_263 : i32
        %max3A = arith.maxsi %while3A_257, %add3A_264 : i32
        %jit3A_265 = arith.constant 8 : i32
        %eq3A_266 = arith.constant 0 : i32
        %eq3A_267 = arith.cmpi eq, %jit3A_265, %eq3A_266 : i32
        %jit3A_268 = arith.constant 1 : i32
        %select_n3A_269 = arith.select %eq3A_267, %jit3A_268, %jit3A_265 : i32
        %rem3A_270 = arith.remsi %add3A_258, %select_n3A_269 : i32
        %ne3A_271 = arith.constant 0 : i32
        %ne3A_272 = arith.cmpi ne, %rem3A_270, %ne3A_271 : i32
        %lt3A_273 = arith.constant 0 : i32
        %lt3A_274 = arith.cmpi slt, %rem3A_270, %lt3A_273 : i32
        %lt3A_275 = arith.constant 0 : i32
        %lt3A_276 = arith.cmpi slt, %select_n3A_269, %lt3A_275 : i32
        %ne3A_277 = arith.xori %lt3A_274, %lt3A_276 : i1
        %and3A_278 = arith.andi %ne3A_277, %ne3A_272 : i1
        %add3A_279 = arith.addi %rem3A_270, %select_n3A_269 : i32
        %select_n3A_280 = arith.select %and3A_278, %add3A_279, %rem3A_270 : i32
        %mul3A_281 = arith.constant 32 : i32
        %mul3A_282 = arith.muli %select_n3A_280, %mul3A_281 : i32
        %dma_wait3A_283 = arith.constant 0 : i32
        %dma_wait3A_284 = tpu.memref_slice %arg9[%mul3A_282, %dma_wait3A_283] : memref<256x128xi32, #tpu.memory_space<vmem>> -> memref<32x128xi32, #tpu.memory_space<vmem>>
        %dma_wait3A_285 = arith.constant 0 : i32
        %dma_wait3A_286 = arith.constant 0 : i32
        %dma_wait3A_287 = tpu.memref_slice %arg2[%dma_wait3A_285, %dma_wait3A_286] : memref<10240x128xi32, #tpu.memory_space<hbm>> -> memref<32x128xi32, #tpu.memory_space<hbm>>
        %dma_wait3A_288 = arith.constant 0 : i32
        %dma_wait3A_289 = tpu.memref_slice %arg9[%mul3A_282, %dma_wait3A_288] : memref<256x128xi32, #tpu.memory_space<vmem>> -> memref<32x128xi32, #tpu.memory_space<vmem>>
        %dma_wait3A_290 = arith.constant 0 : i32
        %dma_wait3A_291 = arith.constant 0 : i32
        %dma_wait3A_292 = tpu.memref_slice %arg2[%dma_wait3A_290, %dma_wait3A_291] : memref<10240x128xi32, #tpu.memory_space<hbm>> -> memref<32x128xi32, #tpu.memory_space<hbm>>
        tpu.wait_dma2 semaphore(%arg12 : memref<!tpu.dma_semaphore, #tpu.memory_space<semaphore_mem>>) src(%dma_wait3A_292 : memref<32x128xi32, #tpu.memory_space<hbm>>) dst(%dma_wait3A_289 : memref<32x128xi32, #tpu.memory_space<vmem>>)
        %scan3A_293 = arith.constant 0 : i32
        %scan3A_294 = arith.constant 0 : i32
        %scan3A_295 = arith.constant 2 : i32
        %scan3A_296 = arith.addi %scan3A_294, %scan3A_295 : i32
        %scan3A_297 = arith.constant 1 : i32
        scf.for %scan3A_311 = %scan3A_294 to %scan3A_296 step %scan3A_297  : i32 {
          %sub3A_312 = arith.constant 1 : i32
          %sub3A_313 = arith.subi %sub3A_312, %select_n3A_123 : i32
          %mul3A_314 = arith.constant 2048 : i32
          %mul3A_315 = arith.muli %sub3A_313, %mul3A_314 : i32
          %mul3A_316 = arith.constant 32 : i32
          %mul3A_317 = arith.muli %while3A_255, %mul3A_316 : i32
          %add3A_318 = arith.addi %mul3A_315, %mul3A_317 : i32
          %mul3A_319 = arith.constant 16 : i32
          %mul3A_320 = arith.muli %scan3A_311, %mul3A_319 : i32
          %add3A_321 = arith.addi %add3A_318, %mul3A_320 : i32
          %get3A_322 = arith.index_cast %add3A_321 : i32 to index
          %get3A_323 = tpu.vector_load %arg8[%get3A_322] {strides = array<i32>} : memref<4096xi32, #tpu.memory_space<vmem>>, vector<16xi32>,
          %scan3A_324 = arith.constant 0 : i32
          %scan3A_325 = arith.constant 0 : i32
          %scan3A_326 = arith.constant 16 : i32
          %scan3A_327 = arith.addi %scan3A_325, %scan3A_326 : i32
          %scan3A_328 = arith.constant 2 : i32
          scf.for %scan3A_330 = %scan3A_325 to %scan3A_327 step %scan3A_328  : i32 {
            %broadcast_in_dim3A_331 = vector.broadcast %scan3A_330 : i32 to vector<16xi32>
            %lt3A_332 = arith.constant 0 : i32
            %lt3A_333 = vector.broadcast %lt3A_332 : i32 to vector<16xi32>
            %lt3A_334 = arith.cmpi slt, %broadcast_in_dim3A_331, %lt3A_333 : vector<16xi32>
            %add3A_335 = arith.constant 16 : i32
            %add3A_336 = vector.broadcast %add3A_335 : i32 to vector<16xi32>
            %add3A_337 = arith.addi %broadcast_in_dim3A_331, %add3A_336 : vector<16xi32>
            %select_n3A_338 = arith.select %lt3A_334, %add3A_337, %broadcast_in_dim3A_331 : vector<16xi1>, vector<16xi32>
            %broadcast_in_dim3A_339 = vector.shape_cast %select_n3A_338 : vector<16xi32> to vector<16x1xi32>
            %gather3A = vector.shape_cast %broadcast_in_dim3A_339 : vector<16x1xi32> to vector<16xi32>
            %gather3A_340 = tpu.dynamic_gather %get3A_323[%gather3A] in [0] : vector<16xi32>, vector<16xi32> -> vector<16xi32>
            %add3A_341 = arith.constant 0 : i32
            %add3A_342 = vector.broadcast %add3A_341 : i32 to vector<16xi32>
            %add3A_343 = arith.addi %iota3A, %add3A_342 : vector<16xi32>
            %gather3A_344 = tpu.vector_load_idx %arg5[%gather3A_340, %add3A_343] : memref<321x128xi32, #tpu.memory_space<vmem>>[vector<16xi32>, vector<16xi32>], vector<16xi32>,
            %mul3A_345 = arith.constant 32 : i32
            %mul3A_346 = arith.muli %select_n3A_280, %mul3A_345 : i32
            %mul3A_347 = arith.constant 16 : i32
            %mul3A_348 = arith.muli %scan3A_311, %mul3A_347 : i32
            %add3A_349 = arith.addi %mul3A_346, %mul3A_348 : i32
            %add3A_350 = arith.addi %add3A_349, %scan3A_330 : i32
            %get3A_351 = arith.index_cast %add3A_350 : i32 to index
            %get3A_352 = arith.constant 0 : index
            %get3A_353 = tpu.vector_load %arg9[%get3A_351, %get3A_352] {strides = array<i32>} : memref<256x128xi32, #tpu.memory_space<vmem>>, vector<16xi32>,
            %add3A_354 = arith.constant 16 : i32
            %add3A_355 = vector.broadcast %add3A_354 : i32 to vector<16xi32>
            %add3A_356 = arith.addi %iota3A, %add3A_355 : vector<16xi32>
            %gather3A_357 = tpu.vector_load_idx %arg5[%gather3A_340, %add3A_356] : memref<321x128xi32, #tpu.memory_space<vmem>>[vector<16xi32>, vector<16xi32>], vector<16xi32>,
            %mul3A_358 = arith.constant 32 : i32
            %mul3A_359 = arith.muli %select_n3A_280, %mul3A_358 : i32
            %mul3A_360 = arith.constant 16 : i32
            %mul3A_361 = arith.muli %scan3A_311, %mul3A_360 : i32
            %add3A_362 = arith.addi %mul3A_359, %mul3A_361 : i32
            %add3A_363 = arith.addi %add3A_362, %scan3A_330 : i32
            %get3A_364 = arith.index_cast %add3A_363 : i32 to index
            %get3A_365 = arith.constant 16 : index
            %get3A_366 = tpu.vector_load %arg9[%get3A_364, %get3A_365] {strides = array<i32>} : memref<256x128xi32, #tpu.memory_space<vmem>>, vector<16xi32>,
            %add3A_367 = arith.constant 32 : i32
            %add3A_368 = vector.broadcast %add3A_367 : i32 to vector<16xi32>
            %add3A_369 = arith.addi %iota3A, %add3A_368 : vector<16xi32>
            %gather3A_370 = tpu.vector_load_idx %arg5[%gather3A_340, %add3A_369] : memref<321x128xi32, #tpu.memory_space<vmem>>[vector<16xi32>, vector<16xi32>], vector<16xi32>,
            %mul3A_371 = arith.constant 32 : i32
            %mul3A_372 = arith.muli %select_n3A_280, %mul3A_371 : i32
            %mul3A_373 = arith.constant 16 : i32
            %mul3A_374 = arith.muli %scan3A_311, %mul3A_373 : i32
            %add3A_375 = arith.addi %mul3A_372, %mul3A_374 : i32
            %add3A_376 = arith.addi %add3A_375, %scan3A_330 : i32
            %get3A_377 = arith.index_cast %add3A_376 : i32 to index
            %get3A_378 = arith.constant 32 : index
            %get3A_379 = tpu.vector_load %arg9[%get3A_377, %get3A_378] {strides = array<i32>} : memref<256x128xi32, #tpu.memory_space<vmem>>, vector<16xi32>,
            %add3A_380 = arith.constant 48 : i32
            %add3A_381 = vector.broadcast %add3A_380 : i32 to vector<16xi32>
            %add3A_382 = arith.addi %iota3A, %add3A_381 : vector<16xi32>
            %gather3A_383 = tpu.vector_load_idx %arg5[%gather3A_340, %add3A_382] : memref<321x128xi32, #tpu.memory_space<vmem>>[vector<16xi32>, vector<16xi32>], vector<16xi32>,
            %mul3A_384 = arith.constant 32 : i32
            %mul3A_385 = arith.muli %select_n3A_280, %mul3A_384 : i32
            %mul3A_386 = arith.constant 16 : i32
            %mul3A_387 = arith.muli %scan3A_311, %mul3A_386 : i32
            %add3A_388 = arith.addi %mul3A_385, %mul3A_387 : i32
            %add3A_389 = arith.addi %add3A_388, %scan3A_330 : i32
            %get3A_390 = arith.index_cast %add3A_389 : i32 to index
            %get3A_391 = arith.constant 48 : index
            %get3A_392 = tpu.vector_load %arg9[%get3A_390, %get3A_391] {strides = array<i32>} : memref<256x128xi32, #tpu.memory_space<vmem>>, vector<16xi32>,
            %add3A_393 = arith.constant 64 : i32
            %add3A_394 = vector.broadcast %add3A_393 : i32 to vector<16xi32>
            %add3A_395 = arith.addi %iota3A, %add3A_394 : vector<16xi32>
            %gather3A_396 = tpu.vector_load_idx %arg5[%gather3A_340, %add3A_395] : memref<321x128xi32, #tpu.memory_space<vmem>>[vector<16xi32>, vector<16xi32>], vector<16xi32>,
            %mul3A_397 = arith.constant 32 : i32
            %mul3A_398 = arith.muli %select_n3A_280, %mul3A_397 : i32
            %mul3A_399 = arith.constant 16 : i32
            %mul3A_400 = arith.muli %scan3A_311, %mul3A_399 : i32
            %add3A_401 = arith.addi %mul3A_398, %mul3A_400 : i32
            %add3A_402 = arith.addi %add3A_401, %scan3A_330 : i32
            %get3A_403 = arith.index_cast %add3A_402 : i32 to index
            %get3A_404 = arith.constant 64 : index
            %get3A_405 = tpu.vector_load %arg9[%get3A_403, %get3A_404] {strides = array<i32>} : memref<256x128xi32, #tpu.memory_space<vmem>>, vector<16xi32>,
            %add3A_406 = arith.constant 80 : i32
            %add3A_407 = vector.broadcast %add3A_406 : i32 to vector<16xi32>
            %add3A_408 = arith.addi %iota3A, %add3A_407 : vector<16xi32>
            %gather3A_409 = tpu.vector_load_idx %arg5[%gather3A_340, %add3A_408] : memref<321x128xi32, #tpu.memory_space<vmem>>[vector<16xi32>, vector<16xi32>], vector<16xi32>,
            %mul3A_410 = arith.constant 32 : i32
            %mul3A_411 = arith.muli %select_n3A_280, %mul3A_410 : i32
            %mul3A_412 = arith.constant 16 : i32
            %mul3A_413 = arith.muli %scan3A_311, %mul3A_412 : i32
            %add3A_414 = arith.addi %mul3A_411, %mul3A_413 : i32
            %add3A_415 = arith.addi %add3A_414, %scan3A_330 : i32
            %get3A_416 = arith.index_cast %add3A_415 : i32 to index
            %get3A_417 = arith.constant 80 : index
            %get3A_418 = tpu.vector_load %arg9[%get3A_416, %get3A_417] {strides = array<i32>} : memref<256x128xi32, #tpu.memory_space<vmem>>, vector<16xi32>,
            %add3A_419 = arith.constant 96 : i32
            %add3A_420 = vector.broadcast %add3A_419 : i32 to vector<16xi32>
            %add3A_421 = arith.addi %iota3A, %add3A_420 : vector<16xi32>
            %gather3A_422 = tpu.vector_load_idx %arg5[%gather3A_340, %add3A_421] : memref<321x128xi32, #tpu.memory_space<vmem>>[vector<16xi32>, vector<16xi32>], vector<16xi32>,
            %mul3A_423 = arith.constant 32 : i32
            %mul3A_424 = arith.muli %select_n3A_280, %mul3A_423 : i32
            %mul3A_425 = arith.constant 16 : i32
            %mul3A_426 = arith.muli %scan3A_311, %mul3A_425 : i32
            %add3A_427 = arith.addi %mul3A_424, %mul3A_426 : i32
            %add3A_428 = arith.addi %add3A_427, %scan3A_330 : i32
            %get3A_429 = arith.index_cast %add3A_428 : i32 to index
            %get3A_430 = arith.constant 96 : index
            %get3A_431 = tpu.vector_load %arg9[%get3A_429, %get3A_430] {strides = array<i32>} : memref<256x128xi32, #tpu.memory_space<vmem>>, vector<16xi32>,
            %add3A_432 = arith.constant 112 : i32
            %add3A_433 = vector.broadcast %add3A_432 : i32 to vector<16xi32>
            %add3A_434 = arith.addi %iota3A, %add3A_433 : vector<16xi32>
            %gather3A_435 = tpu.vector_load_idx %arg5[%gather3A_340, %add3A_434] : memref<321x128xi32, #tpu.memory_space<vmem>>[vector<16xi32>, vector<16xi32>], vector<16xi32>,
            %mul3A_436 = arith.constant 32 : i32
            %mul3A_437 = arith.muli %select_n3A_280, %mul3A_436 : i32
            %mul3A_438 = arith.constant 16 : i32
            %mul3A_439 = arith.muli %scan3A_311, %mul3A_438 : i32
            %add3A_440 = arith.addi %mul3A_437, %mul3A_439 : i32
            %add3A_441 = arith.addi %add3A_440, %scan3A_330 : i32
            %get3A_442 = arith.index_cast %add3A_441 : i32 to index
            %get3A_443 = arith.constant 112 : index
            %get3A_444 = tpu.vector_load %arg9[%get3A_442, %get3A_443] {strides = array<i32>} : memref<256x128xi32, #tpu.memory_space<vmem>>, vector<16xi32>,
            %bitcast3A = vector.bitcast %gather3A_344 : vector<16xi32> to vector<32xbf16>
            %bitcast3A_445 = vector.bitcast %get3A_353 : vector<16xi32> to vector<32xbf16>
            %max3A_446 = arith.maximumf %bitcast3A, %bitcast3A_445 : vector<32xbf16>
            %bitcast3A_447 = vector.bitcast %max3A_446 : vector<32xbf16> to vector<16xi32>
            %bitcast3A_448 = vector.bitcast %gather3A_357 : vector<16xi32> to vector<32xbf16>
            %bitcast3A_449 = vector.bitcast %get3A_366 : vector<16xi32> to vector<32xbf16>
            %max3A_450 = arith.maximumf %bitcast3A_448, %bitcast3A_449 : vector<32xbf16>
            %bitcast3A_451 = vector.bitcast %max3A_450 : vector<32xbf16> to vector<16xi32>
            %bitcast3A_452 = vector.bitcast %gather3A_370 : vector<16xi32> to vector<32xbf16>
            %bitcast3A_453 = vector.bitcast %get3A_379 : vector<16xi32> to vector<32xbf16>
            %max3A_454 = arith.maximumf %bitcast3A_452, %bitcast3A_453 : vector<32xbf16>
            %bitcast3A_455 = vector.bitcast %max3A_454 : vector<32xbf16> to vector<16xi32>
            %bitcast3A_456 = vector.bitcast %gather3A_383 : vector<16xi32> to vector<32xbf16>
            %bitcast3A_457 = vector.bitcast %get3A_392 : vector<16xi32> to vector<32xbf16>
            %max3A_458 = arith.maximumf %bitcast3A_456, %bitcast3A_457 : vector<32xbf16>
            %bitcast3A_459 = vector.bitcast %max3A_458 : vector<32xbf16> to vector<16xi32>
            %bitcast3A_460 = vector.bitcast %gather3A_396 : vector<16xi32> to vector<32xbf16>
            %bitcast3A_461 = vector.bitcast %get3A_405 : vector<16xi32> to vector<32xbf16>
            %max3A_462 = arith.maximumf %bitcast3A_460, %bitcast3A_461 : vector<32xbf16>
            %bitcast3A_463 = vector.bitcast %max3A_462 : vector<32xbf16> to vector<16xi32>
            %bitcast3A_464 = vector.bitcast %gather3A_409 : vector<16xi32> to vector<32xbf16>
            %bitcast3A_465 = vector.bitcast %get3A_418 : vector<16xi32> to vector<32xbf16>
            %max3A_466 = arith.maximumf %bitcast3A_464, %bitcast3A_465 : vector<32xbf16>
            %bitcast3A_467 = vector.bitcast %max3A_466 : vector<32xbf16> to vector<16xi32>
            %bitcast3A_468 = vector.bitcast %gather3A_422 : vector<16xi32> to vector<32xbf16>
            %bitcast3A_469 = vector.bitcast %get3A_431 : vector<16xi32> to vector<32xbf16>
            %max3A_470 = arith.maximumf %bitcast3A_468, %bitcast3A_469 : vector<32xbf16>
            %bitcast3A_471 = vector.bitcast %max3A_470 : vector<32xbf16> to vector<16xi32>
            %bitcast3A_472 = vector.bitcast %gather3A_435 : vector<16xi32> to vector<32xbf16>
            %bitcast3A_473 = vector.bitcast %get3A_444 : vector<16xi32> to vector<32xbf16>
            %max3A_474 = arith.maximumf %bitcast3A_472, %bitcast3A_473 : vector<32xbf16>
            %bitcast3A_475 = vector.bitcast %max3A_474 : vector<32xbf16> to vector<16xi32>
            %add3A_476 = arith.constant 0 : i32
            %add3A_477 = vector.broadcast %add3A_476 : i32 to vector<16xi32>
            %add3A_478 = arith.addi %iota3A, %add3A_477 : vector<16xi32>
            tpu.vector_store_idx %arg5[%gather3A_340, %add3A_478], %bitcast3A_447 : memref<321x128xi32, #tpu.memory_space<vmem>>[vector<16xi32>, vector<16xi32>], vector<16xi32>,
            %add3A_479 = arith.constant 16 : i32
            %add3A_480 = vector.broadcast %add3A_479 : i32 to vector<16xi32>
            %add3A_481 = arith.addi %iota3A, %add3A_480 : vector<16xi32>
            tpu.vector_store_idx %arg5[%gather3A_340, %add3A_481], %bitcast3A_451 : memref<321x128xi32, #tpu.memory_space<vmem>>[vector<16xi32>, vector<16xi32>], vector<16xi32>,
            %add3A_482 = arith.constant 32 : i32
            %add3A_483 = vector.broadcast %add3A_482 : i32 to vector<16xi32>
            %add3A_484 = arith.addi %iota3A, %add3A_483 : vector<16xi32>
            tpu.vector_store_idx %arg5[%gather3A_340, %add3A_484], %bitcast3A_455 : memref<321x128xi32, #tpu.memory_space<vmem>>[vector<16xi32>, vector<16xi32>], vector<16xi32>,
            %add3A_485 = arith.constant 48 : i32
            %add3A_486 = vector.broadcast %add3A_485 : i32 to vector<16xi32>
            %add3A_487 = arith.addi %iota3A, %add3A_486 : vector<16xi32>
            tpu.vector_store_idx %arg5[%gather3A_340, %add3A_487], %bitcast3A_459 : memref<321x128xi32, #tpu.memory_space<vmem>>[vector<16xi32>, vector<16xi32>], vector<16xi32>,
            %add3A_488 = arith.constant 64 : i32
            %add3A_489 = vector.broadcast %add3A_488 : i32 to vector<16xi32>
            %add3A_490 = arith.addi %iota3A, %add3A_489 : vector<16xi32>
            tpu.vector_store_idx %arg5[%gather3A_340, %add3A_490], %bitcast3A_463 : memref<321x128xi32, #tpu.memory_space<vmem>>[vector<16xi32>, vector<16xi32>], vector<16xi32>,
            %add3A_491 = arith.constant 80 : i32
            %add3A_492 = vector.broadcast %add3A_491 : i32 to vector<16xi32>
            %add3A_493 = arith.addi %iota3A, %add3A_492 : vector<16xi32>
            tpu.vector_store_idx %arg5[%gather3A_340, %add3A_493], %bitcast3A_467 : memref<321x128xi32, #tpu.memory_space<vmem>>[vector<16xi32>, vector<16xi32>], vector<16xi32>,
            %add3A_494 = arith.constant 96 : i32
            %add3A_495 = vector.broadcast %add3A_494 : i32 to vector<16xi32>
            %add3A_496 = arith.addi %iota3A, %add3A_495 : vector<16xi32>
            tpu.vector_store_idx %arg5[%gather3A_340, %add3A_496], %bitcast3A_471 : memref<321x128xi32, #tpu.memory_space<vmem>>[vector<16xi32>, vector<16xi32>], vector<16xi32>,
            %add3A_497 = arith.constant 112 : i32
            %add3A_498 = vector.broadcast %add3A_497 : i32 to vector<16xi32>
            %add3A_499 = arith.addi %iota3A, %add3A_498 : vector<16xi32>
            tpu.vector_store_idx %arg5[%gather3A_340, %add3A_499], %bitcast3A_475 : memref<321x128xi32, #tpu.memory_space<vmem>>[vector<16xi32>, vector<16xi32>], vector<16xi32>,
            %scan3A_500 = arith.constant 1 : i32
            %scan3A_501 = arith.addi %scan3A_330, %scan3A_500 : i32
            %broadcast_in_dim3A_502 = vector.broadcast %scan3A_501 : i32 to vector<16xi32>
            %lt3A_503 = arith.constant 0 : i32
            %lt3A_504 = vector.broadcast %lt3A_503 : i32 to vector<16xi32>
            %lt3A_505 = arith.cmpi slt, %broadcast_in_dim3A_502, %lt3A_504 : vector<16xi32>
            %add3A_506 = arith.constant 16 : i32
            %add3A_507 = vector.broadcast %add3A_506 : i32 to vector<16xi32>
            %add3A_508 = arith.addi %broadcast_in_dim3A_502, %add3A_507 : vector<16xi32>
            %select_n3A_509 = arith.select %lt3A_505, %add3A_508, %broadcast_in_dim3A_502 : vector<16xi1>, vector<16xi32>
            %broadcast_in_dim3A_510 = vector.shape_cast %select_n3A_509 : vector<16xi32> to vector<16x1xi32>
            %gather3A_511 = vector.shape_cast %broadcast_in_dim3A_510 : vector<16x1xi32> to vector<16xi32>
            %gather3A_512 = tpu.dynamic_gather %get3A_323[%gather3A_511] in [0] : vector<16xi32>, vector<16xi32> -> vector<16xi32>
            %add3A_513 = arith.constant 0 : i32
            %add3A_514 = vector.broadcast %add3A_513 : i32 to vector<16xi32>
            %add3A_515 = arith.addi %iota3A, %add3A_514 : vector<16xi32>
            %gather3A_516 = tpu.vector_load_idx %arg5[%gather3A_512, %add3A_515] : memref<321x128xi32, #tpu.memory_space<vmem>>[vector<16xi32>, vector<16xi32>], vector<16xi32>,
            %mul3A_517 = arith.constant 32 : i32
            %mul3A_518 = arith.muli %select_n3A_280, %mul3A_517 : i32
            %mul3A_519 = arith.constant 16 : i32
            %mul3A_520 = arith.muli %scan3A_311, %mul3A_519 : i32
            %add3A_521 = arith.addi %mul3A_518, %mul3A_520 : i32
            %add3A_522 = arith.addi %add3A_521, %scan3A_501 : i32
            %get3A_523 = arith.index_cast %add3A_522 : i32 to index
            %get3A_524 = arith.constant 0 : index
            %get3A_525 = tpu.vector_load %arg9[%get3A_523, %get3A_524] {strides = array<i32>} : memref<256x128xi32, #tpu.memory_space<vmem>>, vector<16xi32>,
            %add3A_526 = arith.constant 16 : i32
            %add3A_527 = vector.broadcast %add3A_526 : i32 to vector<16xi32>
            %add3A_528 = arith.addi %iota3A, %add3A_527 : vector<16xi32>
            %gather3A_529 = tpu.vector_load_idx %arg5[%gather3A_512, %add3A_528] : memref<321x128xi32, #tpu.memory_space<vmem>>[vector<16xi32>, vector<16xi32>], vector<16xi32>,
            %mul3A_530 = arith.constant 32 : i32
            %mul3A_531 = arith.muli %select_n3A_280, %mul3A_530 : i32
            %mul3A_532 = arith.constant 16 : i32
            %mul3A_533 = arith.muli %scan3A_311, %mul3A_532 : i32
            %add3A_534 = arith.addi %mul3A_531, %mul3A_533 : i32
            %add3A_535 = arith.addi %add3A_534, %scan3A_501 : i32
            %get3A_536 = arith.index_cast %add3A_535 : i32 to index
            %get3A_537 = arith.constant 16 : index
            %get3A_538 = tpu.vector_load %arg9[%get3A_536, %get3A_537] {strides = array<i32>} : memref<256x128xi32, #tpu.memory_space<vmem>>, vector<16xi32>,
            %add3A_539 = arith.constant 32 : i32
            %add3A_540 = vector.broadcast %add3A_539 : i32 to vector<16xi32>
            %add3A_541 = arith.addi %iota3A, %add3A_540 : vector<16xi32>
            %gather3A_542 = tpu.vector_load_idx %arg5[%gather3A_512, %add3A_541] : memref<321x128xi32, #tpu.memory_space<vmem>>[vector<16xi32>, vector<16xi32>], vector<16xi32>,
            %mul3A_543 = arith.constant 32 : i32
            %mul3A_544 = arith.muli %select_n3A_280, %mul3A_543 : i32
            %mul3A_545 = arith.constant 16 : i32
            %mul3A_546 = arith.muli %scan3A_311, %mul3A_545 : i32
            %add3A_547 = arith.addi %mul3A_544, %mul3A_546 : i32
            %add3A_548 = arith.addi %add3A_547, %scan3A_501 : i32
            %get3A_549 = arith.index_cast %add3A_548 : i32 to index
            %get3A_550 = arith.constant 32 : index
            %get3A_551 = tpu.vector_load %arg9[%get3A_549, %get3A_550] {strides = array<i32>} : memref<256x128xi32, #tpu.memory_space<vmem>>, vector<16xi32>,
            %add3A_552 = arith.constant 48 : i32
            %add3A_553 = vector.broadcast %add3A_552 : i32 to vector<16xi32>
            %add3A_554 = arith.addi %iota3A, %add3A_553 : vector<16xi32>
            %gather3A_555 = tpu.vector_load_idx %arg5[%gather3A_512, %add3A_554] : memref<321x128xi32, #tpu.memory_space<vmem>>[vector<16xi32>, vector<16xi32>], vector<16xi32>,
            %mul3A_556 = arith.constant 32 : i32
            %mul3A_557 = arith.muli %select_n3A_280, %mul3A_556 : i32
            %mul3A_558 = arith.constant 16 : i32
            %mul3A_559 = arith.muli %scan3A_311, %mul3A_558 : i32
            %add3A_560 = arith.addi %mul3A_557, %mul3A_559 : i32
            %add3A_561 = arith.addi %add3A_560, %scan3A_501 : i32
            %get3A_562 = arith.index_cast %add3A_561 : i32 to index
            %get3A_563 = arith.constant 48 : index
            %get3A_564 = tpu.vector_load %arg9[%get3A_562, %get3A_563] {strides = array<i32>} : memref<256x128xi32, #tpu.memory_space<vmem>>, vector<16xi32>,
            %add3A_565 = arith.constant 64 : i32
            %add3A_566 = vector.broadcast %add3A_565 : i32 to vector<16xi32>
            %add3A_567 = arith.addi %iota3A, %add3A_566 : vector<16xi32>
            %gather3A_568 = tpu.vector_load_idx %arg5[%gather3A_512, %add3A_567] : memref<321x128xi32, #tpu.memory_space<vmem>>[vector<16xi32>, vector<16xi32>], vector<16xi32>,
            %mul3A_569 = arith.constant 32 : i32
            %mul3A_570 = arith.muli %select_n3A_280, %mul3A_569 : i32
            %mul3A_571 = arith.constant 16 : i32
            %mul3A_572 = arith.muli %scan3A_311, %mul3A_571 : i32
            %add3A_573 = arith.addi %mul3A_570, %mul3A_572 : i32
            %add3A_574 = arith.addi %add3A_573, %scan3A_501 : i32
            %get3A_575 = arith.index_cast %add3A_574 : i32 to index
            %get3A_576 = arith.constant 64 : index
            %get3A_577 = tpu.vector_load %arg9[%get3A_575, %get3A_576] {strides = array<i32>} : memref<256x128xi32, #tpu.memory_space<vmem>>, vector<16xi32>,
            %add3A_578 = arith.constant 80 : i32
            %add3A_579 = vector.broadcast %add3A_578 : i32 to vector<16xi32>
            %add3A_580 = arith.addi %iota3A, %add3A_579 : vector<16xi32>
            %gather3A_581 = tpu.vector_load_idx %arg5[%gather3A_512, %add3A_580] : memref<321x128xi32, #tpu.memory_space<vmem>>[vector<16xi32>, vector<16xi32>], vector<16xi32>,
            %mul3A_582 = arith.constant 32 : i32
            %mul3A_583 = arith.muli %select_n3A_280, %mul3A_582 : i32
            %mul3A_584 = arith.constant 16 : i32
            %mul3A_585 = arith.muli %scan3A_311, %mul3A_584 : i32
            %add3A_586 = arith.addi %mul3A_583, %mul3A_585 : i32
            %add3A_587 = arith.addi %add3A_586, %scan3A_501 : i32
            %get3A_588 = arith.index_cast %add3A_587 : i32 to index
            %get3A_589 = arith.constant 80 : index
            %get3A_590 = tpu.vector_load %arg9[%get3A_588, %get3A_589] {strides = array<i32>} : memref<256x128xi32, #tpu.memory_space<vmem>>, vector<16xi32>,
            %add3A_591 = arith.constant 96 : i32
            %add3A_592 = vector.broadcast %add3A_591 : i32 to vector<16xi32>
            %add3A_593 = arith.addi %iota3A, %add3A_592 : vector<16xi32>
            %gather3A_594 = tpu.vector_load_idx %arg5[%gather3A_512, %add3A_593] : memref<321x128xi32, #tpu.memory_space<vmem>>[vector<16xi32>, vector<16xi32>], vector<16xi32>,
            %mul3A_595 = arith.constant 32 : i32
            %mul3A_596 = arith.muli %select_n3A_280, %mul3A_595 : i32
            %mul3A_597 = arith.constant 16 : i32
            %mul3A_598 = arith.muli %scan3A_311, %mul3A_597 : i32
            %add3A_599 = arith.addi %mul3A_596, %mul3A_598 : i32
            %add3A_600 = arith.addi %add3A_599, %scan3A_501 : i32
            %get3A_601 = arith.index_cast %add3A_600 : i32 to index
            %get3A_602 = arith.constant 96 : index
            %get3A_603 = tpu.vector_load %arg9[%get3A_601, %get3A_602] {strides = array<i32>} : memref<256x128xi32, #tpu.memory_space<vmem>>, vector<16xi32>,
            %add3A_604 = arith.constant 112 : i32
            %add3A_605 = vector.broadcast %add3A_604 : i32 to vector<16xi32>
            %add3A_606 = arith.addi %iota3A, %add3A_605 : vector<16xi32>
            %gather3A_607 = tpu.vector_load_idx %arg5[%gather3A_512, %add3A_606] : memref<321x128xi32, #tpu.memory_space<vmem>>[vector<16xi32>, vector<16xi32>], vector<16xi32>,
            %mul3A_608 = arith.constant 32 : i32
            %mul3A_609 = arith.muli %select_n3A_280, %mul3A_608 : i32
            %mul3A_610 = arith.constant 16 : i32
            %mul3A_611 = arith.muli %scan3A_311, %mul3A_610 : i32
            %add3A_612 = arith.addi %mul3A_609, %mul3A_611 : i32
            %add3A_613 = arith.addi %add3A_612, %scan3A_501 : i32
            %get3A_614 = arith.index_cast %add3A_613 : i32 to index
            %get3A_615 = arith.constant 112 : index
            %get3A_616 = tpu.vector_load %arg9[%get3A_614, %get3A_615] {strides = array<i32>} : memref<256x128xi32, #tpu.memory_space<vmem>>, vector<16xi32>,
            %bitcast3A_617 = vector.bitcast %gather3A_516 : vector<16xi32> to vector<32xbf16>
            %bitcast3A_618 = vector.bitcast %get3A_525 : vector<16xi32> to vector<32xbf16>
            %max3A_619 = arith.maximumf %bitcast3A_617, %bitcast3A_618 : vector<32xbf16>
            %bitcast3A_620 = vector.bitcast %max3A_619 : vector<32xbf16> to vector<16xi32>
            %bitcast3A_621 = vector.bitcast %gather3A_529 : vector<16xi32> to vector<32xbf16>
            %bitcast3A_622 = vector.bitcast %get3A_538 : vector<16xi32> to vector<32xbf16>
            %max3A_623 = arith.maximumf %bitcast3A_621, %bitcast3A_622 : vector<32xbf16>
            %bitcast3A_624 = vector.bitcast %max3A_623 : vector<32xbf16> to vector<16xi32>
            %bitcast3A_625 = vector.bitcast %gather3A_542 : vector<16xi32> to vector<32xbf16>
            %bitcast3A_626 = vector.bitcast %get3A_551 : vector<16xi32> to vector<32xbf16>
            %max3A_627 = arith.maximumf %bitcast3A_625, %bitcast3A_626 : vector<32xbf16>
            %bitcast3A_628 = vector.bitcast %max3A_627 : vector<32xbf16> to vector<16xi32>
            %bitcast3A_629 = vector.bitcast %gather3A_555 : vector<16xi32> to vector<32xbf16>
            %bitcast3A_630 = vector.bitcast %get3A_564 : vector<16xi32> to vector<32xbf16>
            %max3A_631 = arith.maximumf %bitcast3A_629, %bitcast3A_630 : vector<32xbf16>
            %bitcast3A_632 = vector.bitcast %max3A_631 : vector<32xbf16> to vector<16xi32>
            %bitcast3A_633 = vector.bitcast %gather3A_568 : vector<16xi32> to vector<32xbf16>
            %bitcast3A_634 = vector.bitcast %get3A_577 : vector<16xi32> to vector<32xbf16>
            %max3A_635 = arith.maximumf %bitcast3A_633, %bitcast3A_634 : vector<32xbf16>
            %bitcast3A_636 = vector.bitcast %max3A_635 : vector<32xbf16> to vector<16xi32>
            %bitcast3A_637 = vector.bitcast %gather3A_581 : vector<16xi32> to vector<32xbf16>
            %bitcast3A_638 = vector.bitcast %get3A_590 : vector<16xi32> to vector<32xbf16>
            %max3A_639 = arith.maximumf %bitcast3A_637, %bitcast3A_638 : vector<32xbf16>
            %bitcast3A_640 = vector.bitcast %max3A_639 : vector<32xbf16> to vector<16xi32>
            %bitcast3A_641 = vector.bitcast %gather3A_594 : vector<16xi32> to vector<32xbf16>
            %bitcast3A_642 = vector.bitcast %get3A_603 : vector<16xi32> to vector<32xbf16>
            %max3A_643 = arith.maximumf %bitcast3A_641, %bitcast3A_642 : vector<32xbf16>
            %bitcast3A_644 = vector.bitcast %max3A_643 : vector<32xbf16> to vector<16xi32>
            %bitcast3A_645 = vector.bitcast %gather3A_607 : vector<16xi32> to vector<32xbf16>
            %bitcast3A_646 = vector.bitcast %get3A_616 : vector<16xi32> to vector<32xbf16>
            %max3A_647 = arith.maximumf %bitcast3A_645, %bitcast3A_646 : vector<32xbf16>
            %bitcast3A_648 = vector.bitcast %max3A_647 : vector<32xbf16> to vector<16xi32>
            %add3A_649 = arith.constant 0 : i32
            %add3A_650 = vector.broadcast %add3A_649 : i32 to vector<16xi32>
            %add3A_651 = arith.addi %iota3A, %add3A_650 : vector<16xi32>
            tpu.vector_store_idx %arg5[%gather3A_512, %add3A_651], %bitcast3A_620 : memref<321x128xi32, #tpu.memory_space<vmem>>[vector<16xi32>, vector<16xi32>], vector<16xi32>,
            %add3A_652 = arith.constant 16 : i32
            %add3A_653 = vector.broadcast %add3A_652 : i32 to vector<16xi32>
            %add3A_654 = arith.addi %iota3A, %add3A_653 : vector<16xi32>
            tpu.vector_store_idx %arg5[%gather3A_512, %add3A_654], %bitcast3A_624 : memref<321x128xi32, #tpu.memory_space<vmem>>[vector<16xi32>, vector<16xi32>], vector<16xi32>,
            %add3A_655 = arith.constant 32 : i32
            %add3A_656 = vector.broadcast %add3A_655 : i32 to vector<16xi32>
            %add3A_657 = arith.addi %iota3A, %add3A_656 : vector<16xi32>
            tpu.vector_store_idx %arg5[%gather3A_512, %add3A_657], %bitcast3A_628 : memref<321x128xi32, #tpu.memory_space<vmem>>[vector<16xi32>, vector<16xi32>], vector<16xi32>,
            %add3A_658 = arith.constant 48 : i32
            %add3A_659 = vector.broadcast %add3A_658 : i32 to vector<16xi32>
            %add3A_660 = arith.addi %iota3A, %add3A_659 : vector<16xi32>
            tpu.vector_store_idx %arg5[%gather3A_512, %add3A_660], %bitcast3A_632 : memref<321x128xi32, #tpu.memory_space<vmem>>[vector<16xi32>, vector<16xi32>], vector<16xi32>,
            %add3A_661 = arith.constant 64 : i32
            %add3A_662 = vector.broadcast %add3A_661 : i32 to vector<16xi32>
            %add3A_663 = arith.addi %iota3A, %add3A_662 : vector<16xi32>
            tpu.vector_store_idx %arg5[%gather3A_512, %add3A_663], %bitcast3A_636 : memref<321x128xi32, #tpu.memory_space<vmem>>[vector<16xi32>, vector<16xi32>], vector<16xi32>,
            %add3A_664 = arith.constant 80 : i32
            %add3A_665 = vector.broadcast %add3A_664 : i32 to vector<16xi32>
            %add3A_666 = arith.addi %iota3A, %add3A_665 : vector<16xi32>
            tpu.vector_store_idx %arg5[%gather3A_512, %add3A_666], %bitcast3A_640 : memref<321x128xi32, #tpu.memory_space<vmem>>[vector<16xi32>, vector<16xi32>], vector<16xi32>,
            %add3A_667 = arith.constant 96 : i32
            %add3A_668 = vector.broadcast %add3A_667 : i32 to vector<16xi32>
            %add3A_669 = arith.addi %iota3A, %add3A_668 : vector<16xi32>
            tpu.vector_store_idx %arg5[%gather3A_512, %add3A_669], %bitcast3A_644 : memref<321x128xi32, #tpu.memory_space<vmem>>[vector<16xi32>, vector<16xi32>], vector<16xi32>,
            %add3A_670 = arith.constant 112 : i32
            %add3A_671 = vector.broadcast %add3A_670 : i32 to vector<16xi32>
            %add3A_672 = arith.addi %iota3A, %add3A_671 : vector<16xi32>
            tpu.vector_store_idx %arg5[%gather3A_512, %add3A_672], %bitcast3A_648 : memref<321x128xi32, #tpu.memory_space<vmem>>[vector<16xi32>, vector<16xi32>], vector<16xi32>,
          }
          %scan3A_329 = arith.constant 16 : i32
        }
        %scan3A_298 = arith.constant 2 : i32
        %add3A_299 = arith.constant 1 : i32
        %add3A_300 = arith.addi %add3A_258, %add3A_299 : i32
        %lt3A_301 = arith.cmpi slt, %max3A, %add3A_238 : i32
        %sub3A_302 = arith.subi %max3A, %add3A_300 : i32
        %lt3A_303 = arith.constant 8 : i32
        %lt3A_304 = arith.cmpi slt, %sub3A_302, %lt3A_303 : i32
        %and3A_305 = arith.andi %lt3A_301, %lt3A_304 : i1
        %convert_element_type3A_306 = arith.extui %and3A_305 : i1 to i32
        %cond3A_307 = arith.constant 0 : i32
        %cond3A_308 = arith.cmpi ne, %convert_element_type3A_306, %cond3A_307 : i32
        scf.if %cond3A_308 {
          %ge3A = arith.cmpi sge, %max3A, %add3A_237 : i32
          %sub3A_311 = arith.constant 1 : i32
          %sub3A_312 = arith.subi %sub3A_311, %select_n3A_123 : i32
          %select_n3A_313 = arith.select %ge3A, %select_n3A_123, %sub3A_312 : i32
          %select_n3A_314 = arith.select %ge3A, %add3A_237, %scan3A_113 : i32
          %sub3A_315 = arith.subi %max3A, %select_n3A_314 : i32
          %jit3A_316 = arith.constant 8 : i32
          %eq3A_317 = arith.constant 0 : i32
          %eq3A_318 = arith.cmpi eq, %jit3A_316, %eq3A_317 : i32
          %jit3A_319 = arith.constant 1 : i32
          %select_n3A_320 = arith.select %eq3A_318, %jit3A_319, %jit3A_316 : i32
          %rem3A_321 = arith.remsi %max3A, %select_n3A_320 : i32
          %ne3A_322 = arith.constant 0 : i32
          %ne3A_323 = arith.cmpi ne, %rem3A_321, %ne3A_322 : i32
          %lt3A_324 = arith.constant 0 : i32
          %lt3A_325 = arith.cmpi slt, %rem3A_321, %lt3A_324 : i32
          %lt3A_326 = arith.constant 0 : i32
          %lt3A_327 = arith.cmpi slt, %select_n3A_320, %lt3A_326 : i32
          %ne3A_328 = arith.xori %lt3A_325, %lt3A_327 : i1
          %and3A_329 = arith.andi %ne3A_328, %ne3A_323 : i1
          %add3A_330 = arith.addi %rem3A_321, %select_n3A_320 : i32
          %select_n3A_331 = arith.select %and3A_329, %add3A_330, %rem3A_321 : i32
          %mul3A_332 = arith.constant 2048 : i32
          %mul3A_333 = arith.muli %select_n3A_313, %mul3A_332 : i32
          %mul3A_334 = arith.constant 32 : i32
          %mul3A_335 = arith.muli %sub3A_315, %mul3A_334 : i32
          %add3A_336 = arith.addi %mul3A_333, %mul3A_335 : i32
          %mul3A_337 = arith.constant 32 : i32
          %mul3A_338 = arith.muli %select_n3A_331, %mul3A_337 : i32
          %dma_start3A_339 = arith.constant 0 : i32
          %dma_start3A_340 = tpu.memref_slice %arg9[%mul3A_338, %dma_start3A_339] : memref<256x128xi32, #tpu.memory_space<vmem>> -> memref<32x128xi32, #tpu.memory_space<vmem>>
          %dma_start3A_341 = tpu.memref_slice %arg7[%add3A_336] : memref<4096xi32, #tpu.memory_space<vmem>> -> memref<32xi32, #tpu.memory_space<vmem>>
          %dma_start3A_342 = arith.constant 0 : i32
          %dma_start3A_343 = arith.constant 0 : i32
          %dma_start3A_344 = tpu.memref_slice %arg10[%dma_start3A_342, %dma_start3A_343] : memref<3456x128xi32, #tpu.memory_space<vmem_shared>> -> memref<3456x128xi32, #tpu.memory_space<vmem_shared>>
          tpu.enqueue_indirect_dma source(%dma_start3A_344 : memref<3456x128xi32, #tpu.memory_space<vmem_shared>>) target(%dma_start3A_340 : memref<32x128xi32, #tpu.memory_space<vmem>>) offsets(%dma_start3A_341 : memref<32xi32, #tpu.memory_space<vmem>>) semaphore(%arg12 : memref<!tpu.dma_semaphore, #tpu.memory_space<semaphore_mem>>)
        } else {
        }
        %convert_element_type3A_309 = arith.extui %and3A_305 : i1 to i32
        %add3A_310 = arith.addi %max3A, %convert_element_type3A_309 : i32
        scf.yield %add3A_300, %add3A_310 : i32, i32
      }
      scf.yield %while3A_254#0, %while3A_254#1, %add3A_237, %select_n3A_236 : i32, i32, i32, i32
    }
    %scan3A_108 = arith.constant 81 : i32
    %barrier3A_109 = arith.constant 0 : index
    tpu.barrier barrier_id(%barrier3A_109)
    "tpu.region"() ({
      %run_scoped3A = tpu.sem_alloc : memref<!tpu.dma_semaphore, #tpu.memory_space<semaphore_mem>>
      %dma_start3A_110 = arith.constant 0 : i32
      %dma_start3A_111 = arith.constant 0 : i32
      %dma_start3A_112 = tpu.memref_slice %arg5[%dma_start3A_110, %dma_start3A_111] : memref<321x128xi32, #tpu.memory_space<vmem>> -> memref<320x128xi32, #tpu.memory_space<vmem>>
      %dma_start3A_113 = arith.constant 0 : i32
      %dma_start3A_114 = tpu.memref_slice %arg4[%mul3A_2, %dma_start3A_113] : memref<10240x128xi32, #tpu.memory_space<hbm>> -> memref<320x128xi32, #tpu.memory_space<hbm>>
      %dma_start3A_115 = arith.constant 0 : i32
      %dma_start3A_116 = tpu.memref_slice %arg4[%mul3A_2, %dma_start3A_115] : memref<10240x128xi32, #tpu.memory_space<hbm>> -> memref<320x128xi32, #tpu.memory_space<hbm>>
      %dma_start3A_117 = arith.constant 0 : i32
      %dma_start3A_118 = arith.constant 0 : i32
      %dma_start3A_119 = tpu.memref_slice %arg5[%dma_start3A_117, %dma_start3A_118] : memref<321x128xi32, #tpu.memory_space<vmem>> -> memref<320x128xi32, #tpu.memory_space<vmem>>
      tpu.enqueue_dma source(%dma_start3A_119 : memref<320x128xi32, #tpu.memory_space<vmem>>) target(%dma_start3A_116 : memref<320x128xi32, #tpu.memory_space<hbm>>) target_semaphore(%run_scoped3A : memref<!tpu.dma_semaphore, #tpu.memory_space<semaphore_mem>>)
      %dma_wait3A_120 = arith.constant 0 : i32
      %dma_wait3A_121 = arith.constant 0 : i32
      %dma_wait3A_122 = tpu.memref_slice %arg5[%dma_wait3A_120, %dma_wait3A_121] : memref<321x128xi32, #tpu.memory_space<vmem>> -> memref<320x128xi32, #tpu.memory_space<vmem>>
      %dma_wait3A_123 = arith.constant 0 : i32
      %dma_wait3A_124 = tpu.memref_slice %arg4[%mul3A_2, %dma_wait3A_123] : memref<10240x128xi32, #tpu.memory_space<hbm>> -> memref<320x128xi32, #tpu.memory_space<hbm>>
      %dma_wait3A_125 = arith.constant 0 : i32
      %dma_wait3A_126 = tpu.memref_slice %arg4[%mul3A_2, %dma_wait3A_125] : memref<10240x128xi32, #tpu.memory_space<hbm>> -> memref<320x128xi32, #tpu.memory_space<hbm>>
      %dma_wait3A_127 = arith.constant 0 : i32
      %dma_wait3A_128 = arith.constant 0 : i32
      %dma_wait3A_129 = tpu.memref_slice %arg5[%dma_wait3A_127, %dma_wait3A_128] : memref<321x128xi32, #tpu.memory_space<vmem>> -> memref<320x128xi32, #tpu.memory_space<vmem>>
      tpu.wait_dma2 semaphore(%run_scoped3A : memref<!tpu.dma_semaphore, #tpu.memory_space<semaphore_mem>>) src(%dma_wait3A_129 : memref<320x128xi32, #tpu.memory_space<vmem>>) dst(%dma_wait3A_126 : memref<320x128xi32, #tpu.memory_space<hbm>>)
      tpu.yield
    }) : () -> ()
    return
  }
}

module attributes {stable_mosaic.version = 14 : i64} {
  func.func @_mm_xs_body(%arg0: i32, %arg1: memref<512x256xf32, #tpu.memory_space<vmem>>, %arg2: memref<512x128xf32, #tpu.memory_space<vmem>>, %arg3: memref<256x256xf32, #tpu.memory_space<vmem>>, %arg4: memref<128x256xf32, #tpu.memory_space<vmem>>, %arg5: memref<512x256xf32, #tpu.memory_space<vmem>>, %arg6: memref<512x256xbf16, #tpu.memory_space<vmem>>) attributes {dimension_semantics = [#tpu.dimension_semantics<arbitrary>], iteration_bounds = array<i64: 20>, scalar_prefetch = 0 : i64, scratch_operands = 0 : i64, tpu.core_type = #tpu.core_type<tc>, window_params = [{transform_indices = @transform_0, window_bounds = array<i64: 512, 256>}, {transform_indices = @transform_1, window_bounds = array<i64: 512, 128>}, {pipeline_mode = #tpu.pipeline_mode<synchronous>, transform_indices = @transform_2, window_bounds = array<i64: 256, 256>}, {pipeline_mode = #tpu.pipeline_mode<synchronous>, transform_indices = @transform_3, window_bounds = array<i64: 128, 256>}, {transform_indices = @transform_4, window_bounds = array<i64: 512, 256>}, {transform_indices = @transform_5, window_bounds = array<i64: 512, 256>}]} {
    %get3A = arith.constant 0 : index
    %get3A_0 = arith.constant 0 : index
    %get3A_1 = vector.load %arg2[%get3A, %get3A_0] : memref<512x128xf32, #tpu.memory_space<vmem>>, vector<512x128xf32>
    %get3A_2 = arith.constant 0 : index
    %get3A_3 = arith.constant 0 : index
    %get3A_4 = vector.load %arg4[%get3A_2, %get3A_3] : memref<128x256xf32, #tpu.memory_space<vmem>>, vector<128x256xf32>
    %dot_general3A = arith.constant dense<0.000000e+00> : vector<512x256xf32>
    %dot_general3A_5 = tpu.matmul %get3A_1, %get3A_4, %dot_general3A {dimension_numbers = #tpu.dot_dimension_numbers<[1], [0], [0], [1], [0, 0, 1, 1], [], []>, transpose_lhs_hint = false} : vector<512x128xf32>, vector<128x256xf32>, vector<512x256xf32> -> vector<512x256xf32>
    %swap3A = arith.constant 0 : index
    %swap3A_6 = arith.constant 0 : index
    %swap3A_7 = vector.load %arg5[%swap3A, %swap3A_6] : memref<512x256xf32, #tpu.memory_space<vmem>>, vector<512x256xf32>
    tpu.vector_store %arg5[%swap3A, %swap3A_6], %dot_general3A_5 {strides = array<i32>} : memref<512x256xf32, #tpu.memory_space<vmem>>, vector<512x256xf32>,
    %get3A_8 = arith.constant 0 : index
    %get3A_9 = arith.constant 0 : index
    %get3A_10 = vector.load %arg1[%get3A_8, %get3A_9] : memref<512x256xf32, #tpu.memory_space<vmem>>, vector<512x256xf32>
    %convert_element_type3A = arith.truncf %get3A_10 : vector<512x256xf32> to vector<512x256xbf16>
    %get3A_11 = arith.constant 0 : index
    %get3A_12 = arith.constant 0 : index
    %get3A_13 = vector.load %arg3[%get3A_11, %get3A_12] : memref<256x256xf32, #tpu.memory_space<vmem>>, vector<256x256xf32>
    %convert_element_type3A_14 = arith.truncf %get3A_13 : vector<256x256xf32> to vector<256x256xbf16>
    %dot_general3A_15 = arith.constant dense<0.000000e+00> : vector<512x256xf32>
    %dot_general3A_16 = tpu.matmul %convert_element_type3A, %convert_element_type3A_14, %dot_general3A_15 {dimension_numbers = #tpu.dot_dimension_numbers<[1], [0], [0], [1], [0, 0, 1, 1], [], []>, transpose_lhs_hint = false} : vector<512x256xbf16>, vector<256x256xbf16>, vector<512x256xf32> -> vector<512x256xf32>
    %add3A = arith.addf %dot_general3A_16, %dot_general3A_5 : vector<512x256xf32>
    %convert_element_type3A_17 = arith.truncf %add3A : vector<512x256xf32> to vector<512x256xbf16>
    %swap3A_18 = arith.constant 0 : index
    %swap3A_19 = arith.constant 0 : index
    %swap3A_20 = vector.load %arg6[%swap3A_18, %swap3A_19] : memref<512x256xbf16, #tpu.memory_space<vmem>>, vector<512x256xbf16>
    tpu.vector_store %arg6[%swap3A_18, %swap3A_19], %convert_element_type3A_17 {strides = array<i32>} : memref<512x256xbf16, #tpu.memory_space<vmem>>, vector<512x256xbf16>,
    return
  }
  func.func @transform_0(%arg0: i32) -> (i32, i32) {
    %c0_i32 = arith.constant 0 : i32
    %c0_i32_0 = arith.constant 0 : i32
    return %arg0, %c0_i32 : i32, i32
  }
  func.func @transform_1(%arg0: i32) -> (i32, i32) {
    %c0_i32 = arith.constant 0 : i32
    %c0_i32_0 = arith.constant 0 : i32
    return %arg0, %c0_i32 : i32, i32
  }
  func.func @transform_2(%arg0: i32) -> (i32, i32) {
    %c0_i32 = arith.constant 0 : i32
    %c0_i32_0 = arith.constant 0 : i32
    %c0_i32_1 = arith.constant 0 : i32
    return %c0_i32, %c0_i32_0 : i32, i32
  }
  func.func @transform_3(%arg0: i32) -> (i32, i32) {
    %c0_i32 = arith.constant 0 : i32
    %c0_i32_0 = arith.constant 0 : i32
    %c0_i32_1 = arith.constant 0 : i32
    return %c0_i32, %c0_i32_0 : i32, i32
  }
  func.func @transform_4(%arg0: i32) -> (i32, i32) {
    %c0_i32 = arith.constant 0 : i32
    %c0_i32_0 = arith.constant 0 : i32
    return %arg0, %c0_i32 : i32, i32
  }
  func.func @transform_5(%arg0: i32) -> (i32, i32) {
    %c0_i32 = arith.constant 0 : i32
    %c0_i32_0 = arith.constant 0 : i32
    return %arg0, %c0_i32 : i32, i32
  }
}

module attributes {stable_mosaic.version = 14 : i64} {
  func.func @_mm_out_body(%arg0: i32, %arg1: memref<512x256xbf16, #tpu.memory_space<vmem>>, %arg2: memref<512x256xf32, #tpu.memory_space<vmem>>, %arg3: memref<1x256xf32, #tpu.memory_space<vmem>>, %arg4: memref<256x256xf32, #tpu.memory_space<vmem>>, %arg5: memref<1x256xf32, #tpu.memory_space<vmem>>, %arg6: memref<512x256xf32, #tpu.memory_space<vmem>>) attributes {dimension_semantics = [#tpu.dimension_semantics<arbitrary>], iteration_bounds = array<i64: 20>, scalar_prefetch = 0 : i64, scratch_operands = 0 : i64, tpu.core_type = #tpu.core_type<tc>, window_params = [{transform_indices = @transform_0, window_bounds = array<i64: 512, 256>}, {transform_indices = @transform_1, window_bounds = array<i64: 512, 256>}, {pipeline_mode = #tpu.pipeline_mode<synchronous>, transform_indices = @transform_2, window_bounds = array<i64: 1, 256>}, {pipeline_mode = #tpu.pipeline_mode<synchronous>, transform_indices = @transform_3, window_bounds = array<i64: 256, 256>}, {pipeline_mode = #tpu.pipeline_mode<synchronous>, transform_indices = @transform_4, window_bounds = array<i64: 1, 256>}, {transform_indices = @transform_5, window_bounds = array<i64: 512, 256>}]} {
    %get3A = arith.constant 0 : index
    %get3A_0 = arith.constant 0 : index
    %get3A_1 = vector.load %arg1[%get3A, %get3A_0] : memref<512x256xbf16, #tpu.memory_space<vmem>>, vector<512x256xbf16>
    %convert_element_type3A = arith.extf %get3A_1 : vector<512x256xbf16> to vector<512x256xf32>
    %get3A_2 = arith.constant 0 : index
    %get3A_3 = arith.constant 0 : index
    %get3A_4 = vector.load %arg2[%get3A_2, %get3A_3] : memref<512x256xf32, #tpu.memory_space<vmem>>, vector<512x256xf32>
    %sub3A = arith.subf %convert_element_type3A, %get3A_4 : vector<512x256xf32>
    %get3A_5 = arith.constant 0 : index
    %get3A_6 = arith.constant 0 : index
    %get3A_7 = vector.load %arg3[%get3A_5, %get3A_6] : memref<1x256xf32, #tpu.memory_space<vmem>>, vector<1x256xf32>
    %add3A = vector.broadcast %get3A_7 : vector<1x256xf32> to vector<512x256xf32>
    %add3A_8 = arith.addf %sub3A, %add3A : vector<512x256xf32>
    %max3A = arith.constant 0.000000e+00 : f32
    %max3A_9 = vector.broadcast %max3A : f32 to vector<512x256xf32>
    %max3A_10 = arith.maximumf %add3A_8, %max3A_9 : vector<512x256xf32>
    %convert_element_type3A_11 = arith.truncf %max3A_10 : vector<512x256xf32> to vector<512x256xbf16>
    %get3A_12 = arith.constant 0 : index
    %get3A_13 = arith.constant 0 : index
    %get3A_14 = vector.load %arg4[%get3A_12, %get3A_13] : memref<256x256xf32, #tpu.memory_space<vmem>>, vector<256x256xf32>
    %convert_element_type3A_15 = arith.truncf %get3A_14 : vector<256x256xf32> to vector<256x256xbf16>
    %dot_general3A = arith.constant dense<0.000000e+00> : vector<512x256xf32>
    %dot_general3A_16 = tpu.matmul %convert_element_type3A_11, %convert_element_type3A_15, %dot_general3A {dimension_numbers = #tpu.dot_dimension_numbers<[1], [0], [0], [1], [0, 0, 1, 1], [], []>, transpose_lhs_hint = false} : vector<512x256xbf16>, vector<256x256xbf16>, vector<512x256xf32> -> vector<512x256xf32>
    %get3A_17 = arith.constant 0 : index
    %get3A_18 = arith.constant 0 : index
    %get3A_19 = vector.load %arg5[%get3A_17, %get3A_18] : memref<1x256xf32, #tpu.memory_space<vmem>>, vector<1x256xf32>
    %add3A_20 = vector.broadcast %get3A_19 : vector<1x256xf32> to vector<512x256xf32>
    %add3A_21 = arith.addf %dot_general3A_16, %add3A_20 : vector<512x256xf32>
    %swap3A = arith.constant 0 : index
    %swap3A_22 = arith.constant 0 : index
    %swap3A_23 = vector.load %arg6[%swap3A, %swap3A_22] : memref<512x256xf32, #tpu.memory_space<vmem>>, vector<512x256xf32>
    tpu.vector_store %arg6[%swap3A, %swap3A_22], %add3A_21 {strides = array<i32>} : memref<512x256xf32, #tpu.memory_space<vmem>>, vector<512x256xf32>,
    return
  }
  func.func @transform_0(%arg0: i32) -> (i32, i32) {
    %c0_i32 = arith.constant 0 : i32
    %c0_i32_0 = arith.constant 0 : i32
    return %arg0, %c0_i32 : i32, i32
  }
  func.func @transform_1(%arg0: i32) -> (i32, i32) {
    %c0_i32 = arith.constant 0 : i32
    %c0_i32_0 = arith.constant 0 : i32
    return %arg0, %c0_i32 : i32, i32
  }
  func.func @transform_2(%arg0: i32) -> (i32, i32) {
    %c0_i32 = arith.constant 0 : i32
    %c0_i32_0 = arith.constant 0 : i32
    %c0_i32_1 = arith.constant 0 : i32
    return %c0_i32, %c0_i32_0 : i32, i32
  }
  func.func @transform_3(%arg0: i32) -> (i32, i32) {
    %c0_i32 = arith.constant 0 : i32
    %c0_i32_0 = arith.constant 0 : i32
    %c0_i32_1 = arith.constant 0 : i32
    return %c0_i32, %c0_i32_0 : i32, i32
  }
  func.func @transform_4(%arg0: i32) -> (i32, i32) {
    %c0_i32 = arith.constant 0 : i32
    %c0_i32_0 = arith.constant 0 : i32
    %c0_i32_1 = arith.constant 0 : i32
    return %c0_i32, %c0_i32_0 : i32, i32
  }
  func.func @transform_5(%arg0: i32) -> (i32, i32) {
    %c0_i32 = arith.constant 0 : i32
    %c0_i32_0 = arith.constant 0 : i32
    return %arg0, %c0_i32 : i32, i32
  }
}

</mosaic_0001>

<sc_bundles>
// kernel: kernel.5.cloned.1.call-start
scs
__scs_entry_jumppad:
0x0: {  	(pc) =	sbr.rel $0x88, $3  }
0x1: {  	(tag) =	ssettag $0x0;
	lr =	simm.s32 $0x1  }
0x2: {  	[smem:$0x3F9A] =	sst lr;
	_ =	strace $0xD0000000  }
0x3: {  	_ = 	snop  }
0x4: {  	_ = 	snop  }
0x5: {  	_ = 	snop  }
0x6: {  	_ = 	snop  }
0x7: {  	_ = 	snop  }
__scs_overlays_trampoline_lowered:
0x8: {  	[smem:$0x3FA9] =	sst s0  }
0x9: {  	[smem:$0x3FAA] =	sst s1  }
0xa: {  	[smem:$0x3FAB] =	sst s2  }
0xb: {  	[smem:$0x3FAC] =	sst s3  }
0xc: {  	[smem:$0x3FAD] =	sst s4  }
0xd: {  	[smem:$0x3FAE] =	sst s5  }
0xe: {  	[smem:$0x3FAF] =	sst s6  }
0xf: {  	[smem:$0x3FB0] =	sst s7  }
0x10: {  	[smem:$0x3FB1] =	sst s8  }
0x11: {  	[smem:$0x3FB2] =	sst s9;
	s0 =	simm.s32 @!p0 $0x0  }
0x12: {  	s1 =	sld [smem:$0x3F98];
	s0 =	simm.s32 @p0 $0x1  }
0x13: {  	[smem:$0x3FB3] =	sst s0;
	s0 =	simm.s32 @!p1 $0x0  }
0x14: {  	s2 =	sld [smem:$0x3F97];
	s0 =	simm.s32 @p1 $0x1  }
0x15: {  	[smem:$0x3FB4] =	sst s0;
	s0 =	simm.s32 @!p2 $0x0  }
0x16: {  	s3 =	sld [smem:$0x3FDB];
	s0 =	simm.s32 @p2 $0x1  }
0x17: {  	s4 =	simm.s32 $0x1BF5;
	[smem:$0x3FB6] =	sst s0  }
0x18: {  	s0 =	sld [smem:$0x3F99];
	_ =	swait.ge [sflag:s4], $0x0  }
0x19: {  	s7 =	sld [smem:$0x3F9A]  }
0x1a: {  	s8 =	sadd.s32 $0xFFFFE003, lr  }
0x1b: {  	s9 =	sadd.s32 $0xFFFFFEF7, lr;
	s5 =	simm.s32 $0xFFFFFFFF;
	p2 =	slt.u32 s8, $0xFFFFF086  }
0x1c: {  	p1 =	slt.u32 s9, $0xF7A;
	s5 =	simm.s32 @!p2 $0x0  }
0x1d: {  	s5 =	simm.s32 @p1 $0x1;
	p0 =	seq.s32 s7, s2  }
0x1e: {  	s7 =	smul.u32 @!p0 $0xF7A, s2;
	p2 =	seq.s32 @!p0 s5, $0x0  }
0x1f: {  	s9 =	smul.u32 $0xF7A, s1;
	s8 =	simm.s32 @!p0 $0x1BF5;
	p2 =	por !p2, p0  }
0x20: {  	[sflag:s8] =	ssyncset.s32 @!p0 $0xFFFFF086;
	s6 =	sadd.s32 @!p0 s3, s7;
	s7 =	simm.s32 @!p0 $0x108  }
0x21: {  	s3 =	sadd.s32 s3, s9;
	s6 =	sadd.s32 @!p0 $0x88, s6;
	s7 =	simm.s32 @p2 $0x1082  }
0x22: {  	[simem:s7], [sflag:s8] =	dma.local @!p0 [hbm:s6], $0xF7A  }
0x23: {  	s9 =	sor.u32 $0xD0000000, s2;
	s6 =	simm.s32 $0x108;
	_ =	swait.ge @!p0 [sflag:s8], $0x0  }
0x24: {  	s3 =	sadd.s32 $0x88, s3;
	s6 =	simm.s32 @!p1 $0x1082;
	[sflag:s4] =	ssyncset.s32 $0xFFFFF086  }
0x25: {  	[simem:s6], [sflag:s4] =	dma.local [hbm:s3], $0xF7A  }
0x26: {  	[smem:$0x3F9A] =	sst s1;
	(tag) =	ssettag s2;
	_ =	strace s9  }
0x27: {  	s1 =	sld [smem:$0x3FAA]  }
0x28: {  	s2 =	sld [smem:$0x3FAB]  }
0x29: {  	s4 =	sld [smem:$0x3FAD]  }
0x2a: {  	p0 =	seq.s32 s5, $0x0;
	s5 =	sld [smem:$0x3FAE]  }
0x2b: {  	s6 =	sld [smem:$0x3FAF]  }
0x2c: {  	s7 =	sld [smem:$0x3FB0]  }
0x2d: {  	s3 =	simm.s32 $0x108;
	s8 =	sld [smem:$0x3FB1]  }
0x2e: {  	s3 =	simm.s32 @!p0 $0x1082;
	s9 =	sld [smem:$0x3FB2]  }
0x2f: {  	lr =	sadd.s32 s0, s3;
	s0 =	sld [smem:$0x3FA9]  }
0x30: {  	s3 =	sld [smem:$0x3FAC]  }
0x31: {  	[smem:$0x3FB5] =	sst s10  }
0x32: {  	s10 =	sld [smem:$0x3FB3];
	_ =	sdelay $0x3  }
0x33: {  	p0 =	seq.s32 s10, $0x1;
	s10 =	sld [smem:$0x3FB5];
	_ =	sdelay $0x3  }
0x34: {  	[smem:$0x3FB5] =	sst s10  }
0x35: {  	s10 =	sld [smem:$0x3FB4];
	_ =	sdelay $0x3  }
0x36: {  	p1 =	seq.s32 s10, $0x1;
	s10 =	sld [smem:$0x3FB5];
	_ =	sdelay $0x3  }
0x37: {  	[smem:$0x3FB5] =	sst s10  }
0x38: {  	s10 =	sld [smem:$0x3FB6]  }
0x39: {  	_ = 	snop;
	(pc) =	sbr.ind lr, $3  }
0x3a: {  	_ = 	snop  }
0x3b: {  	_ = 	snop  }
0x3c: {  	p2 =	seq.s32 s10, $0x1;
	s10 =	sld [smem:$0x3FB5]  }
0x3d: {  	_ =	shalt  }
0x3e: {  	_ =	shalt  }
0x3f: {  	_ =	shalt  }
0x40: {  	_ =	shalt  }
0x41: {  	_ =	shalt  }
0x42: {  	_ =	shalt  }
0x43: {  	_ =	shalt  }
0x44: {  	_ =	shalt  }
0x45: {  	_ =	shalt  }
0x46: {  	_ =	shalt  }
0x47: {  	_ =	shalt  }
0x48: {  	_ =	shalt  }
0x49: {  	_ =	shalt  }
0x4a: {  	_ =	shalt  }
0x4b: {  	_ =	shalt  }
0x4c: {  	_ =	shalt  }
0x4d: {  	_ =	shalt  }
0x4e: {  	_ =	shalt  }
0x4f: {  	_ =	shalt  }
0x50: {  	_ =	shalt  }
0x51: {  	_ =	shalt  }
0x52: {  	_ =	shalt  }
0x53: {  	_ =	shalt  }
0x54: {  	_ =	shalt  }
0x55: {  	_ =	shalt  }
0x56: {  	_ =	shalt  }
0x57: {  	_ =	shalt  }
0x58: {  	_ =	shalt  }
0x59: {  	_ =	shalt  }
0x5a: {  	_ =	shalt  }
0x5b: {  	_ =	shalt  }
0x5c: {  	_ =	shalt  }
0x5d: {  	_ =	shalt  }
0x5e: {  	_ =	shalt  }
0x5f: {  	_ =	shalt  }
0x60: {  	_ =	shalt  }
0x61: {  	_ =	shalt  }
0x62: {  	_ =	shalt  }
0x63: {  	_ =	shalt  }
0x64: {  	_ =	shalt  }
0x65: {  	_ =	shalt  }
0x66: {  	_ =	shalt  }
0x67: {  	_ =	shalt  }
0x68: {  	_ =	shalt  }
0x69: {  	_ =	shalt  }
0x6a: {  	_ =	shalt  }
0x6b: {  	_ =	shalt  }
0x6c: {  	_ =	shalt  }
0x6d: {  	_ =	shalt  }
0x6e: {  	_ =	shalt  }
0x6f: {  	_ =	shalt  }
0x70: {  	_ =	shalt  }
0x71: {  	_ =	shalt  }
0x72: {  	_ =	shalt  }
0x73: {  	_ =	shalt  }
0x74: {  	_ =	shalt  }
0x75: {  	_ =	shalt  }
0x76: {  	_ =	shalt  }
0x77: {  	_ =	shalt  }
0x78: {  	_ =	shalt  }
0x79: {  	_ =	shalt  }
0x7a: {  	_ =	shalt  }
0x7b: {  	_ =	shalt  }
0x7c: {  	_ =	shalt  }
0x7d: {  	_ =	shalt  }
0x7e: {  	_ =	shalt  }
0x7f: {  	_ =	shalt  }
0x80: {  	_ =	shalt  }
0x81: {  	_ =	shalt  }
0x82: {  	_ =	shalt  }
0x83: {  	_ =	shalt  }
0x84: {  	_ =	shalt  }
0x85: {  	_ =	shalt  }
0x86: {  	_ =	shalt  }
0x87: {  	_ =	shalt  }
.Lfunc_end0:
.L_simem_size_0:
called_computation_lowered:
.L_overlay_start_0:
0x88: {  	s2 =	sld [smem:$0x3FD9]  }
0x89: {  	s3 =	sld [smem:$0x3FFE];
	_ =	sdelay $0x1  }
0x8a: {  	s1 =	srdreg.scid  }
0x8b: {  	s0 =	sand.u32 $0x1, s1  }
0x8c: {  	s17 =	sshll.u32 s0, $0xA;
	s2 =	sadd.s32 s3, s2  }
0x8d: {  	s2 =	sadd.s32 s2, s17  }
0x8e: {  	[smem:$0x3FC1] =	sst s2  }
0x8f: {  	_ = 	snop  }
0x90: {  	s2 =	sld [smem:$0x3FD0];
	(tm) =	ssettm $0x1  }
0x91: {  	s18 =	sld [smem:$0x3FFB];
	_ =	sdelay $0x3  }
0x92: {  	_ =	strace s18  }
0x93: {  	s3 =	sld [smem:$0x3FFC];
	_ =	sdelay $0x3  }
0x94: {  	_ =	strace s3  }
0x95: {  	s3 =	sld [smem:$0x3FFD];
	_ =	sdelay $0x3  }
0x96: {  	_ =	strace s3  }
0x97: {  	_ =	strace $0x8FFFFFFF  }
0x98: {  	s19 =	sld [smem:$0x3FDB];
	_ =	sdelay $0x1  }
0x99: {  	s4 =	simm.s32 $_scs_section_size  }
0x9a: {  	s5 =	simm.s32 $_size__tile_overlayer_lowered;
	s6 =	simm.s32 $_tile_overlayer_lowered  }
0x9b: {  	s22 =	simm.s32 $0x1BFF;
	s21 =	sshll.u32 s6, $0x1;
	s3 =	sadd.s32 s4, s19  }
0x9c: {  	s7 =	simm.s32 $0x0;
	s20 =	sshll.u32 s5, $0x1;
	s5 =	sadd.s32 s21, s3  }
0x9d: {  	[timem:s7], [sflag:s22] =	dma.local [hbm:s5], s20  }
0x9e: {  	_ =	swait.ge [sflag:s22], s20  }
0x9f: {  	s4 =	ssub.s32 $0x0, s20;
	[sflag:s22] =	ssyncset.done $0x0  }
0xa0: {  	[sflag:s22] =	ssyncadd.s32 s4;
	_ =	sdelay $0x1  }
0xa1: {  	s23 =	simm.s32 $0x1B8B  }
0xa2: {  	_ =	swait.ge [sflag:s23], $0x1  }
0xa3: {  	[sflag:s23] =	ssyncset.done $0x0  }
0xa4: {  	s25 =	simm.s32 $0x1B8E;
	s24 =	sld [smem:$0x3FFE];
	[sflag:s23] =	ssyncadd.s32 $0xFFFFFFFF  }
0xa5: {  	s26 =	simm.s32 $execute0_lowered;
	[smem:$0x3FD2] =	sst s25  }
0xa6: {  	s5 =	sshll.u32 s26, $0x1;
	_ =	strace $0x80000046;
	[dreg:$0x1] =	wrdreg $0xFFFFFFFF  }
0xa7: {  	s28 =	simm.s32 $_size_execute0_lowered;
	s3 =	sadd.s32 s3, s5;
	[dreg:$0x0] =	wrdreg $0x0  }
0xa8: {  	s5 =	sshll.u32 s28, $0x1;
	[dreg:$0x2] =	wrdreg s3  }
0xa9: {  	[dreg:$0x3] =	wrdreg s5  }
0xaa: {  	[dreg:$0x4] =	wrdreg $0xC0  }
0xab: {  	_ =	task [dreg:s7], $0x5FFFF  }
0xac: {  	[dreg:$0x1] =	wrdreg $0xFFFFFFFF  }
0xad: {  	[dreg:$0x0] =	wrdreg $0x60  }
0xae: {  	[dreg:$0x2] =	wrdreg s2  }
0xaf: {  	[dreg:$0x3] =	wrdreg s24  }
0xb0: {  	[dreg:$0x4] =	wrdreg $0x154000  }
0xb1: {  	[dreg:$0x5] =	wrdreg $0x9  }
0xb2: {  	_ =	task.clear_ibuf [dreg:s7], $0x6FFFF;
	_ =	strace $0x90000046  }
0xb3: {  	s29 =	simm.s32 $0x9;
	_ =	strace $0x80000048  }
0xb4: {  	_ =	swait.ge [sflag:s29], $0x1  }
0xb5: {  	[sflag:s29] =	ssyncadd.s32 $0xFFFFFFFF  }
0xb6: {  	_ =	strace $0x90000048  }
0xb7: {  	_ =	sfence  }
0xb8: {  	s30 =	sld [smem:$0x0];
	_ =	sdelay $0x2  }
0xb9: {  	s31 =	sshll.u32 s1, $0xD;
	s1 =	sshrl.u32 s1, $0x2  }
0xba: {  	s3 =	sand.u32 $0x4000, s31;
	s1 =	sadd.s32 s1, s30  }
0xbb: {  	s0 =	sor.u32 s3, s0;
	s1 =	sshll.u32 s1, $0x11  }
0xbc: {  	s0 =	sor.u32 s1, s0  }
0xbd: {  	s0 =	sadd.s32 $0x8F2B, s0  }
0xbe: {  	[sflag:s0] =	ssyncadd.remote.s32 $0x1  }
0xbf: {  	_ =	sfence.sel $0xFFFF  }
0xc0: {  	[dreg:$0x0] =	wrdreg $0xFFFFFFFF;
	(pc) =	sbr.abs _section_cstart, $3  }
0xc1: {  	[dreg:$0x1] =	wrdreg $0xFFFFFFFF  }
0xc2: {  	_ =	task.clear_ibuf [dreg:s7], $0x2FFFF;
	_ =	strace $0x9FFFFFFF  }
0xc3: {  	(tm) =	ssettm $0x7FFFFFFF  }
tec
execute0_lowered:
.L_overlay_start_1:
0x0: {  	(tag) =	ssettag $0x1  }
0x1: {  	s0 =	rddreg [dreg:$0x0]  }
0x2: {  	s1 =	rddreg [dreg:$0x1];
	s3 =	srdreg.scid  }
0x3: {  	s11 =	stileid.u32;
	s2 =	rddreg [dreg:$0x2];
	s14 =	simm.s32 $0x3  }
0x4: {  	s15 =	simm.s32 $0xA400;
	s16 =	simm.s32 $0x1;
	s17 =	simm.s32 $0x2  }
0x5: {  	s18 =	simm.s32 $0x0;
	s5 =	sand.u32 $0x1, s3;
	s8 =	smul.u32 $0x6C00, s11  }
0x6: {  	s4 =	sshll.u32 s11, $0x1;
	s3 =	simm.s32 $0x0;
	s10 =	smul.u32 $0x1B000, s11  }
0x7: {  	s26 =	smul.u32 $0xD80, s11;
	s31 =	sshll.u32 s11, $0x6;
	s11 =	simm.s32 $0x4  }
0x8: {  	s4 =	sor.u32 s5, s4;
	[smem:$0x7FF] =	sst s3;
	s5 =	ssub.s32 $0x2, s5  }
0x9: {  	s12 =	sor.u32 $0x1C03, s31;
	s6 =	smul.u32 $0x1400, s4;
	_ =	strace $0x80000047  }
0xa: {  	s7 =	smul.u32 $0x140, s4;
	s4 =	sadd.s32 $0x50600, s1;
	s9 =	sshrl.u32 s5, $0x1  }
0xb: {  	s8 =	sshrl.u32 s8, $0x3;
	s28 =	sshrl.u32 s10, $0x2;
	s5 =	ssub.s32 s5, s9  }
.Ltmp0:
0xc: {  	s1 =	sadd.s32 s6, s1;
	s6 =	sadd.s32 s0, s6;
	(pc) =	sbr.rel .LBB2_1-.Ltmp0, $4  }
0xd: {  	v1 =	vlaneseq.u32;
	v2 =	vimm.s32 $0x140;
	s8 =	sadd.s32 s0, s8;
	s0 =	sadd.s32 s0, s26;
	[dreg:$0x4] =	wrdreg s6  }
0xe: {  	v3 =	vimm.s32 $0x0;
	v4 =	vor.u32 $0x10, v1;
	v5 =	vor.u32 $0x20, v1;
	s29 =	sadd.s32 $0xD800, s8;
	s30 =	sadd.s32 $0x1A800, s8;
	[dreg:$0x5] =	wrdreg s0  }
0xf: {  	v6 =	vor.u32 $0x30, v1;
	v7 =	vor.u32 $0x40, v1;
	v8 =	vor.u32 $0x50, v1;
	s10 =	smax.u32 s5, $0x1;
	s6 =	sadd.s32 s28, s2;
	[dreg:$0x6] =	wrdreg s29  }
0x10: {  	v9 =	vor.u32 $0x60, v1;
	v10 =	vor.u32 $0x70, v1;
	v0 =	vmov s7;
	[dreg:$0x7] =	wrdreg s30;
	s9 =	sadd.s32 $0x55600, s1;
	s13 =	sshrl.u32 s6, $0x3  }
.LBB2_34:
0x11: {  	s18 =	sadd.s32 $0x1, s18  }
0x12: {  	p0 =	sne.s32 s18, s10  }
.Ltmp1:
0x13: {  	[bflag:$0x0] =	sbarrier.arrive $0xFFFF;
	(pc) =	sbr.rel @!p0 .LBB2_35-.Ltmp1, $4  }
0x14: {  	[hbm4b:s9+s3] =	stream.linear.scatter [tilespmem:s3], [sflag:$0x4], $0xA000, $0x38;
	[tilespmem:$0x1C000] =	vst v63  }
0x15: {  	_ =	swait.ge [sflag:s11], $0xA000  }
0x16: {  	[sflag:s11] =	ssyncset.done $0x0  }
0x17: {  	[sflag:s11] =	ssyncadd.s32 $0xFFFF6000  }
.LBB2_1:
0x18: {  	s0 =	rddreg [dreg:$0x4]  }
0x19: {  	[tilespmem:s3], [sflag:$0x4] =	stream.linear.gather [hbm4b:s0+s3], $0xA000, $0x38;
	[tilespmem:$0x1C000] =	vst v63  }
0x1a: {  	_ =	swait.ge [sflag:s11], $0xA000  }
0x1b: {  	[sflag:s11] =	ssyncset.done $0x0  }
0x1c: {  	s31 =	rddreg [dreg:$0x5];
	[sflag:s11] =	ssyncadd.s32 $0xFFFF6000  }
0x1d: {  	[spmem:s13], [sflag:s12] =	dma.local [hbm:s31], $0xD80  }
.Ltmp2:
0x1e: {  	_ =	swait.ge [sflag:s14], $0xD80;
	(pc) =	sbr.rel .LBB2_3-.Ltmp2, $4  }
0x1f: {  	p0 =	por $0x0, $0x0;
	s23 =	simm.s32 $0x0;
	[sflag:s14] =	ssyncset.done $0x0  }
0x20: {  	s24 =	simm.s32 $0x0;
	s25 =	simm.s32 $0x0;
	[sflag:s14] =	ssyncadd.s32 $0xFFFFF280  }
0x21: {  	s26 =	simm.s32 $0x0;
	s19 =	simm.s32 $0x0;
	[bflag:$0x0] =	sbarrier.arrive $0xFFFF  }
0x22: {  	[tilespmem:s15], [sflag:$0x1] =	stream.linear.gather [hbm4b:s4+s3], $0x7D0, $0x38;
	[tilespmem:$0x1C000] =	vst v63  }
.LBB2_2:
0x23: {  	p1 =	seq.s32 s19, $0x51  }
.Ltmp3:
0x24: {  	_ = 	snop;
	(pc) =	sbr.rel @p1 .LBB2_12-.Ltmp3, $2  }
0x25: {  	_ =	sdelay $0x2  }
0x26: {  	p0 =	por !p0, !p0  }
.LBB2_3:
0x27: {  	s0 =	simm.s32 $0x1  }
0x28: {  	s1 =	smov.u32 s19;
	s19 =	sadd.s32 $0x1, s19;
	_ =	swait.ge [sflag:s16], $0x7D0  }
0x29: {  	s0 =	simm.s32 @!p0 $0x0;
	p1 =	seq.s32 s1, $0x50;
	[sflag:s16] =	ssyncset.done $0x0  }
0x2a: {  	s0 =	smul.u32 $0x1F40, s0;
	s5 =	sand.u32 @!p1 $0x1, s19;
	[sflag:s16] =	ssyncadd.s32 $0xFFFFF830  }
0x2b: {  	s6 =	simm.s32 @!p1 $0xABD0;
	p2 =	seq.s32 @!p1 s5, $0x1;
	s5 =	smul.u32 @!p1 $0xFA, s19  }
0x2c: {  	s7 =	simm.s32 @!p1 $0x0;
	s0 =	sshrl.u32 s0, $0x2;
	p2 =	por !p2, p1  }
0x2d: {  	s0 =	sadd.s32 $0xA420, s0;
	s6 =	simm.s32 @p2 $0xA400;
	s5 =	sadd.s32 @!p1 s4, s5  }
0x2e: {  	[tilespmem:s6], [sflag:$0x1] =	stream.linear.gather @!p1 [hbm4b:s5+s7], $0x7D0, $0x38;
	[tilespmem:$0x1C000] =	vst v63  }
0x2f: {  	v11 =	vld [tilespmem:s0+$0xFFFFFFE0];
	_ =	sdelay $0x4  }
0x30: {  	v12 =	vshrl.u32 v11, $0x10  }
0x31: {  	v13 =	vand.u32 $0xFFFF, v11;
	v12 =	vsub.s32 v12, v0  }
0x32: {  	s20 =	sand.u32 $0x1, s1;
	vm1 =	vlt.u32 v13, $0xD80;
	vm0 =	vlt.u32 v12, $0x140  }
0x33: {  	s29 =	sshll.u32 s20, $0xB;
	vm0 =	vmand vm1, vm0  }
0x34: {  	v11 =	vmov s29;
	_ =	sdelay $0x1  }
0x35: {  	v14 =	vmpcnt.ones.xlane vm0;
	_ =	sdelay $0x1  }
0x36: {  	s21 =	simm.s32 $0x0;
	(v2sf) =	vpush v14, $0x0  }
0x37: {  	[tilespmem:v11+s21+$0xB400 ss:$0x1] =	vst.idx.msk vm0, v13  }
0x38: {  	[tilespmem:v11+s21+$0xC400 ss:$0x1] =	vst.idx.msk vm0, v12  }
0x39: {  	v12 =	vld [tilespmem:s0+$0xFFFFFFF0];
	_ =	sdelay $0x4  }
0x3a: {  	v13 =	vshrl.u32 v12, $0x10  }
0x3b: {  	v12 =	vand.u32 $0xFFFF, v12;
	v13 =	vsub.s32 v13, v0  }
0x3c: {  	vm1 =	vlt.u32 v12, $0xD80;
	vm0 =	vlt.u32 v13, $0x140  }
0x3d: {  	vm0 =	vmand vm1, vm0;
	_ =	sdelay $0x2  }
0x3e: {  	v14 =	vmpcnt.ones.xlane vm0  }
0x3f: {  	s22 =	spop (v2sf)  }
0x40: {  	(v2sf) =	vpush v14, $0x0;
	s1 =	sadd.s32 $0x0, s22  }
0x41: {  	[tilespmem:v11+s1+$0xB400 ss:$0x1] =	vst.idx.msk vm0, v12  }
0x42: {  	[tilespmem:v11+s1+$0xC400 ss:$0x1] =	vst.idx.msk vm0, v13  }
0x43: {  	v12 =	vld [tilespmem:s0+$0x0];
	_ =	sdelay $0x4  }
0x44: {  	v13 =	vshrl.u32 v12, $0x10  }
0x45: {  	v12 =	vand.u32 $0xFFFF, v12;
	v13 =	vsub.s32 v13, v0  }
0x46: {  	vm1 =	vlt.u32 v12, $0xD80;
	vm0 =	vlt.u32 v13, $0x140  }
0x47: {  	vm0 =	vmand vm1, vm0;
	_ =	sdelay $0x2  }
0x48: {  	v14 =	vmpcnt.ones.xlane vm0  }
0x49: {  	s28 =	spop (v2sf)  }
0x4a: {  	s1 =	sadd.s32 s1, s28;
	(v2sf) =	vpush v14, $0x0  }
0x4b: {  	[tilespmem:v11+s1+$0xB400 ss:$0x1] =	vst.idx.msk vm0, v12  }
0x4c: {  	[tilespmem:v11+s1+$0xC400 ss:$0x1] =	vst.idx.msk vm0, v13  }
0x4d: {  	v12 =	vld [tilespmem:s0+$0x10];
	_ =	sdelay $0x4  }
0x4e: {  	v13 =	vshrl.u32 v12, $0x10  }
0x4f: {  	v12 =	vand.u32 $0xFFFF, v12;
	v13 =	vsub.s32 v13, v0  }
0x50: {  	vm1 =	vlt.u32 v12, $0xD80;
	vm0 =	vlt.u32 v13, $0x140  }
0x51: {  	vm0 =	vmand vm1, vm0  }
0x52: {  	v14 =	vmpcnt.ones.xlane vm0;
	_ =	sdelay $0x1  }
0x53: {  	(v2sf) =	vpush v14, $0x0  }
0x54: {  	s30 =	spop (v2sf)  }
0x55: {  	s6 =	sadd.s32 s1, s30  }
0x56: {  	[tilespmem:v11+s6+$0xB400 ss:$0x1] =	vst.idx.msk vm0, v12  }
0x57: {  	s1 =	sadd.s32 $0x40, s0;
	[tilespmem:v11+s6+$0xC400 ss:$0x1] =	vst.idx.msk vm0, v13  }
0x58: {  	v12 =	vld [tilespmem:s1+$0xFFFFFFE0];
	_ =	sdelay $0x4  }
0x59: {  	v14 =	vshrl.u32 v12, $0x10  }
0x5a: {  	v13 =	vand.u32 $0xFFFF, v12;
	v12 =	vsub.s32 v14, v0  }
0x5b: {  	vm1 =	vlt.u32 v13, $0xD80;
	vm0 =	vlt.u32 v12, $0x140  }
0x5c: {  	s31 =	smul.u32 $0x1F40, s20;
	vm0 =	vmand vm1, vm0  }
0x5d: {  	s5 =	simm.s32 $0x4;
	s21 =	smov.u32 s24  }
0x5e: {  	s22 =	smov.u32 s23;
	s0 =	sshrl.u32 s31, $0x2;
	v14 =	vmpcnt.ones.xlane vm0;
	s7 =	spop (v2sf)  }
.LBB2_4:
0x5f: {  	s5 =	sadd.s32 $0x4, s5;
	s6 =	sadd.s32 s6, s7  }
0x60: {  	p1 =	slt.u32 s5, $0x78  }
0x61: {  	(v2sf) =	vpush v14, $0x0  }
0x62: {  	[tilespmem:v11+s6+$0xB400 ss:$0x1] =	vst.idx.msk vm0, v13  }
0x63: {  	[tilespmem:v11+s6+$0xC400 ss:$0x1] =	vst.idx.msk vm0, v12  }
0x64: {  	v12 =	vld [tilespmem:s1+$0xFFFFFFF0];
	_ =	sdelay $0x4  }
0x65: {  	v13 =	vshrl.u32 v12, $0x10  }
0x66: {  	v12 =	vand.u32 $0xFFFF, v12;
	v13 =	vsub.s32 v13, v0  }
0x67: {  	vm1 =	vlt.u32 v12, $0xD80;
	vm0 =	vlt.u32 v13, $0x140  }
0x68: {  	vm0 =	vmand vm1, vm0  }
0x69: {  	v14 =	vmpcnt.ones.xlane vm0;
	_ =	sdelay $0x1  }
0x6a: {  	(v2sf) =	vpush v14, $0x0  }
0x6b: {  	s7 =	spop (v2sf)  }
0x6c: {  	s6 =	sadd.s32 s6, s7  }
0x6d: {  	[tilespmem:v11+s6+$0xB400 ss:$0x1] =	vst.idx.msk vm0, v12  }
0x6e: {  	[tilespmem:v11+s6+$0xC400 ss:$0x1] =	vst.idx.msk vm0, v13  }
0x6f: {  	v12 =	vld [tilespmem:s1+$0x0];
	_ =	sdelay $0x4  }
0x70: {  	v13 =	vshrl.u32 v12, $0x10  }
0x71: {  	v12 =	vand.u32 $0xFFFF, v12;
	v13 =	vsub.s32 v13, v0  }
0x72: {  	vm1 =	vlt.u32 v12, $0xD80;
	vm0 =	vlt.u32 v13, $0x140  }
0x73: {  	vm0 =	vmand vm1, vm0  }
0x74: {  	v14 =	vmpcnt.ones.xlane vm0  }
0x75: {  	s7 =	spop (v2sf)  }
0x76: {  	(v2sf) =	vpush v14, $0x0;
	_ =	sdelay $0x1  }
0x77: {  	s6 =	sadd.s32 s6, s7  }
0x78: {  	[tilespmem:v11+s6+$0xB400 ss:$0x1] =	vst.idx.msk vm0, v12  }
0x79: {  	[tilespmem:v11+s6+$0xC400 ss:$0x1] =	vst.idx.msk vm0, v13  }
0x7a: {  	v12 =	vld [tilespmem:s1+$0x10];
	_ =	sdelay $0x4  }
0x7b: {  	v13 =	vshrl.u32 v12, $0x10  }
0x7c: {  	v12 =	vand.u32 $0xFFFF, v12;
	v13 =	vsub.s32 v13, v0  }
0x7d: {  	vm1 =	vlt.u32 v12, $0xD80;
	vm0 =	vlt.u32 v13, $0x140  }
0x7e: {  	vm0 =	vmand vm1, vm0  }
0x7f: {  	v14 =	vmpcnt.ones.xlane vm0  }
0x80: {  	s7 =	spop (v2sf)  }
0x81: {  	(v2sf) =	vpush v14, $0x0;
	_ =	sdelay $0x1  }
0x82: {  	s6 =	sadd.s32 s6, s7  }
0x83: {  	[tilespmem:v11+s6+$0xB400 ss:$0x1] =	vst.idx.msk vm0, v12  }
0x84: {  	s1 =	sadd.s32 $0x40, s1;
	[tilespmem:v11+s6+$0xC400 ss:$0x1] =	vst.idx.msk vm0, v13  }
0x85: {  	v12 =	vld [tilespmem:s1+$0xFFFFFFE0];
	_ =	sdelay $0x4  }
0x86: {  	v14 =	vshrl.u32 v12, $0x10  }
.Ltmp4:
0x87: {  	v13 =	vand.u32 $0xFFFF, v12;
	v12 =	vsub.s32 v14, v0;
	(pc) =	sbr.rel @p1 .LBB2_4-.Ltmp4, $4  }
0x88: {  	vm1 =	vlt.u32 v13, $0xD80;
	vm0 =	vlt.u32 v12, $0x140  }
0x89: {  	vm0 =	vmand vm1, vm0  }
0x8a: {  	v14 =	vmpcnt.ones.xlane vm0  }
0x8b: {  	s7 =	spop (v2sf)  }
0x8c: {  	_ =	sdelay $0x3  }
0x8d: {  	s5 =	sadd.s32 s6, s7;
	(v2sf) =	vpush v14, $0x0  }
0x8e: {  	[tilespmem:v11+s5+$0xB400 ss:$0x1] =	vst.idx.msk vm0, v13  }
0x8f: {  	[tilespmem:v11+s5+$0xC400 ss:$0x1] =	vst.idx.msk vm0, v12  }
0x90: {  	v12 =	vld [tilespmem:s1+$0xFFFFFFF0];
	_ =	sdelay $0x4  }
0x91: {  	v56 =	vshrl.u32 v12, $0x10  }
0x92: {  	v12 =	vand.u32 $0xFFFF, v12;
	v13 =	vsub.s32 v56, v0  }
0x93: {  	vm1 =	vlt.u32 v12, $0xD80;
	vm9 =	vlt.u32 v13, $0x140  }
0x94: {  	vm0 =	vmand vm1, vm9;
	_ =	sdelay $0x2  }
0x95: {  	v57 =	vmpcnt.ones.xlane vm0  }
0x96: {  	s30 =	spop (v2sf)  }
0x97: {  	(v2sf) =	vpush v57, $0x0;
	s5 =	sadd.s32 s5, s30  }
0x98: {  	[tilespmem:v11+s5+$0xB400 ss:$0x1] =	vst.idx.msk vm0, v12  }
0x99: {  	[tilespmem:v11+s5+$0xC400 ss:$0x1] =	vst.idx.msk vm0, v13  }
0x9a: {  	v12 =	vld [tilespmem:s1+$0x0];
	_ =	sdelay $0x4  }
0x9b: {  	v58 =	vshrl.u32 v12, $0x10  }
0x9c: {  	v12 =	vand.u32 $0xFFFF, v12;
	v13 =	vsub.s32 v58, v0  }
0x9d: {  	vm11 =	vlt.u32 v12, $0xD80;
	vm10 =	vlt.u32 v13, $0x140  }
0x9e: {  	vm0 =	vmand vm11, vm10;
	_ =	sdelay $0x2  }
0x9f: {  	v59 =	vmpcnt.ones.xlane vm0  }
0xa0: {  	s31 =	spop (v2sf)  }
0xa1: {  	(v2sf) =	vpush v59, $0x0;
	s5 =	sadd.s32 s5, s31  }
0xa2: {  	[tilespmem:v11+s5+$0xB400 ss:$0x1] =	vst.idx.msk vm0, v12  }
0xa3: {  	[tilespmem:v11+s5+$0xC400 ss:$0x1] =	vst.idx.msk vm0, v13  }
0xa4: {  	v12 =	vld [tilespmem:s1+$0x10];
	_ =	sdelay $0x4  }
0xa5: {  	v60 =	vshrl.u32 v12, $0x10  }
0xa6: {  	v12 =	vand.u32 $0xFFFF, v12;
	v13 =	vsub.s32 v60, v0  }
0xa7: {  	vm13 =	vlt.u32 v12, $0xD80;
	vm12 =	vlt.u32 v13, $0x140  }
0xa8: {  	vm0 =	vmand vm13, vm12;
	_ =	sdelay $0x3  }
0xa9: {  	s7 =	spop (v2sf)  }
0xaa: {  	s1 =	sadd.s32 s5, s7  }
0xab: {  	[tilespmem:v11+s1+$0xB400 ss:$0x1] =	vst.idx.msk vm0, v12  }
0xac: {  	[tilespmem:v11+s1+$0xC400 ss:$0x1] =	vst.idx.msk vm0, v13  }
0xad: {  	v11 =	vld [tilespmem:s0+$0xABC0];
	_ =	sdelay $0x4  }
0xae: {  	v61 =	vshrl.u32 v11, $0x10  }
0xaf: {  	v11 =	vand.u32 $0xFFFF, v11;
	v12 =	vsub.s32 v61, v0  }
0xb0: {  	vm2 =	vlt.u32 v11, $0xD80;
	vm14 =	vlt.u32 v12, $0x140  }
0xb1: {  	v62 =	vmpcnt.ones.xlane vm0;
	vm15 =	vmand vm2, vm14  }
0xb2: {  	v63 =	vmpcnt.ones.xlane vm15  }
0xb3: {  	(v2sf) =	vpush v62, $0x0  }
0xb4: {  	(v2sf) =	vpush v63, $0x0;
	_ =	sdelay $0xd  }
0xb5: {  	s8 =	spop (v2sf)  }
0xb6: {  	s0 =	sadd.s32 s1, s8;
	s23 =	spop (v2sf)  }
0xb7: {  	s1 =	sadd.s32 s0, s23  }
0xb8: {  	s24 =	sadd.s32 $0x1F, s1  }
0xb9: {  	s30 =	sand.u32 $0x1F, s24  }
0xba: {  	s31 =	sshra.s32 s24, $0x1F;
	p1 =	slt.s32 s24, $0x1;
	p2 =	sne.s32 s30, $0x0  }
0xbb: {  	s7 =	sshrl.u32 s31, $0x1B;
	p1 =	por !p1, !p2  }
0xbc: {  	s6 =	simm.s32 $0x1;
	s5 =	sadd.s32 s7, s24;
	p1 =	por !p1, !p1  }
0xbd: {  	s5 =	sshra.s32 s5, $0x5;
	s6 =	simm.s32 @!p1 $0x0  }
0xbe: {  	s24 =	sadd.s32 s21, s22;
	s23 =	ssub.s32 s5, s6  }
0xbf: {  	s8 =	ssub.s32 s25, s26;
	s28 =	sadd.s32 s24, s23  }
0xc0: {  	p4 =	slt.s32 s8, $0x8;
	p3 =	slt.s32 s25, s28  }
0xc1: {  	p1 =	por !p3, !p4  }
0xc2: {  	p1 =	por !p1, !p1  }
0xc3: {  	p2 =	slt.s32 @p1 s25, s24  }
0xc4: {  	s0 =	sadd.s32 s29, s0;
	s5 =	smov.u32 s21;
	p2 =	por !p2, !p1  }
0xc5: {  	[tilespmem:s0+$0xB400] =	vst.msk vm15, v11;
	s6 =	simm.s32 @p1 $0x1;
	s5 =	smov.u32 @p2 s24  }
0xc6: {  	[tilespmem:s0+$0xC400] =	vst.msk vm15, v12;
	s30 =	sadd.s32 s29, s1;
	s6 =	simm.s32 @p2 $0x0;
	s1 =	ssub.s32 @p1 s25, s5  }
0xc7: {  	[tilespmem:s30+$0xB400] =	vst v3;
	s5 =	sxor.u32 @p1 s6, s20;
	s1 =	sshll.u32 @p1 s1, $0x7  }
0xc8: {  	[tilespmem:s30+$0xB410] =	vst v3;
	s6 =	sshll.u32 @p1 s25, $0xC;
	s5 =	sshll.u32 @p1 s5, $0xB;
	s1 =	sshra.s32 @p1 s1, $0x2  }
0xc9: {  	[tilespmem:s30+$0xC400] =	vst v2;
	s1 =	sadd.s32 @p1 s1, s5;
	s5 =	sand.u32 @p1 $0x7000, s6  }
0xca: {  	[tilespmem:s30+$0xC410] =	vst v2;
	s0 =	sadd.s32 @p1 $0xD400, s5;
	s1 =	sadd.s32 @p1 $0xB400, s1;
	s5 =	simm.s32 @p1 $0x20  }
0xcb: {  	[tilespmem:s0], [sflag:$0x2] =	stream.indirect.gather @p1 [spmem:s2], $0x80, s1, s5, $0xb8;
	[tilespmem:$0x1C000] =	vst v63  }
0xcc: {  	s0 =	simm.s32 $0x1  }
0xcd: {  	s0 =	simm.s32 @!p1 $0x0  }
0xce: {  	s0 =	sadd.s32 s0, s25  }
0xcf: {  	s31 =	ssub.s32 s0, s26  }
0xd0: {  	p5 =	slt.s32 s0, s28;
	p6 =	slt.s32 s31, $0x8  }
0xd1: {  	p1 =	por !p5, !p6  }
0xd2: {  	p1 =	por !p1, !p1  }
0xd3: {  	p2 =	slt.s32 @p1 s0, s24  }
0xd4: {  	s1 =	smov.u32 s21;
	p2 =	por !p2, !p1  }
0xd5: {  	s5 =	simm.s32 @p1 $0x1;
	s1 =	smov.u32 @p2 s24  }
0xd6: {  	s5 =	simm.s32 @p2 $0x0;
	s1 =	ssub.s32 @p1 s0, s1  }
0xd7: {  	s5 =	sxor.u32 @p1 s5, s20;
	s1 =	sshll.u32 @p1 s1, $0x7  }
0xd8: {  	s6 =	sshll.u32 @p1 s0, $0xC;
	s5 =	sshll.u32 @p1 s5, $0xB;
	s1 =	sshra.s32 @p1 s1, $0x2  }
0xd9: {  	s6 =	sand.u32 @p1 $0x7000, s6;
	s1 =	sadd.s32 @p1 s1, s5  }
0xda: {  	s5 =	sadd.s32 @p1 $0xD400, s6;
	s6 =	simm.s32 @p1 $0x20;
	s1 =	sadd.s32 @p1 $0xB400, s1  }
0xdb: {  	[tilespmem:s5], [sflag:$0x2] =	stream.indirect.gather @p1 [spmem:s2], $0x80, s1, s6, $0xb8;
	[tilespmem:$0x1C000] =	vst v63  }
0xdc: {  	s1 =	simm.s32 $0x1  }
0xdd: {  	s1 =	simm.s32 @!p1 $0x0  }
0xde: {  	s0 =	sadd.s32 s1, s0  }
0xdf: {  	s1 =	ssub.s32 s0, s26  }
0xe0: {  	p3 =	slt.s32 s0, s28;
	p4 =	slt.s32 s1, $0x8  }
0xe1: {  	p1 =	por !p3, !p4  }
0xe2: {  	p1 =	por !p1, !p1  }
0xe3: {  	p2 =	slt.s32 @p1 s0, s24  }
0xe4: {  	s1 =	smov.u32 s21;
	p2 =	por !p2, !p1  }
0xe5: {  	s5 =	simm.s32 @p1 $0x1;
	s1 =	smov.u32 @p2 s24  }
0xe6: {  	s5 =	simm.s32 @p2 $0x0;
	s1 =	ssub.s32 @p1 s0, s1  }
0xe7: {  	s5 =	sxor.u32 @p1 s5, s20;
	s1 =	sshll.u32 @p1 s1, $0x7  }
0xe8: {  	s6 =	sshll.u32 @p1 s0, $0xC;
	s5 =	sshll.u32 @p1 s5, $0xB;
	s1 =	sshra.s32 @p1 s1, $0x2  }
0xe9: {  	s6 =	sand.u32 @p1 $0x7000, s6;
	s1 =	sadd.s32 @p1 s1, s5  }
0xea: {  	s5 =	sadd.s32 @p1 $0xD400, s6;
	s6 =	simm.s32 @p1 $0x20;
	s1 =	sadd.s32 @p1 $0xB400, s1  }
0xeb: {  	[tilespmem:s5], [sflag:$0x2] =	stream.indirect.gather @p1 [spmem:s2], $0x80, s1, s6, $0xb8;
	[tilespmem:$0x1C000] =	vst v63  }
0xec: {  	s1 =	simm.s32 $0x1  }
0xed: {  	s1 =	simm.s32 @!p1 $0x0  }
0xee: {  	s0 =	sadd.s32 s1, s0  }
0xef: {  	s1 =	ssub.s32 s0, s26  }
0xf0: {  	p5 =	slt.s32 s0, s28;
	p6 =	slt.s32 s1, $0x8  }
0xf1: {  	p1 =	por !p5, !p6  }
0xf2: {  	p1 =	por !p1, !p1  }
0xf3: {  	p2 =	slt.s32 @p1 s0, s24  }
0xf4: {  	s1 =	smov.u32 s21;
	p2 =	por !p2, !p1  }
0xf5: {  	s5 =	simm.s32 @p1 $0x1;
	s1 =	smov.u32 @p2 s24  }
0xf6: {  	s5 =	simm.s32 @p2 $0x0;
	s1 =	ssub.s32 @p1 s0, s1  }
0xf7: {  	s5 =	sxor.u32 @p1 s5, s20;
	s1 =	sshll.u32 @p1 s1, $0x7  }
0xf8: {  	s6 =	sshll.u32 @p1 s0, $0xC;
	s5 =	sshll.u32 @p1 s5, $0xB;
	s1 =	sshra.s32 @p1 s1, $0x2  }
0xf9: {  	s6 =	sand.u32 @p1 $0x7000, s6;
	s1 =	sadd.s32 @p1 s1, s5  }
0xfa: {  	s5 =	sadd.s32 @p1 $0xD400, s6;
	s6 =	simm.s32 @p1 $0x20;
	s1 =	sadd.s32 @p1 $0xB400, s1  }
0xfb: {  	[tilespmem:s5], [sflag:$0x2] =	stream.indirect.gather @p1 [spmem:s2], $0x80, s1, s6, $0xb8;
	[tilespmem:$0x1C000] =	vst v63  }
0xfc: {  	s1 =	simm.s32 $0x1  }
0xfd: {  	s1 =	simm.s32 @!p1 $0x0  }
0xfe: {  	s0 =	sadd.s32 s1, s0  }
0xff: {  	s1 =	ssub.s32 s0, s26  }
0x100: {  	p3 =	slt.s32 s0, s28;
	p4 =	slt.s32 s1, $0x8  }
0x101: {  	p1 =	por !p3, !p4  }
0x102: {  	p1 =	por !p1, !p1  }
0x103: {  	p2 =	slt.s32 @p1 s0, s24  }
0x104: {  	s1 =	smov.u32 s21;
	p2 =	por !p2, !p1  }
0x105: {  	s5 =	simm.s32 @p1 $0x1;
	s1 =	smov.u32 @p2 s24  }
0x106: {  	s5 =	simm.s32 @p2 $0x0;
	s1 =	ssub.s32 @p1 s0, s1  }
0x107: {  	s5 =	sxor.u32 @p1 s5, s20;
	s1 =	sshll.u32 @p1 s1, $0x7  }
0x108: {  	s6 =	sshll.u32 @p1 s0, $0xC;
	s5 =	sshll.u32 @p1 s5, $0xB;
	s1 =	sshra.s32 @p1 s1, $0x2  }
0x109: {  	s6 =	sand.u32 @p1 $0x7000, s6;
	s1 =	sadd.s32 @p1 s1, s5  }
0x10a: {  	s5 =	sadd.s32 @p1 $0xD400, s6;
	s6 =	simm.s32 @p1 $0x20;
	s1 =	sadd.s32 @p1 $0xB400, s1  }
0x10b: {  	[tilespmem:s5], [sflag:$0x2] =	stream.indirect.gather @p1 [spmem:s2], $0x80, s1, s6, $0xb8;
	[tilespmem:$0x1C000] =	vst v63  }
0x10c: {  	s1 =	simm.s32 $0x1  }
0x10d: {  	s1 =	simm.s32 @!p1 $0x0  }
0x10e: {  	s0 =	sadd.s32 s1, s0  }
0x10f: {  	s1 =	ssub.s32 s0, s26  }
0x110: {  	p5 =	slt.s32 s0, s28;
	p6 =	slt.s32 s1, $0x8  }
0x111: {  	p1 =	por !p5, !p6  }
0x112: {  	p1 =	por !p1, !p1  }
0x113: {  	p2 =	slt.s32 @p1 s0, s24  }
0x114: {  	s1 =	smov.u32 s21;
	p2 =	por !p2, !p1  }
0x115: {  	s5 =	simm.s32 @p1 $0x1;
	s1 =	smov.u32 @p2 s24  }
0x116: {  	s5 =	simm.s32 @p2 $0x0;
	s1 =	ssub.s32 @p1 s0, s1  }
0x117: {  	s5 =	sxor.u32 @p1 s5, s20;
	s1 =	sshll.u32 @p1 s1, $0x7  }
0x118: {  	s6 =	sshll.u32 @p1 s0, $0xC;
	s5 =	sshll.u32 @p1 s5, $0xB;
	s1 =	sshra.s32 @p1 s1, $0x2  }
0x119: {  	s6 =	sand.u32 @p1 $0x7000, s6;
	s1 =	sadd.s32 @p1 s1, s5  }
0x11a: {  	s5 =	sadd.s32 @p1 $0xD400, s6;
	s6 =	simm.s32 @p1 $0x20;
	s1 =	sadd.s32 @p1 $0xB400, s1  }
0x11b: {  	[tilespmem:s5], [sflag:$0x2] =	stream.indirect.gather @p1 [spmem:s2], $0x80, s1, s6, $0xb8;
	[tilespmem:$0x1C000] =	vst v63  }
0x11c: {  	s1 =	simm.s32 $0x1  }
0x11d: {  	s1 =	simm.s32 @!p1 $0x0  }
0x11e: {  	s0 =	sadd.s32 s1, s0  }
0x11f: {  	s1 =	ssub.s32 s0, s26  }
0x120: {  	p3 =	slt.s32 s0, s28;
	p4 =	slt.s32 s1, $0x8  }
0x121: {  	p1 =	por !p3, !p4  }
0x122: {  	p1 =	por !p1, !p1  }
0x123: {  	p2 =	slt.s32 @p1 s0, s24  }
0x124: {  	s1 =	smov.u32 s21;
	p2 =	por !p2, !p1  }
0x125: {  	s5 =	simm.s32 @p1 $0x1;
	s1 =	smov.u32 @p2 s24  }
0x126: {  	s5 =	simm.s32 @p2 $0x0;
	s1 =	ssub.s32 @p1 s0, s1  }
0x127: {  	s5 =	sxor.u32 @p1 s5, s20;
	s1 =	sshll.u32 @p1 s1, $0x7  }
0x128: {  	s6 =	sshll.u32 @p1 s0, $0xC;
	s5 =	sshll.u32 @p1 s5, $0xB;
	s1 =	sshra.s32 @p1 s1, $0x2  }
0x129: {  	s6 =	sand.u32 @p1 $0x7000, s6;
	s1 =	sadd.s32 @p1 s1, s5  }
0x12a: {  	s5 =	sadd.s32 @p1 $0xD400, s6;
	s6 =	simm.s32 @p1 $0x20;
	s1 =	sadd.s32 @p1 $0xB400, s1  }
0x12b: {  	[tilespmem:s5], [sflag:$0x2] =	stream.indirect.gather @p1 [spmem:s2], $0x80, s1, s6, $0xb8;
	[tilespmem:$0x1C000] =	vst v63  }
0x12c: {  	s1 =	simm.s32 $0x1  }
0x12d: {  	s1 =	simm.s32 @!p1 $0x0  }
0x12e: {  	s0 =	sadd.s32 s1, s0  }
0x12f: {  	s1 =	ssub.s32 s0, s26  }
0x130: {  	p5 =	slt.s32 s0, s28;
	p6 =	slt.s32 s1, $0x8  }
0x131: {  	p1 =	por !p5, !p6  }
0x132: {  	p1 =	por !p1, !p1  }
0x133: {  	p2 =	slt.s32 @p1 s0, s24  }
0x134: {  	s1 =	smov.u32 s21;
	p2 =	por !p2, !p1  }
0x135: {  	s5 =	simm.s32 @p1 $0x1;
	s1 =	smov.u32 @p2 s24  }
0x136: {  	s5 =	simm.s32 @p2 $0x0;
	s1 =	ssub.s32 @p1 s0, s1  }
0x137: {  	s5 =	sxor.u32 @p1 s5, s20;
	s1 =	sshll.u32 @p1 s1, $0x7  }
0x138: {  	s6 =	sshll.u32 @p1 s0, $0xC;
	s5 =	sshll.u32 @p1 s5, $0xB;
	s1 =	sshra.s32 @p1 s1, $0x2  }
0x139: {  	s6 =	sand.u32 @p1 $0x7000, s6;
	s1 =	sadd.s32 @p1 s1, s5  }
0x13a: {  	s5 =	sadd.s32 @p1 $0xD400, s6;
	s6 =	simm.s32 @p1 $0x20;
	s1 =	sadd.s32 @p1 $0xB400, s1  }
0x13b: {  	[tilespmem:s5], [sflag:$0x2] =	stream.indirect.gather @p1 [spmem:s2], $0x80, s1, s6, $0xb8;
	[tilespmem:$0x1C000] =	vst v63  }
0x13c: {  	s1 =	simm.s32 $0x1  }
0x13d: {  	s1 =	simm.s32 @!p1 $0x0;
	p1 =	sgt.s32 s22, $0x0  }
.Ltmp5:
0x13e: {  	_ = 	snop;
	(pc) =	sbr.rel @!p1 .LBB2_2-.Ltmp5, $2  }
0x13f: {  	_ =	sdelay $0x2  }
0x140: {  	s25 =	sadd.s32 s1, s0  }
0x141: {  	s0 =	sxor.u32 $0x800, s29  }
0x142: {  	s30 =	sshll.u32 s21, $0x5;
	s31 =	simm.s32 $0x0;
	s29 =	sadd.s32 $0xC400, s0  }
.LBB2_7:
0x143: {  	s1 =	sadd.s32 s21, s31  }
0x144: {  	p1 =	sne.s32 s25, s1  }
0x145: {  	p2 =	slt.s32 @!p1 s25, s24  }
0x146: {  	s0 =	smov.u32 s21;
	p2 =	por !p2, p1  }
0x147: {  	s5 =	simm.s32 @!p1 $0x1;
	s0 =	smov.u32 @p2 s24  }
0x148: {  	s8 =	sshll.u32 s30, $0x9;
	s5 =	simm.s32 @p2 $0x0;
	s0 =	ssub.s32 @!p1 s25, s0  }
0x149: {  	s26 =	sshll.u32 s31, $0x7;
	s5 =	sxor.u32 @!p1 s5, s20;
	s0 =	sshll.u32 @!p1 s0, $0x7  }
0x14a: {  	s6 =	sshll.u32 @!p1 s25, $0xC;
	s5 =	sshll.u32 @!p1 s5, $0xB;
	s0 =	sshra.s32 @!p1 s0, $0x2  }
0x14b: {  	s6 =	sand.u32 @!p1 $0x7000, s6;
	p2 =	por $0x1, $0x1;
	s0 =	sadd.s32 @!p1 s0, s5  }
0x14c: {  	s5 =	sadd.s32 @!p1 $0xD400, s6;
	s6 =	simm.s32 @!p1 $0x20;
	s0 =	sadd.s32 @!p1 $0xB400, s0  }
0x14d: {  	[tilespmem:s5], [sflag:$0x2] =	stream.indirect.gather @!p1 [spmem:s2], $0x80, s0, s6, $0xb8;
	[tilespmem:$0x1C000] =	vst v63  }
0x14e: {  	s0 =	sand.u32 $0x1C000, s8;
	s5 =	sshra.s32 s26, $0x2;
	_ =	swait.ge [sflag:s17], $0x1000  }
0x14f: {  	s5 =	sadd.s32 s5, s29;
	s0 =	sshrl.u32 s0, $0x2;
	[sflag:s17] =	ssyncset.done $0x0  }
0x150: {  	s26 =	sadd.s32 $0xD480, s0;
	v11 =	vmov s5;
	s0 =	simm.s32 $0x0;
	[sflag:s17] =	ssyncadd.s32 $0xFFFFF000  }
.LBB2_8:
0x151: {  	_ =	sdelay $0x3  }
0x152: {  	v12 =	vld.idx.msk [tilespmem:v11+s0+$0x0 ss:$0x1], $0xffff;
	_ =	sdelay $0x1  }
0x153: {  	s7 =	sshll.u32 s0, $0x7  }
0x154: {  	s5 =	simm.s32 $0x0;
	s0 =	sand.u32 $0x3FFFFF80, s7  }
0x155: {  	v13 =	vmov s5;
	s0 =	sadd.s32 s0, s26  }
0x156: {  	v14 =	vld [tilespmem:s0+$0xFFFFFF80];
	v13 =	vperm.xlane v12, v13  }
0x157: {  	v15 =	vld [tilespmem:s0+$0xFFFFFFF0]  }
0x158: {  	v17 =	vld [tilespmem:s0+$0xFFFFFF90];
	v13 =	vshll.u32 v13, $0x7  }
0x159: {  	v19 =	vld [tilespmem:s0+$0xFFFFFFA0];
	v16 =	vor.u32 v1, v13  }
0x15a: {  	v21 =	vld [tilespmem:s0+$0xFFFFFFB0];
	v18 =	vor.u32 v4, v13  }
0x15b: {  	v23 =	vld [tilespmem:s0+$0xFFFFFFC0];
	v20 =	vor.u32 v5, v13  }
0x15c: {  	v25 =	vld [tilespmem:s0+$0xFFFFFFD0];
	v22 =	vor.u32 v6, v13  }
0x15d: {  	v33 =	vld [tilespmem:s0+$0xFFFFFFE0];
	v24 =	vor.u32 v7, v13  }
0x15e: {  	v27 =	vor.u32 v8, v13;
	v26 =	vld.idx.msk [tilespmem:v16+s3+$0x0], $0xffff  }
0x15f: {  	v29 =	vor.u32 v9, v13;
	v28 =	vld.idx.msk [tilespmem:v18+s3+$0x0], $0xffff  }
0x160: {  	v13 =	vor.u32 v10, v13;
	v30 =	vld.idx.msk [tilespmem:v20+s3+$0x0], $0xffff  }
0x161: {  	v31 =	vld.idx.msk [tilespmem:v22+s3+$0x0], $0xffff  }
0x162: {  	v32 =	vld.idx.msk [tilespmem:v24+s3+$0x0], $0xffff  }
0x163: {  	v34 =	vld.idx.msk [tilespmem:v27+s3+$0x0], $0xffff  }
0x164: {  	v35 =	vld.idx.msk [tilespmem:v29+s3+$0x0], $0xffff;
	v14 =	vmax.bf16 v26, v14  }
0x165: {  	v26 =	vld.idx.msk [tilespmem:v13+s3+$0x0], $0xffff;
	v17 =	vmax.bf16 v28, v17;
	[tilespmem:v16+s3+$0x0] =	vst.idx.msk $0xffff, v14  }
0x166: {  	s8 =	simm.s32 $0x1;
	v14 =	vmax.bf16 v30, v19;
	[tilespmem:v18+s3+$0x0] =	vst.idx.msk $0xffff, v17  }
0x167: {  	v16 =	vmov s8;
	v17 =	vmax.bf16 v31, v21;
	[tilespmem:v20+s3+$0x0] =	vst.idx.msk $0xffff, v14  }
0x168: {  	v14 =	vperm.xlane v12, v16;
	v16 =	vmax.bf16 v32, v23;
	[tilespmem:v22+s3+$0x0] =	vst.idx.msk $0xffff, v17  }
0x169: {  	v17 =	vmax.bf16 v34, v25;
	[tilespmem:v24+s3+$0x0] =	vst.idx.msk $0xffff, v16  }
0x16a: {  	v21 =	vshll.u32 v14, $0x7;
	v16 =	vmax.bf16 v35, v33;
	[tilespmem:v27+s3+$0x0] =	vst.idx.msk $0xffff, v17  }
0x16b: {  	v15 =	vmax.bf16 v26, v15;
	v14 =	vor.u32 v4, v21;
	[tilespmem:v29+s3+$0x0] =	vst.idx.msk $0xffff, v16  }
0x16c: {  	[tilespmem:v13+s3+$0x0] =	vst.idx.msk $0xffff, v15  }
0x16d: {  	v18 =	vld [tilespmem:s0+$0x70]  }
0x16e: {  	v15 =	vor.u32 v5, v21;
	v20 =	vld [tilespmem:s0+$0x0]  }
0x16f: {  	v16 =	vor.u32 v6, v21;
	v29 =	vld [tilespmem:s0+$0x10]  }
0x170: {  	v13 =	vor.u32 v10, v21;
	v28 =	vld.idx.msk [tilespmem:v14+s3+$0x0], $0xffff  }
0x171: {  	v27 =	vld [tilespmem:s0+$0x20]  }
0x172: {  	v23 =	vor.u32 v1, v21;
	v25 =	vld [tilespmem:s0+$0x60]  }
0x173: {  	v17 =	vor.u32 v9, v21;
	v26 =	vld.idx.msk [tilespmem:v15+s3+$0x0], $0xffff  }
0x174: {  	v19 =	vor.u32 v8, v21;
	v22 =	vld.idx.msk [tilespmem:v16+s3+$0x0], $0xffff  }
0x175: {  	p1 =	por p2, p2;
	s6 =	simm.s32 $0x2;
	s5 =	smov.u32 s0;
	v21 =	vor.u32 v7, v21;
	v24 =	vld.idx.msk [tilespmem:v13+s3+$0x0], $0xffff;
	v28 =	vmax.bf16 v28, v29  }
.LBB2_9:
0x176: {  	p2 =	slt.u32 s6, $0xE  }
0x177: {  	v29 =	vld.idx.msk [tilespmem:v23+s3+$0x0], $0xffff;
	s0 =	sadd.s32 $0x100, s0;
	s7 =	smov.u32 s6;
	s6 =	sadd.s32 $0x2, s6  }
0x178: {  	v30 =	vld.idx.msk [tilespmem:v17+s3+$0x0], $0xffff;
	v26 =	vmax.bf16 v26, v27  }
0x179: {  	v27 =	vld.idx.msk [tilespmem:v19+s3+$0x0], $0xffff  }
0x17a: {  	v31 =	vld [tilespmem:s5+$0x30]  }
0x17b: {  	v18 =	vmax.bf16 v24, v18;
	v32 =	vld.idx.msk [tilespmem:v21+s3+$0x0], $0xffff  }
0x17c: {  	v24 =	vld [tilespmem:s5+$0x40]  }
0x17d: {  	v20 =	vmax.bf16 v29, v20;
	v33 =	vld [tilespmem:s5+$0x50];
	s5 =	smov.u32 s0  }
0x17e: {  	v25 =	vmax.bf16 v30, v25;
	[tilespmem:v23+s3+$0x0] =	vst.idx.msk $0xffff, v20  }
0x17f: {  	[tilespmem:v14+s3+$0x0] =	vst.idx.msk $0xffff, v28  }
0x180: {  	v14 =	vmax.bf16 v22, v31;
	[tilespmem:v15+s3+$0x0] =	vst.idx.msk $0xffff, v26  }
0x181: {  	v15 =	vmov s7;
	v20 =	vmax.bf16 v32, v24;
	[tilespmem:v16+s3+$0x0] =	vst.idx.msk $0xffff, v14  }
0x182: {  	v14 =	vperm.xlane v12, v15;
	v15 =	vmax.bf16 v27, v33;
	[tilespmem:v21+s3+$0x0] =	vst.idx.msk $0xffff, v20  }
0x183: {  	[tilespmem:v19+s3+$0x0] =	vst.idx.msk $0xffff, v15  }
0x184: {  	v14 =	vshll.u32 v14, $0x7;
	[tilespmem:v17+s3+$0x0] =	vst.idx.msk $0xffff, v25  }
0x185: {  	v15 =	vor.u32 v1, v14;
	[tilespmem:v13+s3+$0x0] =	vst.idx.msk $0xffff, v18  }
0x186: {  	v16 =	vor.u32 v4, v14;
	v13 =	vld [tilespmem:s0+$0xFFFFFF80]  }
0x187: {  	v17 =	vor.u32 v5, v14;
	v18 =	vld [tilespmem:s0+$0xFFFFFFF0]  }
0x188: {  	v20 =	vor.u32 v6, v14;
	v19 =	vld [tilespmem:s0+$0xFFFFFF90]  }
0x189: {  	v22 =	vor.u32 v7, v14;
	v21 =	vld [tilespmem:s0+$0xFFFFFFA0]  }
0x18a: {  	v24 =	vor.u32 v8, v14;
	v23 =	vld [tilespmem:s0+$0xFFFFFFB0]  }
0x18b: {  	v26 =	vor.u32 v9, v14;
	v27 =	vor.u32 v10, v14;
	v25 =	vld [tilespmem:s0+$0xFFFFFFC0]  }
0x18c: {  	v14 =	vld [tilespmem:s0+$0xFFFFFFD0]  }
0x18d: {  	v28 =	vld.idx.msk [tilespmem:v15+s3+$0x0], $0xffff  }
0x18e: {  	v29 =	vld.idx.msk [tilespmem:v16+s3+$0x0], $0xffff  }
0x18f: {  	v30 =	vld.idx.msk [tilespmem:v17+s3+$0x0], $0xffff  }
0x190: {  	v31 =	vld.idx.msk [tilespmem:v20+s3+$0x0], $0xffff  }
0x191: {  	v32 =	vld.idx.msk [tilespmem:v22+s3+$0x0], $0xffff  }
0x192: {  	v33 =	vld [tilespmem:s0+$0xFFFFFFE0]  }
0x193: {  	v13 =	vmax.bf16 v28, v13;
	v34 =	vld.idx.msk [tilespmem:v24+s3+$0x0], $0xffff  }
0x194: {  	v19 =	vmax.bf16 v29, v19;
	v28 =	vld.idx.msk [tilespmem:v26+s3+$0x0], $0xffff  }
0x195: {  	v21 =	vmax.bf16 v30, v21;
	v29 =	vld.idx.msk [tilespmem:v27+s3+$0x0], $0xffff  }
0x196: {  	s7 =	sadd.s32 $0x1, s7;
	v23 =	vmax.bf16 v31, v23;
	[tilespmem:v15+s3+$0x0] =	vst.idx.msk $0xffff, v13  }
0x197: {  	v13 =	vmax.bf16 v32, v25;
	v15 =	vmov s7;
	[tilespmem:v16+s3+$0x0] =	vst.idx.msk $0xffff, v19  }
0x198: {  	v15 =	vperm.xlane v12, v15;
	[tilespmem:v17+s3+$0x0] =	vst.idx.msk $0xffff, v21  }
0x199: {  	v14 =	vmax.bf16 v34, v14;
	[tilespmem:v20+s3+$0x0] =	vst.idx.msk $0xffff, v23  }
0x19a: {  	v16 =	vmax.bf16 v28, v33;
	v21 =	vshll.u32 v15, $0x7;
	[tilespmem:v22+s3+$0x0] =	vst.idx.msk $0xffff, v13  }
0x19b: {  	v13 =	vmax.bf16 v29, v18;
	[tilespmem:v24+s3+$0x0] =	vst.idx.msk $0xffff, v14;
	v14 =	vor.u32 v4, v21  }
0x19c: {  	[tilespmem:v26+s3+$0x0] =	vst.idx.msk $0xffff, v16  }
0x19d: {  	v15 =	vor.u32 v5, v21;
	[tilespmem:v27+s3+$0x0] =	vst.idx.msk $0xffff, v13  }
0x19e: {  	v18 =	vld [tilespmem:s0+$0x70]  }
0x19f: {  	v16 =	vor.u32 v6, v21;
	v20 =	vld [tilespmem:s0+$0x0]  }
0x1a0: {  	v13 =	vor.u32 v10, v21;
	v28 =	vld.idx.msk [tilespmem:v14+s3+$0x0], $0xffff  }
0x1a1: {  	v29 =	vld [tilespmem:s0+$0x10]  }
.Ltmp6:
0x1a2: {  	v23 =	vor.u32 v1, v21;
	v26 =	vld.idx.msk [tilespmem:v15+s3+$0x0], $0xffff;
	(pc) =	sbr.rel @p2 .LBB2_9-.Ltmp6, $4  }
0x1a3: {  	v17 =	vor.u32 v9, v21;
	v27 =	vld [tilespmem:s0+$0x20]  }
0x1a4: {  	v19 =	vor.u32 v8, v21;
	v22 =	vld.idx.msk [tilespmem:v16+s3+$0x0], $0xffff  }
0x1a5: {  	v24 =	vld.idx.msk [tilespmem:v13+s3+$0x0], $0xffff  }
0x1a6: {  	v21 =	vor.u32 v7, v21;
	v25 =	vld [tilespmem:s0+$0x60];
	v28 =	vmax.bf16 v28, v29  }
0x1a7: {  	_ =	sdelay $0x3  }
0x1a8: {  	v12 =	vld.idx.msk [tilespmem:v23+s3+$0x0], $0xffff  }
0x1a9: {  	v30 =	vld.idx.msk [tilespmem:v19+s3+$0x0], $0xffff  }
0x1aa: {  	v31 =	vld [tilespmem:s5+$0x30]  }
0x1ab: {  	v32 =	vld.idx.msk [tilespmem:v21+s3+$0x0], $0xffff  }
0x1ac: {  	v33 =	vld [tilespmem:s5+$0x40]  }
0x1ad: {  	v57 =	vld [tilespmem:s5+$0x50];
	v12 =	vmax.bf16 v12, v20  }
0x1ae: {  	v29 =	vld.idx.msk [tilespmem:v17+s3+$0x0], $0xffff;
	[tilespmem:v23+s3+$0x0] =	vst.idx.msk $0xffff, v12  }
0x1af: {  	v58 =	vmax.bf16 v26, v27;
	[tilespmem:v14+s3+$0x0] =	vst.idx.msk $0xffff, v28  }
0x1b0: {  	v59 =	vmax.bf16 v22, v31;
	[tilespmem:v15+s3+$0x0] =	vst.idx.msk $0xffff, v58  }
.Ltmp7:
0x1b1: {  	v60 =	vmax.bf16 v32, v33;
	[tilespmem:v16+s3+$0x0] =	vst.idx.msk $0xffff, v59;
	(pc) =	sbr.rel @p1 .LBB2_8-.Ltmp7, $4  }
0x1b2: {  	v61 =	vmax.bf16 v30, v57;
	[tilespmem:v21+s3+$0x0] =	vst.idx.msk $0xffff, v60  }
0x1b3: {  	v62 =	vmax.bf16 v29, v25;
	[tilespmem:v19+s3+$0x0] =	vst.idx.msk $0xffff, v61  }
0x1b4: {  	v63 =	vmax.bf16 v24, v18;
	[tilespmem:v17+s3+$0x0] =	vst.idx.msk $0xffff, v62  }
0x1b5: {  	s0 =	simm.s32 $0x10;
	p2 =	por $0x0, $0x0;
	[tilespmem:v13+s3+$0x0] =	vst.idx.msk $0xffff, v63  }
0x1b6: {  	s26 =	sadd.s32 $0x1, s1  }
0x1b7: {  	p1 =	sgt.s32 s25, s26;
	s0 =	smov.u32 s26  }
0x1b8: {  	s0 =	smov.u32 @p1 s25  }
0x1b9: {  	s1 =	ssub.s32 s0, s26  }
0x1ba: {  	p1 =	slt.s32 s0, s28;
	p2 =	slt.s32 s1, $0x8  }
0x1bb: {  	p1 =	por !p1, !p2  }
0x1bc: {  	p1 =	por !p1, !p1  }
0x1bd: {  	p2 =	slt.s32 @p1 s0, s24  }
0x1be: {  	s1 =	smov.u32 s21;
	p2 =	por !p2, !p1  }
0x1bf: {  	s5 =	simm.s32 @p1 $0x1;
	s1 =	smov.u32 @p2 s24  }
0x1c0: {  	s5 =	simm.s32 @p2 $0x0;
	s1 =	ssub.s32 @p1 s0, s1  }
0x1c1: {  	s5 =	sxor.u32 @p1 s5, s20;
	s1 =	sshll.u32 @p1 s1, $0x7  }
0x1c2: {  	s6 =	sshll.u32 @p1 s0, $0xC;
	s5 =	sshll.u32 @p1 s5, $0xB;
	s1 =	sshra.s32 @p1 s1, $0x2  }
0x1c3: {  	s6 =	sand.u32 @p1 $0x7000, s6;
	s1 =	sadd.s32 @p1 s1, s5  }
0x1c4: {  	s5 =	sadd.s32 @p1 $0xD400, s6;
	s6 =	simm.s32 @p1 $0x20;
	s1 =	sadd.s32 @p1 $0xB400, s1  }
0x1c5: {  	[tilespmem:s5], [sflag:$0x2] =	stream.indirect.gather @p1 [spmem:s2], $0x80, s1, s6, $0xb8;
	[tilespmem:$0x1C000] =	vst v63  }
0x1c6: {  	s31 =	sadd.s32 $0x1, s31;
	s1 =	simm.s32 $0x1  }
0x1c7: {  	s1 =	simm.s32 @!p1 $0x0;
	p1 =	seq.s32 s31, s22  }
.Ltmp8:
0x1c8: {  	_ = 	snop;
	(pc) =	sbr.rel @!p1 .LBB2_7-.Ltmp8, $4  }
.Ltmp9:
0x1c9: {  	_ = 	snop;
	(pc) =	sbr.rel @p1 .LBB2_2-.Ltmp9, $4  }
0x1ca: {  	_ = 	snop  }
0x1cb: {  	_ = 	snop  }
0x1cc: {  	s30 =	sadd.s32 $0x20, s30;
	s25 =	sadd.s32 s1, s0  }
0x1cd: {  	_ = 	snop  }
.LBB2_12:
0x1ce: {  	[bflag:$0x0] =	sbarrier.arrive $0xFFFF  }
0x1cf: {  	s0 =	rddreg [dreg:$0x6]  }
0x1d0: {  	[spmem:s13], [sflag:s12] =	dma.local [hbm:s0], $0xD80  }
.Ltmp10:
0x1d1: {  	s19 =	simm.s32 $0x0;
	_ =	swait.ge [sflag:s14], $0xD80;
	(pc) =	sbr.rel .LBB2_14-.Ltmp10, $4  }
0x1d2: {  	p0 =	por $0x0, $0x0;
	s24 =	simm.s32 $0x0;
	[sflag:s14] =	ssyncset.done $0x0  }
0x1d3: {  	s25 =	simm.s32 $0x0;
	s26 =	simm.s32 $0x0;
	[sflag:s14] =	ssyncadd.s32 $0xFFFFF280  }
0x1d4: {  	s28 =	simm.s32 $0x0;
	s20 =	simm.s32 $0x0;
	[bflag:$0x0] =	sbarrier.arrive $0xFFFF  }
0x1d5: {  	[tilespmem:s15], [sflag:$0x1] =	stream.linear.gather [hbm4b:s4+s19], $0x7D0, $0x38;
	[tilespmem:$0x1C000] =	vst v63  }
.LBB2_13:
0x1d6: {  	p1 =	seq.s32 s20, $0x51  }
.Ltmp11:
0x1d7: {  	_ = 	snop;
	(pc) =	sbr.rel @p1 .LBB2_23-.Ltmp11, $2  }
0x1d8: {  	_ =	sdelay $0x2  }
0x1d9: {  	p0 =	por !p0, !p0  }
.LBB2_14:
0x1da: {  	s0 =	simm.s32 $0x1  }
0x1db: {  	s1 =	smov.u32 s20;
	s20 =	sadd.s32 $0x1, s20;
	_ =	swait.ge [sflag:s16], $0x7D0  }
0x1dc: {  	s0 =	simm.s32 @!p0 $0x0;
	p1 =	seq.s32 s1, $0x50;
	[sflag:s16] =	ssyncset.done $0x0  }
0x1dd: {  	s0 =	smul.u32 $0x1F40, s0;
	s5 =	sand.u32 @!p1 $0x1, s20;
	[sflag:s16] =	ssyncadd.s32 $0xFFFFF830  }
0x1de: {  	s6 =	simm.s32 @!p1 $0xABD0;
	p2 =	seq.s32 @!p1 s5, $0x1;
	s5 =	smul.u32 @!p1 $0xFA, s20  }
0x1df: {  	s7 =	simm.s32 @!p1 $0x0;
	s0 =	sshrl.u32 s0, $0x2;
	p2 =	por !p2, p1  }
0x1e0: {  	s0 =	sadd.s32 $0xA420, s0;
	s6 =	simm.s32 @p2 $0xA400;
	s5 =	sadd.s32 @!p1 s4, s5  }
0x1e1: {  	[tilespmem:s6], [sflag:$0x1] =	stream.linear.gather @!p1 [hbm4b:s5+s7], $0x7D0, $0x38;
	[tilespmem:$0x1C000] =	vst v63  }
0x1e2: {  	v11 =	vld [tilespmem:s0+$0xFFFFFFE0];
	_ =	sdelay $0x4  }
0x1e3: {  	v12 =	vshrl.u32 v11, $0x10;
	v11 =	vand.u32 $0xFFFF, v11  }
0x1e4: {  	v13 =	vadd.s32 $0xFFFFF280, v11;
	v12 =	vsub.s32 v12, v0  }
0x1e5: {  	s21 =	sand.u32 $0x1, s1;
	vm0 =	vlt.u32 v12, $0x140;
	vm1 =	vlt.u32 v13, $0xD80  }
0x1e6: {  	s30 =	sshll.u32 s21, $0xB;
	vm0 =	vmand vm0, vm1  }
0x1e7: {  	v11 =	vmov s30;
	_ =	sdelay $0x1  }
0x1e8: {  	v14 =	vmpcnt.ones.xlane vm0;
	_ =	sdelay $0x1  }
0x1e9: {  	(v2sf) =	vpush v14, $0x0  }
0x1ea: {  	[tilespmem:v11+s19+$0xB400 ss:$0x1] =	vst.idx.msk vm0, v13  }
0x1eb: {  	[tilespmem:v11+s19+$0xC400 ss:$0x1] =	vst.idx.msk vm0, v12  }
0x1ec: {  	v12 =	vld [tilespmem:s0+$0xFFFFFFF0];
	_ =	sdelay $0x4  }
0x1ed: {  	v13 =	vshrl.u32 v12, $0x10;
	v12 =	vand.u32 $0xFFFF, v12  }
0x1ee: {  	v12 =	vadd.s32 $0xFFFFF280, v12;
	v13 =	vsub.s32 v13, v0  }
0x1ef: {  	vm0 =	vlt.u32 v13, $0x140;
	vm1 =	vlt.u32 v12, $0xD80  }
0x1f0: {  	vm0 =	vmand vm0, vm1;
	_ =	sdelay $0x2  }
0x1f1: {  	v14 =	vmpcnt.ones.xlane vm0  }
0x1f2: {  	s22 =	spop (v2sf)  }
0x1f3: {  	(v2sf) =	vpush v14, $0x0;
	s1 =	sadd.s32 $0x0, s22  }
0x1f4: {  	[tilespmem:v11+s1+$0xB400 ss:$0x1] =	vst.idx.msk vm0, v12  }
0x1f5: {  	[tilespmem:v11+s1+$0xC400 ss:$0x1] =	vst.idx.msk vm0, v13  }
0x1f6: {  	v12 =	vld [tilespmem:s0+$0x0];
	_ =	sdelay $0x4  }
0x1f7: {  	v13 =	vshrl.u32 v12, $0x10;
	v12 =	vand.u32 $0xFFFF, v12  }
0x1f8: {  	v12 =	vadd.s32 $0xFFFFF280, v12;
	v13 =	vsub.s32 v13, v0  }
0x1f9: {  	vm0 =	vlt.u32 v13, $0x140;
	vm1 =	vlt.u32 v12, $0xD80  }
0x1fa: {  	vm0 =	vmand vm0, vm1;
	_ =	sdelay $0x2  }
0x1fb: {  	v14 =	vmpcnt.ones.xlane vm0  }
0x1fc: {  	s23 =	spop (v2sf)  }
0x1fd: {  	s1 =	sadd.s32 s1, s23;
	(v2sf) =	vpush v14, $0x0  }
0x1fe: {  	[tilespmem:v11+s1+$0xB400 ss:$0x1] =	vst.idx.msk vm0, v12  }
0x1ff: {  	[tilespmem:v11+s1+$0xC400 ss:$0x1] =	vst.idx.msk vm0, v13  }
0x200: {  	v12 =	vld [tilespmem:s0+$0x10];
	_ =	sdelay $0x4  }
0x201: {  	v13 =	vshrl.u32 v12, $0x10;
	v12 =	vand.u32 $0xFFFF, v12  }
0x202: {  	v12 =	vadd.s32 $0xFFFFF280, v12;
	v13 =	vsub.s32 v13, v0  }
0x203: {  	vm0 =	vlt.u32 v13, $0x140;
	vm1 =	vlt.u32 v12, $0xD80  }
0x204: {  	vm0 =	vmand vm0, vm1  }
0x205: {  	v14 =	vmpcnt.ones.xlane vm0;
	_ =	sdelay $0x1  }
0x206: {  	(v2sf) =	vpush v14, $0x0  }
0x207: {  	s29 =	spop (v2sf)  }
0x208: {  	s6 =	sadd.s32 s1, s29  }
0x209: {  	[tilespmem:v11+s6+$0xB400 ss:$0x1] =	vst.idx.msk vm0, v12  }
0x20a: {  	s1 =	sadd.s32 $0x40, s0;
	[tilespmem:v11+s6+$0xC400 ss:$0x1] =	vst.idx.msk vm0, v13  }
0x20b: {  	v12 =	vld [tilespmem:s1+$0xFFFFFFE0];
	_ =	sdelay $0x4  }
0x20c: {  	v14 =	vshrl.u32 v12, $0x10;
	v12 =	vand.u32 $0xFFFF, v12  }
0x20d: {  	v13 =	vadd.s32 $0xFFFFF280, v12;
	v12 =	vsub.s32 v14, v0  }
0x20e: {  	vm0 =	vlt.u32 v12, $0x140;
	vm1 =	vlt.u32 v13, $0xD80  }
0x20f: {  	s31 =	smul.u32 $0x1F40, s21;
	vm0 =	vmand vm0, vm1  }
0x210: {  	s5 =	simm.s32 $0x4;
	s22 =	smov.u32 s25  }
0x211: {  	s23 =	smov.u32 s24;
	s0 =	sshrl.u32 s31, $0x2;
	v14 =	vmpcnt.ones.xlane vm0;
	s7 =	spop (v2sf)  }
.LBB2_15:
0x212: {  	s5 =	sadd.s32 $0x4, s5;
	s6 =	sadd.s32 s6, s7  }
0x213: {  	p1 =	slt.u32 s5, $0x78  }
0x214: {  	(v2sf) =	vpush v14, $0x0  }
0x215: {  	[tilespmem:v11+s6+$0xB400 ss:$0x1] =	vst.idx.msk vm0, v13  }
0x216: {  	[tilespmem:v11+s6+$0xC400 ss:$0x1] =	vst.idx.msk vm0, v12  }
0x217: {  	v12 =	vld [tilespmem:s1+$0xFFFFFFF0];
	_ =	sdelay $0x4  }
0x218: {  	v13 =	vshrl.u32 v12, $0x10;
	v12 =	vand.u32 $0xFFFF, v12  }
0x219: {  	v12 =	vadd.s32 $0xFFFFF280, v12;
	v13 =	vsub.s32 v13, v0  }
0x21a: {  	vm0 =	vlt.u32 v13, $0x140;
	vm1 =	vlt.u32 v12, $0xD80  }
0x21b: {  	vm0 =	vmand vm0, vm1  }
0x21c: {  	v14 =	vmpcnt.ones.xlane vm0;
	_ =	sdelay $0x1  }
0x21d: {  	(v2sf) =	vpush v14, $0x0  }
0x21e: {  	s7 =	spop (v2sf)  }
0x21f: {  	s6 =	sadd.s32 s6, s7  }
0x220: {  	[tilespmem:v11+s6+$0xB400 ss:$0x1] =	vst.idx.msk vm0, v12  }
0x221: {  	[tilespmem:v11+s6+$0xC400 ss:$0x1] =	vst.idx.msk vm0, v13  }
0x222: {  	v12 =	vld [tilespmem:s1+$0x0];
	_ =	sdelay $0x4  }
0x223: {  	v13 =	vshrl.u32 v12, $0x10;
	v12 =	vand.u32 $0xFFFF, v12  }
0x224: {  	v12 =	vadd.s32 $0xFFFFF280, v12;
	v13 =	vsub.s32 v13, v0  }
0x225: {  	vm0 =	vlt.u32 v13, $0x140;
	vm1 =	vlt.u32 v12, $0xD80  }
0x226: {  	vm0 =	vmand vm0, vm1  }
0x227: {  	v14 =	vmpcnt.ones.xlane vm0  }
0x228: {  	s7 =	spop (v2sf)  }
0x229: {  	(v2sf) =	vpush v14, $0x0;
	_ =	sdelay $0x1  }
0x22a: {  	s6 =	sadd.s32 s6, s7  }
0x22b: {  	[tilespmem:v11+s6+$0xB400 ss:$0x1] =	vst.idx.msk vm0, v12  }
0x22c: {  	[tilespmem:v11+s6+$0xC400 ss:$0x1] =	vst.idx.msk vm0, v13  }
0x22d: {  	v12 =	vld [tilespmem:s1+$0x10];
	_ =	sdelay $0x4  }
0x22e: {  	v13 =	vshrl.u32 v12, $0x10;
	v12 =	vand.u32 $0xFFFF, v12  }
0x22f: {  	v12 =	vadd.s32 $0xFFFFF280, v12;
	v13 =	vsub.s32 v13, v0  }
0x230: {  	vm0 =	vlt.u32 v13, $0x140;
	vm1 =	vlt.u32 v12, $0xD80  }
0x231: {  	vm0 =	vmand vm0, vm1  }
0x232: {  	v14 =	vmpcnt.ones.xlane vm0  }
0x233: {  	s7 =	spop (v2sf)  }
0x234: {  	(v2sf) =	vpush v14, $0x0;
	_ =	sdelay $0x1  }
0x235: {  	s6 =	sadd.s32 s6, s7  }
0x236: {  	[tilespmem:v11+s6+$0xB400 ss:$0x1] =	vst.idx.msk vm0, v12  }
0x237: {  	s1 =	sadd.s32 $0x40, s1;
	[tilespmem:v11+s6+$0xC400 ss:$0x1] =	vst.idx.msk vm0, v13  }
0x238: {  	v12 =	vld [tilespmem:s1+$0xFFFFFFE0];
	_ =	sdelay $0x4  }
0x239: {  	v14 =	vshrl.u32 v12, $0x10;
	v12 =	vand.u32 $0xFFFF, v12  }
.Ltmp12:
0x23a: {  	v13 =	vadd.s32 $0xFFFFF280, v12;
	v12 =	vsub.s32 v14, v0;
	(pc) =	sbr.rel @p1 .LBB2_15-.Ltmp12, $4  }
0x23b: {  	vm0 =	vlt.u32 v12, $0x140;
	vm1 =	vlt.u32 v13, $0xD80  }
0x23c: {  	vm0 =	vmand vm0, vm1  }
0x23d: {  	v14 =	vmpcnt.ones.xlane vm0  }
0x23e: {  	s7 =	spop (v2sf)  }
0x23f: {  	_ =	sdelay $0x3  }
0x240: {  	s5 =	sadd.s32 s6, s7;
	(v2sf) =	vpush v14, $0x0  }
0x241: {  	[tilespmem:v11+s5+$0xB400 ss:$0x1] =	vst.idx.msk vm0, v13  }
0x242: {  	[tilespmem:v11+s5+$0xC400 ss:$0x1] =	vst.idx.msk vm0, v12  }
0x243: {  	v12 =	vld [tilespmem:s1+$0xFFFFFFF0];
	_ =	sdelay $0x4  }
0x244: {  	v56 =	vshrl.u32 v12, $0x10;
	v12 =	vand.u32 $0xFFFF, v12  }
0x245: {  	v12 =	vadd.s32 $0xFFFFF280, v12;
	v13 =	vsub.s32 v56, v0  }
0x246: {  	vm9 =	vlt.u32 v13, $0x140;
	vm1 =	vlt.u32 v12, $0xD80  }
0x247: {  	vm0 =	vmand vm9, vm1;
	_ =	sdelay $0x2  }
0x248: {  	v57 =	vmpcnt.ones.xlane vm0  }
0x249: {  	s24 =	spop (v2sf)  }
0x24a: {  	(v2sf) =	vpush v57, $0x0;
	s5 =	sadd.s32 s5, s24  }
0x24b: {  	[tilespmem:v11+s5+$0xB400 ss:$0x1] =	vst.idx.msk vm0, v12  }
0x24c: {  	[tilespmem:v11+s5+$0xC400 ss:$0x1] =	vst.idx.msk vm0, v13  }
0x24d: {  	v12 =	vld [tilespmem:s1+$0x0];
	_ =	sdelay $0x4  }
0x24e: {  	v58 =	vshrl.u32 v12, $0x10;
	v12 =	vand.u32 $0xFFFF, v12  }
0x24f: {  	v12 =	vadd.s32 $0xFFFFF280, v12;
	v13 =	vsub.s32 v58, v0  }
0x250: {  	vm10 =	vlt.u32 v13, $0x140;
	vm11 =	vlt.u32 v12, $0xD80  }
0x251: {  	vm0 =	vmand vm10, vm11;
	_ =	sdelay $0x2  }
0x252: {  	v59 =	vmpcnt.ones.xlane vm0  }
0x253: {  	s25 =	spop (v2sf)  }
0x254: {  	(v2sf) =	vpush v59, $0x0;
	s5 =	sadd.s32 s5, s25  }
0x255: {  	[tilespmem:v11+s5+$0xB400 ss:$0x1] =	vst.idx.msk vm0, v12  }
0x256: {  	[tilespmem:v11+s5+$0xC400 ss:$0x1] =	vst.idx.msk vm0, v13  }
0x257: {  	v12 =	vld [tilespmem:s1+$0x10];
	_ =	sdelay $0x4  }
0x258: {  	v60 =	vshrl.u32 v12, $0x10;
	v12 =	vand.u32 $0xFFFF, v12  }
0x259: {  	v12 =	vadd.s32 $0xFFFFF280, v12;
	v13 =	vsub.s32 v60, v0  }
0x25a: {  	vm12 =	vlt.u32 v13, $0x140;
	vm13 =	vlt.u32 v12, $0xD80  }
0x25b: {  	vm0 =	vmand vm12, vm13;
	_ =	sdelay $0x3  }
0x25c: {  	s31 =	spop (v2sf)  }
0x25d: {  	s1 =	sadd.s32 s5, s31  }
0x25e: {  	[tilespmem:v11+s1+$0xB400 ss:$0x1] =	vst.idx.msk vm0, v12  }
0x25f: {  	[tilespmem:v11+s1+$0xC400 ss:$0x1] =	vst.idx.msk vm0, v13  }
0x260: {  	v11 =	vld [tilespmem:s0+$0xABC0];
	_ =	sdelay $0x4  }
0x261: {  	v61 =	vshrl.u32 v11, $0x10;
	v11 =	vand.u32 $0xFFFF, v11  }
0x262: {  	v11 =	vadd.s32 $0xFFFFF280, v11;
	v12 =	vsub.s32 v61, v0  }
0x263: {  	vm14 =	vlt.u32 v12, $0x140;
	vm2 =	vlt.u32 v11, $0xD80  }
0x264: {  	v62 =	vmpcnt.ones.xlane vm0;
	vm15 =	vmand vm14, vm2  }
0x265: {  	v63 =	vmpcnt.ones.xlane vm15  }
0x266: {  	(v2sf) =	vpush v62, $0x0  }
0x267: {  	(v2sf) =	vpush v63, $0x0;
	_ =	sdelay $0xd  }
0x268: {  	s6 =	spop (v2sf)  }
0x269: {  	s0 =	sadd.s32 s1, s6;
	s7 =	spop (v2sf)  }
0x26a: {  	s1 =	sadd.s32 s0, s7  }
0x26b: {  	s8 =	sadd.s32 $0x1F, s1  }
0x26c: {  	s24 =	sand.u32 $0x1F, s8  }
0x26d: {  	s25 =	sshra.s32 s8, $0x1F;
	p1 =	slt.s32 s8, $0x1;
	p2 =	sne.s32 s24, $0x0  }
0x26e: {  	s31 =	sshrl.u32 s25, $0x1B;
	p1 =	por !p1, !p2  }
0x26f: {  	s6 =	simm.s32 $0x1;
	s5 =	sadd.s32 s31, s8;
	p1 =	por !p1, !p1  }
0x270: {  	s5 =	sshra.s32 s5, $0x5;
	s6 =	simm.s32 @!p1 $0x0  }
0x271: {  	s25 =	sadd.s32 s22, s23;
	s24 =	ssub.s32 s5, s6  }
0x272: {  	s7 =	ssub.s32 s26, s28;
	s29 =	sadd.s32 s25, s24  }
0x273: {  	p4 =	slt.s32 s7, $0x8;
	p3 =	slt.s32 s26, s29  }
0x274: {  	p1 =	por !p3, !p4  }
0x275: {  	p1 =	por !p1, !p1  }
0x276: {  	p2 =	slt.s32 @p1 s26, s25  }
0x277: {  	s0 =	sadd.s32 s30, s0;
	s5 =	smov.u32 s22;
	p2 =	por !p2, !p1  }
0x278: {  	[tilespmem:s0+$0xB400] =	vst.msk vm15, v11;
	s6 =	simm.s32 @p1 $0x1;
	s5 =	smov.u32 @p2 s25  }
0x279: {  	[tilespmem:s0+$0xC400] =	vst.msk vm15, v12;
	s8 =	sadd.s32 s30, s1;
	s6 =	simm.s32 @p2 $0x0;
	s1 =	ssub.s32 @p1 s26, s5  }
0x27a: {  	[tilespmem:s8+$0xB400] =	vst v3;
	s5 =	sxor.u32 @p1 s6, s21;
	s1 =	sshll.u32 @p1 s1, $0x7  }
0x27b: {  	[tilespmem:s8+$0xB410] =	vst v3;
	s6 =	sshll.u32 @p1 s26, $0xC;
	s5 =	sshll.u32 @p1 s5, $0xB;
	s1 =	sshra.s32 @p1 s1, $0x2  }
0x27c: {  	[tilespmem:s8+$0xC400] =	vst v2;
	s1 =	sadd.s32 @p1 s1, s5;
	s5 =	sand.u32 @p1 $0x7000, s6  }
0x27d: {  	[tilespmem:s8+$0xC410] =	vst v2;
	s0 =	sadd.s32 @p1 $0xD400, s5;
	s1 =	sadd.s32 @p1 $0xB400, s1;
	s5 =	simm.s32 @p1 $0x20  }
0x27e: {  	[tilespmem:s0], [sflag:$0x2] =	stream.indirect.gather @p1 [spmem:s2], $0x80, s1, s5, $0xb8;
	[tilespmem:$0x1C000] =	vst v63  }
0x27f: {  	s0 =	simm.s32 $0x1  }
0x280: {  	s0 =	simm.s32 @!p1 $0x0  }
0x281: {  	s0 =	sadd.s32 s0, s26  }
0x282: {  	s31 =	ssub.s32 s0, s28  }
0x283: {  	p5 =	slt.s32 s0, s29;
	p6 =	slt.s32 s31, $0x8  }
0x284: {  	p1 =	por !p5, !p6  }
0x285: {  	p1 =	por !p1, !p1  }
0x286: {  	p2 =	slt.s32 @p1 s0, s25  }
0x287: {  	s1 =	smov.u32 s22;
	p2 =	por !p2, !p1  }
0x288: {  	s5 =	simm.s32 @p1 $0x1;
	s1 =	smov.u32 @p2 s25  }
0x289: {  	s5 =	simm.s32 @p2 $0x0;
	s1 =	ssub.s32 @p1 s0, s1  }
0x28a: {  	s5 =	sxor.u32 @p1 s5, s21;
	s1 =	sshll.u32 @p1 s1, $0x7  }
0x28b: {  	s6 =	sshll.u32 @p1 s0, $0xC;
	s5 =	sshll.u32 @p1 s5, $0xB;
	s1 =	sshra.s32 @p1 s1, $0x2  }
0x28c: {  	s6 =	sand.u32 @p1 $0x7000, s6;
	s1 =	sadd.s32 @p1 s1, s5  }
0x28d: {  	s5 =	sadd.s32 @p1 $0xD400, s6;
	s6 =	simm.s32 @p1 $0x20;
	s1 =	sadd.s32 @p1 $0xB400, s1  }
0x28e: {  	[tilespmem:s5], [sflag:$0x2] =	stream.indirect.gather @p1 [spmem:s2], $0x80, s1, s6, $0xb8;
	[tilespmem:$0x1C000] =	vst v63  }
0x28f: {  	s1 =	simm.s32 $0x1  }
0x290: {  	s1 =	simm.s32 @!p1 $0x0  }
0x291: {  	s0 =	sadd.s32 s1, s0  }
0x292: {  	s1 =	ssub.s32 s0, s28  }
0x293: {  	p3 =	slt.s32 s0, s29;
	p4 =	slt.s32 s1, $0x8  }
0x294: {  	p1 =	por !p3, !p4  }
0x295: {  	p1 =	por !p1, !p1  }
0x296: {  	p2 =	slt.s32 @p1 s0, s25  }
0x297: {  	s1 =	smov.u32 s22;
	p2 =	por !p2, !p1  }
0x298: {  	s5 =	simm.s32 @p1 $0x1;
	s1 =	smov.u32 @p2 s25  }
0x299: {  	s5 =	simm.s32 @p2 $0x0;
	s1 =	ssub.s32 @p1 s0, s1  }
0x29a: {  	s5 =	sxor.u32 @p1 s5, s21;
	s1 =	sshll.u32 @p1 s1, $0x7  }
0x29b: {  	s6 =	sshll.u32 @p1 s0, $0xC;
	s5 =	sshll.u32 @p1 s5, $0xB;
	s1 =	sshra.s32 @p1 s1, $0x2  }
0x29c: {  	s6 =	sand.u32 @p1 $0x7000, s6;
	s1 =	sadd.s32 @p1 s1, s5  }
0x29d: {  	s5 =	sadd.s32 @p1 $0xD400, s6;
	s6 =	simm.s32 @p1 $0x20;
	s1 =	sadd.s32 @p1 $0xB400, s1  }
0x29e: {  	[tilespmem:s5], [sflag:$0x2] =	stream.indirect.gather @p1 [spmem:s2], $0x80, s1, s6, $0xb8;
	[tilespmem:$0x1C000] =	vst v63  }
0x29f: {  	s1 =	simm.s32 $0x1  }
0x2a0: {  	s1 =	simm.s32 @!p1 $0x0  }
0x2a1: {  	s0 =	sadd.s32 s1, s0  }
0x2a2: {  	s1 =	ssub.s32 s0, s28  }
0x2a3: {  	p5 =	slt.s32 s0, s29;
	p6 =	slt.s32 s1, $0x8  }
0x2a4: {  	p1 =	por !p5, !p6  }
0x2a5: {  	p1 =	por !p1, !p1  }
0x2a6: {  	p2 =	slt.s32 @p1 s0, s25  }
0x2a7: {  	s1 =	smov.u32 s22;
	p2 =	por !p2, !p1  }
0x2a8: {  	s5 =	simm.s32 @p1 $0x1;
	s1 =	smov.u32 @p2 s25  }
0x2a9: {  	s5 =	simm.s32 @p2 $0x0;
	s1 =	ssub.s32 @p1 s0, s1  }
0x2aa: {  	s5 =	sxor.u32 @p1 s5, s21;
	s1 =	sshll.u32 @p1 s1, $0x7  }
0x2ab: {  	s6 =	sshll.u32 @p1 s0, $0xC;
	s5 =	sshll.u32 @p1 s5, $0xB;
	s1 =	sshra.s32 @p1 s1, $0x2  }
0x2ac: {  	s6 =	sand.u32 @p1 $0x7000, s6;
	s1 =	sadd.s32 @p1 s1, s5  }
0x2ad: {  	s5 =	sadd.s32 @p1 $0xD400, s6;
	s6 =	simm.s32 @p1 $0x20;
	s1 =	sadd.s32 @p1 $0xB400, s1  }
0x2ae: {  	[tilespmem:s5], [sflag:$0x2] =	stream.indirect.gather @p1 [spmem:s2], $0x80, s1, s6, $0xb8;
	[tilespmem:$0x1C000] =	vst v63  }
0x2af: {  	s1 =	simm.s32 $0x1  }
0x2b0: {  	s1 =	simm.s32 @!p1 $0x0  }
0x2b1: {  	s0 =	sadd.s32 s1, s0  }
0x2b2: {  	s1 =	ssub.s32 s0, s28  }
0x2b3: {  	p3 =	slt.s32 s0, s29;
	p4 =	slt.s32 s1, $0x8  }
0x2b4: {  	p1 =	por !p3, !p4  }
0x2b5: {  	p1 =	por !p1, !p1  }
0x2b6: {  	p2 =	slt.s32 @p1 s0, s25  }
0x2b7: {  	s1 =	smov.u32 s22;
	p2 =	por !p2, !p1  }
0x2b8: {  	s5 =	simm.s32 @p1 $0x1;
	s1 =	smov.u32 @p2 s25  }
0x2b9: {  	s5 =	simm.s32 @p2 $0x0;
	s1 =	ssub.s32 @p1 s0, s1  }
0x2ba: {  	s5 =	sxor.u32 @p1 s5, s21;
	s1 =	sshll.u32 @p1 s1, $0x7  }
0x2bb: {  	s6 =	sshll.u32 @p1 s0, $0xC;
	s5 =	sshll.u32 @p1 s5, $0xB;
	s1 =	sshra.s32 @p1 s1, $0x2  }
0x2bc: {  	s6 =	sand.u32 @p1 $0x7000, s6;
	s1 =	sadd.s32 @p1 s1, s5  }
0x2bd: {  	s5 =	sadd.s32 @p1 $0xD400, s6;
	s6 =	simm.s32 @p1 $0x20;
	s1 =	sadd.s32 @p1 $0xB400, s1  }
0x2be: {  	[tilespmem:s5], [sflag:$0x2] =	stream.indirect.gather @p1 [spmem:s2], $0x80, s1, s6, $0xb8;
	[tilespmem:$0x1C000] =	vst v63  }
0x2bf: {  	s1 =	simm.s32 $0x1  }
0x2c0: {  	s1 =	simm.s32 @!p1 $0x0  }
0x2c1: {  	s0 =	sadd.s32 s1, s0  }
0x2c2: {  	s1 =	ssub.s32 s0, s28  }
0x2c3: {  	p5 =	slt.s32 s0, s29;
	p6 =	slt.s32 s1, $0x8  }
0x2c4: {  	p1 =	por !p5, !p6  }
0x2c5: {  	p1 =	por !p1, !p1  }
0x2c6: {  	p2 =	slt.s32 @p1 s0, s25  }
0x2c7: {  	s1 =	smov.u32 s22;
	p2 =	por !p2, !p1  }
0x2c8: {  	s5 =	simm.s32 @p1 $0x1;
	s1 =	smov.u32 @p2 s25  }
0x2c9: {  	s5 =	simm.s32 @p2 $0x0;
	s1 =	ssub.s32 @p1 s0, s1  }
0x2ca: {  	s5 =	sxor.u32 @p1 s5, s21;
	s1 =	sshll.u32 @p1 s1, $0x7  }
0x2cb: {  	s6 =	sshll.u32 @p1 s0, $0xC;
	s5 =	sshll.u32 @p1 s5, $0xB;
	s1 =	sshra.s32 @p1 s1, $0x2  }
0x2cc: {  	s6 =	sand.u32 @p1 $0x7000, s6;
	s1 =	sadd.s32 @p1 s1, s5  }
0x2cd: {  	s5 =	sadd.s32 @p1 $0xD400, s6;
	s6 =	simm.s32 @p1 $0x20;
	s1 =	sadd.s32 @p1 $0xB400, s1  }
0x2ce: {  	[tilespmem:s5], [sflag:$0x2] =	stream.indirect.gather @p1 [spmem:s2], $0x80, s1, s6, $0xb8;
	[tilespmem:$0x1C000] =	vst v63  }
0x2cf: {  	s1 =	simm.s32 $0x1  }
0x2d0: {  	s1 =	simm.s32 @!p1 $0x0  }
0x2d1: {  	s0 =	sadd.s32 s1, s0  }
0x2d2: {  	s1 =	ssub.s32 s0, s28  }
0x2d3: {  	p3 =	slt.s32 s0, s29;
	p4 =	slt.s32 s1, $0x8  }
0x2d4: {  	p1 =	por !p3, !p4  }
0x2d5: {  	p1 =	por !p1, !p1  }
0x2d6: {  	p2 =	slt.s32 @p1 s0, s25  }
0x2d7: {  	s1 =	smov.u32 s22;
	p2 =	por !p2, !p1  }
0x2d8: {  	s5 =	simm.s32 @p1 $0x1;
	s1 =	smov.u32 @p2 s25  }
0x2d9: {  	s5 =	simm.s32 @p2 $0x0;
	s1 =	ssub.s32 @p1 s0, s1  }
0x2da: {  	s5 =	sxor.u32 @p1 s5, s21;
	s1 =	sshll.u32 @p1 s1, $0x7  }
0x2db: {  	s6 =	sshll.u32 @p1 s0, $0xC;
	s5 =	sshll.u32 @p1 s5, $0xB;
	s1 =	sshra.s32 @p1 s1, $0x2  }
0x2dc: {  	s6 =	sand.u32 @p1 $0x7000, s6;
	s1 =	sadd.s32 @p1 s1, s5  }
0x2dd: {  	s5 =	sadd.s32 @p1 $0xD400, s6;
	s6 =	simm.s32 @p1 $0x20;
	s1 =	sadd.s32 @p1 $0xB400, s1  }
0x2de: {  	[tilespmem:s5], [sflag:$0x2] =	stream.indirect.gather @p1 [spmem:s2], $0x80, s1, s6, $0xb8;
	[tilespmem:$0x1C000] =	vst v63  }
0x2df: {  	s1 =	simm.s32 $0x1  }
0x2e0: {  	s1 =	simm.s32 @!p1 $0x0  }
0x2e1: {  	s0 =	sadd.s32 s1, s0  }
0x2e2: {  	s1 =	ssub.s32 s0, s28  }
0x2e3: {  	p5 =	slt.s32 s0, s29;
	p6 =	slt.s32 s1, $0x8  }
0x2e4: {  	p1 =	por !p5, !p6  }
0x2e5: {  	p1 =	por !p1, !p1  }
0x2e6: {  	p2 =	slt.s32 @p1 s0, s25  }
0x2e7: {  	s1 =	smov.u32 s22;
	p2 =	por !p2, !p1  }
0x2e8: {  	s5 =	simm.s32 @p1 $0x1;
	s1 =	smov.u32 @p2 s25  }
0x2e9: {  	s5 =	simm.s32 @p2 $0x0;
	s1 =	ssub.s32 @p1 s0, s1  }
0x2ea: {  	s5 =	sxor.u32 @p1 s5, s21;
	s1 =	sshll.u32 @p1 s1, $0x7  }
0x2eb: {  	s6 =	sshll.u32 @p1 s0, $0xC;
	s5 =	sshll.u32 @p1 s5, $0xB;
	s1 =	sshra.s32 @p1 s1, $0x2  }
0x2ec: {  	s6 =	sand.u32 @p1 $0x7000, s6;
	s1 =	sadd.s32 @p1 s1, s5  }
0x2ed: {  	s5 =	sadd.s32 @p1 $0xD400, s6;
	s6 =	simm.s32 @p1 $0x20;
	s1 =	sadd.s32 @p1 $0xB400, s1  }
0x2ee: {  	[tilespmem:s5], [sflag:$0x2] =	stream.indirect.gather @p1 [spmem:s2], $0x80, s1, s6, $0xb8;
	[tilespmem:$0x1C000] =	vst v63  }
0x2ef: {  	s1 =	simm.s32 $0x1  }
0x2f0: {  	s1 =	simm.s32 @!p1 $0x0;
	p1 =	sgt.s32 s23, $0x0  }
.Ltmp13:
0x2f1: {  	_ = 	snop;
	(pc) =	sbr.rel @!p1 .LBB2_13-.Ltmp13, $2  }
0x2f2: {  	_ =	sdelay $0x2  }
0x2f3: {  	s26 =	sadd.s32 s1, s0  }
0x2f4: {  	s0 =	sxor.u32 $0x800, s30  }
0x2f5: {  	s31 =	sshll.u32 s22, $0x5;
	s1 =	simm.s32 $0x0;
	s30 =	sadd.s32 $0xC400, s0  }
.LBB2_18:
0x2f6: {  	s28 =	sadd.s32 s22, s1  }
0x2f7: {  	p1 =	sne.s32 s26, s28  }
0x2f8: {  	p2 =	slt.s32 @!p1 s26, s25  }
0x2f9: {  	s0 =	smov.u32 s22;
	p2 =	por !p2, p1  }
0x2fa: {  	s5 =	simm.s32 @!p1 $0x1;
	s0 =	smov.u32 @p2 s25  }
0x2fb: {  	s7 =	sshll.u32 s31, $0x9;
	s5 =	simm.s32 @p2 $0x0;
	s0 =	ssub.s32 @!p1 s26, s0  }
0x2fc: {  	s8 =	sshll.u32 s1, $0x7;
	s5 =	sxor.u32 @!p1 s5, s21;
	s0 =	sshll.u32 @!p1 s0, $0x7  }
0x2fd: {  	s6 =	sshll.u32 @!p1 s26, $0xC;
	s5 =	sshll.u32 @!p1 s5, $0xB;
	s0 =	sshra.s32 @!p1 s0, $0x2  }
0x2fe: {  	s6 =	sand.u32 @!p1 $0x7000, s6;
	p2 =	por $0x1, $0x1;
	s0 =	sadd.s32 @!p1 s0, s5  }
0x2ff: {  	s5 =	sadd.s32 @!p1 $0xD400, s6;
	s6 =	simm.s32 @!p1 $0x20;
	s0 =	sadd.s32 @!p1 $0xB400, s0  }
0x300: {  	[tilespmem:s5], [sflag:$0x2] =	stream.indirect.gather @!p1 [spmem:s2], $0x80, s0, s6, $0xb8;
	[tilespmem:$0x1C000] =	vst v63  }
0x301: {  	s0 =	sand.u32 $0x1C000, s7;
	s5 =	sshra.s32 s8, $0x2;
	_ =	swait.ge [sflag:s17], $0x1000  }
0x302: {  	s5 =	sadd.s32 s5, s30;
	s0 =	sshrl.u32 s0, $0x2;
	[sflag:s17] =	ssyncset.done $0x0  }
0x303: {  	s0 =	sadd.s32 $0xD480, s0;
	v11 =	vmov s5;
	s5 =	simm.s32 $0x0;
	[sflag:s17] =	ssyncadd.s32 $0xFFFFF000  }
.LBB2_19:
0x304: {  	_ =	sdelay $0x3  }
0x305: {  	v12 =	vld.idx.msk [tilespmem:v11+s5+$0x0 ss:$0x1], $0xffff;
	_ =	sdelay $0x1  }
0x306: {  	s7 =	sshll.u32 s5, $0x7  }
0x307: {  	s6 =	simm.s32 $0x0;
	s5 =	sand.u32 $0x3FFFFF80, s7  }
0x308: {  	v13 =	vmov s6;
	s5 =	sadd.s32 s5, s0  }
0x309: {  	v14 =	vld [tilespmem:s5+$0xFFFFFF80];
	v13 =	vperm.xlane v12, v13  }
0x30a: {  	v15 =	vld [tilespmem:s5+$0xFFFFFFF0]  }
0x30b: {  	v17 =	vld [tilespmem:s5+$0xFFFFFF90];
	v13 =	vshll.u32 v13, $0x7  }
0x30c: {  	v19 =	vld [tilespmem:s5+$0xFFFFFFA0];
	v16 =	vor.u32 v1, v13  }
0x30d: {  	v21 =	vld [tilespmem:s5+$0xFFFFFFB0];
	v18 =	vor.u32 v4, v13  }
0x30e: {  	v23 =	vld [tilespmem:s5+$0xFFFFFFC0];
	v20 =	vor.u32 v5, v13  }
0x30f: {  	v25 =	vld [tilespmem:s5+$0xFFFFFFD0];
	v22 =	vor.u32 v6, v13  }
0x310: {  	v33 =	vld [tilespmem:s5+$0xFFFFFFE0];
	v24 =	vor.u32 v7, v13  }
0x311: {  	v27 =	vor.u32 v8, v13;
	v26 =	vld.idx.msk [tilespmem:v16+s3+$0x0], $0xffff  }
0x312: {  	v29 =	vor.u32 v9, v13;
	v28 =	vld.idx.msk [tilespmem:v18+s3+$0x0], $0xffff  }
0x313: {  	v13 =	vor.u32 v10, v13;
	v30 =	vld.idx.msk [tilespmem:v20+s3+$0x0], $0xffff  }
0x314: {  	v31 =	vld.idx.msk [tilespmem:v22+s3+$0x0], $0xffff  }
0x315: {  	v32 =	vld.idx.msk [tilespmem:v24+s3+$0x0], $0xffff  }
0x316: {  	v34 =	vld.idx.msk [tilespmem:v27+s3+$0x0], $0xffff  }
0x317: {  	v35 =	vld.idx.msk [tilespmem:v29+s3+$0x0], $0xffff;
	v14 =	vmax.bf16 v26, v14  }
0x318: {  	v26 =	vld.idx.msk [tilespmem:v13+s3+$0x0], $0xffff;
	v17 =	vmax.bf16 v28, v17;
	[tilespmem:v16+s3+$0x0] =	vst.idx.msk $0xffff, v14  }
0x319: {  	s8 =	simm.s32 $0x1;
	v14 =	vmax.bf16 v30, v19;
	[tilespmem:v18+s3+$0x0] =	vst.idx.msk $0xffff, v17  }
0x31a: {  	v16 =	vmov s8;
	v17 =	vmax.bf16 v31, v21;
	[tilespmem:v20+s3+$0x0] =	vst.idx.msk $0xffff, v14  }
0x31b: {  	v14 =	vperm.xlane v12, v16;
	v16 =	vmax.bf16 v32, v23;
	[tilespmem:v22+s3+$0x0] =	vst.idx.msk $0xffff, v17  }
0x31c: {  	v17 =	vmax.bf16 v34, v25;
	[tilespmem:v24+s3+$0x0] =	vst.idx.msk $0xffff, v16  }
0x31d: {  	v21 =	vshll.u32 v14, $0x7;
	v16 =	vmax.bf16 v35, v33;
	[tilespmem:v27+s3+$0x0] =	vst.idx.msk $0xffff, v17  }
0x31e: {  	v15 =	vmax.bf16 v26, v15;
	v14 =	vor.u32 v4, v21;
	[tilespmem:v29+s3+$0x0] =	vst.idx.msk $0xffff, v16  }
0x31f: {  	[tilespmem:v13+s3+$0x0] =	vst.idx.msk $0xffff, v15  }
0x320: {  	v18 =	vld [tilespmem:s5+$0x70]  }
0x321: {  	v15 =	vor.u32 v5, v21;
	v20 =	vld [tilespmem:s5+$0x0]  }
0x322: {  	v16 =	vor.u32 v6, v21;
	v29 =	vld [tilespmem:s5+$0x10]  }
0x323: {  	v13 =	vor.u32 v10, v21;
	v28 =	vld.idx.msk [tilespmem:v14+s3+$0x0], $0xffff  }
0x324: {  	v27 =	vld [tilespmem:s5+$0x20]  }
0x325: {  	v23 =	vor.u32 v1, v21;
	v25 =	vld [tilespmem:s5+$0x60]  }
0x326: {  	v17 =	vor.u32 v9, v21;
	v26 =	vld.idx.msk [tilespmem:v15+s3+$0x0], $0xffff  }
0x327: {  	v19 =	vor.u32 v8, v21;
	v22 =	vld.idx.msk [tilespmem:v16+s3+$0x0], $0xffff  }
0x328: {  	p1 =	por p2, p2;
	s7 =	simm.s32 $0x2;
	s6 =	smov.u32 s5;
	v21 =	vor.u32 v7, v21;
	v24 =	vld.idx.msk [tilespmem:v13+s3+$0x0], $0xffff;
	v28 =	vmax.bf16 v28, v29  }
.LBB2_20:
0x329: {  	p2 =	slt.u32 s7, $0xE  }
0x32a: {  	v29 =	vld.idx.msk [tilespmem:v23+s3+$0x0], $0xffff;
	s5 =	sadd.s32 $0x100, s5;
	s8 =	smov.u32 s7;
	s7 =	sadd.s32 $0x2, s7  }
0x32b: {  	v30 =	vld.idx.msk [tilespmem:v17+s3+$0x0], $0xffff;
	v26 =	vmax.bf16 v26, v27  }
0x32c: {  	v27 =	vld.idx.msk [tilespmem:v19+s3+$0x0], $0xffff  }
0x32d: {  	v31 =	vld [tilespmem:s6+$0x30]  }
0x32e: {  	v18 =	vmax.bf16 v24, v18;
	v32 =	vld.idx.msk [tilespmem:v21+s3+$0x0], $0xffff  }
0x32f: {  	v24 =	vld [tilespmem:s6+$0x40]  }
0x330: {  	v20 =	vmax.bf16 v29, v20;
	v33 =	vld [tilespmem:s6+$0x50];
	s6 =	smov.u32 s5  }
0x331: {  	v25 =	vmax.bf16 v30, v25;
	[tilespmem:v23+s3+$0x0] =	vst.idx.msk $0xffff, v20  }
0x332: {  	[tilespmem:v14+s3+$0x0] =	vst.idx.msk $0xffff, v28  }
0x333: {  	v14 =	vmax.bf16 v22, v31;
	[tilespmem:v15+s3+$0x0] =	vst.idx.msk $0xffff, v26  }
0x334: {  	v15 =	vmov s8;
	v20 =	vmax.bf16 v32, v24;
	[tilespmem:v16+s3+$0x0] =	vst.idx.msk $0xffff, v14  }
0x335: {  	v14 =	vperm.xlane v12, v15;
	v15 =	vmax.bf16 v27, v33;
	[tilespmem:v21+s3+$0x0] =	vst.idx.msk $0xffff, v20  }
0x336: {  	[tilespmem:v19+s3+$0x0] =	vst.idx.msk $0xffff, v15  }
0x337: {  	v14 =	vshll.u32 v14, $0x7;
	[tilespmem:v17+s3+$0x0] =	vst.idx.msk $0xffff, v25  }
0x338: {  	v15 =	vor.u32 v1, v14;
	[tilespmem:v13+s3+$0x0] =	vst.idx.msk $0xffff, v18  }
0x339: {  	v16 =	vor.u32 v4, v14;
	v13 =	vld [tilespmem:s5+$0xFFFFFF80]  }
0x33a: {  	v17 =	vor.u32 v5, v14;
	v18 =	vld [tilespmem:s5+$0xFFFFFFF0]  }
0x33b: {  	v20 =	vor.u32 v6, v14;
	v19 =	vld [tilespmem:s5+$0xFFFFFF90]  }
0x33c: {  	v22 =	vor.u32 v7, v14;
	v21 =	vld [tilespmem:s5+$0xFFFFFFA0]  }
0x33d: {  	v24 =	vor.u32 v8, v14;
	v23 =	vld [tilespmem:s5+$0xFFFFFFB0]  }
0x33e: {  	v26 =	vor.u32 v9, v14;
	v27 =	vor.u32 v10, v14;
	v25 =	vld [tilespmem:s5+$0xFFFFFFC0]  }
0x33f: {  	v14 =	vld [tilespmem:s5+$0xFFFFFFD0]  }
0x340: {  	v28 =	vld.idx.msk [tilespmem:v15+s3+$0x0], $0xffff  }
0x341: {  	v29 =	vld.idx.msk [tilespmem:v16+s3+$0x0], $0xffff  }
0x342: {  	v30 =	vld.idx.msk [tilespmem:v17+s3+$0x0], $0xffff  }
0x343: {  	v31 =	vld.idx.msk [tilespmem:v20+s3+$0x0], $0xffff  }
0x344: {  	v32 =	vld.idx.msk [tilespmem:v22+s3+$0x0], $0xffff  }
0x345: {  	v33 =	vld [tilespmem:s5+$0xFFFFFFE0]  }
0x346: {  	v13 =	vmax.bf16 v28, v13;
	v34 =	vld.idx.msk [tilespmem:v24+s3+$0x0], $0xffff  }
0x347: {  	v19 =	vmax.bf16 v29, v19;
	v28 =	vld.idx.msk [tilespmem:v26+s3+$0x0], $0xffff  }
0x348: {  	v21 =	vmax.bf16 v30, v21;
	v29 =	vld.idx.msk [tilespmem:v27+s3+$0x0], $0xffff  }
0x349: {  	s8 =	sadd.s32 $0x1, s8;
	v23 =	vmax.bf16 v31, v23;
	[tilespmem:v15+s3+$0x0] =	vst.idx.msk $0xffff, v13  }
0x34a: {  	v13 =	vmax.bf16 v32, v25;
	v15 =	vmov s8;
	[tilespmem:v16+s3+$0x0] =	vst.idx.msk $0xffff, v19  }
0x34b: {  	v15 =	vperm.xlane v12, v15;
	[tilespmem:v17+s3+$0x0] =	vst.idx.msk $0xffff, v21  }
0x34c: {  	v14 =	vmax.bf16 v34, v14;
	[tilespmem:v20+s3+$0x0] =	vst.idx.msk $0xffff, v23  }
0x34d: {  	v16 =	vmax.bf16 v28, v33;
	v21 =	vshll.u32 v15, $0x7;
	[tilespmem:v22+s3+$0x0] =	vst.idx.msk $0xffff, v13  }
0x34e: {  	v13 =	vmax.bf16 v29, v18;
	[tilespmem:v24+s3+$0x0] =	vst.idx.msk $0xffff, v14;
	v14 =	vor.u32 v4, v21  }
0x34f: {  	[tilespmem:v26+s3+$0x0] =	vst.idx.msk $0xffff, v16  }
0x350: {  	v15 =	vor.u32 v5, v21;
	[tilespmem:v27+s3+$0x0] =	vst.idx.msk $0xffff, v13  }
0x351: {  	v18 =	vld [tilespmem:s5+$0x70]  }
0x352: {  	v16 =	vor.u32 v6, v21;
	v20 =	vld [tilespmem:s5+$0x0]  }
0x353: {  	v13 =	vor.u32 v10, v21;
	v28 =	vld.idx.msk [tilespmem:v14+s3+$0x0], $0xffff  }
0x354: {  	v29 =	vld [tilespmem:s5+$0x10]  }
.Ltmp14:
0x355: {  	v23 =	vor.u32 v1, v21;
	v26 =	vld.idx.msk [tilespmem:v15+s3+$0x0], $0xffff;
	(pc) =	sbr.rel @p2 .LBB2_20-.Ltmp14, $4  }
0x356: {  	v17 =	vor.u32 v9, v21;
	v27 =	vld [tilespmem:s5+$0x20]  }
0x357: {  	v19 =	vor.u32 v8, v21;
	v22 =	vld.idx.msk [tilespmem:v16+s3+$0x0], $0xffff  }
0x358: {  	v24 =	vld.idx.msk [tilespmem:v13+s3+$0x0], $0xffff  }
0x359: {  	v21 =	vor.u32 v7, v21;
	v25 =	vld [tilespmem:s5+$0x60];
	v28 =	vmax.bf16 v28, v29  }
0x35a: {  	_ =	sdelay $0x3  }
0x35b: {  	v12 =	vld.idx.msk [tilespmem:v23+s3+$0x0], $0xffff  }
0x35c: {  	v30 =	vld.idx.msk [tilespmem:v19+s3+$0x0], $0xffff  }
0x35d: {  	v31 =	vld [tilespmem:s6+$0x30]  }
0x35e: {  	v32 =	vld.idx.msk [tilespmem:v21+s3+$0x0], $0xffff  }
0x35f: {  	v33 =	vld [tilespmem:s6+$0x40]  }
0x360: {  	v57 =	vld [tilespmem:s6+$0x50];
	v12 =	vmax.bf16 v12, v20  }
0x361: {  	v29 =	vld.idx.msk [tilespmem:v17+s3+$0x0], $0xffff;
	[tilespmem:v23+s3+$0x0] =	vst.idx.msk $0xffff, v12  }
0x362: {  	v58 =	vmax.bf16 v26, v27;
	[tilespmem:v14+s3+$0x0] =	vst.idx.msk $0xffff, v28  }
0x363: {  	v59 =	vmax.bf16 v22, v31;
	[tilespmem:v15+s3+$0x0] =	vst.idx.msk $0xffff, v58  }
.Ltmp15:
0x364: {  	v60 =	vmax.bf16 v32, v33;
	[tilespmem:v16+s3+$0x0] =	vst.idx.msk $0xffff, v59;
	(pc) =	sbr.rel @p1 .LBB2_19-.Ltmp15, $4  }
0x365: {  	v61 =	vmax.bf16 v30, v57;
	[tilespmem:v21+s3+$0x0] =	vst.idx.msk $0xffff, v60  }
0x366: {  	v62 =	vmax.bf16 v29, v25;
	[tilespmem:v19+s3+$0x0] =	vst.idx.msk $0xffff, v61  }
0x367: {  	v63 =	vmax.bf16 v24, v18;
	[tilespmem:v17+s3+$0x0] =	vst.idx.msk $0xffff, v62  }
0x368: {  	s5 =	simm.s32 $0x10;
	p2 =	por $0x0, $0x0;
	[tilespmem:v13+s3+$0x0] =	vst.idx.msk $0xffff, v63  }
0x369: {  	s28 =	sadd.s32 $0x1, s28  }
0x36a: {  	p1 =	sgt.s32 s26, s28;
	s0 =	smov.u32 s28  }
0x36b: {  	s0 =	smov.u32 @p1 s26  }
0x36c: {  	s5 =	ssub.s32 s0, s28  }
0x36d: {  	p1 =	slt.s32 s0, s29;
	p2 =	slt.s32 s5, $0x8  }
0x36e: {  	p1 =	por !p1, !p2  }
0x36f: {  	p1 =	por !p1, !p1  }
0x370: {  	p2 =	slt.s32 @p1 s0, s25  }
0x371: {  	s5 =	smov.u32 s22;
	p2 =	por !p2, !p1  }
0x372: {  	s6 =	simm.s32 @p1 $0x1;
	s5 =	smov.u32 @p2 s25  }
0x373: {  	s6 =	simm.s32 @p2 $0x0;
	s5 =	ssub.s32 @p1 s0, s5  }
0x374: {  	s6 =	sxor.u32 @p1 s6, s21;
	s5 =	sshll.u32 @p1 s5, $0x7  }
0x375: {  	s7 =	sshll.u32 @p1 s0, $0xC;
	s6 =	sshll.u32 @p1 s6, $0xB;
	s5 =	sshra.s32 @p1 s5, $0x2  }
0x376: {  	s7 =	sand.u32 @p1 $0x7000, s7;
	s5 =	sadd.s32 @p1 s5, s6  }
0x377: {  	s6 =	sadd.s32 @p1 $0xD400, s7;
	s7 =	simm.s32 @p1 $0x20;
	s5 =	sadd.s32 @p1 $0xB400, s5  }
0x378: {  	[tilespmem:s6], [sflag:$0x2] =	stream.indirect.gather @p1 [spmem:s2], $0x80, s5, s7, $0xb8;
	[tilespmem:$0x1C000] =	vst v63  }
0x379: {  	s1 =	sadd.s32 $0x1, s1;
	s5 =	simm.s32 $0x1  }
0x37a: {  	s5 =	simm.s32 @!p1 $0x0;
	p1 =	seq.s32 s1, s23  }
.Ltmp16:
0x37b: {  	_ = 	snop;
	(pc) =	sbr.rel @!p1 .LBB2_18-.Ltmp16, $4  }
.Ltmp17:
0x37c: {  	_ = 	snop;
	(pc) =	sbr.rel @p1 .LBB2_13-.Ltmp17, $4  }
0x37d: {  	_ = 	snop  }
0x37e: {  	_ = 	snop  }
0x37f: {  	s31 =	sadd.s32 $0x20, s31;
	s26 =	sadd.s32 s5, s0  }
0x380: {  	_ = 	snop  }
.LBB2_23:
0x381: {  	[bflag:$0x0] =	sbarrier.arrive $0xFFFF  }
0x382: {  	s0 =	rddreg [dreg:$0x7]  }
0x383: {  	[spmem:s13], [sflag:s12] =	dma.local [hbm:s0], $0xD80  }
.Ltmp18:
0x384: {  	s19 =	simm.s32 $0x0;
	_ =	swait.ge [sflag:s14], $0xD80;
	(pc) =	sbr.rel .LBB2_25-.Ltmp18, $4  }
0x385: {  	p0 =	por $0x0, $0x0;
	s24 =	simm.s32 $0x0;
	[sflag:s14] =	ssyncset.done $0x0  }
0x386: {  	s25 =	simm.s32 $0x0;
	s26 =	simm.s32 $0x0;
	[sflag:s14] =	ssyncadd.s32 $0xFFFFF280  }
0x387: {  	s28 =	simm.s32 $0x0;
	s20 =	simm.s32 $0x0;
	[bflag:$0x0] =	sbarrier.arrive $0xFFFF  }
0x388: {  	[tilespmem:s15], [sflag:$0x1] =	stream.linear.gather [hbm4b:s4+s19], $0x7D0, $0x38;
	[tilespmem:$0x1C000] =	vst v63  }
.LBB2_24:
0x389: {  	p1 =	seq.s32 s20, $0x51  }
.Ltmp19:
0x38a: {  	_ = 	snop;
	(pc) =	sbr.rel @p1 .LBB2_34-.Ltmp19, $2  }
0x38b: {  	_ =	sdelay $0x2  }
0x38c: {  	p0 =	por !p0, !p0  }
.LBB2_25:
0x38d: {  	s0 =	simm.s32 $0x1  }
0x38e: {  	s1 =	smov.u32 s20;
	s20 =	sadd.s32 $0x1, s20;
	_ =	swait.ge [sflag:s16], $0x7D0  }
0x38f: {  	s0 =	simm.s32 @!p0 $0x0;
	p1 =	seq.s32 s1, $0x50;
	[sflag:s16] =	ssyncset.done $0x0  }
0x390: {  	s0 =	smul.u32 $0x1F40, s0;
	s5 =	sand.u32 @!p1 $0x1, s20;
	[sflag:s16] =	ssyncadd.s32 $0xFFFFF830  }
0x391: {  	s6 =	simm.s32 @!p1 $0xABD0;
	p2 =	seq.s32 @!p1 s5, $0x1;
	s5 =	smul.u32 @!p1 $0xFA, s20  }
0x392: {  	s7 =	simm.s32 @!p1 $0x0;
	s0 =	sshrl.u32 s0, $0x2;
	p2 =	por !p2, p1  }
0x393: {  	s0 =	sadd.s32 $0xA420, s0;
	s6 =	simm.s32 @p2 $0xA400;
	s5 =	sadd.s32 @!p1 s4, s5  }
0x394: {  	[tilespmem:s6], [sflag:$0x1] =	stream.linear.gather @!p1 [hbm4b:s5+s7], $0x7D0, $0x38;
	[tilespmem:$0x1C000] =	vst v63  }
0x395: {  	v11 =	vld [tilespmem:s0+$0xFFFFFFE0];
	_ =	sdelay $0x4  }
0x396: {  	v12 =	vshrl.u32 v11, $0x10;
	v11 =	vand.u32 $0xFFFF, v11  }
0x397: {  	v13 =	vadd.s32 $0xFFFFE580, v11;
	v12 =	vsub.s32 v12, v0  }
0x398: {  	s21 =	sand.u32 $0x1, s1;
	vm0 =	vlt.u32 v12, $0x140;
	vm1 =	vlt.u32 v13, $0xD80  }
0x399: {  	s30 =	sshll.u32 s21, $0xB;
	vm0 =	vmand vm0, vm1  }
0x39a: {  	v11 =	vmov s30;
	_ =	sdelay $0x1  }
0x39b: {  	v14 =	vmpcnt.ones.xlane vm0;
	_ =	sdelay $0x1  }
0x39c: {  	(v2sf) =	vpush v14, $0x0  }
0x39d: {  	[tilespmem:v11+s19+$0xB400 ss:$0x1] =	vst.idx.msk vm0, v13  }
0x39e: {  	[tilespmem:v11+s19+$0xC400 ss:$0x1] =	vst.idx.msk vm0, v12  }
0x39f: {  	v12 =	vld [tilespmem:s0+$0xFFFFFFF0];
	_ =	sdelay $0x4  }
0x3a0: {  	v13 =	vshrl.u32 v12, $0x10;
	v12 =	vand.u32 $0xFFFF, v12  }
0x3a1: {  	v12 =	vadd.s32 $0xFFFFE580, v12;
	v13 =	vsub.s32 v13, v0  }
0x3a2: {  	vm0 =	vlt.u32 v13, $0x140;
	vm1 =	vlt.u32 v12, $0xD80  }
0x3a3: {  	vm0 =	vmand vm0, vm1;
	_ =	sdelay $0x2  }
0x3a4: {  	v14 =	vmpcnt.ones.xlane vm0  }
0x3a5: {  	s22 =	spop (v2sf)  }
0x3a6: {  	(v2sf) =	vpush v14, $0x0;
	s1 =	sadd.s32 $0x0, s22  }
0x3a7: {  	[tilespmem:v11+s1+$0xB400 ss:$0x1] =	vst.idx.msk vm0, v12  }
0x3a8: {  	[tilespmem:v11+s1+$0xC400 ss:$0x1] =	vst.idx.msk vm0, v13  }
0x3a9: {  	v12 =	vld [tilespmem:s0+$0x0];
	_ =	sdelay $0x4  }
0x3aa: {  	v13 =	vshrl.u32 v12, $0x10;
	v12 =	vand.u32 $0xFFFF, v12  }
0x3ab: {  	v12 =	vadd.s32 $0xFFFFE580, v12;
	v13 =	vsub.s32 v13, v0  }
0x3ac: {  	vm0 =	vlt.u32 v13, $0x140;
	vm1 =	vlt.u32 v12, $0xD80  }
0x3ad: {  	vm0 =	vmand vm0, vm1;
	_ =	sdelay $0x2  }
0x3ae: {  	v14 =	vmpcnt.ones.xlane vm0  }
0x3af: {  	s23 =	spop (v2sf)  }
0x3b0: {  	s1 =	sadd.s32 s1, s23;
	(v2sf) =	vpush v14, $0x0  }
0x3b1: {  	[tilespmem:v11+s1+$0xB400 ss:$0x1] =	vst.idx.msk vm0, v12  }
0x3b2: {  	[tilespmem:v11+s1+$0xC400 ss:$0x1] =	vst.idx.msk vm0, v13  }
0x3b3: {  	v12 =	vld [tilespmem:s0+$0x10];
	_ =	sdelay $0x4  }
0x3b4: {  	v13 =	vshrl.u32 v12, $0x10;
	v12 =	vand.u32 $0xFFFF, v12  }
0x3b5: {  	v12 =	vadd.s32 $0xFFFFE580, v12;
	v13 =	vsub.s32 v13, v0  }
0x3b6: {  	vm0 =	vlt.u32 v13, $0x140;
	vm1 =	vlt.u32 v12, $0xD80  }
0x3b7: {  	vm0 =	vmand vm0, vm1  }
0x3b8: {  	v14 =	vmpcnt.ones.xlane vm0;
	_ =	sdelay $0x1  }
0x3b9: {  	(v2sf) =	vpush v14, $0x0  }
0x3ba: {  	s29 =	spop (v2sf)  }
0x3bb: {  	s6 =	sadd.s32 s1, s29  }
0x3bc: {  	[tilespmem:v11+s6+$0xB400 ss:$0x1] =	vst.idx.msk vm0, v12  }
0x3bd: {  	s1 =	sadd.s32 $0x40, s0;
	[tilespmem:v11+s6+$0xC400 ss:$0x1] =	vst.idx.msk vm0, v13  }
0x3be: {  	v12 =	vld [tilespmem:s1+$0xFFFFFFE0];
	_ =	sdelay $0x4  }
0x3bf: {  	v14 =	vshrl.u32 v12, $0x10;
	v12 =	vand.u32 $0xFFFF, v12  }
0x3c0: {  	v13 =	vadd.s32 $0xFFFFE580, v12;
	v12 =	vsub.s32 v14, v0  }
0x3c1: {  	vm0 =	vlt.u32 v12, $0x140;
	vm1 =	vlt.u32 v13, $0xD80  }
0x3c2: {  	s31 =	smul.u32 $0x1F40, s21;
	vm0 =	vmand vm0, vm1  }
0x3c3: {  	s5 =	simm.s32 $0x4;
	s22 =	smov.u32 s25  }
0x3c4: {  	s23 =	smov.u32 s24;
	s0 =	sshrl.u32 s31, $0x2;
	v14 =	vmpcnt.ones.xlane vm0;
	s7 =	spop (v2sf)  }
.LBB2_26:
0x3c5: {  	s5 =	sadd.s32 $0x4, s5;
	s6 =	sadd.s32 s6, s7  }
0x3c6: {  	p1 =	slt.u32 s5, $0x78  }
0x3c7: {  	(v2sf) =	vpush v14, $0x0  }
0x3c8: {  	[tilespmem:v11+s6+$0xB400 ss:$0x1] =	vst.idx.msk vm0, v13  }
0x3c9: {  	[tilespmem:v11+s6+$0xC400 ss:$0x1] =	vst.idx.msk vm0, v12  }
0x3ca: {  	v12 =	vld [tilespmem:s1+$0xFFFFFFF0];
	_ =	sdelay $0x4  }
0x3cb: {  	v13 =	vshrl.u32 v12, $0x10;
	v12 =	vand.u32 $0xFFFF, v12  }
0x3cc: {  	v12 =	vadd.s32 $0xFFFFE580, v12;
	v13 =	vsub.s32 v13, v0  }
0x3cd: {  	vm0 =	vlt.u32 v13, $0x140;
	vm1 =	vlt.u32 v12, $0xD80  }
0x3ce: {  	vm0 =	vmand vm0, vm1  }
0x3cf: {  	v14 =	vmpcnt.ones.xlane vm0;
	_ =	sdelay $0x1  }
0x3d0: {  	(v2sf) =	vpush v14, $0x0  }
0x3d1: {  	s7 =	spop (v2sf)  }
0x3d2: {  	s6 =	sadd.s32 s6, s7  }
0x3d3: {  	[tilespmem:v11+s6+$0xB400 ss:$0x1] =	vst.idx.msk vm0, v12  }
0x3d4: {  	[tilespmem:v11+s6+$0xC400 ss:$0x1] =	vst.idx.msk vm0, v13  }
0x3d5: {  	v12 =	vld [tilespmem:s1+$0x0];
	_ =	sdelay $0x4  }
0x3d6: {  	v13 =	vshrl.u32 v12, $0x10;
	v12 =	vand.u32 $0xFFFF, v12  }
0x3d7: {  	v12 =	vadd.s32 $0xFFFFE580, v12;
	v13 =	vsub.s32 v13, v0  }
0x3d8: {  	vm0 =	vlt.u32 v13, $0x140;
	vm1 =	vlt.u32 v12, $0xD80  }
0x3d9: {  	vm0 =	vmand vm0, vm1  }
0x3da: {  	v14 =	vmpcnt.ones.xlane vm0  }
0x3db: {  	s7 =	spop (v2sf)  }
0x3dc: {  	(v2sf) =	vpush v14, $0x0;
	_ =	sdelay $0x1  }
0x3dd: {  	s6 =	sadd.s32 s6, s7  }
0x3de: {  	[tilespmem:v11+s6+$0xB400 ss:$0x1] =	vst.idx.msk vm0, v12  }
0x3df: {  	[tilespmem:v11+s6+$0xC400 ss:$0x1] =	vst.idx.msk vm0, v13  }
0x3e0: {  	v12 =	vld [tilespmem:s1+$0x10];
	_ =	sdelay $0x4  }
0x3e1: {  	v13 =	vshrl.u32 v12, $0x10;
	v12 =	vand.u32 $0xFFFF, v12  }
0x3e2: {  	v12 =	vadd.s32 $0xFFFFE580, v12;
	v13 =	vsub.s32 v13, v0  }
0x3e3: {  	vm0 =	vlt.u32 v13, $0x140;
	vm1 =	vlt.u32 v12, $0xD80  }
0x3e4: {  	vm0 =	vmand vm0, vm1  }
0x3e5: {  	v14 =	vmpcnt.ones.xlane vm0  }
0x3e6: {  	s7 =	spop (v2sf)  }
0x3e7: {  	(v2sf) =	vpush v14, $0x0;
	_ =	sdelay $0x1  }
0x3e8: {  	s6 =	sadd.s32 s6, s7  }
0x3e9: {  	[tilespmem:v11+s6+$0xB400 ss:$0x1] =	vst.idx.msk vm0, v12  }
0x3ea: {  	s1 =	sadd.s32 $0x40, s1;
	[tilespmem:v11+s6+$0xC400 ss:$0x1] =	vst.idx.msk vm0, v13  }
0x3eb: {  	v12 =	vld [tilespmem:s1+$0xFFFFFFE0];
	_ =	sdelay $0x4  }
0x3ec: {  	v14 =	vshrl.u32 v12, $0x10;
	v12 =	vand.u32 $0xFFFF, v12  }
.Ltmp20:
0x3ed: {  	v13 =	vadd.s32 $0xFFFFE580, v12;
	v12 =	vsub.s32 v14, v0;
	(pc) =	sbr.rel @p1 .LBB2_26-.Ltmp20, $4  }
0x3ee: {  	vm0 =	vlt.u32 v12, $0x140;
	vm1 =	vlt.u32 v13, $0xD80  }
0x3ef: {  	vm0 =	vmand vm0, vm1  }
0x3f0: {  	v14 =	vmpcnt.ones.xlane vm0  }
0x3f1: {  	s7 =	spop (v2sf)  }
0x3f2: {  	_ =	sdelay $0x3  }
0x3f3: {  	s5 =	sadd.s32 s6, s7;
	(v2sf) =	vpush v14, $0x0  }
0x3f4: {  	[tilespmem:v11+s5+$0xB400 ss:$0x1] =	vst.idx.msk vm0, v13  }
0x3f5: {  	[tilespmem:v11+s5+$0xC400 ss:$0x1] =	vst.idx.msk vm0, v12  }
0x3f6: {  	v12 =	vld [tilespmem:s1+$0xFFFFFFF0];
	_ =	sdelay $0x4  }
0x3f7: {  	v56 =	vshrl.u32 v12, $0x10;
	v12 =	vand.u32 $0xFFFF, v12  }
0x3f8: {  	v12 =	vadd.s32 $0xFFFFE580, v12;
	v13 =	vsub.s32 v56, v0  }
0x3f9: {  	vm9 =	vlt.u32 v13, $0x140;
	vm1 =	vlt.u32 v12, $0xD80  }
0x3fa: {  	vm0 =	vmand vm9, vm1;
	_ =	sdelay $0x2  }
0x3fb: {  	v57 =	vmpcnt.ones.xlane vm0  }
0x3fc: {  	s24 =	spop (v2sf)  }
0x3fd: {  	(v2sf) =	vpush v57, $0x0;
	s5 =	sadd.s32 s5, s24  }
0x3fe: {  	[tilespmem:v11+s5+$0xB400 ss:$0x1] =	vst.idx.msk vm0, v12  }
0x3ff: {  	[tilespmem:v11+s5+$0xC400 ss:$0x1] =	vst.idx.msk vm0, v13  }
0x400: {  	v12 =	vld [tilespmem:s1+$0x0];
	_ =	sdelay $0x4  }
0x401: {  	v58 =	vshrl.u32 v12, $0x10;
	v12 =	vand.u32 $0xFFFF, v12  }
0x402: {  	v12 =	vadd.s32 $0xFFFFE580, v12;
	v13 =	vsub.s32 v58, v0  }
0x403: {  	vm10 =	vlt.u32 v13, $0x140;
	vm11 =	vlt.u32 v12, $0xD80  }
0x404: {  	vm0 =	vmand vm10, vm11;
	_ =	sdelay $0x2  }
0x405: {  	v59 =	vmpcnt.ones.xlane vm0  }
0x406: {  	s25 =	spop (v2sf)  }
0x407: {  	(v2sf) =	vpush v59, $0x0;
	s5 =	sadd.s32 s5, s25  }
0x408: {  	[tilespmem:v11+s5+$0xB400 ss:$0x1] =	vst.idx.msk vm0, v12  }
0x409: {  	[tilespmem:v11+s5+$0xC400 ss:$0x1] =	vst.idx.msk vm0, v13  }
0x40a: {  	v12 =	vld [tilespmem:s1+$0x10];
	_ =	sdelay $0x4  }
0x40b: {  	v60 =	vshrl.u32 v12, $0x10;
	v12 =	vand.u32 $0xFFFF, v12  }
0x40c: {  	v12 =	vadd.s32 $0xFFFFE580, v12;
	v13 =	vsub.s32 v60, v0  }
0x40d: {  	vm12 =	vlt.u32 v13, $0x140;
	vm13 =	vlt.u32 v12, $0xD80  }
0x40e: {  	vm0 =	vmand vm12, vm13;
	_ =	sdelay $0x3  }
0x40f: {  	s31 =	spop (v2sf)  }
0x410: {  	s1 =	sadd.s32 s5, s31  }
0x411: {  	[tilespmem:v11+s1+$0xB400 ss:$0x1] =	vst.idx.msk vm0, v12  }
0x412: {  	[tilespmem:v11+s1+$0xC400 ss:$0x1] =	vst.idx.msk vm0, v13  }
0x413: {  	v11 =	vld [tilespmem:s0+$0xABC0];
	_ =	sdelay $0x4  }
0x414: {  	v61 =	vshrl.u32 v11, $0x10;
	v11 =	vand.u32 $0xFFFF, v11  }
0x415: {  	v11 =	vadd.s32 $0xFFFFE580, v11;
	v12 =	vsub.s32 v61, v0  }
0x416: {  	vm14 =	vlt.u32 v12, $0x140;
	vm2 =	vlt.u32 v11, $0xD80  }
0x417: {  	v62 =	vmpcnt.ones.xlane vm0;
	vm15 =	vmand vm14, vm2  }
0x418: {  	v63 =	vmpcnt.ones.xlane vm15  }
0x419: {  	(v2sf) =	vpush v62, $0x0  }
0x41a: {  	(v2sf) =	vpush v63, $0x0;
	_ =	sdelay $0xd  }
0x41b: {  	s6 =	spop (v2sf)  }
0x41c: {  	s0 =	sadd.s32 s1, s6;
	s7 =	spop (v2sf)  }
0x41d: {  	s1 =	sadd.s32 s0, s7  }
0x41e: {  	s8 =	sadd.s32 $0x1F, s1  }
0x41f: {  	s24 =	sand.u32 $0x1F, s8  }
0x420: {  	s25 =	sshra.s32 s8, $0x1F;
	p1 =	slt.s32 s8, $0x1;
	p2 =	sne.s32 s24, $0x0  }
0x421: {  	s31 =	sshrl.u32 s25, $0x1B;
	p1 =	por !p1, !p2  }
0x422: {  	s6 =	simm.s32 $0x1;
	s5 =	sadd.s32 s31, s8;
	p1 =	por !p1, !p1  }
0x423: {  	s5 =	sshra.s32 s5, $0x5;
	s6 =	simm.s32 @!p1 $0x0  }
0x424: {  	s25 =	sadd.s32 s22, s23;
	s24 =	ssub.s32 s5, s6  }
0x425: {  	s7 =	ssub.s32 s26, s28;
	s29 =	sadd.s32 s25, s24  }
0x426: {  	p4 =	slt.s32 s7, $0x8;
	p3 =	slt.s32 s26, s29  }
0x427: {  	p1 =	por !p3, !p4  }
0x428: {  	p1 =	por !p1, !p1  }
0x429: {  	p2 =	slt.s32 @p1 s26, s25  }
0x42a: {  	s0 =	sadd.s32 s30, s0;
	s5 =	smov.u32 s22;
	p2 =	por !p2, !p1  }
0x42b: {  	[tilespmem:s0+$0xB400] =	vst.msk vm15, v11;
	s6 =	simm.s32 @p1 $0x1;
	s5 =	smov.u32 @p2 s25  }
0x42c: {  	[tilespmem:s0+$0xC400] =	vst.msk vm15, v12;
	s8 =	sadd.s32 s30, s1;
	s6 =	simm.s32 @p2 $0x0;
	s1 =	ssub.s32 @p1 s26, s5  }
0x42d: {  	[tilespmem:s8+$0xB400] =	vst v3;
	s5 =	sxor.u32 @p1 s6, s21;
	s1 =	sshll.u32 @p1 s1, $0x7  }
0x42e: {  	[tilespmem:s8+$0xB410] =	vst v3;
	s6 =	sshll.u32 @p1 s26, $0xC;
	s5 =	sshll.u32 @p1 s5, $0xB;
	s1 =	sshra.s32 @p1 s1, $0x2  }
0x42f: {  	[tilespmem:s8+$0xC400] =	vst v2;
	s1 =	sadd.s32 @p1 s1, s5;
	s5 =	sand.u32 @p1 $0x7000, s6  }
0x430: {  	[tilespmem:s8+$0xC410] =	vst v2;
	s0 =	sadd.s32 @p1 $0xD400, s5;
	s1 =	sadd.s32 @p1 $0xB400, s1;
	s5 =	simm.s32 @p1 $0x20  }
0x431: {  	[tilespmem:s0], [sflag:$0x2] =	stream.indirect.gather @p1 [spmem:s2], $0x80, s1, s5, $0xb8;
	[tilespmem:$0x1C000] =	vst v63  }
0x432: {  	s0 =	simm.s32 $0x1  }
0x433: {  	s0 =	simm.s32 @!p1 $0x0  }
0x434: {  	s0 =	sadd.s32 s0, s26  }
0x435: {  	s31 =	ssub.s32 s0, s28  }
0x436: {  	p5 =	slt.s32 s0, s29;
	p6 =	slt.s32 s31, $0x8  }
0x437: {  	p1 =	por !p5, !p6  }
0x438: {  	p1 =	por !p1, !p1  }
0x439: {  	p2 =	slt.s32 @p1 s0, s25  }
0x43a: {  	s1 =	smov.u32 s22;
	p2 =	por !p2, !p1  }
0x43b: {  	s5 =	simm.s32 @p1 $0x1;
	s1 =	smov.u32 @p2 s25  }
0x43c: {  	s5 =	simm.s32 @p2 $0x0;
	s1 =	ssub.s32 @p1 s0, s1  }
0x43d: {  	s5 =	sxor.u32 @p1 s5, s21;
	s1 =	sshll.u32 @p1 s1, $0x7  }
0x43e: {  	s6 =	sshll.u32 @p1 s0, $0xC;
	s5 =	sshll.u32 @p1 s5, $0xB;
	s1 =	sshra.s32 @p1 s1, $0x2  }
0x43f: {  	s6 =	sand.u32 @p1 $0x7000, s6;
	s1 =	sadd.s32 @p1 s1, s5  }
0x440: {  	s5 =	sadd.s32 @p1 $0xD400, s6;
	s6 =	simm.s32 @p1 $0x20;
	s1 =	sadd.s32 @p1 $0xB400, s1  }
0x441: {  	[tilespmem:s5], [sflag:$0x2] =	stream.indirect.gather @p1 [spmem:s2], $0x80, s1, s6, $0xb8;
	[tilespmem:$0x1C000] =	vst v63  }
0x442: {  	s1 =	simm.s32 $0x1  }
0x443: {  	s1 =	simm.s32 @!p1 $0x0  }
0x444: {  	s0 =	sadd.s32 s1, s0  }
0x445: {  	s1 =	ssub.s32 s0, s28  }
0x446: {  	p3 =	slt.s32 s0, s29;
	p4 =	slt.s32 s1, $0x8  }
0x447: {  	p1 =	por !p3, !p4  }
0x448: {  	p1 =	por !p1, !p1  }
0x449: {  	p2 =	slt.s32 @p1 s0, s25  }
0x44a: {  	s1 =	smov.u32 s22;
	p2 =	por !p2, !p1  }
0x44b: {  	s5 =	simm.s32 @p1 $0x1;
	s1 =	smov.u32 @p2 s25  }
0x44c: {  	s5 =	simm.s32 @p2 $0x0;
	s1 =	ssub.s32 @p1 s0, s1  }
0x44d: {  	s5 =	sxor.u32 @p1 s5, s21;
	s1 =	sshll.u32 @p1 s1, $0x7  }
0x44e: {  	s6 =	sshll.u32 @p1 s0, $0xC;
	s5 =	sshll.u32 @p1 s5, $0xB;
	s1 =	sshra.s32 @p1 s1, $0x2  }
0x44f: {  	s6 =	sand.u32 @p1 $0x7000, s6;
	s1 =	sadd.s32 @p1 s1, s5  }
0x450: {  	s5 =	sadd.s32 @p1 $0xD400, s6;
	s6 =	simm.s32 @p1 $0x20;
	s1 =	sadd.s32 @p1 $0xB400, s1  }
0x451: {  	[tilespmem:s5], [sflag:$0x2] =	stream.indirect.gather @p1 [spmem:s2], $0x80, s1, s6, $0xb8;
	[tilespmem:$0x1C000] =	vst v63  }
0x452: {  	s1 =	simm.s32 $0x1  }
0x453: {  	s1 =	simm.s32 @!p1 $0x0  }
0x454: {  	s0 =	sadd.s32 s1, s0  }
0x455: {  	s1 =	ssub.s32 s0, s28  }
0x456: {  	p5 =	slt.s32 s0, s29;
	p6 =	slt.s32 s1, $0x8  }
0x457: {  	p1 =	por !p5, !p6  }
0x458: {  	p1 =	por !p1, !p1  }
0x459: {  	p2 =	slt.s32 @p1 s0, s25  }
0x45a: {  	s1 =	smov.u32 s22;
	p2 =	por !p2, !p1  }
0x45b: {  	s5 =	simm.s32 @p1 $0x1;
	s1 =	smov.u32 @p2 s25  }
0x45c: {  	s5 =	simm.s32 @p2 $0x0;
	s1 =	ssub.s32 @p1 s0, s1  }
0x45d: {  	s5 =	sxor.u32 @p1 s5, s21;
	s1 =	sshll.u32 @p1 s1, $0x7  }
0x45e: {  	s6 =	sshll.u32 @p1 s0, $0xC;
	s5 =	sshll.u32 @p1 s5, $0xB;
	s1 =	sshra.s32 @p1 s1, $0x2  }
0x45f: {  	s6 =	sand.u32 @p1 $0x7000, s6;
	s1 =	sadd.s32 @p1 s1, s5  }
0x460: {  	s5 =	sadd.s32 @p1 $0xD400, s6;
	s6 =	simm.s32 @p1 $0x20;
	s1 =	sadd.s32 @p1 $0xB400, s1  }
0x461: {  	[tilespmem:s5], [sflag:$0x2] =	stream.indirect.gather @p1 [spmem:s2], $0x80, s1, s6, $0xb8;
	[tilespmem:$0x1C000] =	vst v63  }
0x462: {  	s1 =	simm.s32 $0x1  }
0x463: {  	s1 =	simm.s32 @!p1 $0x0  }
0x464: {  	s0 =	sadd.s32 s1, s0  }
0x465: {  	s1 =	ssub.s32 s0, s28  }
0x466: {  	p3 =	slt.s32 s0, s29;
	p4 =	slt.s32 s1, $0x8  }
0x467: {  	p1 =	por !p3, !p4  }
0x468: {  	p1 =	por !p1, !p1  }
0x469: {  	p2 =	slt.s32 @p1 s0, s25  }
0x46a: {  	s1 =	smov.u32 s22;
	p2 =	por !p2, !p1  }
0x46b: {  	s5 =	simm.s32 @p1 $0x1;
	s1 =	smov.u32 @p2 s25  }
0x46c: {  	s5 =	simm.s32 @p2 $0x0;
	s1 =	ssub.s32 @p1 s0, s1  }
0x46d: {  	s5 =	sxor.u32 @p1 s5, s21;
	s1 =	sshll.u32 @p1 s1, $0x7  }
0x46e: {  	s6 =	sshll.u32 @p1 s0, $0xC;
	s5 =	sshll.u32 @p1 s5, $0xB;
	s1 =	sshra.s32 @p1 s1, $0x2  }
0x46f: {  	s6 =	sand.u32 @p1 $0x7000, s6;
	s1 =	sadd.s32 @p1 s1, s5  }
0x470: {  	s5 =	sadd.s32 @p1 $0xD400, s6;
	s6 =	simm.s32 @p1 $0x20;
	s1 =	sadd.s32 @p1 $0xB400, s1  }
0x471: {  	[tilespmem:s5], [sflag:$0x2] =	stream.indirect.gather @p1 [spmem:s2], $0x80, s1, s6, $0xb8;
	[tilespmem:$0x1C000] =	vst v63  }
0x472: {  	s1 =	simm.s32 $0x1  }
0x473: {  	s1 =	simm.s32 @!p1 $0x0  }
0x474: {  	s0 =	sadd.s32 s1, s0  }
0x475: {  	s1 =	ssub.s32 s0, s28  }
0x476: {  	p5 =	slt.s32 s0, s29;
	p6 =	slt.s32 s1, $0x8  }
0x477: {  	p1 =	por !p5, !p6  }
0x478: {  	p1 =	por !p1, !p1  }
0x479: {  	p2 =	slt.s32 @p1 s0, s25  }
0x47a: {  	s1 =	smov.u32 s22;
	p2 =	por !p2, !p1  }
0x47b: {  	s5 =	simm.s32 @p1 $0x1;
	s1 =	smov.u32 @p2 s25  }
0x47c: {  	s5 =	simm.s32 @p2 $0x0;
	s1 =	ssub.s32 @p1 s0, s1  }
0x47d: {  	s5 =	sxor.u32 @p1 s5, s21;
	s1 =	sshll.u32 @p1 s1, $0x7  }
0x47e: {  	s6 =	sshll.u32 @p1 s0, $0xC;
	s5 =	sshll.u32 @p1 s5, $0xB;
	s1 =	sshra.s32 @p1 s1, $0x2  }
0x47f: {  	s6 =	sand.u32 @p1 $0x7000, s6;
	s1 =	sadd.s32 @p1 s1, s5  }
0x480: {  	s5 =	sadd.s32 @p1 $0xD400, s6;
	s6 =	simm.s32 @p1 $0x20;
	s1 =	sadd.s32 @p1 $0xB400, s1  }
0x481: {  	[tilespmem:s5], [sflag:$0x2] =	stream.indirect.gather @p1 [spmem:s2], $0x80, s1, s6, $0xb8;
	[tilespmem:$0x1C000] =	vst v63  }
0x482: {  	s1 =	simm.s32 $0x1  }
0x483: {  	s1 =	simm.s32 @!p1 $0x0  }
0x484: {  	s0 =	sadd.s32 s1, s0  }
0x485: {  	s1 =	ssub.s32 s0, s28  }
0x486: {  	p3 =	slt.s32 s0, s29;
	p4 =	slt.s32 s1, $0x8  }
0x487: {  	p1 =	por !p3, !p4  }
0x488: {  	p1 =	por !p1, !p1  }
0x489: {  	p2 =	slt.s32 @p1 s0, s25  }
0x48a: {  	s1 =	smov.u32 s22;
	p2 =	por !p2, !p1  }
0x48b: {  	s5 =	simm.s32 @p1 $0x1;
	s1 =	smov.u32 @p2 s25  }
0x48c: {  	s5 =	simm.s32 @p2 $0x0;
	s1 =	ssub.s32 @p1 s0, s1  }
0x48d: {  	s5 =	sxor.u32 @p1 s5, s21;
	s1 =	sshll.u32 @p1 s1, $0x7  }
0x48e: {  	s6 =	sshll.u32 @p1 s0, $0xC;
	s5 =	sshll.u32 @p1 s5, $0xB;
	s1 =	sshra.s32 @p1 s1, $0x2  }
0x48f: {  	s6 =	sand.u32 @p1 $0x7000, s6;
	s1 =	sadd.s32 @p1 s1, s5  }
0x490: {  	s5 =	sadd.s32 @p1 $0xD400, s6;
	s6 =	simm.s32 @p1 $0x20;
	s1 =	sadd.s32 @p1 $0xB400, s1  }
0x491: {  	[tilespmem:s5], [sflag:$0x2] =	stream.indirect.gather @p1 [spmem:s2], $0x80, s1, s6, $0xb8;
	[tilespmem:$0x1C000] =	vst v63  }
0x492: {  	s1 =	simm.s32 $0x1  }
0x493: {  	s1 =	simm.s32 @!p1 $0x0  }
0x494: {  	s0 =	sadd.s32 s1, s0  }
0x495: {  	s1 =	ssub.s32 s0, s28  }
0x496: {  	p5 =	slt.s32 s0, s29;
	p6 =	slt.s32 s1, $0x8  }
0x497: {  	p1 =	por !p5, !p6  }
0x498: {  	p1 =	por !p1, !p1  }
0x499: {  	p2 =	slt.s32 @p1 s0, s25  }
0x49a: {  	s1 =	smov.u32 s22;
	p2 =	por !p2, !p1  }
0x49b: {  	s5 =	simm.s32 @p1 $0x1;
	s1 =	smov.u32 @p2 s25  }
0x49c: {  	s5 =	simm.s32 @p2 $0x0;
	s1 =	ssub.s32 @p1 s0, s1  }
0x49d: {  	s5 =	sxor.u32 @p1 s5, s21;
	s1 =	sshll.u32 @p1 s1, $0x7  }
0x49e: {  	s6 =	sshll.u32 @p1 s0, $0xC;
	s5 =	sshll.u32 @p1 s5, $0xB;
	s1 =	sshra.s32 @p1 s1, $0x2  }
0x49f: {  	s6 =	sand.u32 @p1 $0x7000, s6;
	s1 =	sadd.s32 @p1 s1, s5  }
0x4a0: {  	s5 =	sadd.s32 @p1 $0xD400, s6;
	s6 =	simm.s32 @p1 $0x20;
	s1 =	sadd.s32 @p1 $0xB400, s1  }
0x4a1: {  	[tilespmem:s5], [sflag:$0x2] =	stream.indirect.gather @p1 [spmem:s2], $0x80, s1, s6, $0xb8;
	[tilespmem:$0x1C000] =	vst v63  }
0x4a2: {  	s1 =	simm.s32 $0x1  }
0x4a3: {  	s1 =	simm.s32 @!p1 $0x0;
	p1 =	sgt.s32 s23, $0x0  }
.Ltmp21:
0x4a4: {  	_ = 	snop;
	(pc) =	sbr.rel @!p1 .LBB2_24-.Ltmp21, $2  }
0x4a5: {  	_ =	sdelay $0x2  }
0x4a6: {  	s26 =	sadd.s32 s1, s0  }
0x4a7: {  	s0 =	sxor.u32 $0x800, s30  }
0x4a8: {  	s31 =	sshll.u32 s22, $0x5;
	s1 =	simm.s32 $0x0;
	s30 =	sadd.s32 $0xC400, s0  }
.LBB2_29:
0x4a9: {  	s28 =	sadd.s32 s22, s1  }
0x4aa: {  	p1 =	sne.s32 s26, s28  }
0x4ab: {  	p2 =	slt.s32 @!p1 s26, s25  }
0x4ac: {  	s0 =	smov.u32 s22;
	p2 =	por !p2, p1  }
0x4ad: {  	s5 =	simm.s32 @!p1 $0x1;
	s0 =	smov.u32 @p2 s25  }
0x4ae: {  	s7 =	sshll.u32 s31, $0x9;
	s5 =	simm.s32 @p2 $0x0;
	s0 =	ssub.s32 @!p1 s26, s0  }
0x4af: {  	s8 =	sshll.u32 s1, $0x7;
	s5 =	sxor.u32 @!p1 s5, s21;
	s0 =	sshll.u32 @!p1 s0, $0x7  }
0x4b0: {  	s6 =	sshll.u32 @!p1 s26, $0xC;
	s5 =	sshll.u32 @!p1 s5, $0xB;
	s0 =	sshra.s32 @!p1 s0, $0x2  }
0x4b1: {  	s6 =	sand.u32 @!p1 $0x7000, s6;
	p2 =	por $0x1, $0x1;
	s0 =	sadd.s32 @!p1 s0, s5  }
0x4b2: {  	s5 =	sadd.s32 @!p1 $0xD400, s6;
	s6 =	simm.s32 @!p1 $0x20;
	s0 =	sadd.s32 @!p1 $0xB400, s0  }
0x4b3: {  	[tilespmem:s5], [sflag:$0x2] =	stream.indirect.gather @!p1 [spmem:s2], $0x80, s0, s6, $0xb8;
	[tilespmem:$0x1C000] =	vst v63  }
0x4b4: {  	s0 =	sand.u32 $0x1C000, s7;
	s5 =	sshra.s32 s8, $0x2;
	_ =	swait.ge [sflag:s17], $0x1000  }
0x4b5: {  	s5 =	sadd.s32 s5, s30;
	s0 =	sshrl.u32 s0, $0x2;
	[sflag:s17] =	ssyncset.done $0x0  }
0x4b6: {  	s0 =	sadd.s32 $0xD480, s0;
	v11 =	vmov s5;
	s5 =	simm.s32 $0x0;
	[sflag:s17] =	ssyncadd.s32 $0xFFFFF000  }
.LBB2_30:
0x4b7: {  	_ =	sdelay $0x3  }
0x4b8: {  	v12 =	vld.idx.msk [tilespmem:v11+s5+$0x0 ss:$0x1], $0xffff;
	_ =	sdelay $0x1  }
0x4b9: {  	s7 =	sshll.u32 s5, $0x7  }
0x4ba: {  	s6 =	simm.s32 $0x0;
	s5 =	sand.u32 $0x3FFFFF80, s7  }
0x4bb: {  	v13 =	vmov s6;
	s5 =	sadd.s32 s5, s0  }
0x4bc: {  	v14 =	vld [tilespmem:s5+$0xFFFFFF80];
	v13 =	vperm.xlane v12, v13  }
0x4bd: {  	v15 =	vld [tilespmem:s5+$0xFFFFFFF0]  }
0x4be: {  	v17 =	vld [tilespmem:s5+$0xFFFFFF90];
	v13 =	vshll.u32 v13, $0x7  }
0x4bf: {  	v19 =	vld [tilespmem:s5+$0xFFFFFFA0];
	v16 =	vor.u32 v1, v13  }
0x4c0: {  	v21 =	vld [tilespmem:s5+$0xFFFFFFB0];
	v18 =	vor.u32 v4, v13  }
0x4c1: {  	v23 =	vld [tilespmem:s5+$0xFFFFFFC0];
	v20 =	vor.u32 v5, v13  }
0x4c2: {  	v25 =	vld [tilespmem:s5+$0xFFFFFFD0];
	v22 =	vor.u32 v6, v13  }
0x4c3: {  	v33 =	vld [tilespmem:s5+$0xFFFFFFE0];
	v24 =	vor.u32 v7, v13  }
0x4c4: {  	v27 =	vor.u32 v8, v13;
	v26 =	vld.idx.msk [tilespmem:v16+s3+$0x0], $0xffff  }
0x4c5: {  	v29 =	vor.u32 v9, v13;
	v28 =	vld.idx.msk [tilespmem:v18+s3+$0x0], $0xffff  }
0x4c6: {  	v13 =	vor.u32 v10, v13;
	v30 =	vld.idx.msk [tilespmem:v20+s3+$0x0], $0xffff  }
0x4c7: {  	v31 =	vld.idx.msk [tilespmem:v22+s3+$0x0], $0xffff  }
0x4c8: {  	v32 =	vld.idx.msk [tilespmem:v24+s3+$0x0], $0xffff  }
0x4c9: {  	v34 =	vld.idx.msk [tilespmem:v27+s3+$0x0], $0xffff  }
0x4ca: {  	v35 =	vld.idx.msk [tilespmem:v29+s3+$0x0], $0xffff;
	v14 =	vmax.bf16 v26, v14  }
0x4cb: {  	v26 =	vld.idx.msk [tilespmem:v13+s3+$0x0], $0xffff;
	v17 =	vmax.bf16 v28, v17;
	[tilespmem:v16+s3+$0x0] =	vst.idx.msk $0xffff, v14  }
0x4cc: {  	s8 =	simm.s32 $0x1;
	v14 =	vmax.bf16 v30, v19;
	[tilespmem:v18+s3+$0x0] =	vst.idx.msk $0xffff, v17  }
0x4cd: {  	v16 =	vmov s8;
	v17 =	vmax.bf16 v31, v21;
	[tilespmem:v20+s3+$0x0] =	vst.idx.msk $0xffff, v14  }
0x4ce: {  	v14 =	vperm.xlane v12, v16;
	v16 =	vmax.bf16 v32, v23;
	[tilespmem:v22+s3+$0x0] =	vst.idx.msk $0xffff, v17  }
0x4cf: {  	v17 =	vmax.bf16 v34, v25;
	[tilespmem:v24+s3+$0x0] =	vst.idx.msk $0xffff, v16  }
0x4d0: {  	v21 =	vshll.u32 v14, $0x7;
	v16 =	vmax.bf16 v35, v33;
	[tilespmem:v27+s3+$0x0] =	vst.idx.msk $0xffff, v17  }
0x4d1: {  	v15 =	vmax.bf16 v26, v15;
	v14 =	vor.u32 v4, v21;
	[tilespmem:v29+s3+$0x0] =	vst.idx.msk $0xffff, v16  }
0x4d2: {  	[tilespmem:v13+s3+$0x0] =	vst.idx.msk $0xffff, v15  }
0x4d3: {  	v18 =	vld [tilespmem:s5+$0x70]  }
0x4d4: {  	v15 =	vor.u32 v5, v21;
	v20 =	vld [tilespmem:s5+$0x0]  }
0x4d5: {  	v16 =	vor.u32 v6, v21;
	v29 =	vld [tilespmem:s5+$0x10]  }
0x4d6: {  	v13 =	vor.u32 v10, v21;
	v28 =	vld.idx.msk [tilespmem:v14+s3+$0x0], $0xffff  }
0x4d7: {  	v27 =	vld [tilespmem:s5+$0x20]  }
0x4d8: {  	v23 =	vor.u32 v1, v21;
	v25 =	vld [tilespmem:s5+$0x60]  }
0x4d9: {  	v17 =	vor.u32 v9, v21;
	v26 =	vld.idx.msk [tilespmem:v15+s3+$0x0], $0xffff  }
0x4da: {  	v19 =	vor.u32 v8, v21;
	v22 =	vld.idx.msk [tilespmem:v16+s3+$0x0], $0xffff  }
0x4db: {  	p1 =	por p2, p2;
	s7 =	simm.s32 $0x2;
	s6 =	smov.u32 s5;
	v21 =	vor.u32 v7, v21;
	v24 =	vld.idx.msk [tilespmem:v13+s3+$0x0], $0xffff;
	v28 =	vmax.bf16 v28, v29  }
.LBB2_31:
0x4dc: {  	p2 =	slt.u32 s7, $0xE  }
0x4dd: {  	v29 =	vld.idx.msk [tilespmem:v23+s3+$0x0], $0xffff;
	s5 =	sadd.s32 $0x100, s5;
	s8 =	smov.u32 s7;
	s7 =	sadd.s32 $0x2, s7  }
0x4de: {  	v30 =	vld.idx.msk [tilespmem:v17+s3+$0x0], $0xffff;
	v26 =	vmax.bf16 v26, v27  }
0x4df: {  	v27 =	vld.idx.msk [tilespmem:v19+s3+$0x0], $0xffff  }
0x4e0: {  	v31 =	vld [tilespmem:s6+$0x30]  }
0x4e1: {  	v18 =	vmax.bf16 v24, v18;
	v32 =	vld.idx.msk [tilespmem:v21+s3+$0x0], $0xffff  }
0x4e2: {  	v24 =	vld [tilespmem:s6+$0x40]  }
0x4e3: {  	v20 =	vmax.bf16 v29, v20;
	v33 =	vld [tilespmem:s6+$0x50];
	s6 =	smov.u32 s5  }
0x4e4: {  	v25 =	vmax.bf16 v30, v25;
	[tilespmem:v23+s3+$0x0] =	vst.idx.msk $0xffff, v20  }
0x4e5: {  	[tilespmem:v14+s3+$0x0] =	vst.idx.msk $0xffff, v28  }
0x4e6: {  	v14 =	vmax.bf16 v22, v31;
	[tilespmem:v15+s3+$0x0] =	vst.idx.msk $0xffff, v26  }
0x4e7: {  	v15 =	vmov s8;
	v20 =	vmax.bf16 v32, v24;
	[tilespmem:v16+s3+$0x0] =	vst.idx.msk $0xffff, v14  }
0x4e8: {  	v14 =	vperm.xlane v12, v15;
	v15 =	vmax.bf16 v27, v33;
	[tilespmem:v21+s3+$0x0] =	vst.idx.msk $0xffff, v20  }
0x4e9: {  	[tilespmem:v19+s3+$0x0] =	vst.idx.msk $0xffff, v15  }
0x4ea: {  	v14 =	vshll.u32 v14, $0x7;
	[tilespmem:v17+s3+$0x0] =	vst.idx.msk $0xffff, v25  }
0x4eb: {  	v15 =	vor.u32 v1, v14;
	[tilespmem:v13+s3+$0x0] =	vst.idx.msk $0xffff, v18  }
0x4ec: {  	v16 =	vor.u32 v4, v14;
	v13 =	vld [tilespmem:s5+$0xFFFFFF80]  }
0x4ed: {  	v17 =	vor.u32 v5, v14;
	v18 =	vld [tilespmem:s5+$0xFFFFFFF0]  }
0x4ee: {  	v20 =	vor.u32 v6, v14;
	v19 =	vld [tilespmem:s5+$0xFFFFFF90]  }
0x4ef: {  	v22 =	vor.u32 v7, v14;
	v21 =	vld [tilespmem:s5+$0xFFFFFFA0]  }
0x4f0: {  	v24 =	vor.u32 v8, v14;
	v23 =	vld [tilespmem:s5+$0xFFFFFFB0]  }
0x4f1: {  	v26 =	vor.u32 v9, v14;
	v27 =	vor.u32 v10, v14;
	v25 =	vld [tilespmem:s5+$0xFFFFFFC0]  }
0x4f2: {  	v14 =	vld [tilespmem:s5+$0xFFFFFFD0]  }
0x4f3: {  	v28 =	vld.idx.msk [tilespmem:v15+s3+$0x0], $0xffff  }
0x4f4: {  	v29 =	vld.idx.msk [tilespmem:v16+s3+$0x0], $0xffff  }
0x4f5: {  	v30 =	vld.idx.msk [tilespmem:v17+s3+$0x0], $0xffff  }
0x4f6: {  	v31 =	vld.idx.msk [tilespmem:v20+s3+$0x0], $0xffff  }
0x4f7: {  	v32 =	vld.idx.msk [tilespmem:v22+s3+$0x0], $0xffff  }
0x4f8: {  	v33 =	vld [tilespmem:s5+$0xFFFFFFE0]  }
0x4f9: {  	v13 =	vmax.bf16 v28, v13;
	v34 =	vld.idx.msk [tilespmem:v24+s3+$0x0], $0xffff  }
0x4fa: {  	v19 =	vmax.bf16 v29, v19;
	v28 =	vld.idx.msk [tilespmem:v26+s3+$0x0], $0xffff  }
0x4fb: {  	v21 =	vmax.bf16 v30, v21;
	v29 =	vld.idx.msk [tilespmem:v27+s3+$0x0], $0xffff  }
0x4fc: {  	s8 =	sadd.s32 $0x1, s8;
	v23 =	vmax.bf16 v31, v23;
	[tilespmem:v15+s3+$0x0] =	vst.idx.msk $0xffff, v13  }
0x4fd: {  	v13 =	vmax.bf16 v32, v25;
	v15 =	vmov s8;
	[tilespmem:v16+s3+$0x0] =	vst.idx.msk $0xffff, v19  }
0x4fe: {  	v15 =	vperm.xlane v12, v15;
	[tilespmem:v17+s3+$0x0] =	vst.idx.msk $0xffff, v21  }
0x4ff: {  	v14 =	vmax.bf16 v34, v14;
	[tilespmem:v20+s3+$0x0] =	vst.idx.msk $0xffff, v23  }
0x500: {  	v16 =	vmax.bf16 v28, v33;
	v21 =	vshll.u32 v15, $0x7;
	[tilespmem:v22+s3+$0x0] =	vst.idx.msk $0xffff, v13  }
0x501: {  	v13 =	vmax.bf16 v29, v18;
	[tilespmem:v24+s3+$0x0] =	vst.idx.msk $0xffff, v14;
	v14 =	vor.u32 v4, v21  }
0x502: {  	[tilespmem:v26+s3+$0x0] =	vst.idx.msk $0xffff, v16  }
0x503: {  	v15 =	vor.u32 v5, v21;
	[tilespmem:v27+s3+$0x0] =	vst.idx.msk $0xffff, v13  }
0x504: {  	v18 =	vld [tilespmem:s5+$0x70]  }
0x505: {  	v16 =	vor.u32 v6, v21;
	v20 =	vld [tilespmem:s5+$0x0]  }
0x506: {  	v13 =	vor.u32 v10, v21;
	v28 =	vld.idx.msk [tilespmem:v14+s3+$0x0], $0xffff  }
0x507: {  	v29 =	vld [tilespmem:s5+$0x10]  }
.Ltmp22:
0x508: {  	v23 =	vor.u32 v1, v21;
	v26 =	vld.idx.msk [tilespmem:v15+s3+$0x0], $0xffff;
	(pc) =	sbr.rel @p2 .LBB2_31-.Ltmp22, $4  }
0x509: {  	v17 =	vor.u32 v9, v21;
	v27 =	vld [tilespmem:s5+$0x20]  }
0x50a: {  	v19 =	vor.u32 v8, v21;
	v22 =	vld.idx.msk [tilespmem:v16+s3+$0x0], $0xffff  }
0x50b: {  	v24 =	vld.idx.msk [tilespmem:v13+s3+$0x0], $0xffff  }
0x50c: {  	v21 =	vor.u32 v7, v21;
	v25 =	vld [tilespmem:s5+$0x60];
	v28 =	vmax.bf16 v28, v29  }
0x50d: {  	_ =	sdelay $0x3  }
0x50e: {  	v12 =	vld.idx.msk [tilespmem:v23+s3+$0x0], $0xffff  }
0x50f: {  	v30 =	vld.idx.msk [tilespmem:v19+s3+$0x0], $0xffff  }
0x510: {  	v31 =	vld [tilespmem:s6+$0x30]  }
0x511: {  	v32 =	vld.idx.msk [tilespmem:v21+s3+$0x0], $0xffff  }
0x512: {  	v33 =	vld [tilespmem:s6+$0x40]  }
0x513: {  	v57 =	vld [tilespmem:s6+$0x50];
	v12 =	vmax.bf16 v12, v20  }
0x514: {  	v29 =	vld.idx.msk [tilespmem:v17+s3+$0x0], $0xffff;
	[tilespmem:v23+s3+$0x0] =	vst.idx.msk $0xffff, v12  }
0x515: {  	v58 =	vmax.bf16 v26, v27;
	[tilespmem:v14+s3+$0x0] =	vst.idx.msk $0xffff, v28  }
0x516: {  	v59 =	vmax.bf16 v22, v31;
	[tilespmem:v15+s3+$0x0] =	vst.idx.msk $0xffff, v58  }
.Ltmp23:
0x517: {  	v60 =	vmax.bf16 v32, v33;
	[tilespmem:v16+s3+$0x0] =	vst.idx.msk $0xffff, v59;
	(pc) =	sbr.rel @p1 .LBB2_30-.Ltmp23, $4  }
0x518: {  	v61 =	vmax.bf16 v30, v57;
	[tilespmem:v21+s3+$0x0] =	vst.idx.msk $0xffff, v60  }
0x519: {  	v62 =	vmax.bf16 v29, v25;
	[tilespmem:v19+s3+$0x0] =	vst.idx.msk $0xffff, v61  }
0x51a: {  	v63 =	vmax.bf16 v24, v18;
	[tilespmem:v17+s3+$0x0] =	vst.idx.msk $0xffff, v62  }
0x51b: {  	s5 =	simm.s32 $0x10;
	p2 =	por $0x0, $0x0;
	[tilespmem:v13+s3+$0x0] =	vst.idx.msk $0xffff, v63  }
0x51c: {  	s28 =	sadd.s32 $0x1, s28  }
0x51d: {  	p1 =	sgt.s32 s26, s28;
	s0 =	smov.u32 s28  }
0x51e: {  	s0 =	smov.u32 @p1 s26  }
0x51f: {  	s5 =	ssub.s32 s0, s28  }
0x520: {  	p1 =	slt.s32 s0, s29;
	p2 =	slt.s32 s5, $0x8  }
0x521: {  	p1 =	por !p1, !p2  }
0x522: {  	p1 =	por !p1, !p1  }
0x523: {  	p2 =	slt.s32 @p1 s0, s25  }
0x524: {  	s5 =	smov.u32 s22;
	p2 =	por !p2, !p1  }
0x525: {  	s6 =	simm.s32 @p1 $0x1;
	s5 =	smov.u32 @p2 s25  }
0x526: {  	s6 =	simm.s32 @p2 $0x0;
	s5 =	ssub.s32 @p1 s0, s5  }
0x527: {  	s6 =	sxor.u32 @p1 s6, s21;
	s5 =	sshll.u32 @p1 s5, $0x7  }
0x528: {  	s7 =	sshll.u32 @p1 s0, $0xC;
	s6 =	sshll.u32 @p1 s6, $0xB;
	s5 =	sshra.s32 @p1 s5, $0x2  }
0x529: {  	s7 =	sand.u32 @p1 $0x7000, s7;
	s5 =	sadd.s32 @p1 s5, s6  }
0x52a: {  	s6 =	sadd.s32 @p1 $0xD400, s7;
	s7 =	simm.s32 @p1 $0x20;
	s5 =	sadd.s32 @p1 $0xB400, s5  }
0x52b: {  	[tilespmem:s6], [sflag:$0x2] =	stream.indirect.gather @p1 [spmem:s2], $0x80, s5, s7, $0xb8;
	[tilespmem:$0x1C000] =	vst v63  }
0x52c: {  	s1 =	sadd.s32 $0x1, s1;
	s5 =	simm.s32 $0x1  }
0x52d: {  	s5 =	simm.s32 @!p1 $0x0;
	p1 =	seq.s32 s1, s23  }
.Ltmp24:
0x52e: {  	_ = 	snop;
	(pc) =	sbr.rel @!p1 .LBB2_29-.Ltmp24, $4  }
.Ltmp25:
0x52f: {  	_ = 	snop;
	(pc) =	sbr.rel @p1 .LBB2_24-.Ltmp25, $4  }
0x530: {  	_ = 	snop  }
0x531: {  	_ = 	snop  }
0x532: {  	s31 =	sadd.s32 $0x20, s31;
	s26 =	sadd.s32 s5, s0  }
0x533: {  	_ = 	snop  }
.LBB2_35:
0x534: {  	_ =	sfence.sel $0x180000  }
0x535: {  	[bflag:$0x0] =	sbarrier.arrive $0xFFFF  }
0x536: {  	_ =	strace $0x90000047  }
0x537: {  	s0 =	stileid.u32;
	[bflag:$0x2] =	sbarrier.arrive $0xFFFF  }
0x538: {  	p0 =	sne.s32 s0, $0x0;
	s0 =	rddreg [dreg:$0x3]  }
0x539: {  	s0 =	sadd.s32 @!p0 $0x100000, s0  }
0x53a: {  	[sflag:s0] =	ssyncadd.tile.s32 @!p0 $0x1;
	_ =	shalt  }
.Lfunc_end2:
_tile_overlayer_lowered:
.L_overlay_start_2:
0x53b: {  	(tag) =	ssettag $0x2  }
0x53c: {  	s0 =	rddreg [dreg:$0x0];
	s2 =	stileid.u32  }
0x53d: {  	s1 =	rddreg [dreg:$0x1];
	p0 =	sne.s32 s2, $0x0  }
0x53e: {  	s3 =	rddreg [dreg:$0x2];
	[bflag:$0x3] =	sbarrier.arrive $0xFFFF;
	s2 =	simm.s32 @!p0 $0x1C04  }
0x53f: {  	[timem:s3], [sflag:s2] =	dma.local @!p0 [hbm:s0], s1  }
0x540: {  	s0 =	simm.s32 @!p0 $0x4  }
0x541: {  	_ =	swait.ge @!p0 [sflag:s0], s1  }
0x542: {  	s1 =	ssub.s32 @!p0 $0x0, s1;
	[sflag:s0] =	ssyncset.done @!p0 $0x0  }
0x543: {  	[sflag:s0] =	ssyncadd.s32 @!p0 s1  }
0x544: {  	[bflag:$0x3] =	sbarrier.arrive $0xFFFF  }
0x545: {  	_ =	shalt  }

</sc_bundles>
